<compile_context>
chip_gen: v7x
topology: tpu7x:2x2x1
jax: 0.10.2.dev20260603
libtpu: 0.0.44.dev20260713+nightly
codegen_flags: <defaults>
</compile_context>

<pallas_src>
import functools

import numpy as np
import jax
import jax.numpy as jnp
from jax import lax
from jax.experimental import pallas as pl
from jax.experimental.pallas import tpu as pltpu
from jax.experimental.pallas import tpu_sc as plsc

NC = 2
NS = 16
NW = NC * NS
LANES = 16
EB = 128
CW = 8
ROW_BLOCK = 2000


def _cdiv(a, b):
    return (a + b - 1) // b


def _mesh():
    return plsc.VectorSubcoreMesh(core_axis_name="c", subcore_axis_name="s")


_SC_PARAMS = pltpu.CompilerParams(use_tc_tiling_on_sc=False)


def _stage_idx(raw_hbm, pad_hbm, idx_v, wid, s_steps, e_rows, base):
    last = NW - 1
    r_real = e_rows - last * s_steps
    r_pad = s_steps - r_real

    @pl.when(wid < last)
    def _():
        pltpu.sync_copy(raw_hbm.at[pl.ds(base + wid * s_steps, s_steps)], idx_v)

    @pl.when(wid == last)
    def _():
        pltpu.sync_copy(raw_hbm.at[pl.ds(base + last * s_steps, r_real)],
                        idx_v.at[pl.ds(0, r_real)])
        pltpu.sync_copy(pad_hbm, idx_v.at[pl.ds(r_real, r_pad)])



def _make_degree_kernel(n_pad, s_steps, e_rows):
    rpt = n_pad // NS

    @functools.partial(
        pl.kernel,
        out_type=jax.ShapeDtypeStruct((NC, n_pad, CW), jnp.float32),
        mesh=_mesh(),
        compiler_params=_SC_PARAMS,
        scratch_types=[
            pltpu.VMEM((s_steps, EB), jnp.int32),
            pltpu.VMEM((EB, CW), jnp.float32),
            pltpu.VMEM((rpt, CW), jnp.float32),
            pltpu.VMEM_SHARED((n_pad, CW), jnp.float32),
            pltpu.SemaphoreType.DMA,
        ],
    )
    def degree(ei_hbm, pad_hbm, out_hbm, dst_v, ones_v, bounce_v, acc_sh, sem):
        c = lax.axis_index("c")
        s = lax.axis_index("s")
        wid = c * NS + s
        _stage_idx(ei_hbm, pad_hbm, dst_v, wid, s_steps, e_rows, e_rows)

        one = jnp.ones((LANES,), jnp.float32)
        zero = jnp.zeros((LANES,), jnp.float32)

        def fill_ones(i, _):
            ones_v[i, pl.ds(0, LANES)] = one
            return 0

        lax.fori_loop(0, EB, fill_ones, 0)

        def fill_zero(i, _):
            bounce_v[i, pl.ds(0, LANES)] = zero
            return 0

        lax.fori_loop(0, rpt, fill_zero, 0)
        pltpu.sync_copy(bounce_v, acc_sh.at[pl.ds(s * rpt, rpt)])
        plsc.subcore_barrier()

        K = 8

        def step(j2, _):
            cps = [pltpu.async_copy(ones_v, acc_sh.at[dst_v.at[j2 * K + b]],
                                    sem, add=True) for b in range(K)]
            for cp in cps:
                cp.wait()
            return 0

        lax.fori_loop(0, s_steps // K, step, 0)
        plsc.subcore_barrier()

        pltpu.sync_copy(acc_sh.at[pl.ds(s * rpt, rpt)], bounce_v)
        pltpu.sync_copy(bounce_v, out_hbm.at[c, pl.ds(s * rpt, rpt)])

    return degree


def _make_propagate_kernel(n_pad, width, s_steps, e_rows):
    rpt = n_pad // NS
    nb = 8
    assert s_steps % nb == 0

    @functools.partial(
        pl.kernel,
        out_type=jax.ShapeDtypeStruct((NC, n_pad, width), jnp.float32),
        mesh=_mesh(),
        compiler_params=_SC_PARAMS,
        scratch_types=[
            pltpu.VMEM((s_steps, EB), jnp.int32),
            pltpu.VMEM((s_steps, EB), jnp.int32),
            pltpu.VMEM((nb, EB, width), jnp.float32),
            pltpu.VMEM((rpt, width), jnp.float32),
            pltpu.VMEM_SHARED((n_pad, width), jnp.float32),
        ] + [pltpu.SemaphoreType.DMA] * (2 * nb),
    )
    def propagate(u_hbm, ei_hbm, psrc_hbm, pdst_hbm, out_hbm,
                  src_v, dst_v, rows_v, bounce_v, acc_sh, *sems):
        gsems = sems[:nb]
        ssems = sems[nb:]
        c = lax.axis_index("c")
        s = lax.axis_index("s")
        wid = c * NS + s
        _stage_idx(ei_hbm, psrc_hbm, src_v, wid, s_steps, e_rows, 0)
        _stage_idx(ei_hbm, pdst_hbm, dst_v, wid, s_steps, e_rows, e_rows)

        zero = jnp.zeros((LANES,), jnp.float32)

        def fill_zero(i, _):
            for k in range(width // LANES):
                bounce_v[i, pl.ds(k * LANES, LANES)] = zero
            return 0

        lax.fori_loop(0, rpt, fill_zero, 0)
        pltpu.sync_copy(bounce_v, acc_sh.at[pl.ds(s * rpt, rpt)])
        plsc.subcore_barrier()

        for b in range(nb):
            pltpu.async_copy(u_hbm.at[src_v.at[b]], rows_v.at[b], gsems[b])

        def blk(j2, _):
            base = j2 * nb
            for b in range(nb):
                j = base + b
                pltpu.make_async_copy(
                    u_hbm.at[src_v.at[j]], rows_v.at[b], gsems[b]).wait()
                pltpu.async_copy(rows_v.at[b], acc_sh.at[dst_v.at[j]],
                                 ssems[b], add=True)
            for b in range(nb):
                nj = base + nb + b

                @pl.when(nj < s_steps)
                def _():
                    pltpu.make_async_copy(
                        rows_v.at[b], acc_sh.at[dst_v.at[base + b]],
                        ssems[b]).wait()
                    pltpu.async_copy(
                        u_hbm.at[src_v.at[nj]], rows_v.at[b], gsems[b])
            return 0

        lax.fori_loop(0, s_steps // nb, blk, 0)
        for b in range(nb):
            pltpu.make_async_copy(
                rows_v.at[b], acc_sh.at[dst_v.at[s_steps - nb + b]],
                ssems[b]).wait()
        plsc.subcore_barrier()

        pltpu.sync_copy(acc_sh.at[pl.ds(s * rpt, rpt)], bounce_v)
        pltpu.sync_copy(bounce_v, out_hbm.at[c, pl.ds(s * rpt, rpt)])

    return propagate



def _dinv_block(cnt_ref):
    deg = cnt_ref[0, :, 0:1] + cnt_ref[1, :, 0:1] + 1.0
    return lax.rsqrt(deg)


def _t1_body(x_ref, w1_ref, cnt_ref, u1_ref):
    dinv = _dinv_block(cnt_ref)
    t = jnp.dot(x_ref[...], w1_ref[...], preferred_element_type=jnp.float32,
                precision=lax.Precision.HIGHEST)
    u1_ref[...] = t * dinv


def _t2_body(p_ref, u1_ref, cnt_ref, b1_ref, u2_ref):
    dinv = _dinv_block(cnt_ref)
    sfull = (p_ref[0] + p_ref[1] + u1_ref[...]) * dinv
    h = jnp.maximum(sfull + b1_ref[...], 0.0)
    u2_ref[...] = h * dinv


def _t3_body(q_ref, u2_ref, cnt_ref,
             wmu_ref, bmu_ref, wvar_ref, bvar_ref, mu_ref, sg_ref):
    dinv = _dinv_block(cnt_ref)
    z = (q_ref[0] + q_ref[1] + u2_ref[...]) * dinv
    mu_ref[...] = jnp.dot(z, wmu_ref[...], preferred_element_type=jnp.float32,
                          precision=lax.Precision.HIGHEST) + bmu_ref[...]
    sg_ref[...] = jnp.dot(z, wvar_ref[...], preferred_element_type=jnp.float32,
                          precision=lax.Precision.HIGHEST) + bvar_ref[...]



def kernel(x, edge_index, w1, b1, w_mu, b_mu, w_var, b_var):
    n, d_in = x.shape
    h_dim = w1.shape[1]
    d_out = w_mu.shape[1]
    e = edge_index.shape[1]

    n_pad = _cdiv(n + 1, NS * 8) * NS * 8
    e_rows = e // EB
    s_steps = _cdiv(_cdiv(e, NW * EB), 8) * 8
    pad_rows = s_steps - (e_rows - (NW - 1) * s_steps)

    pk = np.arange(pad_rows * EB, dtype=np.int32)
    pad_src = jnp.asarray((pk % n).reshape(pad_rows, EB))
    pad_dst = jnp.asarray((n + pk % (n_pad - n)).reshape(pad_rows, EB))

    ei2d = edge_index.reshape(2 * e_rows, EB)

    grid = (n // ROW_BLOCK,)
    row2 = lambda i: (i, 0)
    row3 = lambda i: (0, i, 0)
    full2 = lambda i: (0, 0)
    cnt_spec = pl.BlockSpec((NC, ROW_BLOCK, CW), row3)

    cnt = _make_degree_kernel(n_pad, s_steps, e_rows)(ei2d, pad_dst)

    u1 = pl.pallas_call(
        _t1_body,
        grid=grid,
        in_specs=[
            pl.BlockSpec((ROW_BLOCK, d_in), row2),
            pl.BlockSpec((d_in, h_dim), full2),
            cnt_spec,
        ],
        out_specs=pl.BlockSpec((ROW_BLOCK, h_dim), row2),
        out_shape=jax.ShapeDtypeStruct((n_pad, h_dim), jnp.float32),
    )(x, w1, cnt)

    prop = _make_propagate_kernel(n_pad, h_dim, s_steps, e_rows)
    p = prop(u1, ei2d, pad_src, pad_dst)

    u2 = pl.pallas_call(
        _t2_body,
        grid=grid,
        in_specs=[
            pl.BlockSpec((NC, ROW_BLOCK, h_dim), row3),
            pl.BlockSpec((ROW_BLOCK, h_dim), row2),
            cnt_spec,
            pl.BlockSpec((1, h_dim), full2),
        ],
        out_specs=pl.BlockSpec((ROW_BLOCK, h_dim), row2),
        out_shape=jax.ShapeDtypeStruct((n_pad, h_dim), jnp.float32),
    )(p, u1, cnt, b1.reshape(1, h_dim))

    q = prop(u2, ei2d, pad_src, pad_dst)

    mu, sg = pl.pallas_call(
        _t3_body,
        grid=grid,
        in_specs=[
            pl.BlockSpec((NC, ROW_BLOCK, h_dim), row3),
            pl.BlockSpec((ROW_BLOCK, h_dim), row2),
            cnt_spec,
            pl.BlockSpec((h_dim, d_out), full2),
            pl.BlockSpec((1, d_out), full2),
            pl.BlockSpec((h_dim, d_out), full2),
            pl.BlockSpec((1, d_out), full2),
        ],
        out_specs=[
            pl.BlockSpec((ROW_BLOCK, d_out), row2),
            pl.BlockSpec((ROW_BLOCK, d_out), row2),
        ],
        out_shape=[
            jax.ShapeDtypeStruct((n, d_out), jnp.float32),
            jax.ShapeDtypeStruct((n, d_out), jnp.float32),
        ],
    )(q, u2, cnt, w_mu, b_mu.reshape(1, d_out), w_var, b_var.reshape(1, d_out))

    return (mu, sg)

# --- scband reference (transcript-rebuilt; emitter-appended) ---
"""Pipeline reference for scband-vgaeconv-12025908429199 (READ-ONLY COPY).

The authoritative reference and input builder live on the scoring server;
editing this copy changes nothing except your own understanding.
"""

import jax, jax.numpy as jnp
import numpy as np

N = 10000
E = 320000
D_IN = 128
H = 32
D = 16


def setup_inputs(seed: int = 0):
    key = jax.random.key(seed)
    ks = jax.random.split(key, 8)
    x = jax.random.normal(ks[0], (N, D_IN), dtype=jnp.float32)
    edge_index = jax.random.randint(ks[1], (2, E), 0, N, dtype=jnp.int32)
    w1 = jax.random.normal(ks[2], (D_IN, H), dtype=jnp.float32) * (1.0 / np.sqrt(D_IN))
    b1 = jnp.zeros((H,), dtype=jnp.float32)
    w_mu = jax.random.normal(ks[3], (H, D), dtype=jnp.float32) * (1.0 / np.sqrt(H))
    b_mu = jnp.zeros((D,), dtype=jnp.float32)
    w_var = jax.random.normal(ks[4], (H, D), dtype=jnp.float32) * (1.0 / np.sqrt(H))
    b_var = jnp.zeros((D,), dtype=jnp.float32)
    return {"x": x, "edge_index": edge_index, "w1": w1, "b1": b1, "w_mu": w_mu, "b_mu": b_mu, "w_var": w_var, "b_var": b_var}


def _gcn(x, w, b, src, dst, n):
    # GCNConv: linear transform, symmetric normalization, scatter-add propagate
    h = x @ w
    ones = jnp.ones(src.shape[0], dtype=h.dtype)
    deg = jnp.zeros((n,), dtype=h.dtype).at[dst].add(ones)
    dinv = jnp.where(deg > 0, jax.lax.rsqrt(jnp.maximum(deg, 1e-12)), 0.0)
    norm = dinv[src] * dinv[dst]
    msg = h[src] * norm[:, None]
    out = jnp.zeros((n, h.shape[1]), dtype=h.dtype).at[dst].add(msg)
    return out + b


def reference(x, edge_index, w1, b1, w_mu, b_mu, w_var, b_var):
    n = x.shape[0]
    loops = jnp.arange(n, dtype=edge_index.dtype)
    src = jnp.concatenate([edge_index[0], loops])
    dst = jnp.concatenate([edge_index[1], loops])
    h = _gcn(x, w1, b1, src, dst, n)
    h = jax.nn.relu(h)
    mu = _gcn(h, w_mu, b_mu, src, dst, n)
    sigma = _gcn(h, w_var, b_var, src, dst, n)
    return (mu, sigma)

if __name__ == "__main__":
    import jax
    _d = setup_inputs()
    print(jax.jit(kernel)(*tuple(_d.values())))

</pallas_src>

<mosaic_0001>
#map = affine_map<(d0, d1) -> (0, 0)>
#map1 = affine_map<(d0, d1) -> (0, 0, 0)>
module attributes {stable_mosaic.version = 14 : i64} {
  func.func @degree(%arg0: i32, %arg1: i32, %arg2: memref<5000x128xi32, #tpu.memory_space<hbm>>, %arg3: memref<60x128xi32, #tpu.memory_space<hbm>>, %arg4: memref<2x10112x8xf32, #tpu.memory_space<hbm>>, %arg5: memref<80x128xi32, #tpu.memory_space<vmem>>, %arg6: memref<128x8xf32, #tpu.memory_space<vmem>>, %arg7: memref<632x8xf32, #tpu.memory_space<vmem>>, %arg8: memref<10112x8xf32, #tpu.memory_space<vmem_shared>>, %arg9: memref<!tpu.dma_semaphore, #tpu.memory_space<semaphore_mem>>) attributes {dimension_semantics = [#tpu.dimension_semantics<core_parallel>, #tpu.dimension_semantics<subcore_parallel>], iteration_bounds = array<i64: 2, 16>, scalar_prefetch = 0 : i64, scratch_operands = 5 : i64, tpu.core_type = #tpu.core_type<sc_vector_subcore>, window_params = [{transform_indices = #map}, {transform_indices = #map}, {transform_indices = #map1}]} {
    %mul3A = arith.constant 16 : i32
    %mul3A_0 = arith.muli %arg0, %mul3A : i32
    %add3A = arith.addi %mul3A_0, %arg1 : i32
    %lt3A = arith.constant 31 : i32
    %lt3A_1 = arith.cmpi slt, %add3A, %lt3A : i32
    %convert_element_type3A = arith.extui %lt3A_1 : i1 to i32
    %cond3A = arith.constant 0 : i32
    %cond3A_2 = arith.cmpi ne, %convert_element_type3A, %cond3A : i32
    scf.if %cond3A_2 {
      %mul3A_37 = arith.constant 80 : i32
      %mul3A_38 = arith.muli %add3A, %mul3A_37 : i32
      %add3A_39 = arith.constant 2500 : i32
      %add3A_40 = arith.addi %add3A_39, %mul3A_38 : i32
      "tpu.region"() ({
        %run_scoped3A = tpu.sem_alloc : memref<!tpu.dma_semaphore, #tpu.memory_space<semaphore_mem>>
        %dma_start3A = arith.constant 0 : i32
        %dma_start3A_41 = tpu.memref_slice %arg2[%add3A_40, %dma_start3A] : memref<5000x128xi32, #tpu.memory_space<hbm>> -> memref<80x128xi32, #tpu.memory_space<hbm>>
        %dma_start3A_42 = arith.constant 0 : i32
        %dma_start3A_43 = tpu.memref_slice %arg2[%add3A_40, %dma_start3A_42] : memref<5000x128xi32, #tpu.memory_space<hbm>> -> memref<80x128xi32, #tpu.memory_space<hbm>>
        tpu.enqueue_dma source(%dma_start3A_43 : memref<80x128xi32, #tpu.memory_space<hbm>>) target(%arg5 : memref<80x128xi32, #tpu.memory_space<vmem>>) target_semaphore(%run_scoped3A : memref<!tpu.dma_semaphore, #tpu.memory_space<semaphore_mem>>)
        %dma_wait3A = arith.constant 0 : i32
        %dma_wait3A_44 = tpu.memref_slice %arg2[%add3A_40, %dma_wait3A] : memref<5000x128xi32, #tpu.memory_space<hbm>> -> memref<80x128xi32, #tpu.memory_space<hbm>>
        %dma_wait3A_45 = arith.constant 0 : i32
        %dma_wait3A_46 = tpu.memref_slice %arg2[%add3A_40, %dma_wait3A_45] : memref<5000x128xi32, #tpu.memory_space<hbm>> -> memref<80x128xi32, #tpu.memory_space<hbm>>
        tpu.wait_dma2 semaphore(%run_scoped3A : memref<!tpu.dma_semaphore, #tpu.memory_space<semaphore_mem>>) src(%dma_wait3A_46 : memref<80x128xi32, #tpu.memory_space<hbm>>) dst(%arg5 : memref<80x128xi32, #tpu.memory_space<vmem>>)
        tpu.yield
      }) : () -> ()
    } else {
    }
    %eq3A = arith.constant 31 : i32
    %eq3A_3 = arith.cmpi eq, %add3A, %eq3A : i32
    %convert_element_type3A_4 = arith.extui %eq3A_3 : i1 to i32
    %cond3A_5 = arith.constant 0 : i32
    %cond3A_6 = arith.cmpi ne, %convert_element_type3A_4, %cond3A_5 : i32
    scf.if %cond3A_6 {
      "tpu.region"() ({
        %run_scoped3A = tpu.sem_alloc : memref<!tpu.dma_semaphore, #tpu.memory_space<semaphore_mem>>
        %dma_start3A = arith.constant 0 : i32
        %dma_start3A_37 = arith.constant 0 : i32
        %dma_start3A_38 = tpu.memref_slice %arg5[%dma_start3A, %dma_start3A_37] : memref<80x128xi32, #tpu.memory_space<vmem>> -> memref<20x128xi32, #tpu.memory_space<vmem>>
        %dma_start3A_39 = arith.constant 4980 : i32
        %dma_start3A_40 = arith.constant 0 : i32
        %dma_start3A_41 = tpu.memref_slice %arg2[%dma_start3A_39, %dma_start3A_40] : memref<5000x128xi32, #tpu.memory_space<hbm>> -> memref<20x128xi32, #tpu.memory_space<hbm>>
        %dma_start3A_42 = arith.constant 0 : i32
        %dma_start3A_43 = arith.constant 0 : i32
        %dma_start3A_44 = tpu.memref_slice %arg5[%dma_start3A_42, %dma_start3A_43] : memref<80x128xi32, #tpu.memory_space<vmem>> -> memref<20x128xi32, #tpu.memory_space<vmem>>
        %dma_start3A_45 = arith.constant 4980 : i32
        %dma_start3A_46 = arith.constant 0 : i32
        %dma_start3A_47 = tpu.memref_slice %arg2[%dma_start3A_45, %dma_start3A_46] : memref<5000x128xi32, #tpu.memory_space<hbm>> -> memref<20x128xi32, #tpu.memory_space<hbm>>
        tpu.enqueue_dma source(%dma_start3A_47 : memref<20x128xi32, #tpu.memory_space<hbm>>) target(%dma_start3A_44 : memref<20x128xi32, #tpu.memory_space<vmem>>) target_semaphore(%run_scoped3A : memref<!tpu.dma_semaphore, #tpu.memory_space<semaphore_mem>>)
        %dma_wait3A = arith.constant 0 : i32
        %dma_wait3A_48 = arith.constant 0 : i32
        %dma_wait3A_49 = tpu.memref_slice %arg5[%dma_wait3A, %dma_wait3A_48] : memref<80x128xi32, #tpu.memory_space<vmem>> -> memref<20x128xi32, #tpu.memory_space<vmem>>
        %dma_wait3A_50 = arith.constant 4980 : i32
        %dma_wait3A_51 = arith.constant 0 : i32
        %dma_wait3A_52 = tpu.memref_slice %arg2[%dma_wait3A_50, %dma_wait3A_51] : memref<5000x128xi32, #tpu.memory_space<hbm>> -> memref<20x128xi32, #tpu.memory_space<hbm>>
        %dma_wait3A_53 = arith.constant 0 : i32
        %dma_wait3A_54 = arith.constant 0 : i32
        %dma_wait3A_55 = tpu.memref_slice %arg5[%dma_wait3A_53, %dma_wait3A_54] : memref<80x128xi32, #tpu.memory_space<vmem>> -> memref<20x128xi32, #tpu.memory_space<vmem>>
        %dma_wait3A_56 = arith.constant 4980 : i32
        %dma_wait3A_57 = arith.constant 0 : i32
        %dma_wait3A_58 = tpu.memref_slice %arg2[%dma_wait3A_56, %dma_wait3A_57] : memref<5000x128xi32, #tpu.memory_space<hbm>> -> memref<20x128xi32, #tpu.memory_space<hbm>>
        tpu.wait_dma2 semaphore(%run_scoped3A : memref<!tpu.dma_semaphore, #tpu.memory_space<semaphore_mem>>) src(%dma_wait3A_58 : memref<20x128xi32, #tpu.memory_space<hbm>>) dst(%dma_wait3A_55 : memref<20x128xi32, #tpu.memory_space<vmem>>)
        tpu.yield
      }) : () -> ()
      "tpu.region"() ({
        %run_scoped3A = tpu.sem_alloc : memref<!tpu.dma_semaphore, #tpu.memory_space<semaphore_mem>>
        %dma_start3A = arith.constant 20 : i32
        %dma_start3A_37 = arith.constant 0 : i32
        %dma_start3A_38 = tpu.memref_slice %arg5[%dma_start3A, %dma_start3A_37] : memref<80x128xi32, #tpu.memory_space<vmem>> -> memref<60x128xi32, #tpu.memory_space<vmem>>
        %dma_start3A_39 = arith.constant 20 : i32
        %dma_start3A_40 = arith.constant 0 : i32
        %dma_start3A_41 = tpu.memref_slice %arg5[%dma_start3A_39, %dma_start3A_40] : memref<80x128xi32, #tpu.memory_space<vmem>> -> memref<60x128xi32, #tpu.memory_space<vmem>>
        tpu.enqueue_dma source(%arg3 : memref<60x128xi32, #tpu.memory_space<hbm>>) target(%dma_start3A_41 : memref<60x128xi32, #tpu.memory_space<vmem>>) target_semaphore(%run_scoped3A : memref<!tpu.dma_semaphore, #tpu.memory_space<semaphore_mem>>)
        %dma_wait3A = arith.constant 20 : i32
        %dma_wait3A_42 = arith.constant 0 : i32
        %dma_wait3A_43 = tpu.memref_slice %arg5[%dma_wait3A, %dma_wait3A_42] : memref<80x128xi32, #tpu.memory_space<vmem>> -> memref<60x128xi32, #tpu.memory_space<vmem>>
        %dma_wait3A_44 = arith.constant 20 : i32
        %dma_wait3A_45 = arith.constant 0 : i32
        %dma_wait3A_46 = tpu.memref_slice %arg5[%dma_wait3A_44, %dma_wait3A_45] : memref<80x128xi32, #tpu.memory_space<vmem>> -> memref<60x128xi32, #tpu.memory_space<vmem>>
        tpu.wait_dma2 semaphore(%run_scoped3A : memref<!tpu.dma_semaphore, #tpu.memory_space<semaphore_mem>>) src(%arg3 : memref<60x128xi32, #tpu.memory_space<hbm>>) dst(%dma_wait3A_46 : memref<60x128xi32, #tpu.memory_space<vmem>>)
        tpu.yield
      }) : () -> ()
    } else {
    }
    %broadcast_in_dim3A = arith.constant 1.000000e+00 : f32
    %broadcast_in_dim3A_7 = vector.broadcast %broadcast_in_dim3A : f32 to vector<16xf32>
    %broadcast_in_dim3A_8 = arith.constant 0.000000e+00 : f32
    %broadcast_in_dim3A_9 = vector.broadcast %broadcast_in_dim3A_8 : f32 to vector<16xf32>
    %scan3A = arith.constant 0 : i32
    %scan3A_10 = arith.constant 0 : i32
    %scan3A_11 = arith.constant 128 : i32
    %scan3A_12 = arith.addi %scan3A_10, %scan3A_11 : i32
    %scan3A_13 = arith.constant 1 : i32
    %scan3A_14 = scf.for %scan3A_37 = %scan3A_10 to %scan3A_12 step %scan3A_13 iter_args(%scan3A_38 = %scan3A) -> (i32)  : i32 {
      %swap3A = arith.index_cast %scan3A_37 : i32 to index
      %swap3A_39 = arith.constant 0 : index
      %swap3A_40 = tpu.vector_load %arg6[%swap3A, %swap3A_39] {strides = array<i32>} : memref<128x8xf32, #tpu.memory_space<vmem>>, vector<1x16xf32>,
      %swap3A_41 = vector.shape_cast %swap3A_40 : vector<1x16xf32> to vector<16xf32>
      %swap3A_42 = vector.shape_cast %broadcast_in_dim3A_7 : vector<16xf32> to vector<1x16xf32>
      tpu.vector_store %arg6[%swap3A, %swap3A_39], %swap3A_42 {strides = array<i32>} : memref<128x8xf32, #tpu.memory_space<vmem>>, vector<1x16xf32>,
      %scan3A_43 = arith.constant 0 : i32
      scf.yield %scan3A_43 : i32
    }
    %scan3A_15 = arith.constant 128 : i32
    %scan3A_16 = arith.constant 0 : i32
    %scan3A_17 = arith.constant 0 : i32
    %scan3A_18 = arith.constant 632 : i32
    %scan3A_19 = arith.addi %scan3A_17, %scan3A_18 : i32
    %scan3A_20 = arith.constant 1 : i32
    %scan3A_21 = scf.for %scan3A_37 = %scan3A_17 to %scan3A_19 step %scan3A_20 iter_args(%scan3A_38 = %scan3A_16) -> (i32)  : i32 {
      %swap3A = arith.index_cast %scan3A_37 : i32 to index
      %swap3A_39 = arith.constant 0 : index
      %swap3A_40 = tpu.vector_load %arg7[%swap3A, %swap3A_39] {strides = array<i32>} : memref<632x8xf32, #tpu.memory_space<vmem>>, vector<1x16xf32>,
      %swap3A_41 = vector.shape_cast %swap3A_40 : vector<1x16xf32> to vector<16xf32>
      %swap3A_42 = vector.shape_cast %broadcast_in_dim3A_9 : vector<16xf32> to vector<1x16xf32>
      tpu.vector_store %arg7[%swap3A, %swap3A_39], %swap3A_42 {strides = array<i32>} : memref<632x8xf32, #tpu.memory_space<vmem>>, vector<1x16xf32>,
      %scan3A_43 = arith.constant 0 : i32
      scf.yield %scan3A_43 : i32
    }
    %scan3A_22 = arith.constant 632 : i32
    %mul3A_23 = arith.constant 632 : i32
    %mul3A_24 = arith.muli %arg1, %mul3A_23 : i32
    "tpu.region"() ({
      %run_scoped3A = tpu.sem_alloc : memref<!tpu.dma_semaphore, #tpu.memory_space<semaphore_mem>>
      %dma_start3A = arith.constant 0 : i32
      %dma_start3A_37 = tpu.memref_slice %arg8[%mul3A_24, %dma_start3A] : memref<10112x8xf32, #tpu.memory_space<vmem_shared>> -> memref<632x8xf32, #tpu.memory_space<vmem_shared>>
      %dma_start3A_38 = arith.constant 0 : i32
      %dma_start3A_39 = tpu.memref_slice %arg8[%mul3A_24, %dma_start3A_38] : memref<10112x8xf32, #tpu.memory_space<vmem_shared>> -> memref<632x8xf32, #tpu.memory_space<vmem_shared>>
      tpu.enqueue_dma source(%arg7 : memref<632x8xf32, #tpu.memory_space<vmem>>) target(%dma_start3A_39 : memref<632x8xf32, #tpu.memory_space<vmem_shared>>) target_semaphore(%run_scoped3A : memref<!tpu.dma_semaphore, #tpu.memory_space<semaphore_mem>>)
      %dma_wait3A = arith.constant 0 : i32
      %dma_wait3A_40 = tpu.memref_slice %arg8[%mul3A_24, %dma_wait3A] : memref<10112x8xf32, #tpu.memory_space<vmem_shared>> -> memref<632x8xf32, #tpu.memory_space<vmem_shared>>
      %dma_wait3A_41 = arith.constant 0 : i32
      %dma_wait3A_42 = tpu.memref_slice %arg8[%mul3A_24, %dma_wait3A_41] : memref<10112x8xf32, #tpu.memory_space<vmem_shared>> -> memref<632x8xf32, #tpu.memory_space<vmem_shared>>
      tpu.wait_dma2 semaphore(%run_scoped3A : memref<!tpu.dma_semaphore, #tpu.memory_space<semaphore_mem>>) src(%arg7 : memref<632x8xf32, #tpu.memory_space<vmem>>) dst(%dma_wait3A_42 : memref<632x8xf32, #tpu.memory_space<vmem_shared>>)
      tpu.yield
    }) : () -> ()
    %barrier3A = arith.constant 0 : index
    tpu.barrier barrier_id(%barrier3A)
    %scan3A_25 = arith.constant 0 : i32
    %scan3A_26 = arith.constant 0 : i32
    %scan3A_27 = arith.constant 10 : i32
    %scan3A_28 = arith.addi %scan3A_26, %scan3A_27 : i32
    %scan3A_29 = arith.constant 1 : i32
    %scan3A_30 = scf.for %scan3A_37 = %scan3A_26 to %scan3A_28 step %scan3A_29 iter_args(%scan3A_38 = %scan3A_25) -> (i32)  : i32 {
      %mul3A_39 = arith.constant 8 : i32
      %mul3A_40 = arith.muli %scan3A_37, %mul3A_39 : i32
      %add3A_41 = arith.constant 0 : i32
      %add3A_42 = arith.addi %mul3A_40, %add3A_41 : i32
      %dma_start3A = arith.constant 0 : i32
      %dma_start3A_43 = tpu.memref_slice %arg5[%add3A_42, %dma_start3A] : memref<80x128xi32, #tpu.memory_space<vmem>> -> memref<1x128xi32, #tpu.memory_space<vmem>>
      %dma_start3A_44 = tpu.memref_squeeze %dma_start3A_43 : memref<1x128xi32, #tpu.memory_space<vmem>> -> memref<128xi32, #tpu.memory_space<vmem>>
      %dma_start3A_45 = arith.constant 0 : i32
      %dma_start3A_46 = arith.constant 0 : i32
      %dma_start3A_47 = tpu.memref_slice %arg8[%dma_start3A_45, %dma_start3A_46] : memref<10112x8xf32, #tpu.memory_space<vmem_shared>> -> memref<10112x8xf32, #tpu.memory_space<vmem_shared>>
      tpu.enqueue_indirect_dma source(%arg6 : memref<128x8xf32, #tpu.memory_space<vmem>>) target(%dma_start3A_47 : memref<10112x8xf32, #tpu.memory_space<vmem_shared>>) offsets(%dma_start3A_44 : memref<128xi32, #tpu.memory_space<vmem>>) semaphore(%arg9 : memref<!tpu.dma_semaphore, #tpu.memory_space<semaphore_mem>>) {add = true}
      %mul3A_48 = arith.constant 8 : i32
      %mul3A_49 = arith.muli %scan3A_37, %mul3A_48 : i32
      %add3A_50 = arith.constant 1 : i32
      %add3A_51 = arith.addi %mul3A_49, %add3A_50 : i32
      %dma_start3A_52 = arith.constant 0 : i32
      %dma_start3A_53 = tpu.memref_slice %arg5[%add3A_51, %dma_start3A_52] : memref<80x128xi32, #tpu.memory_space<vmem>> -> memref<1x128xi32, #tpu.memory_space<vmem>>
      %dma_start3A_54 = tpu.memref_squeeze %dma_start3A_53 : memref<1x128xi32, #tpu.memory_space<vmem>> -> memref<128xi32, #tpu.memory_space<vmem>>
      %dma_start3A_55 = arith.constant 0 : i32
      %dma_start3A_56 = arith.constant 0 : i32
      %dma_start3A_57 = tpu.memref_slice %arg8[%dma_start3A_55, %dma_start3A_56] : memref<10112x8xf32, #tpu.memory_space<vmem_shared>> -> memref<10112x8xf32, #tpu.memory_space<vmem_shared>>
      tpu.enqueue_indirect_dma source(%arg6 : memref<128x8xf32, #tpu.memory_space<vmem>>) target(%dma_start3A_57 : memref<10112x8xf32, #tpu.memory_space<vmem_shared>>) offsets(%dma_start3A_54 : memref<128xi32, #tpu.memory_space<vmem>>) semaphore(%arg9 : memref<!tpu.dma_semaphore, #tpu.memory_space<semaphore_mem>>) {add = true}
      %mul3A_58 = arith.constant 8 : i32
      %mul3A_59 = arith.muli %scan3A_37, %mul3A_58 : i32
      %add3A_60 = arith.constant 2 : i32
      %add3A_61 = arith.addi %mul3A_59, %add3A_60 : i32
      %dma_start3A_62 = arith.constant 0 : i32
      %dma_start3A_63 = tpu.memref_slice %arg5[%add3A_61, %dma_start3A_62] : memref<80x128xi32, #tpu.memory_space<vmem>> -> memref<1x128xi32, #tpu.memory_space<vmem>>
      %dma_start3A_64 = tpu.memref_squeeze %dma_start3A_63 : memref<1x128xi32, #tpu.memory_space<vmem>> -> memref<128xi32, #tpu.memory_space<vmem>>
      %dma_start3A_65 = arith.constant 0 : i32
      %dma_start3A_66 = arith.constant 0 : i32
      %dma_start3A_67 = tpu.memref_slice %arg8[%dma_start3A_65, %dma_start3A_66] : memref<10112x8xf32, #tpu.memory_space<vmem_shared>> -> memref<10112x8xf32, #tpu.memory_space<vmem_shared>>
      tpu.enqueue_indirect_dma source(%arg6 : memref<128x8xf32, #tpu.memory_space<vmem>>) target(%dma_start3A_67 : memref<10112x8xf32, #tpu.memory_space<vmem_shared>>) offsets(%dma_start3A_64 : memref<128xi32, #tpu.memory_space<vmem>>) semaphore(%arg9 : memref<!tpu.dma_semaphore, #tpu.memory_space<semaphore_mem>>) {add = true}
      %mul3A_68 = arith.constant 8 : i32
      %mul3A_69 = arith.muli %scan3A_37, %mul3A_68 : i32
      %add3A_70 = arith.constant 3 : i32
      %add3A_71 = arith.addi %mul3A_69, %add3A_70 : i32
      %dma_start3A_72 = arith.constant 0 : i32
      %dma_start3A_73 = tpu.memref_slice %arg5[%add3A_71, %dma_start3A_72] : memref<80x128xi32, #tpu.memory_space<vmem>> -> memref<1x128xi32, #tpu.memory_space<vmem>>
      %dma_start3A_74 = tpu.memref_squeeze %dma_start3A_73 : memref<1x128xi32, #tpu.memory_space<vmem>> -> memref<128xi32, #tpu.memory_space<vmem>>
      %dma_start3A_75 = arith.constant 0 : i32
      %dma_start3A_76 = arith.constant 0 : i32
      %dma_start3A_77 = tpu.memref_slice %arg8[%dma_start3A_75, %dma_start3A_76] : memref<10112x8xf32, #tpu.memory_space<vmem_shared>> -> memref<10112x8xf32, #tpu.memory_space<vmem_shared>>
      tpu.enqueue_indirect_dma source(%arg6 : memref<128x8xf32, #tpu.memory_space<vmem>>) target(%dma_start3A_77 : memref<10112x8xf32, #tpu.memory_space<vmem_shared>>) offsets(%dma_start3A_74 : memref<128xi32, #tpu.memory_space<vmem>>) semaphore(%arg9 : memref<!tpu.dma_semaphore, #tpu.memory_space<semaphore_mem>>) {add = true}
      %mul3A_78 = arith.constant 8 : i32
      %mul3A_79 = arith.muli %scan3A_37, %mul3A_78 : i32
      %add3A_80 = arith.constant 4 : i32
      %add3A_81 = arith.addi %mul3A_79, %add3A_80 : i32
      %dma_start3A_82 = arith.constant 0 : i32
      %dma_start3A_83 = tpu.memref_slice %arg5[%add3A_81, %dma_start3A_82] : memref<80x128xi32, #tpu.memory_space<vmem>> -> memref<1x128xi32, #tpu.memory_space<vmem>>
      %dma_start3A_84 = tpu.memref_squeeze %dma_start3A_83 : memref<1x128xi32, #tpu.memory_space<vmem>> -> memref<128xi32, #tpu.memory_space<vmem>>
      %dma_start3A_85 = arith.constant 0 : i32
      %dma_start3A_86 = arith.constant 0 : i32
      %dma_start3A_87 = tpu.memref_slice %arg8[%dma_start3A_85, %dma_start3A_86] : memref<10112x8xf32, #tpu.memory_space<vmem_shared>> -> memref<10112x8xf32, #tpu.memory_space<vmem_shared>>
      tpu.enqueue_indirect_dma source(%arg6 : memref<128x8xf32, #tpu.memory_space<vmem>>) target(%dma_start3A_87 : memref<10112x8xf32, #tpu.memory_space<vmem_shared>>) offsets(%dma_start3A_84 : memref<128xi32, #tpu.memory_space<vmem>>) semaphore(%arg9 : memref<!tpu.dma_semaphore, #tpu.memory_space<semaphore_mem>>) {add = true}
      %mul3A_88 = arith.constant 8 : i32
      %mul3A_89 = arith.muli %scan3A_37, %mul3A_88 : i32
      %add3A_90 = arith.constant 5 : i32
      %add3A_91 = arith.addi %mul3A_89, %add3A_90 : i32
      %dma_start3A_92 = arith.constant 0 : i32
      %dma_start3A_93 = tpu.memref_slice %arg5[%add3A_91, %dma_start3A_92] : memref<80x128xi32, #tpu.memory_space<vmem>> -> memref<1x128xi32, #tpu.memory_space<vmem>>
      %dma_start3A_94 = tpu.memref_squeeze %dma_start3A_93 : memref<1x128xi32, #tpu.memory_space<vmem>> -> memref<128xi32, #tpu.memory_space<vmem>>
      %dma_start3A_95 = arith.constant 0 : i32
      %dma_start3A_96 = arith.constant 0 : i32
      %dma_start3A_97 = tpu.memref_slice %arg8[%dma_start3A_95, %dma_start3A_96] : memref<10112x8xf32, #tpu.memory_space<vmem_shared>> -> memref<10112x8xf32, #tpu.memory_space<vmem_shared>>
      tpu.enqueue_indirect_dma source(%arg6 : memref<128x8xf32, #tpu.memory_space<vmem>>) target(%dma_start3A_97 : memref<10112x8xf32, #tpu.memory_space<vmem_shared>>) offsets(%dma_start3A_94 : memref<128xi32, #tpu.memory_space<vmem>>) semaphore(%arg9 : memref<!tpu.dma_semaphore, #tpu.memory_space<semaphore_mem>>) {add = true}
      %mul3A_98 = arith.constant 8 : i32
      %mul3A_99 = arith.muli %scan3A_37, %mul3A_98 : i32
      %add3A_100 = arith.constant 6 : i32
      %add3A_101 = arith.addi %mul3A_99, %add3A_100 : i32
      %dma_start3A_102 = arith.constant 0 : i32
      %dma_start3A_103 = tpu.memref_slice %arg5[%add3A_101, %dma_start3A_102] : memref<80x128xi32, #tpu.memory_space<vmem>> -> memref<1x128xi32, #tpu.memory_space<vmem>>
      %dma_start3A_104 = tpu.memref_squeeze %dma_start3A_103 : memref<1x128xi32, #tpu.memory_space<vmem>> -> memref<128xi32, #tpu.memory_space<vmem>>
      %dma_start3A_105 = arith.constant 0 : i32
      %dma_start3A_106 = arith.constant 0 : i32
      %dma_start3A_107 = tpu.memref_slice %arg8[%dma_start3A_105, %dma_start3A_106] : memref<10112x8xf32, #tpu.memory_space<vmem_shared>> -> memref<10112x8xf32, #tpu.memory_space<vmem_shared>>
      tpu.enqueue_indirect_dma source(%arg6 : memref<128x8xf32, #tpu.memory_space<vmem>>) target(%dma_start3A_107 : memref<10112x8xf32, #tpu.memory_space<vmem_shared>>) offsets(%dma_start3A_104 : memref<128xi32, #tpu.memory_space<vmem>>) semaphore(%arg9 : memref<!tpu.dma_semaphore, #tpu.memory_space<semaphore_mem>>) {add = true}
      %mul3A_108 = arith.constant 8 : i32
      %mul3A_109 = arith.muli %scan3A_37, %mul3A_108 : i32
      %add3A_110 = arith.constant 7 : i32
      %add3A_111 = arith.addi %mul3A_109, %add3A_110 : i32
      %dma_start3A_112 = arith.constant 0 : i32
      %dma_start3A_113 = tpu.memref_slice %arg5[%add3A_111, %dma_start3A_112] : memref<80x128xi32, #tpu.memory_space<vmem>> -> memref<1x128xi32, #tpu.memory_space<vmem>>
      %dma_start3A_114 = tpu.memref_squeeze %dma_start3A_113 : memref<1x128xi32, #tpu.memory_space<vmem>> -> memref<128xi32, #tpu.memory_space<vmem>>
      %dma_start3A_115 = arith.constant 0 : i32
      %dma_start3A_116 = arith.constant 0 : i32
      %dma_start3A_117 = tpu.memref_slice %arg8[%dma_start3A_115, %dma_start3A_116] : memref<10112x8xf32, #tpu.memory_space<vmem_shared>> -> memref<10112x8xf32, #tpu.memory_space<vmem_shared>>
      tpu.enqueue_indirect_dma source(%arg6 : memref<128x8xf32, #tpu.memory_space<vmem>>) target(%dma_start3A_117 : memref<10112x8xf32, #tpu.memory_space<vmem_shared>>) offsets(%dma_start3A_114 : memref<128xi32, #tpu.memory_space<vmem>>) semaphore(%arg9 : memref<!tpu.dma_semaphore, #tpu.memory_space<semaphore_mem>>) {add = true}
      %dma_wait3A = arith.constant 0 : i32
      %dma_wait3A_118 = tpu.memref_slice %arg5[%add3A_42, %dma_wait3A] : memref<80x128xi32, #tpu.memory_space<vmem>> -> memref<1x128xi32, #tpu.memory_space<vmem>>
      %dma_wait3A_119 = tpu.memref_squeeze %dma_wait3A_118 : memref<1x128xi32, #tpu.memory_space<vmem>> -> memref<128xi32, #tpu.memory_space<vmem>>
      %dma_wait3A_120 = arith.constant 0 : i32
      %dma_wait3A_121 = arith.constant 0 : i32
      %dma_wait3A_122 = tpu.memref_slice %arg8[%dma_wait3A_120, %dma_wait3A_121] : memref<10112x8xf32, #tpu.memory_space<vmem_shared>> -> memref<10112x8xf32, #tpu.memory_space<vmem_shared>>
      tpu.wait_indirect_dma semaphore(%arg9 : memref<!tpu.dma_semaphore, #tpu.memory_space<semaphore_mem>>) src(%arg6 : memref<128x8xf32, #tpu.memory_space<vmem>>) dst(%dma_wait3A_122 : memref<10112x8xf32, #tpu.memory_space<vmem_shared>>)
      %dma_wait3A_123 = arith.constant 0 : i32
      %dma_wait3A_124 = tpu.memref_slice %arg5[%add3A_51, %dma_wait3A_123] : memref<80x128xi32, #tpu.memory_space<vmem>> -> memref<1x128xi32, #tpu.memory_space<vmem>>
      %dma_wait3A_125 = tpu.memref_squeeze %dma_wait3A_124 : memref<1x128xi32, #tpu.memory_space<vmem>> -> memref<128xi32, #tpu.memory_space<vmem>>
      %dma_wait3A_126 = arith.constant 0 : i32
      %dma_wait3A_127 = arith.constant 0 : i32
      %dma_wait3A_128 = tpu.memref_slice %arg8[%dma_wait3A_126, %dma_wait3A_127] : memref<10112x8xf32, #tpu.memory_space<vmem_shared>> -> memref<10112x8xf32, #tpu.memory_space<vmem_shared>>
      tpu.wait_indirect_dma semaphore(%arg9 : memref<!tpu.dma_semaphore, #tpu.memory_space<semaphore_mem>>) src(%arg6 : memref<128x8xf32, #tpu.memory_space<vmem>>) dst(%dma_wait3A_128 : memref<10112x8xf32, #tpu.memory_space<vmem_shared>>)
      %dma_wait3A_129 = arith.constant 0 : i32
      %dma_wait3A_130 = tpu.memref_slice %arg5[%add3A_61, %dma_wait3A_129] : memref<80x128xi32, #tpu.memory_space<vmem>> -> memref<1x128xi32, #tpu.memory_space<vmem>>
      %dma_wait3A_131 = tpu.memref_squeeze %dma_wait3A_130 : memref<1x128xi32, #tpu.memory_space<vmem>> -> memref<128xi32, #tpu.memory_space<vmem>>
      %dma_wait3A_132 = arith.constant 0 : i32
      %dma_wait3A_133 = arith.constant 0 : i32
      %dma_wait3A_134 = tpu.memref_slice %arg8[%dma_wait3A_132, %dma_wait3A_133] : memref<10112x8xf32, #tpu.memory_space<vmem_shared>> -> memref<10112x8xf32, #tpu.memory_space<vmem_shared>>
      tpu.wait_indirect_dma semaphore(%arg9 : memref<!tpu.dma_semaphore, #tpu.memory_space<semaphore_mem>>) src(%arg6 : memref<128x8xf32, #tpu.memory_space<vmem>>) dst(%dma_wait3A_134 : memref<10112x8xf32, #tpu.memory_space<vmem_shared>>)
      %dma_wait3A_135 = arith.constant 0 : i32
      %dma_wait3A_136 = tpu.memref_slice %arg5[%add3A_71, %dma_wait3A_135] : memref<80x128xi32, #tpu.memory_space<vmem>> -> memref<1x128xi32, #tpu.memory_space<vmem>>
      %dma_wait3A_137 = tpu.memref_squeeze %dma_wait3A_136 : memref<1x128xi32, #tpu.memory_space<vmem>> -> memref<128xi32, #tpu.memory_space<vmem>>
      %dma_wait3A_138 = arith.constant 0 : i32
      %dma_wait3A_139 = arith.constant 0 : i32
      %dma_wait3A_140 = tpu.memref_slice %arg8[%dma_wait3A_138, %dma_wait3A_139] : memref<10112x8xf32, #tpu.memory_space<vmem_shared>> -> memref<10112x8xf32, #tpu.memory_space<vmem_shared>>
      tpu.wait_indirect_dma semaphore(%arg9 : memref<!tpu.dma_semaphore, #tpu.memory_space<semaphore_mem>>) src(%arg6 : memref<128x8xf32, #tpu.memory_space<vmem>>) dst(%dma_wait3A_140 : memref<10112x8xf32, #tpu.memory_space<vmem_shared>>)
      %dma_wait3A_141 = arith.constant 0 : i32
      %dma_wait3A_142 = tpu.memref_slice %arg5[%add3A_81, %dma_wait3A_141] : memref<80x128xi32, #tpu.memory_space<vmem>> -> memref<1x128xi32, #tpu.memory_space<vmem>>
      %dma_wait3A_143 = tpu.memref_squeeze %dma_wait3A_142 : memref<1x128xi32, #tpu.memory_space<vmem>> -> memref<128xi32, #tpu.memory_space<vmem>>
      %dma_wait3A_144 = arith.constant 0 : i32
      %dma_wait3A_145 = arith.constant 0 : i32
      %dma_wait3A_146 = tpu.memref_slice %arg8[%dma_wait3A_144, %dma_wait3A_145] : memref<10112x8xf32, #tpu.memory_space<vmem_shared>> -> memref<10112x8xf32, #tpu.memory_space<vmem_shared>>
      tpu.wait_indirect_dma semaphore(%arg9 : memref<!tpu.dma_semaphore, #tpu.memory_space<semaphore_mem>>) src(%arg6 : memref<128x8xf32, #tpu.memory_space<vmem>>) dst(%dma_wait3A_146 : memref<10112x8xf32, #tpu.memory_space<vmem_shared>>)
      %dma_wait3A_147 = arith.constant 0 : i32
      %dma_wait3A_148 = tpu.memref_slice %arg5[%add3A_91, %dma_wait3A_147] : memref<80x128xi32, #tpu.memory_space<vmem>> -> memref<1x128xi32, #tpu.memory_space<vmem>>
      %dma_wait3A_149 = tpu.memref_squeeze %dma_wait3A_148 : memref<1x128xi32, #tpu.memory_space<vmem>> -> memref<128xi32, #tpu.memory_space<vmem>>
      %dma_wait3A_150 = arith.constant 0 : i32
      %dma_wait3A_151 = arith.constant 0 : i32
      %dma_wait3A_152 = tpu.memref_slice %arg8[%dma_wait3A_150, %dma_wait3A_151] : memref<10112x8xf32, #tpu.memory_space<vmem_shared>> -> memref<10112x8xf32, #tpu.memory_space<vmem_shared>>
      tpu.wait_indirect_dma semaphore(%arg9 : memref<!tpu.dma_semaphore, #tpu.memory_space<semaphore_mem>>) src(%arg6 : memref<128x8xf32, #tpu.memory_space<vmem>>) dst(%dma_wait3A_152 : memref<10112x8xf32, #tpu.memory_space<vmem_shared>>)
      %dma_wait3A_153 = arith.constant 0 : i32
      %dma_wait3A_154 = tpu.memref_slice %arg5[%add3A_101, %dma_wait3A_153] : memref<80x128xi32, #tpu.memory_space<vmem>> -> memref<1x128xi32, #tpu.memory_space<vmem>>
      %dma_wait3A_155 = tpu.memref_squeeze %dma_wait3A_154 : memref<1x128xi32, #tpu.memory_space<vmem>> -> memref<128xi32, #tpu.memory_space<vmem>>
      %dma_wait3A_156 = arith.constant 0 : i32
      %dma_wait3A_157 = arith.constant 0 : i32
      %dma_wait3A_158 = tpu.memref_slice %arg8[%dma_wait3A_156, %dma_wait3A_157] : memref<10112x8xf32, #tpu.memory_space<vmem_shared>> -> memref<10112x8xf32, #tpu.memory_space<vmem_shared>>
      tpu.wait_indirect_dma semaphore(%arg9 : memref<!tpu.dma_semaphore, #tpu.memory_space<semaphore_mem>>) src(%arg6 : memref<128x8xf32, #tpu.memory_space<vmem>>) dst(%dma_wait3A_158 : memref<10112x8xf32, #tpu.memory_space<vmem_shared>>)
      %dma_wait3A_159 = arith.constant 0 : i32
      %dma_wait3A_160 = tpu.memref_slice %arg5[%add3A_111, %dma_wait3A_159] : memref<80x128xi32, #tpu.memory_space<vmem>> -> memref<1x128xi32, #tpu.memory_space<vmem>>
      %dma_wait3A_161 = tpu.memref_squeeze %dma_wait3A_160 : memref<1x128xi32, #tpu.memory_space<vmem>> -> memref<128xi32, #tpu.memory_space<vmem>>
      %dma_wait3A_162 = arith.constant 0 : i32
      %dma_wait3A_163 = arith.constant 0 : i32
      %dma_wait3A_164 = tpu.memref_slice %arg8[%dma_wait3A_162, %dma_wait3A_163] : memref<10112x8xf32, #tpu.memory_space<vmem_shared>> -> memref<10112x8xf32, #tpu.memory_space<vmem_shared>>
      tpu.wait_indirect_dma semaphore(%arg9 : memref<!tpu.dma_semaphore, #tpu.memory_space<semaphore_mem>>) src(%arg6 : memref<128x8xf32, #tpu.memory_space<vmem>>) dst(%dma_wait3A_164 : memref<10112x8xf32, #tpu.memory_space<vmem_shared>>)
      %scan3A_165 = arith.constant 0 : i32
      scf.yield %scan3A_165 : i32
    }
    %scan3A_31 = arith.constant 10 : i32
    %barrier3A_32 = arith.constant 0 : index
    tpu.barrier barrier_id(%barrier3A_32)
    %mul3A_33 = arith.constant 632 : i32
    %mul3A_34 = arith.muli %arg1, %mul3A_33 : i32
    "tpu.region"() ({
      %run_scoped3A = tpu.sem_alloc : memref<!tpu.dma_semaphore, #tpu.memory_space<semaphore_mem>>
      %dma_start3A = arith.constant 0 : i32
      %dma_start3A_37 = tpu.memref_slice %arg8[%mul3A_34, %dma_start3A] : memref<10112x8xf32, #tpu.memory_space<vmem_shared>> -> memref<632x8xf32, #tpu.memory_space<vmem_shared>>
      %dma_start3A_38 = arith.constant 0 : i32
      %dma_start3A_39 = tpu.memref_slice %arg8[%mul3A_34, %dma_start3A_38] : memref<10112x8xf32, #tpu.memory_space<vmem_shared>> -> memref<632x8xf32, #tpu.memory_space<vmem_shared>>
      tpu.enqueue_dma source(%dma_start3A_39 : memref<632x8xf32, #tpu.memory_space<vmem_shared>>) target(%arg7 : memref<632x8xf32, #tpu.memory_space<vmem>>) target_semaphore(%run_scoped3A : memref<!tpu.dma_semaphore, #tpu.memory_space<semaphore_mem>>)
      %dma_wait3A = arith.constant 0 : i32
      %dma_wait3A_40 = tpu.memref_slice %arg8[%mul3A_34, %dma_wait3A] : memref<10112x8xf32, #tpu.memory_space<vmem_shared>> -> memref<632x8xf32, #tpu.memory_space<vmem_shared>>
      %dma_wait3A_41 = arith.constant 0 : i32
      %dma_wait3A_42 = tpu.memref_slice %arg8[%mul3A_34, %dma_wait3A_41] : memref<10112x8xf32, #tpu.memory_space<vmem_shared>> -> memref<632x8xf32, #tpu.memory_space<vmem_shared>>
      tpu.wait_dma2 semaphore(%run_scoped3A : memref<!tpu.dma_semaphore, #tpu.memory_space<semaphore_mem>>) src(%dma_wait3A_42 : memref<632x8xf32, #tpu.memory_space<vmem_shared>>) dst(%arg7 : memref<632x8xf32, #tpu.memory_space<vmem>>)
      tpu.yield
    }) : () -> ()
    %mul3A_35 = arith.constant 632 : i32
    %mul3A_36 = arith.muli %arg1, %mul3A_35 : i32
    "tpu.region"() ({
      %run_scoped3A = tpu.sem_alloc : memref<!tpu.dma_semaphore, #tpu.memory_space<semaphore_mem>>
      %dma_start3A = arith.constant 0 : i32
      %dma_start3A_37 = tpu.memref_slice %arg4[%arg0, %mul3A_36, %dma_start3A] : memref<2x10112x8xf32, #tpu.memory_space<hbm>> -> memref<1x632x8xf32, #tpu.memory_space<hbm>>
      %dma_start3A_38 = tpu.memref_squeeze %dma_start3A_37 : memref<1x632x8xf32, #tpu.memory_space<hbm>> -> memref<632x8xf32, #tpu.memory_space<hbm>>
      %dma_start3A_39 = arith.constant 0 : i32
      %dma_start3A_40 = tpu.memref_slice %arg4[%arg0, %mul3A_36, %dma_start3A_39] : memref<2x10112x8xf32, #tpu.memory_space<hbm>> -> memref<1x632x8xf32, #tpu.memory_space<hbm>>
      %dma_start3A_41 = tpu.memref_squeeze %dma_start3A_40 : memref<1x632x8xf32, #tpu.memory_space<hbm>> -> memref<632x8xf32, #tpu.memory_space<hbm>>
      tpu.enqueue_dma source(%arg7 : memref<632x8xf32, #tpu.memory_space<vmem>>) target(%dma_start3A_41 : memref<632x8xf32, #tpu.memory_space<hbm>>) target_semaphore(%run_scoped3A : memref<!tpu.dma_semaphore, #tpu.memory_space<semaphore_mem>>)
      %dma_wait3A = arith.constant 0 : i32
      %dma_wait3A_42 = tpu.memref_slice %arg4[%arg0, %mul3A_36, %dma_wait3A] : memref<2x10112x8xf32, #tpu.memory_space<hbm>> -> memref<1x632x8xf32, #tpu.memory_space<hbm>>
      %dma_wait3A_43 = tpu.memref_squeeze %dma_wait3A_42 : memref<1x632x8xf32, #tpu.memory_space<hbm>> -> memref<632x8xf32, #tpu.memory_space<hbm>>
      %dma_wait3A_44 = arith.constant 0 : i32
      %dma_wait3A_45 = tpu.memref_slice %arg4[%arg0, %mul3A_36, %dma_wait3A_44] : memref<2x10112x8xf32, #tpu.memory_space<hbm>> -> memref<1x632x8xf32, #tpu.memory_space<hbm>>
      %dma_wait3A_46 = tpu.memref_squeeze %dma_wait3A_45 : memref<1x632x8xf32, #tpu.memory_space<hbm>> -> memref<632x8xf32, #tpu.memory_space<hbm>>
      tpu.wait_dma2 semaphore(%run_scoped3A : memref<!tpu.dma_semaphore, #tpu.memory_space<semaphore_mem>>) src(%arg7 : memref<632x8xf32, #tpu.memory_space<vmem>>) dst(%dma_wait3A_46 : memref<632x8xf32, #tpu.memory_space<hbm>>)
      tpu.yield
    }) : () -> ()
    return
  }
}

#map = affine_map<(d0, d1) -> (0, 0)>
#map1 = affine_map<(d0, d1) -> (0, 0, 0)>
module attributes {stable_mosaic.version = 14 : i64} {
  func.func @propagate(%arg0: i32, %arg1: i32, %arg2: memref<10112x32xf32, #tpu.memory_space<hbm>>, %arg3: memref<5000x128xi32, #tpu.memory_space<hbm>>, %arg4: memref<60x128xi32, #tpu.memory_space<hbm>>, %arg5: memref<60x128xi32, #tpu.memory_space<hbm>>, %arg6: memref<2x10112x32xf32, #tpu.memory_space<hbm>>, %arg7: memref<80x128xi32, #tpu.memory_space<vmem>>, %arg8: memref<80x128xi32, #tpu.memory_space<vmem>>, %arg9: memref<8x128x32xf32, #tpu.memory_space<vmem>>, %arg10: memref<632x32xf32, #tpu.memory_space<vmem>>, %arg11: memref<10112x32xf32, #tpu.memory_space<vmem_shared>>, %arg12: memref<!tpu.dma_semaphore, #tpu.memory_space<semaphore_mem>>, %arg13: memref<!tpu.dma_semaphore, #tpu.memory_space<semaphore_mem>>, %arg14: memref<!tpu.dma_semaphore, #tpu.memory_space<semaphore_mem>>, %arg15: memref<!tpu.dma_semaphore, #tpu.memory_space<semaphore_mem>>, %arg16: memref<!tpu.dma_semaphore, #tpu.memory_space<semaphore_mem>>, %arg17: memref<!tpu.dma_semaphore, #tpu.memory_space<semaphore_mem>>, %arg18: memref<!tpu.dma_semaphore, #tpu.memory_space<semaphore_mem>>, %arg19: memref<!tpu.dma_semaphore, #tpu.memory_space<semaphore_mem>>, %arg20: memref<!tpu.dma_semaphore, #tpu.memory_space<semaphore_mem>>, %arg21: memref<!tpu.dma_semaphore, #tpu.memory_space<semaphore_mem>>, %arg22: memref<!tpu.dma_semaphore, #tpu.memory_space<semaphore_mem>>, %arg23: memref<!tpu.dma_semaphore, #tpu.memory_space<semaphore_mem>>, %arg24: memref<!tpu.dma_semaphore, #tpu.memory_space<semaphore_mem>>, %arg25: memref<!tpu.dma_semaphore, #tpu.memory_space<semaphore_mem>>, %arg26: memref<!tpu.dma_semaphore, #tpu.memory_space<semaphore_mem>>, %arg27: memref<!tpu.dma_semaphore, #tpu.memory_space<semaphore_mem>>) attributes {dimension_semantics = [#tpu.dimension_semantics<core_parallel>, #tpu.dimension_semantics<subcore_parallel>], iteration_bounds = array<i64: 2, 16>, scalar_prefetch = 0 : i64, scratch_operands = 21 : i64, tpu.core_type = #tpu.core_type<sc_vector_subcore>, window_params = [{transform_indices = #map}, {transform_indices = #map}, {transform_indices = #map}, {transform_indices = #map}, {transform_indices = #map1}]} {
    %mul3A = arith.constant 16 : i32
    %mul3A_0 = arith.muli %arg0, %mul3A : i32
    %add3A = arith.addi %mul3A_0, %arg1 : i32
    %lt3A = arith.constant 31 : i32
    %lt3A_1 = arith.cmpi slt, %add3A, %lt3A : i32
    %convert_element_type3A = arith.extui %lt3A_1 : i1 to i32
    %cond3A = arith.constant 0 : i32
    %cond3A_2 = arith.cmpi ne, %convert_element_type3A, %cond3A : i32
    scf.if %cond3A_2 {
      %mul3A_228 = arith.constant 80 : i32
      %mul3A_229 = arith.muli %add3A, %mul3A_228 : i32
      %add3A_230 = arith.constant 0 : i32
      %add3A_231 = arith.addi %add3A_230, %mul3A_229 : i32
      "tpu.region"() ({
        %run_scoped3A = tpu.sem_alloc : memref<!tpu.dma_semaphore, #tpu.memory_space<semaphore_mem>>
        %dma_start3A_232 = arith.constant 0 : i32
        %dma_start3A_233 = tpu.memref_slice %arg3[%add3A_231, %dma_start3A_232] : memref<5000x128xi32, #tpu.memory_space<hbm>> -> memref<80x128xi32, #tpu.memory_space<hbm>>
        %dma_start3A_234 = arith.constant 0 : i32
        %dma_start3A_235 = tpu.memref_slice %arg3[%add3A_231, %dma_start3A_234] : memref<5000x128xi32, #tpu.memory_space<hbm>> -> memref<80x128xi32, #tpu.memory_space<hbm>>
        tpu.enqueue_dma source(%dma_start3A_235 : memref<80x128xi32, #tpu.memory_space<hbm>>) target(%arg7 : memref<80x128xi32, #tpu.memory_space<vmem>>) target_semaphore(%run_scoped3A : memref<!tpu.dma_semaphore, #tpu.memory_space<semaphore_mem>>)
        %dma_wait3A_236 = arith.constant 0 : i32
        %dma_wait3A_237 = tpu.memref_slice %arg3[%add3A_231, %dma_wait3A_236] : memref<5000x128xi32, #tpu.memory_space<hbm>> -> memref<80x128xi32, #tpu.memory_space<hbm>>
        %dma_wait3A_238 = arith.constant 0 : i32
        %dma_wait3A_239 = tpu.memref_slice %arg3[%add3A_231, %dma_wait3A_238] : memref<5000x128xi32, #tpu.memory_space<hbm>> -> memref<80x128xi32, #tpu.memory_space<hbm>>
        tpu.wait_dma2 semaphore(%run_scoped3A : memref<!tpu.dma_semaphore, #tpu.memory_space<semaphore_mem>>) src(%dma_wait3A_239 : memref<80x128xi32, #tpu.memory_space<hbm>>) dst(%arg7 : memref<80x128xi32, #tpu.memory_space<vmem>>)
        tpu.yield
      }) : () -> ()
    } else {
    }
    %eq3A = arith.constant 31 : i32
    %eq3A_3 = arith.cmpi eq, %add3A, %eq3A : i32
    %convert_element_type3A_4 = arith.extui %eq3A_3 : i1 to i32
    %cond3A_5 = arith.constant 0 : i32
    %cond3A_6 = arith.cmpi ne, %convert_element_type3A_4, %cond3A_5 : i32
    scf.if %cond3A_6 {
      "tpu.region"() ({
        %run_scoped3A = tpu.sem_alloc : memref<!tpu.dma_semaphore, #tpu.memory_space<semaphore_mem>>
        %dma_start3A_228 = arith.constant 0 : i32
        %dma_start3A_229 = arith.constant 0 : i32
        %dma_start3A_230 = tpu.memref_slice %arg7[%dma_start3A_228, %dma_start3A_229] : memref<80x128xi32, #tpu.memory_space<vmem>> -> memref<20x128xi32, #tpu.memory_space<vmem>>
        %dma_start3A_231 = arith.constant 2480 : i32
        %dma_start3A_232 = arith.constant 0 : i32
        %dma_start3A_233 = tpu.memref_slice %arg3[%dma_start3A_231, %dma_start3A_232] : memref<5000x128xi32, #tpu.memory_space<hbm>> -> memref<20x128xi32, #tpu.memory_space<hbm>>
        %dma_start3A_234 = arith.constant 0 : i32
        %dma_start3A_235 = arith.constant 0 : i32
        %dma_start3A_236 = tpu.memref_slice %arg7[%dma_start3A_234, %dma_start3A_235] : memref<80x128xi32, #tpu.memory_space<vmem>> -> memref<20x128xi32, #tpu.memory_space<vmem>>
        %dma_start3A_237 = arith.constant 2480 : i32
        %dma_start3A_238 = arith.constant 0 : i32
        %dma_start3A_239 = tpu.memref_slice %arg3[%dma_start3A_237, %dma_start3A_238] : memref<5000x128xi32, #tpu.memory_space<hbm>> -> memref<20x128xi32, #tpu.memory_space<hbm>>
        tpu.enqueue_dma source(%dma_start3A_239 : memref<20x128xi32, #tpu.memory_space<hbm>>) target(%dma_start3A_236 : memref<20x128xi32, #tpu.memory_space<vmem>>) target_semaphore(%run_scoped3A : memref<!tpu.dma_semaphore, #tpu.memory_space<semaphore_mem>>)
        %dma_wait3A_240 = arith.constant 0 : i32
        %dma_wait3A_241 = arith.constant 0 : i32
        %dma_wait3A_242 = tpu.memref_slice %arg7[%dma_wait3A_240, %dma_wait3A_241] : memref<80x128xi32, #tpu.memory_space<vmem>> -> memref<20x128xi32, #tpu.memory_space<vmem>>
        %dma_wait3A_243 = arith.constant 2480 : i32
        %dma_wait3A_244 = arith.constant 0 : i32
        %dma_wait3A_245 = tpu.memref_slice %arg3[%dma_wait3A_243, %dma_wait3A_244] : memref<5000x128xi32, #tpu.memory_space<hbm>> -> memref<20x128xi32, #tpu.memory_space<hbm>>
        %dma_wait3A_246 = arith.constant 0 : i32
        %dma_wait3A_247 = arith.constant 0 : i32
        %dma_wait3A_248 = tpu.memref_slice %arg7[%dma_wait3A_246, %dma_wait3A_247] : memref<80x128xi32, #tpu.memory_space<vmem>> -> memref<20x128xi32, #tpu.memory_space<vmem>>
        %dma_wait3A_249 = arith.constant 2480 : i32
        %dma_wait3A_250 = arith.constant 0 : i32
        %dma_wait3A_251 = tpu.memref_slice %arg3[%dma_wait3A_249, %dma_wait3A_250] : memref<5000x128xi32, #tpu.memory_space<hbm>> -> memref<20x128xi32, #tpu.memory_space<hbm>>
        tpu.wait_dma2 semaphore(%run_scoped3A : memref<!tpu.dma_semaphore, #tpu.memory_space<semaphore_mem>>) src(%dma_wait3A_251 : memref<20x128xi32, #tpu.memory_space<hbm>>) dst(%dma_wait3A_248 : memref<20x128xi32, #tpu.memory_space<vmem>>)
        tpu.yield
      }) : () -> ()
      "tpu.region"() ({
        %run_scoped3A = tpu.sem_alloc : memref<!tpu.dma_semaphore, #tpu.memory_space<semaphore_mem>>
        %dma_start3A_228 = arith.constant 20 : i32
        %dma_start3A_229 = arith.constant 0 : i32
        %dma_start3A_230 = tpu.memref_slice %arg7[%dma_start3A_228, %dma_start3A_229] : memref<80x128xi32, #tpu.memory_space<vmem>> -> memref<60x128xi32, #tpu.memory_space<vmem>>
        %dma_start3A_231 = arith.constant 20 : i32
        %dma_start3A_232 = arith.constant 0 : i32
        %dma_start3A_233 = tpu.memref_slice %arg7[%dma_start3A_231, %dma_start3A_232] : memref<80x128xi32, #tpu.memory_space<vmem>> -> memref<60x128xi32, #tpu.memory_space<vmem>>
        tpu.enqueue_dma source(%arg4 : memref<60x128xi32, #tpu.memory_space<hbm>>) target(%dma_start3A_233 : memref<60x128xi32, #tpu.memory_space<vmem>>) target_semaphore(%run_scoped3A : memref<!tpu.dma_semaphore, #tpu.memory_space<semaphore_mem>>)
        %dma_wait3A_234 = arith.constant 20 : i32
        %dma_wait3A_235 = arith.constant 0 : i32
        %dma_wait3A_236 = tpu.memref_slice %arg7[%dma_wait3A_234, %dma_wait3A_235] : memref<80x128xi32, #tpu.memory_space<vmem>> -> memref<60x128xi32, #tpu.memory_space<vmem>>
        %dma_wait3A_237 = arith.constant 20 : i32
        %dma_wait3A_238 = arith.constant 0 : i32
        %dma_wait3A_239 = tpu.memref_slice %arg7[%dma_wait3A_237, %dma_wait3A_238] : memref<80x128xi32, #tpu.memory_space<vmem>> -> memref<60x128xi32, #tpu.memory_space<vmem>>
        tpu.wait_dma2 semaphore(%run_scoped3A : memref<!tpu.dma_semaphore, #tpu.memory_space<semaphore_mem>>) src(%arg4 : memref<60x128xi32, #tpu.memory_space<hbm>>) dst(%dma_wait3A_239 : memref<60x128xi32, #tpu.memory_space<vmem>>)
        tpu.yield
      }) : () -> ()
    } else {
    }
    %lt3A_7 = arith.constant 31 : i32
    %lt3A_8 = arith.cmpi slt, %add3A, %lt3A_7 : i32
    %convert_element_type3A_9 = arith.extui %lt3A_8 : i1 to i32
    %cond3A_10 = arith.constant 0 : i32
    %cond3A_11 = arith.cmpi ne, %convert_element_type3A_9, %cond3A_10 : i32
    scf.if %cond3A_11 {
      %mul3A_228 = arith.constant 80 : i32
      %mul3A_229 = arith.muli %add3A, %mul3A_228 : i32
      %add3A_230 = arith.constant 2500 : i32
      %add3A_231 = arith.addi %add3A_230, %mul3A_229 : i32
      "tpu.region"() ({
        %run_scoped3A = tpu.sem_alloc : memref<!tpu.dma_semaphore, #tpu.memory_space<semaphore_mem>>
        %dma_start3A_232 = arith.constant 0 : i32
        %dma_start3A_233 = tpu.memref_slice %arg3[%add3A_231, %dma_start3A_232] : memref<5000x128xi32, #tpu.memory_space<hbm>> -> memref<80x128xi32, #tpu.memory_space<hbm>>
        %dma_start3A_234 = arith.constant 0 : i32
        %dma_start3A_235 = tpu.memref_slice %arg3[%add3A_231, %dma_start3A_234] : memref<5000x128xi32, #tpu.memory_space<hbm>> -> memref<80x128xi32, #tpu.memory_space<hbm>>
        tpu.enqueue_dma source(%dma_start3A_235 : memref<80x128xi32, #tpu.memory_space<hbm>>) target(%arg8 : memref<80x128xi32, #tpu.memory_space<vmem>>) target_semaphore(%run_scoped3A : memref<!tpu.dma_semaphore, #tpu.memory_space<semaphore_mem>>)
        %dma_wait3A_236 = arith.constant 0 : i32
        %dma_wait3A_237 = tpu.memref_slice %arg3[%add3A_231, %dma_wait3A_236] : memref<5000x128xi32, #tpu.memory_space<hbm>> -> memref<80x128xi32, #tpu.memory_space<hbm>>
        %dma_wait3A_238 = arith.constant 0 : i32
        %dma_wait3A_239 = tpu.memref_slice %arg3[%add3A_231, %dma_wait3A_238] : memref<5000x128xi32, #tpu.memory_space<hbm>> -> memref<80x128xi32, #tpu.memory_space<hbm>>
        tpu.wait_dma2 semaphore(%run_scoped3A : memref<!tpu.dma_semaphore, #tpu.memory_space<semaphore_mem>>) src(%dma_wait3A_239 : memref<80x128xi32, #tpu.memory_space<hbm>>) dst(%arg8 : memref<80x128xi32, #tpu.memory_space<vmem>>)
        tpu.yield
      }) : () -> ()
    } else {
    }
    %eq3A_12 = arith.constant 31 : i32
    %eq3A_13 = arith.cmpi eq, %add3A, %eq3A_12 : i32
    %convert_element_type3A_14 = arith.extui %eq3A_13 : i1 to i32
    %cond3A_15 = arith.constant 0 : i32
    %cond3A_16 = arith.cmpi ne, %convert_element_type3A_14, %cond3A_15 : i32
    scf.if %cond3A_16 {
      "tpu.region"() ({
        %run_scoped3A = tpu.sem_alloc : memref<!tpu.dma_semaphore, #tpu.memory_space<semaphore_mem>>
        %dma_start3A_228 = arith.constant 0 : i32
        %dma_start3A_229 = arith.constant 0 : i32
        %dma_start3A_230 = tpu.memref_slice %arg8[%dma_start3A_228, %dma_start3A_229] : memref<80x128xi32, #tpu.memory_space<vmem>> -> memref<20x128xi32, #tpu.memory_space<vmem>>
        %dma_start3A_231 = arith.constant 4980 : i32
        %dma_start3A_232 = arith.constant 0 : i32
        %dma_start3A_233 = tpu.memref_slice %arg3[%dma_start3A_231, %dma_start3A_232] : memref<5000x128xi32, #tpu.memory_space<hbm>> -> memref<20x128xi32, #tpu.memory_space<hbm>>
        %dma_start3A_234 = arith.constant 0 : i32
        %dma_start3A_235 = arith.constant 0 : i32
        %dma_start3A_236 = tpu.memref_slice %arg8[%dma_start3A_234, %dma_start3A_235] : memref<80x128xi32, #tpu.memory_space<vmem>> -> memref<20x128xi32, #tpu.memory_space<vmem>>
        %dma_start3A_237 = arith.constant 4980 : i32
        %dma_start3A_238 = arith.constant 0 : i32
        %dma_start3A_239 = tpu.memref_slice %arg3[%dma_start3A_237, %dma_start3A_238] : memref<5000x128xi32, #tpu.memory_space<hbm>> -> memref<20x128xi32, #tpu.memory_space<hbm>>
        tpu.enqueue_dma source(%dma_start3A_239 : memref<20x128xi32, #tpu.memory_space<hbm>>) target(%dma_start3A_236 : memref<20x128xi32, #tpu.memory_space<vmem>>) target_semaphore(%run_scoped3A : memref<!tpu.dma_semaphore, #tpu.memory_space<semaphore_mem>>)
        %dma_wait3A_240 = arith.constant 0 : i32
        %dma_wait3A_241 = arith.constant 0 : i32
        %dma_wait3A_242 = tpu.memref_slice %arg8[%dma_wait3A_240, %dma_wait3A_241] : memref<80x128xi32, #tpu.memory_space<vmem>> -> memref<20x128xi32, #tpu.memory_space<vmem>>
        %dma_wait3A_243 = arith.constant 4980 : i32
        %dma_wait3A_244 = arith.constant 0 : i32
        %dma_wait3A_245 = tpu.memref_slice %arg3[%dma_wait3A_243, %dma_wait3A_244] : memref<5000x128xi32, #tpu.memory_space<hbm>> -> memref<20x128xi32, #tpu.memory_space<hbm>>
        %dma_wait3A_246 = arith.constant 0 : i32
        %dma_wait3A_247 = arith.constant 0 : i32
        %dma_wait3A_248 = tpu.memref_slice %arg8[%dma_wait3A_246, %dma_wait3A_247] : memref<80x128xi32, #tpu.memory_space<vmem>> -> memref<20x128xi32, #tpu.memory_space<vmem>>
        %dma_wait3A_249 = arith.constant 4980 : i32
        %dma_wait3A_250 = arith.constant 0 : i32
        %dma_wait3A_251 = tpu.memref_slice %arg3[%dma_wait3A_249, %dma_wait3A_250] : memref<5000x128xi32, #tpu.memory_space<hbm>> -> memref<20x128xi32, #tpu.memory_space<hbm>>
        tpu.wait_dma2 semaphore(%run_scoped3A : memref<!tpu.dma_semaphore, #tpu.memory_space<semaphore_mem>>) src(%dma_wait3A_251 : memref<20x128xi32, #tpu.memory_space<hbm>>) dst(%dma_wait3A_248 : memref<20x128xi32, #tpu.memory_space<vmem>>)
        tpu.yield
      }) : () -> ()
      "tpu.region"() ({
        %run_scoped3A = tpu.sem_alloc : memref<!tpu.dma_semaphore, #tpu.memory_space<semaphore_mem>>
        %dma_start3A_228 = arith.constant 20 : i32
        %dma_start3A_229 = arith.constant 0 : i32
        %dma_start3A_230 = tpu.memref_slice %arg8[%dma_start3A_228, %dma_start3A_229] : memref<80x128xi32, #tpu.memory_space<vmem>> -> memref<60x128xi32, #tpu.memory_space<vmem>>
        %dma_start3A_231 = arith.constant 20 : i32
        %dma_start3A_232 = arith.constant 0 : i32
        %dma_start3A_233 = tpu.memref_slice %arg8[%dma_start3A_231, %dma_start3A_232] : memref<80x128xi32, #tpu.memory_space<vmem>> -> memref<60x128xi32, #tpu.memory_space<vmem>>
        tpu.enqueue_dma source(%arg5 : memref<60x128xi32, #tpu.memory_space<hbm>>) target(%dma_start3A_233 : memref<60x128xi32, #tpu.memory_space<vmem>>) target_semaphore(%run_scoped3A : memref<!tpu.dma_semaphore, #tpu.memory_space<semaphore_mem>>)
        %dma_wait3A_234 = arith.constant 20 : i32
        %dma_wait3A_235 = arith.constant 0 : i32
        %dma_wait3A_236 = tpu.memref_slice %arg8[%dma_wait3A_234, %dma_wait3A_235] : memref<80x128xi32, #tpu.memory_space<vmem>> -> memref<60x128xi32, #tpu.memory_space<vmem>>
        %dma_wait3A_237 = arith.constant 20 : i32
        %dma_wait3A_238 = arith.constant 0 : i32
        %dma_wait3A_239 = tpu.memref_slice %arg8[%dma_wait3A_237, %dma_wait3A_238] : memref<80x128xi32, #tpu.memory_space<vmem>> -> memref<60x128xi32, #tpu.memory_space<vmem>>
        tpu.wait_dma2 semaphore(%run_scoped3A : memref<!tpu.dma_semaphore, #tpu.memory_space<semaphore_mem>>) src(%arg5 : memref<60x128xi32, #tpu.memory_space<hbm>>) dst(%dma_wait3A_239 : memref<60x128xi32, #tpu.memory_space<vmem>>)
        tpu.yield
      }) : () -> ()
    } else {
    }
    %broadcast_in_dim3A = arith.constant 0.000000e+00 : f32
    %broadcast_in_dim3A_17 = vector.broadcast %broadcast_in_dim3A : f32 to vector<16xf32>
    %scan3A = arith.constant 0 : i32
    %scan3A_18 = arith.constant 0 : i32
    %scan3A_19 = arith.constant 632 : i32
    %scan3A_20 = arith.addi %scan3A_18, %scan3A_19 : i32
    %scan3A_21 = arith.constant 1 : i32
    %scan3A_22 = scf.for %scan3A_228 = %scan3A_18 to %scan3A_20 step %scan3A_21 iter_args(%scan3A_229 = %scan3A) -> (i32)  : i32 {
      %swap3A = arith.index_cast %scan3A_228 : i32 to index
      %swap3A_230 = arith.constant 0 : index
      %swap3A_231 = tpu.vector_load %arg10[%swap3A, %swap3A_230] {strides = array<i32>} : memref<632x32xf32, #tpu.memory_space<vmem>>, vector<1x16xf32>,
      %swap3A_232 = vector.shape_cast %swap3A_231 : vector<1x16xf32> to vector<16xf32>
      %swap3A_233 = vector.shape_cast %broadcast_in_dim3A_17 : vector<16xf32> to vector<1x16xf32>
      tpu.vector_store %arg10[%swap3A, %swap3A_230], %swap3A_233 {strides = array<i32>} : memref<632x32xf32, #tpu.memory_space<vmem>>, vector<1x16xf32>,
      %swap3A_234 = arith.index_cast %scan3A_228 : i32 to index
      %swap3A_235 = arith.constant 16 : index
      %swap3A_236 = tpu.vector_load %arg10[%swap3A_234, %swap3A_235] {strides = array<i32>} : memref<632x32xf32, #tpu.memory_space<vmem>>, vector<1x16xf32>,
      %swap3A_237 = vector.shape_cast %swap3A_236 : vector<1x16xf32> to vector<16xf32>
      %swap3A_238 = vector.shape_cast %broadcast_in_dim3A_17 : vector<16xf32> to vector<1x16xf32>
      tpu.vector_store %arg10[%swap3A_234, %swap3A_235], %swap3A_238 {strides = array<i32>} : memref<632x32xf32, #tpu.memory_space<vmem>>, vector<1x16xf32>,
      %scan3A_239 = arith.constant 0 : i32
      scf.yield %scan3A_239 : i32
    }
    %scan3A_23 = arith.constant 632 : i32
    %mul3A_24 = arith.constant 632 : i32
    %mul3A_25 = arith.muli %arg1, %mul3A_24 : i32
    "tpu.region"() ({
      %run_scoped3A = tpu.sem_alloc : memref<!tpu.dma_semaphore, #tpu.memory_space<semaphore_mem>>
      %dma_start3A_228 = arith.constant 0 : i32
      %dma_start3A_229 = tpu.memref_slice %arg11[%mul3A_25, %dma_start3A_228] : memref<10112x32xf32, #tpu.memory_space<vmem_shared>> -> memref<632x32xf32, #tpu.memory_space<vmem_shared>>
      %dma_start3A_230 = arith.constant 0 : i32
      %dma_start3A_231 = tpu.memref_slice %arg11[%mul3A_25, %dma_start3A_230] : memref<10112x32xf32, #tpu.memory_space<vmem_shared>> -> memref<632x32xf32, #tpu.memory_space<vmem_shared>>
      tpu.enqueue_dma source(%arg10 : memref<632x32xf32, #tpu.memory_space<vmem>>) target(%dma_start3A_231 : memref<632x32xf32, #tpu.memory_space<vmem_shared>>) target_semaphore(%run_scoped3A : memref<!tpu.dma_semaphore, #tpu.memory_space<semaphore_mem>>)
      %dma_wait3A_232 = arith.constant 0 : i32
      %dma_wait3A_233 = tpu.memref_slice %arg11[%mul3A_25, %dma_wait3A_232] : memref<10112x32xf32, #tpu.memory_space<vmem_shared>> -> memref<632x32xf32, #tpu.memory_space<vmem_shared>>
      %dma_wait3A_234 = arith.constant 0 : i32
      %dma_wait3A_235 = tpu.memref_slice %arg11[%mul3A_25, %dma_wait3A_234] : memref<10112x32xf32, #tpu.memory_space<vmem_shared>> -> memref<632x32xf32, #tpu.memory_space<vmem_shared>>
      tpu.wait_dma2 semaphore(%run_scoped3A : memref<!tpu.dma_semaphore, #tpu.memory_space<semaphore_mem>>) src(%arg10 : memref<632x32xf32, #tpu.memory_space<vmem>>) dst(%dma_wait3A_235 : memref<632x32xf32, #tpu.memory_space<vmem_shared>>)
      tpu.yield
    }) : () -> ()
    %barrier3A = arith.constant 0 : index
    tpu.barrier barrier_id(%barrier3A)
    %dma_start3A = arith.constant 0 : i32
    %dma_start3A_26 = arith.constant 0 : i32
    %dma_start3A_27 = arith.constant 0 : i32
    %dma_start3A_28 = arith.constant 0 : i32
    %dma_start3A_29 = tpu.memref_slice %arg9[%dma_start3A_26, %dma_start3A_27, %dma_start3A_28] : memref<8x128x32xf32, #tpu.memory_space<vmem>> -> memref<1x128x32xf32, #tpu.memory_space<vmem>>
    %dma_start3A_30 = tpu.memref_squeeze %dma_start3A_29 : memref<1x128x32xf32, #tpu.memory_space<vmem>> -> memref<128x32xf32, #tpu.memory_space<vmem>>
    %dma_start3A_31 = arith.constant 0 : i32
    %dma_start3A_32 = tpu.memref_slice %arg7[%dma_start3A, %dma_start3A_31] : memref<80x128xi32, #tpu.memory_space<vmem>> -> memref<1x128xi32, #tpu.memory_space<vmem>>
    %dma_start3A_33 = tpu.memref_squeeze %dma_start3A_32 : memref<1x128xi32, #tpu.memory_space<vmem>> -> memref<128xi32, #tpu.memory_space<vmem>>
    %dma_start3A_34 = arith.constant 0 : i32
    %dma_start3A_35 = arith.constant 0 : i32
    %dma_start3A_36 = tpu.memref_slice %arg2[%dma_start3A_34, %dma_start3A_35] : memref<10112x32xf32, #tpu.memory_space<hbm>> -> memref<10112x32xf32, #tpu.memory_space<hbm>>
    tpu.enqueue_indirect_dma source(%dma_start3A_36 : memref<10112x32xf32, #tpu.memory_space<hbm>>) target(%dma_start3A_30 : memref<128x32xf32, #tpu.memory_space<vmem>>) offsets(%dma_start3A_33 : memref<128xi32, #tpu.memory_space<vmem>>) semaphore(%arg12 : memref<!tpu.dma_semaphore, #tpu.memory_space<semaphore_mem>>)
    %dma_start3A_37 = arith.constant 1 : i32
    %dma_start3A_38 = arith.constant 1 : i32
    %dma_start3A_39 = arith.constant 0 : i32
    %dma_start3A_40 = arith.constant 0 : i32
    %dma_start3A_41 = tpu.memref_slice %arg9[%dma_start3A_38, %dma_start3A_39, %dma_start3A_40] : memref<8x128x32xf32, #tpu.memory_space<vmem>> -> memref<1x128x32xf32, #tpu.memory_space<vmem>>
    %dma_start3A_42 = tpu.memref_squeeze %dma_start3A_41 : memref<1x128x32xf32, #tpu.memory_space<vmem>> -> memref<128x32xf32, #tpu.memory_space<vmem>>
    %dma_start3A_43 = arith.constant 0 : i32
    %dma_start3A_44 = tpu.memref_slice %arg7[%dma_start3A_37, %dma_start3A_43] : memref<80x128xi32, #tpu.memory_space<vmem>> -> memref<1x128xi32, #tpu.memory_space<vmem>>
    %dma_start3A_45 = tpu.memref_squeeze %dma_start3A_44 : memref<1x128xi32, #tpu.memory_space<vmem>> -> memref<128xi32, #tpu.memory_space<vmem>>
    %dma_start3A_46 = arith.constant 0 : i32
    %dma_start3A_47 = arith.constant 0 : i32
    %dma_start3A_48 = tpu.memref_slice %arg2[%dma_start3A_46, %dma_start3A_47] : memref<10112x32xf32, #tpu.memory_space<hbm>> -> memref<10112x32xf32, #tpu.memory_space<hbm>>
    tpu.enqueue_indirect_dma source(%dma_start3A_48 : memref<10112x32xf32, #tpu.memory_space<hbm>>) target(%dma_start3A_42 : memref<128x32xf32, #tpu.memory_space<vmem>>) offsets(%dma_start3A_45 : memref<128xi32, #tpu.memory_space<vmem>>) semaphore(%arg13 : memref<!tpu.dma_semaphore, #tpu.memory_space<semaphore_mem>>)
    %dma_start3A_49 = arith.constant 2 : i32
    %dma_start3A_50 = arith.constant 2 : i32
    %dma_start3A_51 = arith.constant 0 : i32
    %dma_start3A_52 = arith.constant 0 : i32
    %dma_start3A_53 = tpu.memref_slice %arg9[%dma_start3A_50, %dma_start3A_51, %dma_start3A_52] : memref<8x128x32xf32, #tpu.memory_space<vmem>> -> memref<1x128x32xf32, #tpu.memory_space<vmem>>
    %dma_start3A_54 = tpu.memref_squeeze %dma_start3A_53 : memref<1x128x32xf32, #tpu.memory_space<vmem>> -> memref<128x32xf32, #tpu.memory_space<vmem>>
    %dma_start3A_55 = arith.constant 0 : i32
    %dma_start3A_56 = tpu.memref_slice %arg7[%dma_start3A_49, %dma_start3A_55] : memref<80x128xi32, #tpu.memory_space<vmem>> -> memref<1x128xi32, #tpu.memory_space<vmem>>
    %dma_start3A_57 = tpu.memref_squeeze %dma_start3A_56 : memref<1x128xi32, #tpu.memory_space<vmem>> -> memref<128xi32, #tpu.memory_space<vmem>>
    %dma_start3A_58 = arith.constant 0 : i32
    %dma_start3A_59 = arith.constant 0 : i32
    %dma_start3A_60 = tpu.memref_slice %arg2[%dma_start3A_58, %dma_start3A_59] : memref<10112x32xf32, #tpu.memory_space<hbm>> -> memref<10112x32xf32, #tpu.memory_space<hbm>>
    tpu.enqueue_indirect_dma source(%dma_start3A_60 : memref<10112x32xf32, #tpu.memory_space<hbm>>) target(%dma_start3A_54 : memref<128x32xf32, #tpu.memory_space<vmem>>) offsets(%dma_start3A_57 : memref<128xi32, #tpu.memory_space<vmem>>) semaphore(%arg14 : memref<!tpu.dma_semaphore, #tpu.memory_space<semaphore_mem>>)
    %dma_start3A_61 = arith.constant 3 : i32
    %dma_start3A_62 = arith.constant 3 : i32
    %dma_start3A_63 = arith.constant 0 : i32
    %dma_start3A_64 = arith.constant 0 : i32
    %dma_start3A_65 = tpu.memref_slice %arg9[%dma_start3A_62, %dma_start3A_63, %dma_start3A_64] : memref<8x128x32xf32, #tpu.memory_space<vmem>> -> memref<1x128x32xf32, #tpu.memory_space<vmem>>
    %dma_start3A_66 = tpu.memref_squeeze %dma_start3A_65 : memref<1x128x32xf32, #tpu.memory_space<vmem>> -> memref<128x32xf32, #tpu.memory_space<vmem>>
    %dma_start3A_67 = arith.constant 0 : i32
    %dma_start3A_68 = tpu.memref_slice %arg7[%dma_start3A_61, %dma_start3A_67] : memref<80x128xi32, #tpu.memory_space<vmem>> -> memref<1x128xi32, #tpu.memory_space<vmem>>
    %dma_start3A_69 = tpu.memref_squeeze %dma_start3A_68 : memref<1x128xi32, #tpu.memory_space<vmem>> -> memref<128xi32, #tpu.memory_space<vmem>>
    %dma_start3A_70 = arith.constant 0 : i32
    %dma_start3A_71 = arith.constant 0 : i32
    %dma_start3A_72 = tpu.memref_slice %arg2[%dma_start3A_70, %dma_start3A_71] : memref<10112x32xf32, #tpu.memory_space<hbm>> -> memref<10112x32xf32, #tpu.memory_space<hbm>>
    tpu.enqueue_indirect_dma source(%dma_start3A_72 : memref<10112x32xf32, #tpu.memory_space<hbm>>) target(%dma_start3A_66 : memref<128x32xf32, #tpu.memory_space<vmem>>) offsets(%dma_start3A_69 : memref<128xi32, #tpu.memory_space<vmem>>) semaphore(%arg15 : memref<!tpu.dma_semaphore, #tpu.memory_space<semaphore_mem>>)
    %dma_start3A_73 = arith.constant 4 : i32
    %dma_start3A_74 = arith.constant 4 : i32
    %dma_start3A_75 = arith.constant 0 : i32
    %dma_start3A_76 = arith.constant 0 : i32
    %dma_start3A_77 = tpu.memref_slice %arg9[%dma_start3A_74, %dma_start3A_75, %dma_start3A_76] : memref<8x128x32xf32, #tpu.memory_space<vmem>> -> memref<1x128x32xf32, #tpu.memory_space<vmem>>
    %dma_start3A_78 = tpu.memref_squeeze %dma_start3A_77 : memref<1x128x32xf32, #tpu.memory_space<vmem>> -> memref<128x32xf32, #tpu.memory_space<vmem>>
    %dma_start3A_79 = arith.constant 0 : i32
    %dma_start3A_80 = tpu.memref_slice %arg7[%dma_start3A_73, %dma_start3A_79] : memref<80x128xi32, #tpu.memory_space<vmem>> -> memref<1x128xi32, #tpu.memory_space<vmem>>
    %dma_start3A_81 = tpu.memref_squeeze %dma_start3A_80 : memref<1x128xi32, #tpu.memory_space<vmem>> -> memref<128xi32, #tpu.memory_space<vmem>>
    %dma_start3A_82 = arith.constant 0 : i32
    %dma_start3A_83 = arith.constant 0 : i32
    %dma_start3A_84 = tpu.memref_slice %arg2[%dma_start3A_82, %dma_start3A_83] : memref<10112x32xf32, #tpu.memory_space<hbm>> -> memref<10112x32xf32, #tpu.memory_space<hbm>>
    tpu.enqueue_indirect_dma source(%dma_start3A_84 : memref<10112x32xf32, #tpu.memory_space<hbm>>) target(%dma_start3A_78 : memref<128x32xf32, #tpu.memory_space<vmem>>) offsets(%dma_start3A_81 : memref<128xi32, #tpu.memory_space<vmem>>) semaphore(%arg16 : memref<!tpu.dma_semaphore, #tpu.memory_space<semaphore_mem>>)
    %dma_start3A_85 = arith.constant 5 : i32
    %dma_start3A_86 = arith.constant 5 : i32
    %dma_start3A_87 = arith.constant 0 : i32
    %dma_start3A_88 = arith.constant 0 : i32
    %dma_start3A_89 = tpu.memref_slice %arg9[%dma_start3A_86, %dma_start3A_87, %dma_start3A_88] : memref<8x128x32xf32, #tpu.memory_space<vmem>> -> memref<1x128x32xf32, #tpu.memory_space<vmem>>
    %dma_start3A_90 = tpu.memref_squeeze %dma_start3A_89 : memref<1x128x32xf32, #tpu.memory_space<vmem>> -> memref<128x32xf32, #tpu.memory_space<vmem>>
    %dma_start3A_91 = arith.constant 0 : i32
    %dma_start3A_92 = tpu.memref_slice %arg7[%dma_start3A_85, %dma_start3A_91] : memref<80x128xi32, #tpu.memory_space<vmem>> -> memref<1x128xi32, #tpu.memory_space<vmem>>
    %dma_start3A_93 = tpu.memref_squeeze %dma_start3A_92 : memref<1x128xi32, #tpu.memory_space<vmem>> -> memref<128xi32, #tpu.memory_space<vmem>>
    %dma_start3A_94 = arith.constant 0 : i32
    %dma_start3A_95 = arith.constant 0 : i32
    %dma_start3A_96 = tpu.memref_slice %arg2[%dma_start3A_94, %dma_start3A_95] : memref<10112x32xf32, #tpu.memory_space<hbm>> -> memref<10112x32xf32, #tpu.memory_space<hbm>>
    tpu.enqueue_indirect_dma source(%dma_start3A_96 : memref<10112x32xf32, #tpu.memory_space<hbm>>) target(%dma_start3A_90 : memref<128x32xf32, #tpu.memory_space<vmem>>) offsets(%dma_start3A_93 : memref<128xi32, #tpu.memory_space<vmem>>) semaphore(%arg17 : memref<!tpu.dma_semaphore, #tpu.memory_space<semaphore_mem>>)
    %dma_start3A_97 = arith.constant 6 : i32
    %dma_start3A_98 = arith.constant 6 : i32
    %dma_start3A_99 = arith.constant 0 : i32
    %dma_start3A_100 = arith.constant 0 : i32
    %dma_start3A_101 = tpu.memref_slice %arg9[%dma_start3A_98, %dma_start3A_99, %dma_start3A_100] : memref<8x128x32xf32, #tpu.memory_space<vmem>> -> memref<1x128x32xf32, #tpu.memory_space<vmem>>
    %dma_start3A_102 = tpu.memref_squeeze %dma_start3A_101 : memref<1x128x32xf32, #tpu.memory_space<vmem>> -> memref<128x32xf32, #tpu.memory_space<vmem>>
    %dma_start3A_103 = arith.constant 0 : i32
    %dma_start3A_104 = tpu.memref_slice %arg7[%dma_start3A_97, %dma_start3A_103] : memref<80x128xi32, #tpu.memory_space<vmem>> -> memref<1x128xi32, #tpu.memory_space<vmem>>
    %dma_start3A_105 = tpu.memref_squeeze %dma_start3A_104 : memref<1x128xi32, #tpu.memory_space<vmem>> -> memref<128xi32, #tpu.memory_space<vmem>>
    %dma_start3A_106 = arith.constant 0 : i32
    %dma_start3A_107 = arith.constant 0 : i32
    %dma_start3A_108 = tpu.memref_slice %arg2[%dma_start3A_106, %dma_start3A_107] : memref<10112x32xf32, #tpu.memory_space<hbm>> -> memref<10112x32xf32, #tpu.memory_space<hbm>>
    tpu.enqueue_indirect_dma source(%dma_start3A_108 : memref<10112x32xf32, #tpu.memory_space<hbm>>) target(%dma_start3A_102 : memref<128x32xf32, #tpu.memory_space<vmem>>) offsets(%dma_start3A_105 : memref<128xi32, #tpu.memory_space<vmem>>) semaphore(%arg18 : memref<!tpu.dma_semaphore, #tpu.memory_space<semaphore_mem>>)
    %dma_start3A_109 = arith.constant 7 : i32
    %dma_start3A_110 = arith.constant 7 : i32
    %dma_start3A_111 = arith.constant 0 : i32
    %dma_start3A_112 = arith.constant 0 : i32
    %dma_start3A_113 = tpu.memref_slice %arg9[%dma_start3A_110, %dma_start3A_111, %dma_start3A_112] : memref<8x128x32xf32, #tpu.memory_space<vmem>> -> memref<1x128x32xf32, #tpu.memory_space<vmem>>
    %dma_start3A_114 = tpu.memref_squeeze %dma_start3A_113 : memref<1x128x32xf32, #tpu.memory_space<vmem>> -> memref<128x32xf32, #tpu.memory_space<vmem>>
    %dma_start3A_115 = arith.constant 0 : i32
    %dma_start3A_116 = tpu.memref_slice %arg7[%dma_start3A_109, %dma_start3A_115] : memref<80x128xi32, #tpu.memory_space<vmem>> -> memref<1x128xi32, #tpu.memory_space<vmem>>
    %dma_start3A_117 = tpu.memref_squeeze %dma_start3A_116 : memref<1x128xi32, #tpu.memory_space<vmem>> -> memref<128xi32, #tpu.memory_space<vmem>>
    %dma_start3A_118 = arith.constant 0 : i32
    %dma_start3A_119 = arith.constant 0 : i32
    %dma_start3A_120 = tpu.memref_slice %arg2[%dma_start3A_118, %dma_start3A_119] : memref<10112x32xf32, #tpu.memory_space<hbm>> -> memref<10112x32xf32, #tpu.memory_space<hbm>>
    tpu.enqueue_indirect_dma source(%dma_start3A_120 : memref<10112x32xf32, #tpu.memory_space<hbm>>) target(%dma_start3A_114 : memref<128x32xf32, #tpu.memory_space<vmem>>) offsets(%dma_start3A_117 : memref<128xi32, #tpu.memory_space<vmem>>) semaphore(%arg19 : memref<!tpu.dma_semaphore, #tpu.memory_space<semaphore_mem>>)
    %scan3A_121 = arith.constant 0 : i32
    %scan3A_122 = arith.constant 0 : i32
    %scan3A_123 = arith.constant 10 : i32
    %scan3A_124 = arith.addi %scan3A_122, %scan3A_123 : i32
    %scan3A_125 = arith.constant 1 : i32
    %scan3A_126 = scf.for %scan3A_228 = %scan3A_122 to %scan3A_124 step %scan3A_125 iter_args(%scan3A_229 = %scan3A_121) -> (i32)  : i32 {
      %mul3A_230 = arith.constant 8 : i32
      %mul3A_231 = arith.muli %scan3A_228, %mul3A_230 : i32
      %add3A_232 = arith.constant 0 : i32
      %add3A_233 = arith.addi %mul3A_231, %add3A_232 : i32
      %dma_wait3A_234 = arith.constant 0 : i32
      %dma_wait3A_235 = arith.constant 0 : i32
      %dma_wait3A_236 = arith.constant 0 : i32
      %dma_wait3A_237 = tpu.memref_slice %arg9[%dma_wait3A_234, %dma_wait3A_235, %dma_wait3A_236] : memref<8x128x32xf32, #tpu.memory_space<vmem>> -> memref<1x128x32xf32, #tpu.memory_space<vmem>>
      %dma_wait3A_238 = tpu.memref_squeeze %dma_wait3A_237 : memref<1x128x32xf32, #tpu.memory_space<vmem>> -> memref<128x32xf32, #tpu.memory_space<vmem>>
      %dma_wait3A_239 = arith.constant 0 : i32
      %dma_wait3A_240 = tpu.memref_slice %arg7[%add3A_233, %dma_wait3A_239] : memref<80x128xi32, #tpu.memory_space<vmem>> -> memref<1x128xi32, #tpu.memory_space<vmem>>
      %dma_wait3A_241 = tpu.memref_squeeze %dma_wait3A_240 : memref<1x128xi32, #tpu.memory_space<vmem>> -> memref<128xi32, #tpu.memory_space<vmem>>
      %dma_wait3A_242 = arith.constant 0 : i32
      %dma_wait3A_243 = arith.constant 0 : i32
      %dma_wait3A_244 = tpu.memref_slice %arg2[%dma_wait3A_242, %dma_wait3A_243] : memref<10112x32xf32, #tpu.memory_space<hbm>> -> memref<10112x32xf32, #tpu.memory_space<hbm>>
      tpu.wait_indirect_dma semaphore(%arg12 : memref<!tpu.dma_semaphore, #tpu.memory_space<semaphore_mem>>) src(%dma_wait3A_244 : memref<10112x32xf32, #tpu.memory_space<hbm>>) dst(%dma_wait3A_238 : memref<128x32xf32, #tpu.memory_space<vmem>>)
      %dma_start3A_245 = arith.constant 0 : i32
      %dma_start3A_246 = arith.constant 0 : i32
      %dma_start3A_247 = arith.constant 0 : i32
      %dma_start3A_248 = tpu.memref_slice %arg9[%dma_start3A_245, %dma_start3A_246, %dma_start3A_247] : memref<8x128x32xf32, #tpu.memory_space<vmem>> -> memref<1x128x32xf32, #tpu.memory_space<vmem>>
      %dma_start3A_249 = tpu.memref_squeeze %dma_start3A_248 : memref<1x128x32xf32, #tpu.memory_space<vmem>> -> memref<128x32xf32, #tpu.memory_space<vmem>>
      %dma_start3A_250 = arith.constant 0 : i32
      %dma_start3A_251 = tpu.memref_slice %arg8[%add3A_233, %dma_start3A_250] : memref<80x128xi32, #tpu.memory_space<vmem>> -> memref<1x128xi32, #tpu.memory_space<vmem>>
      %dma_start3A_252 = tpu.memref_squeeze %dma_start3A_251 : memref<1x128xi32, #tpu.memory_space<vmem>> -> memref<128xi32, #tpu.memory_space<vmem>>
      %dma_start3A_253 = arith.constant 0 : i32
      %dma_start3A_254 = arith.constant 0 : i32
      %dma_start3A_255 = tpu.memref_slice %arg11[%dma_start3A_253, %dma_start3A_254] : memref<10112x32xf32, #tpu.memory_space<vmem_shared>> -> memref<10112x32xf32, #tpu.memory_space<vmem_shared>>
      tpu.enqueue_indirect_dma source(%dma_start3A_249 : memref<128x32xf32, #tpu.memory_space<vmem>>) target(%dma_start3A_255 : memref<10112x32xf32, #tpu.memory_space<vmem_shared>>) offsets(%dma_start3A_252 : memref<128xi32, #tpu.memory_space<vmem>>) semaphore(%arg20 : memref<!tpu.dma_semaphore, #tpu.memory_space<semaphore_mem>>) {add = true}
      %add3A_256 = arith.constant 1 : i32
      %add3A_257 = arith.addi %mul3A_231, %add3A_256 : i32
      %dma_wait3A_258 = arith.constant 1 : i32
      %dma_wait3A_259 = arith.constant 0 : i32
      %dma_wait3A_260 = arith.constant 0 : i32
      %dma_wait3A_261 = tpu.memref_slice %arg9[%dma_wait3A_258, %dma_wait3A_259, %dma_wait3A_260] : memref<8x128x32xf32, #tpu.memory_space<vmem>> -> memref<1x128x32xf32, #tpu.memory_space<vmem>>
      %dma_wait3A_262 = tpu.memref_squeeze %dma_wait3A_261 : memref<1x128x32xf32, #tpu.memory_space<vmem>> -> memref<128x32xf32, #tpu.memory_space<vmem>>
      %dma_wait3A_263 = arith.constant 0 : i32
      %dma_wait3A_264 = tpu.memref_slice %arg7[%add3A_257, %dma_wait3A_263] : memref<80x128xi32, #tpu.memory_space<vmem>> -> memref<1x128xi32, #tpu.memory_space<vmem>>
      %dma_wait3A_265 = tpu.memref_squeeze %dma_wait3A_264 : memref<1x128xi32, #tpu.memory_space<vmem>> -> memref<128xi32, #tpu.memory_space<vmem>>
      %dma_wait3A_266 = arith.constant 0 : i32
      %dma_wait3A_267 = arith.constant 0 : i32
      %dma_wait3A_268 = tpu.memref_slice %arg2[%dma_wait3A_266, %dma_wait3A_267] : memref<10112x32xf32, #tpu.memory_space<hbm>> -> memref<10112x32xf32, #tpu.memory_space<hbm>>
      tpu.wait_indirect_dma semaphore(%arg13 : memref<!tpu.dma_semaphore, #tpu.memory_space<semaphore_mem>>) src(%dma_wait3A_268 : memref<10112x32xf32, #tpu.memory_space<hbm>>) dst(%dma_wait3A_262 : memref<128x32xf32, #tpu.memory_space<vmem>>)
      %dma_start3A_269 = arith.constant 1 : i32
      %dma_start3A_270 = arith.constant 0 : i32
      %dma_start3A_271 = arith.constant 0 : i32
      %dma_start3A_272 = tpu.memref_slice %arg9[%dma_start3A_269, %dma_start3A_270, %dma_start3A_271] : memref<8x128x32xf32, #tpu.memory_space<vmem>> -> memref<1x128x32xf32, #tpu.memory_space<vmem>>
      %dma_start3A_273 = tpu.memref_squeeze %dma_start3A_272 : memref<1x128x32xf32, #tpu.memory_space<vmem>> -> memref<128x32xf32, #tpu.memory_space<vmem>>
      %dma_start3A_274 = arith.constant 0 : i32
      %dma_start3A_275 = tpu.memref_slice %arg8[%add3A_257, %dma_start3A_274] : memref<80x128xi32, #tpu.memory_space<vmem>> -> memref<1x128xi32, #tpu.memory_space<vmem>>
      %dma_start3A_276 = tpu.memref_squeeze %dma_start3A_275 : memref<1x128xi32, #tpu.memory_space<vmem>> -> memref<128xi32, #tpu.memory_space<vmem>>
      %dma_start3A_277 = arith.constant 0 : i32
      %dma_start3A_278 = arith.constant 0 : i32
      %dma_start3A_279 = tpu.memref_slice %arg11[%dma_start3A_277, %dma_start3A_278] : memref<10112x32xf32, #tpu.memory_space<vmem_shared>> -> memref<10112x32xf32, #tpu.memory_space<vmem_shared>>
      tpu.enqueue_indirect_dma source(%dma_start3A_273 : memref<128x32xf32, #tpu.memory_space<vmem>>) target(%dma_start3A_279 : memref<10112x32xf32, #tpu.memory_space<vmem_shared>>) offsets(%dma_start3A_276 : memref<128xi32, #tpu.memory_space<vmem>>) semaphore(%arg21 : memref<!tpu.dma_semaphore, #tpu.memory_space<semaphore_mem>>) {add = true}
      %add3A_280 = arith.constant 2 : i32
      %add3A_281 = arith.addi %mul3A_231, %add3A_280 : i32
      %dma_wait3A_282 = arith.constant 2 : i32
      %dma_wait3A_283 = arith.constant 0 : i32
      %dma_wait3A_284 = arith.constant 0 : i32
      %dma_wait3A_285 = tpu.memref_slice %arg9[%dma_wait3A_282, %dma_wait3A_283, %dma_wait3A_284] : memref<8x128x32xf32, #tpu.memory_space<vmem>> -> memref<1x128x32xf32, #tpu.memory_space<vmem>>
      %dma_wait3A_286 = tpu.memref_squeeze %dma_wait3A_285 : memref<1x128x32xf32, #tpu.memory_space<vmem>> -> memref<128x32xf32, #tpu.memory_space<vmem>>
      %dma_wait3A_287 = arith.constant 0 : i32
      %dma_wait3A_288 = tpu.memref_slice %arg7[%add3A_281, %dma_wait3A_287] : memref<80x128xi32, #tpu.memory_space<vmem>> -> memref<1x128xi32, #tpu.memory_space<vmem>>
      %dma_wait3A_289 = tpu.memref_squeeze %dma_wait3A_288 : memref<1x128xi32, #tpu.memory_space<vmem>> -> memref<128xi32, #tpu.memory_space<vmem>>
      %dma_wait3A_290 = arith.constant 0 : i32
      %dma_wait3A_291 = arith.constant 0 : i32
      %dma_wait3A_292 = tpu.memref_slice %arg2[%dma_wait3A_290, %dma_wait3A_291] : memref<10112x32xf32, #tpu.memory_space<hbm>> -> memref<10112x32xf32, #tpu.memory_space<hbm>>
      tpu.wait_indirect_dma semaphore(%arg14 : memref<!tpu.dma_semaphore, #tpu.memory_space<semaphore_mem>>) src(%dma_wait3A_292 : memref<10112x32xf32, #tpu.memory_space<hbm>>) dst(%dma_wait3A_286 : memref<128x32xf32, #tpu.memory_space<vmem>>)
      %dma_start3A_293 = arith.constant 2 : i32
      %dma_start3A_294 = arith.constant 0 : i32
      %dma_start3A_295 = arith.constant 0 : i32
      %dma_start3A_296 = tpu.memref_slice %arg9[%dma_start3A_293, %dma_start3A_294, %dma_start3A_295] : memref<8x128x32xf32, #tpu.memory_space<vmem>> -> memref<1x128x32xf32, #tpu.memory_space<vmem>>
      %dma_start3A_297 = tpu.memref_squeeze %dma_start3A_296 : memref<1x128x32xf32, #tpu.memory_space<vmem>> -> memref<128x32xf32, #tpu.memory_space<vmem>>
      %dma_start3A_298 = arith.constant 0 : i32
      %dma_start3A_299 = tpu.memref_slice %arg8[%add3A_281, %dma_start3A_298] : memref<80x128xi32, #tpu.memory_space<vmem>> -> memref<1x128xi32, #tpu.memory_space<vmem>>
      %dma_start3A_300 = tpu.memref_squeeze %dma_start3A_299 : memref<1x128xi32, #tpu.memory_space<vmem>> -> memref<128xi32, #tpu.memory_space<vmem>>
      %dma_start3A_301 = arith.constant 0 : i32
      %dma_start3A_302 = arith.constant 0 : i32
      %dma_start3A_303 = tpu.memref_slice %arg11[%dma_start3A_301, %dma_start3A_302] : memref<10112x32xf32, #tpu.memory_space<vmem_shared>> -> memref<10112x32xf32, #tpu.memory_space<vmem_shared>>
      tpu.enqueue_indirect_dma source(%dma_start3A_297 : memref<128x32xf32, #tpu.memory_space<vmem>>) target(%dma_start3A_303 : memref<10112x32xf32, #tpu.memory_space<vmem_shared>>) offsets(%dma_start3A_300 : memref<128xi32, #tpu.memory_space<vmem>>) semaphore(%arg22 : memref<!tpu.dma_semaphore, #tpu.memory_space<semaphore_mem>>) {add = true}
      %add3A_304 = arith.constant 3 : i32
      %add3A_305 = arith.addi %mul3A_231, %add3A_304 : i32
      %dma_wait3A_306 = arith.constant 3 : i32
      %dma_wait3A_307 = arith.constant 0 : i32
      %dma_wait3A_308 = arith.constant 0 : i32
      %dma_wait3A_309 = tpu.memref_slice %arg9[%dma_wait3A_306, %dma_wait3A_307, %dma_wait3A_308] : memref<8x128x32xf32, #tpu.memory_space<vmem>> -> memref<1x128x32xf32, #tpu.memory_space<vmem>>
      %dma_wait3A_310 = tpu.memref_squeeze %dma_wait3A_309 : memref<1x128x32xf32, #tpu.memory_space<vmem>> -> memref<128x32xf32, #tpu.memory_space<vmem>>
      %dma_wait3A_311 = arith.constant 0 : i32
      %dma_wait3A_312 = tpu.memref_slice %arg7[%add3A_305, %dma_wait3A_311] : memref<80x128xi32, #tpu.memory_space<vmem>> -> memref<1x128xi32, #tpu.memory_space<vmem>>
      %dma_wait3A_313 = tpu.memref_squeeze %dma_wait3A_312 : memref<1x128xi32, #tpu.memory_space<vmem>> -> memref<128xi32, #tpu.memory_space<vmem>>
      %dma_wait3A_314 = arith.constant 0 : i32
      %dma_wait3A_315 = arith.constant 0 : i32
      %dma_wait3A_316 = tpu.memref_slice %arg2[%dma_wait3A_314, %dma_wait3A_315] : memref<10112x32xf32, #tpu.memory_space<hbm>> -> memref<10112x32xf32, #tpu.memory_space<hbm>>
      tpu.wait_indirect_dma semaphore(%arg15 : memref<!tpu.dma_semaphore, #tpu.memory_space<semaphore_mem>>) src(%dma_wait3A_316 : memref<10112x32xf32, #tpu.memory_space<hbm>>) dst(%dma_wait3A_310 : memref<128x32xf32, #tpu.memory_space<vmem>>)
      %dma_start3A_317 = arith.constant 3 : i32
      %dma_start3A_318 = arith.constant 0 : i32
      %dma_start3A_319 = arith.constant 0 : i32
      %dma_start3A_320 = tpu.memref_slice %arg9[%dma_start3A_317, %dma_start3A_318, %dma_start3A_319] : memref<8x128x32xf32, #tpu.memory_space<vmem>> -> memref<1x128x32xf32, #tpu.memory_space<vmem>>
      %dma_start3A_321 = tpu.memref_squeeze %dma_start3A_320 : memref<1x128x32xf32, #tpu.memory_space<vmem>> -> memref<128x32xf32, #tpu.memory_space<vmem>>
      %dma_start3A_322 = arith.constant 0 : i32
      %dma_start3A_323 = tpu.memref_slice %arg8[%add3A_305, %dma_start3A_322] : memref<80x128xi32, #tpu.memory_space<vmem>> -> memref<1x128xi32, #tpu.memory_space<vmem>>
      %dma_start3A_324 = tpu.memref_squeeze %dma_start3A_323 : memref<1x128xi32, #tpu.memory_space<vmem>> -> memref<128xi32, #tpu.memory_space<vmem>>
      %dma_start3A_325 = arith.constant 0 : i32
      %dma_start3A_326 = arith.constant 0 : i32
      %dma_start3A_327 = tpu.memref_slice %arg11[%dma_start3A_325, %dma_start3A_326] : memref<10112x32xf32, #tpu.memory_space<vmem_shared>> -> memref<10112x32xf32, #tpu.memory_space<vmem_shared>>
      tpu.enqueue_indirect_dma source(%dma_start3A_321 : memref<128x32xf32, #tpu.memory_space<vmem>>) target(%dma_start3A_327 : memref<10112x32xf32, #tpu.memory_space<vmem_shared>>) offsets(%dma_start3A_324 : memref<128xi32, #tpu.memory_space<vmem>>) semaphore(%arg23 : memref<!tpu.dma_semaphore, #tpu.memory_space<semaphore_mem>>) {add = true}
      %add3A_328 = arith.constant 4 : i32
      %add3A_329 = arith.addi %mul3A_231, %add3A_328 : i32
      %dma_wait3A_330 = arith.constant 4 : i32
      %dma_wait3A_331 = arith.constant 0 : i32
      %dma_wait3A_332 = arith.constant 0 : i32
      %dma_wait3A_333 = tpu.memref_slice %arg9[%dma_wait3A_330, %dma_wait3A_331, %dma_wait3A_332] : memref<8x128x32xf32, #tpu.memory_space<vmem>> -> memref<1x128x32xf32, #tpu.memory_space<vmem>>
      %dma_wait3A_334 = tpu.memref_squeeze %dma_wait3A_333 : memref<1x128x32xf32, #tpu.memory_space<vmem>> -> memref<128x32xf32, #tpu.memory_space<vmem>>
      %dma_wait3A_335 = arith.constant 0 : i32
      %dma_wait3A_336 = tpu.memref_slice %arg7[%add3A_329, %dma_wait3A_335] : memref<80x128xi32, #tpu.memory_space<vmem>> -> memref<1x128xi32, #tpu.memory_space<vmem>>
      %dma_wait3A_337 = tpu.memref_squeeze %dma_wait3A_336 : memref<1x128xi32, #tpu.memory_space<vmem>> -> memref<128xi32, #tpu.memory_space<vmem>>
      %dma_wait3A_338 = arith.constant 0 : i32
      %dma_wait3A_339 = arith.constant 0 : i32
      %dma_wait3A_340 = tpu.memref_slice %arg2[%dma_wait3A_338, %dma_wait3A_339] : memref<10112x32xf32, #tpu.memory_space<hbm>> -> memref<10112x32xf32, #tpu.memory_space<hbm>>
      tpu.wait_indirect_dma semaphore(%arg16 : memref<!tpu.dma_semaphore, #tpu.memory_space<semaphore_mem>>) src(%dma_wait3A_340 : memref<10112x32xf32, #tpu.memory_space<hbm>>) dst(%dma_wait3A_334 : memref<128x32xf32, #tpu.memory_space<vmem>>)
      %dma_start3A_341 = arith.constant 4 : i32
      %dma_start3A_342 = arith.constant 0 : i32
      %dma_start3A_343 = arith.constant 0 : i32
      %dma_start3A_344 = tpu.memref_slice %arg9[%dma_start3A_341, %dma_start3A_342, %dma_start3A_343] : memref<8x128x32xf32, #tpu.memory_space<vmem>> -> memref<1x128x32xf32, #tpu.memory_space<vmem>>
      %dma_start3A_345 = tpu.memref_squeeze %dma_start3A_344 : memref<1x128x32xf32, #tpu.memory_space<vmem>> -> memref<128x32xf32, #tpu.memory_space<vmem>>
      %dma_start3A_346 = arith.constant 0 : i32
      %dma_start3A_347 = tpu.memref_slice %arg8[%add3A_329, %dma_start3A_346] : memref<80x128xi32, #tpu.memory_space<vmem>> -> memref<1x128xi32, #tpu.memory_space<vmem>>
      %dma_start3A_348 = tpu.memref_squeeze %dma_start3A_347 : memref<1x128xi32, #tpu.memory_space<vmem>> -> memref<128xi32, #tpu.memory_space<vmem>>
      %dma_start3A_349 = arith.constant 0 : i32
      %dma_start3A_350 = arith.constant 0 : i32
      %dma_start3A_351 = tpu.memref_slice %arg11[%dma_start3A_349, %dma_start3A_350] : memref<10112x32xf32, #tpu.memory_space<vmem_shared>> -> memref<10112x32xf32, #tpu.memory_space<vmem_shared>>
      tpu.enqueue_indirect_dma source(%dma_start3A_345 : memref<128x32xf32, #tpu.memory_space<vmem>>) target(%dma_start3A_351 : memref<10112x32xf32, #tpu.memory_space<vmem_shared>>) offsets(%dma_start3A_348 : memref<128xi32, #tpu.memory_space<vmem>>) semaphore(%arg24 : memref<!tpu.dma_semaphore, #tpu.memory_space<semaphore_mem>>) {add = true}
      %add3A_352 = arith.constant 5 : i32
      %add3A_353 = arith.addi %mul3A_231, %add3A_352 : i32
      %dma_wait3A_354 = arith.constant 5 : i32
      %dma_wait3A_355 = arith.constant 0 : i32
      %dma_wait3A_356 = arith.constant 0 : i32
      %dma_wait3A_357 = tpu.memref_slice %arg9[%dma_wait3A_354, %dma_wait3A_355, %dma_wait3A_356] : memref<8x128x32xf32, #tpu.memory_space<vmem>> -> memref<1x128x32xf32, #tpu.memory_space<vmem>>
      %dma_wait3A_358 = tpu.memref_squeeze %dma_wait3A_357 : memref<1x128x32xf32, #tpu.memory_space<vmem>> -> memref<128x32xf32, #tpu.memory_space<vmem>>
      %dma_wait3A_359 = arith.constant 0 : i32
      %dma_wait3A_360 = tpu.memref_slice %arg7[%add3A_353, %dma_wait3A_359] : memref<80x128xi32, #tpu.memory_space<vmem>> -> memref<1x128xi32, #tpu.memory_space<vmem>>
      %dma_wait3A_361 = tpu.memref_squeeze %dma_wait3A_360 : memref<1x128xi32, #tpu.memory_space<vmem>> -> memref<128xi32, #tpu.memory_space<vmem>>
      %dma_wait3A_362 = arith.constant 0 : i32
      %dma_wait3A_363 = arith.constant 0 : i32
      %dma_wait3A_364 = tpu.memref_slice %arg2[%dma_wait3A_362, %dma_wait3A_363] : memref<10112x32xf32, #tpu.memory_space<hbm>> -> memref<10112x32xf32, #tpu.memory_space<hbm>>
      tpu.wait_indirect_dma semaphore(%arg17 : memref<!tpu.dma_semaphore, #tpu.memory_space<semaphore_mem>>) src(%dma_wait3A_364 : memref<10112x32xf32, #tpu.memory_space<hbm>>) dst(%dma_wait3A_358 : memref<128x32xf32, #tpu.memory_space<vmem>>)
      %dma_start3A_365 = arith.constant 5 : i32
      %dma_start3A_366 = arith.constant 0 : i32
      %dma_start3A_367 = arith.constant 0 : i32
      %dma_start3A_368 = tpu.memref_slice %arg9[%dma_start3A_365, %dma_start3A_366, %dma_start3A_367] : memref<8x128x32xf32, #tpu.memory_space<vmem>> -> memref<1x128x32xf32, #tpu.memory_space<vmem>>
      %dma_start3A_369 = tpu.memref_squeeze %dma_start3A_368 : memref<1x128x32xf32, #tpu.memory_space<vmem>> -> memref<128x32xf32, #tpu.memory_space<vmem>>
      %dma_start3A_370 = arith.constant 0 : i32
      %dma_start3A_371 = tpu.memref_slice %arg8[%add3A_353, %dma_start3A_370] : memref<80x128xi32, #tpu.memory_space<vmem>> -> memref<1x128xi32, #tpu.memory_space<vmem>>
      %dma_start3A_372 = tpu.memref_squeeze %dma_start3A_371 : memref<1x128xi32, #tpu.memory_space<vmem>> -> memref<128xi32, #tpu.memory_space<vmem>>
      %dma_start3A_373 = arith.constant 0 : i32
      %dma_start3A_374 = arith.constant 0 : i32
      %dma_start3A_375 = tpu.memref_slice %arg11[%dma_start3A_373, %dma_start3A_374] : memref<10112x32xf32, #tpu.memory_space<vmem_shared>> -> memref<10112x32xf32, #tpu.memory_space<vmem_shared>>
      tpu.enqueue_indirect_dma source(%dma_start3A_369 : memref<128x32xf32, #tpu.memory_space<vmem>>) target(%dma_start3A_375 : memref<10112x32xf32, #tpu.memory_space<vmem_shared>>) offsets(%dma_start3A_372 : memref<128xi32, #tpu.memory_space<vmem>>) semaphore(%arg25 : memref<!tpu.dma_semaphore, #tpu.memory_space<semaphore_mem>>) {add = true}
      %add3A_376 = arith.constant 6 : i32
      %add3A_377 = arith.addi %mul3A_231, %add3A_376 : i32
      %dma_wait3A_378 = arith.constant 6 : i32
      %dma_wait3A_379 = arith.constant 0 : i32
      %dma_wait3A_380 = arith.constant 0 : i32
      %dma_wait3A_381 = tpu.memref_slice %arg9[%dma_wait3A_378, %dma_wait3A_379, %dma_wait3A_380] : memref<8x128x32xf32, #tpu.memory_space<vmem>> -> memref<1x128x32xf32, #tpu.memory_space<vmem>>
      %dma_wait3A_382 = tpu.memref_squeeze %dma_wait3A_381 : memref<1x128x32xf32, #tpu.memory_space<vmem>> -> memref<128x32xf32, #tpu.memory_space<vmem>>
      %dma_wait3A_383 = arith.constant 0 : i32
      %dma_wait3A_384 = tpu.memref_slice %arg7[%add3A_377, %dma_wait3A_383] : memref<80x128xi32, #tpu.memory_space<vmem>> -> memref<1x128xi32, #tpu.memory_space<vmem>>
      %dma_wait3A_385 = tpu.memref_squeeze %dma_wait3A_384 : memref<1x128xi32, #tpu.memory_space<vmem>> -> memref<128xi32, #tpu.memory_space<vmem>>
      %dma_wait3A_386 = arith.constant 0 : i32
      %dma_wait3A_387 = arith.constant 0 : i32
      %dma_wait3A_388 = tpu.memref_slice %arg2[%dma_wait3A_386, %dma_wait3A_387] : memref<10112x32xf32, #tpu.memory_space<hbm>> -> memref<10112x32xf32, #tpu.memory_space<hbm>>
      tpu.wait_indirect_dma semaphore(%arg18 : memref<!tpu.dma_semaphore, #tpu.memory_space<semaphore_mem>>) src(%dma_wait3A_388 : memref<10112x32xf32, #tpu.memory_space<hbm>>) dst(%dma_wait3A_382 : memref<128x32xf32, #tpu.memory_space<vmem>>)
      %dma_start3A_389 = arith.constant 6 : i32
      %dma_start3A_390 = arith.constant 0 : i32
      %dma_start3A_391 = arith.constant 0 : i32
      %dma_start3A_392 = tpu.memref_slice %arg9[%dma_start3A_389, %dma_start3A_390, %dma_start3A_391] : memref<8x128x32xf32, #tpu.memory_space<vmem>> -> memref<1x128x32xf32, #tpu.memory_space<vmem>>
      %dma_start3A_393 = tpu.memref_squeeze %dma_start3A_392 : memref<1x128x32xf32, #tpu.memory_space<vmem>> -> memref<128x32xf32, #tpu.memory_space<vmem>>
      %dma_start3A_394 = arith.constant 0 : i32
      %dma_start3A_395 = tpu.memref_slice %arg8[%add3A_377, %dma_start3A_394] : memref<80x128xi32, #tpu.memory_space<vmem>> -> memref<1x128xi32, #tpu.memory_space<vmem>>
      %dma_start3A_396 = tpu.memref_squeeze %dma_start3A_395 : memref<1x128xi32, #tpu.memory_space<vmem>> -> memref<128xi32, #tpu.memory_space<vmem>>
      %dma_start3A_397 = arith.constant 0 : i32
      %dma_start3A_398 = arith.constant 0 : i32
      %dma_start3A_399 = tpu.memref_slice %arg11[%dma_start3A_397, %dma_start3A_398] : memref<10112x32xf32, #tpu.memory_space<vmem_shared>> -> memref<10112x32xf32, #tpu.memory_space<vmem_shared>>
      tpu.enqueue_indirect_dma source(%dma_start3A_393 : memref<128x32xf32, #tpu.memory_space<vmem>>) target(%dma_start3A_399 : memref<10112x32xf32, #tpu.memory_space<vmem_shared>>) offsets(%dma_start3A_396 : memref<128xi32, #tpu.memory_space<vmem>>) semaphore(%arg26 : memref<!tpu.dma_semaphore, #tpu.memory_space<semaphore_mem>>) {add = true}
      %add3A_400 = arith.constant 7 : i32
      %add3A_401 = arith.addi %mul3A_231, %add3A_400 : i32
      %dma_wait3A_402 = arith.constant 7 : i32
      %dma_wait3A_403 = arith.constant 0 : i32
      %dma_wait3A_404 = arith.constant 0 : i32
      %dma_wait3A_405 = tpu.memref_slice %arg9[%dma_wait3A_402, %dma_wait3A_403, %dma_wait3A_404] : memref<8x128x32xf32, #tpu.memory_space<vmem>> -> memref<1x128x32xf32, #tpu.memory_space<vmem>>
      %dma_wait3A_406 = tpu.memref_squeeze %dma_wait3A_405 : memref<1x128x32xf32, #tpu.memory_space<vmem>> -> memref<128x32xf32, #tpu.memory_space<vmem>>
      %dma_wait3A_407 = arith.constant 0 : i32
      %dma_wait3A_408 = tpu.memref_slice %arg7[%add3A_401, %dma_wait3A_407] : memref<80x128xi32, #tpu.memory_space<vmem>> -> memref<1x128xi32, #tpu.memory_space<vmem>>
      %dma_wait3A_409 = tpu.memref_squeeze %dma_wait3A_408 : memref<1x128xi32, #tpu.memory_space<vmem>> -> memref<128xi32, #tpu.memory_space<vmem>>
      %dma_wait3A_410 = arith.constant 0 : i32
      %dma_wait3A_411 = arith.constant 0 : i32
      %dma_wait3A_412 = tpu.memref_slice %arg2[%dma_wait3A_410, %dma_wait3A_411] : memref<10112x32xf32, #tpu.memory_space<hbm>> -> memref<10112x32xf32, #tpu.memory_space<hbm>>
      tpu.wait_indirect_dma semaphore(%arg19 : memref<!tpu.dma_semaphore, #tpu.memory_space<semaphore_mem>>) src(%dma_wait3A_412 : memref<10112x32xf32, #tpu.memory_space<hbm>>) dst(%dma_wait3A_406 : memref<128x32xf32, #tpu.memory_space<vmem>>)
      %dma_start3A_413 = arith.constant 7 : i32
      %dma_start3A_414 = arith.constant 0 : i32
      %dma_start3A_415 = arith.constant 0 : i32
      %dma_start3A_416 = tpu.memref_slice %arg9[%dma_start3A_413, %dma_start3A_414, %dma_start3A_415] : memref<8x128x32xf32, #tpu.memory_space<vmem>> -> memref<1x128x32xf32, #tpu.memory_space<vmem>>
      %dma_start3A_417 = tpu.memref_squeeze %dma_start3A_416 : memref<1x128x32xf32, #tpu.memory_space<vmem>> -> memref<128x32xf32, #tpu.memory_space<vmem>>
      %dma_start3A_418 = arith.constant 0 : i32
      %dma_start3A_419 = tpu.memref_slice %arg8[%add3A_401, %dma_start3A_418] : memref<80x128xi32, #tpu.memory_space<vmem>> -> memref<1x128xi32, #tpu.memory_space<vmem>>
      %dma_start3A_420 = tpu.memref_squeeze %dma_start3A_419 : memref<1x128xi32, #tpu.memory_space<vmem>> -> memref<128xi32, #tpu.memory_space<vmem>>
      %dma_start3A_421 = arith.constant 0 : i32
      %dma_start3A_422 = arith.constant 0 : i32
      %dma_start3A_423 = tpu.memref_slice %arg11[%dma_start3A_421, %dma_start3A_422] : memref<10112x32xf32, #tpu.memory_space<vmem_shared>> -> memref<10112x32xf32, #tpu.memory_space<vmem_shared>>
      tpu.enqueue_indirect_dma source(%dma_start3A_417 : memref<128x32xf32, #tpu.memory_space<vmem>>) target(%dma_start3A_423 : memref<10112x32xf32, #tpu.memory_space<vmem_shared>>) offsets(%dma_start3A_420 : memref<128xi32, #tpu.memory_space<vmem>>) semaphore(%arg27 : memref<!tpu.dma_semaphore, #tpu.memory_space<semaphore_mem>>) {add = true}
      %add3A_424 = arith.constant 8 : i32
      %add3A_425 = arith.addi %mul3A_231, %add3A_424 : i32
      %add3A_426 = arith.constant 0 : i32
      %add3A_427 = arith.addi %add3A_425, %add3A_426 : i32
      %lt3A_428 = arith.constant 80 : i32
      %lt3A_429 = arith.cmpi slt, %add3A_427, %lt3A_428 : i32
      %convert_element_type3A_430 = arith.extui %lt3A_429 : i1 to i32
      %cond3A_431 = arith.constant 0 : i32
      %cond3A_432 = arith.cmpi ne, %convert_element_type3A_430, %cond3A_431 : i32
      scf.if %cond3A_432 {
        %add3A_497 = arith.constant 0 : i32
        %add3A_498 = arith.addi %mul3A_231, %add3A_497 : i32
        %dma_wait3A_499 = arith.constant 0 : i32
        %dma_wait3A_500 = arith.constant 0 : i32
        %dma_wait3A_501 = arith.constant 0 : i32
        %dma_wait3A_502 = tpu.memref_slice %arg9[%dma_wait3A_499, %dma_wait3A_500, %dma_wait3A_501] : memref<8x128x32xf32, #tpu.memory_space<vmem>> -> memref<1x128x32xf32, #tpu.memory_space<vmem>>
        %dma_wait3A_503 = tpu.memref_squeeze %dma_wait3A_502 : memref<1x128x32xf32, #tpu.memory_space<vmem>> -> memref<128x32xf32, #tpu.memory_space<vmem>>
        %dma_wait3A_504 = arith.constant 0 : i32
        %dma_wait3A_505 = tpu.memref_slice %arg8[%add3A_498, %dma_wait3A_504] : memref<80x128xi32, #tpu.memory_space<vmem>> -> memref<1x128xi32, #tpu.memory_space<vmem>>
        %dma_wait3A_506 = tpu.memref_squeeze %dma_wait3A_505 : memref<1x128xi32, #tpu.memory_space<vmem>> -> memref<128xi32, #tpu.memory_space<vmem>>
        %dma_wait3A_507 = arith.constant 0 : i32
        %dma_wait3A_508 = arith.constant 0 : i32
        %dma_wait3A_509 = tpu.memref_slice %arg11[%dma_wait3A_507, %dma_wait3A_508] : memref<10112x32xf32, #tpu.memory_space<vmem_shared>> -> memref<10112x32xf32, #tpu.memory_space<vmem_shared>>
        tpu.wait_indirect_dma semaphore(%arg20 : memref<!tpu.dma_semaphore, #tpu.memory_space<semaphore_mem>>) src(%dma_wait3A_503 : memref<128x32xf32, #tpu.memory_space<vmem>>) dst(%dma_wait3A_509 : memref<10112x32xf32, #tpu.memory_space<vmem_shared>>)
        %dma_start3A_510 = arith.constant 0 : i32
        %dma_start3A_511 = arith.constant 0 : i32
        %dma_start3A_512 = arith.constant 0 : i32
        %dma_start3A_513 = tpu.memref_slice %arg9[%dma_start3A_510, %dma_start3A_511, %dma_start3A_512] : memref<8x128x32xf32, #tpu.memory_space<vmem>> -> memref<1x128x32xf32, #tpu.memory_space<vmem>>
        %dma_start3A_514 = tpu.memref_squeeze %dma_start3A_513 : memref<1x128x32xf32, #tpu.memory_space<vmem>> -> memref<128x32xf32, #tpu.memory_space<vmem>>
        %dma_start3A_515 = arith.constant 0 : i32
        %dma_start3A_516 = tpu.memref_slice %arg7[%add3A_427, %dma_start3A_515] : memref<80x128xi32, #tpu.memory_space<vmem>> -> memref<1x128xi32, #tpu.memory_space<vmem>>
        %dma_start3A_517 = tpu.memref_squeeze %dma_start3A_516 : memref<1x128xi32, #tpu.memory_space<vmem>> -> memref<128xi32, #tpu.memory_space<vmem>>
        %dma_start3A_518 = arith.constant 0 : i32
        %dma_start3A_519 = arith.constant 0 : i32
        %dma_start3A_520 = tpu.memref_slice %arg2[%dma_start3A_518, %dma_start3A_519] : memref<10112x32xf32, #tpu.memory_space<hbm>> -> memref<10112x32xf32, #tpu.memory_space<hbm>>
        tpu.enqueue_indirect_dma source(%dma_start3A_520 : memref<10112x32xf32, #tpu.memory_space<hbm>>) target(%dma_start3A_514 : memref<128x32xf32, #tpu.memory_space<vmem>>) offsets(%dma_start3A_517 : memref<128xi32, #tpu.memory_space<vmem>>) semaphore(%arg12 : memref<!tpu.dma_semaphore, #tpu.memory_space<semaphore_mem>>)
      } else {
      }
      %add3A_433 = arith.constant 8 : i32
      %add3A_434 = arith.addi %mul3A_231, %add3A_433 : i32
      %add3A_435 = arith.constant 1 : i32
      %add3A_436 = arith.addi %add3A_434, %add3A_435 : i32
      %lt3A_437 = arith.constant 80 : i32
      %lt3A_438 = arith.cmpi slt, %add3A_436, %lt3A_437 : i32
      %convert_element_type3A_439 = arith.extui %lt3A_438 : i1 to i32
      %cond3A_440 = arith.constant 0 : i32
      %cond3A_441 = arith.cmpi ne, %convert_element_type3A_439, %cond3A_440 : i32
      scf.if %cond3A_441 {
        %add3A_497 = arith.constant 1 : i32
        %add3A_498 = arith.addi %mul3A_231, %add3A_497 : i32
        %dma_wait3A_499 = arith.constant 1 : i32
        %dma_wait3A_500 = arith.constant 0 : i32
        %dma_wait3A_501 = arith.constant 0 : i32
        %dma_wait3A_502 = tpu.memref_slice %arg9[%dma_wait3A_499, %dma_wait3A_500, %dma_wait3A_501] : memref<8x128x32xf32, #tpu.memory_space<vmem>> -> memref<1x128x32xf32, #tpu.memory_space<vmem>>
        %dma_wait3A_503 = tpu.memref_squeeze %dma_wait3A_502 : memref<1x128x32xf32, #tpu.memory_space<vmem>> -> memref<128x32xf32, #tpu.memory_space<vmem>>
        %dma_wait3A_504 = arith.constant 0 : i32
        %dma_wait3A_505 = tpu.memref_slice %arg8[%add3A_498, %dma_wait3A_504] : memref<80x128xi32, #tpu.memory_space<vmem>> -> memref<1x128xi32, #tpu.memory_space<vmem>>
        %dma_wait3A_506 = tpu.memref_squeeze %dma_wait3A_505 : memref<1x128xi32, #tpu.memory_space<vmem>> -> memref<128xi32, #tpu.memory_space<vmem>>
        %dma_wait3A_507 = arith.constant 0 : i32
        %dma_wait3A_508 = arith.constant 0 : i32
        %dma_wait3A_509 = tpu.memref_slice %arg11[%dma_wait3A_507, %dma_wait3A_508] : memref<10112x32xf32, #tpu.memory_space<vmem_shared>> -> memref<10112x32xf32, #tpu.memory_space<vmem_shared>>
        tpu.wait_indirect_dma semaphore(%arg21 : memref<!tpu.dma_semaphore, #tpu.memory_space<semaphore_mem>>) src(%dma_wait3A_503 : memref<128x32xf32, #tpu.memory_space<vmem>>) dst(%dma_wait3A_509 : memref<10112x32xf32, #tpu.memory_space<vmem_shared>>)
        %dma_start3A_510 = arith.constant 1 : i32
        %dma_start3A_511 = arith.constant 0 : i32
        %dma_start3A_512 = arith.constant 0 : i32
        %dma_start3A_513 = tpu.memref_slice %arg9[%dma_start3A_510, %dma_start3A_511, %dma_start3A_512] : memref<8x128x32xf32, #tpu.memory_space<vmem>> -> memref<1x128x32xf32, #tpu.memory_space<vmem>>
        %dma_start3A_514 = tpu.memref_squeeze %dma_start3A_513 : memref<1x128x32xf32, #tpu.memory_space<vmem>> -> memref<128x32xf32, #tpu.memory_space<vmem>>
        %dma_start3A_515 = arith.constant 0 : i32
        %dma_start3A_516 = tpu.memref_slice %arg7[%add3A_436, %dma_start3A_515] : memref<80x128xi32, #tpu.memory_space<vmem>> -> memref<1x128xi32, #tpu.memory_space<vmem>>
        %dma_start3A_517 = tpu.memref_squeeze %dma_start3A_516 : memref<1x128xi32, #tpu.memory_space<vmem>> -> memref<128xi32, #tpu.memory_space<vmem>>
        %dma_start3A_518 = arith.constant 0 : i32
        %dma_start3A_519 = arith.constant 0 : i32
        %dma_start3A_520 = tpu.memref_slice %arg2[%dma_start3A_518, %dma_start3A_519] : memref<10112x32xf32, #tpu.memory_space<hbm>> -> memref<10112x32xf32, #tpu.memory_space<hbm>>
        tpu.enqueue_indirect_dma source(%dma_start3A_520 : memref<10112x32xf32, #tpu.memory_space<hbm>>) target(%dma_start3A_514 : memref<128x32xf32, #tpu.memory_space<vmem>>) offsets(%dma_start3A_517 : memref<128xi32, #tpu.memory_space<vmem>>) semaphore(%arg13 : memref<!tpu.dma_semaphore, #tpu.memory_space<semaphore_mem>>)
      } else {
      }
      %add3A_442 = arith.constant 8 : i32
      %add3A_443 = arith.addi %mul3A_231, %add3A_442 : i32
      %add3A_444 = arith.constant 2 : i32
      %add3A_445 = arith.addi %add3A_443, %add3A_444 : i32
      %lt3A_446 = arith.constant 80 : i32
      %lt3A_447 = arith.cmpi slt, %add3A_445, %lt3A_446 : i32
      %convert_element_type3A_448 = arith.extui %lt3A_447 : i1 to i32
      %cond3A_449 = arith.constant 0 : i32
      %cond3A_450 = arith.cmpi ne, %convert_element_type3A_448, %cond3A_449 : i32
      scf.if %cond3A_450 {
        %add3A_497 = arith.constant 2 : i32
        %add3A_498 = arith.addi %mul3A_231, %add3A_497 : i32
        %dma_wait3A_499 = arith.constant 2 : i32
        %dma_wait3A_500 = arith.constant 0 : i32
        %dma_wait3A_501 = arith.constant 0 : i32
        %dma_wait3A_502 = tpu.memref_slice %arg9[%dma_wait3A_499, %dma_wait3A_500, %dma_wait3A_501] : memref<8x128x32xf32, #tpu.memory_space<vmem>> -> memref<1x128x32xf32, #tpu.memory_space<vmem>>
        %dma_wait3A_503 = tpu.memref_squeeze %dma_wait3A_502 : memref<1x128x32xf32, #tpu.memory_space<vmem>> -> memref<128x32xf32, #tpu.memory_space<vmem>>
        %dma_wait3A_504 = arith.constant 0 : i32
        %dma_wait3A_505 = tpu.memref_slice %arg8[%add3A_498, %dma_wait3A_504] : memref<80x128xi32, #tpu.memory_space<vmem>> -> memref<1x128xi32, #tpu.memory_space<vmem>>
        %dma_wait3A_506 = tpu.memref_squeeze %dma_wait3A_505 : memref<1x128xi32, #tpu.memory_space<vmem>> -> memref<128xi32, #tpu.memory_space<vmem>>
        %dma_wait3A_507 = arith.constant 0 : i32
        %dma_wait3A_508 = arith.constant 0 : i32
        %dma_wait3A_509 = tpu.memref_slice %arg11[%dma_wait3A_507, %dma_wait3A_508] : memref<10112x32xf32, #tpu.memory_space<vmem_shared>> -> memref<10112x32xf32, #tpu.memory_space<vmem_shared>>
        tpu.wait_indirect_dma semaphore(%arg22 : memref<!tpu.dma_semaphore, #tpu.memory_space<semaphore_mem>>) src(%dma_wait3A_503 : memref<128x32xf32, #tpu.memory_space<vmem>>) dst(%dma_wait3A_509 : memref<10112x32xf32, #tpu.memory_space<vmem_shared>>)
        %dma_start3A_510 = arith.constant 2 : i32
        %dma_start3A_511 = arith.constant 0 : i32
        %dma_start3A_512 = arith.constant 0 : i32
        %dma_start3A_513 = tpu.memref_slice %arg9[%dma_start3A_510, %dma_start3A_511, %dma_start3A_512] : memref<8x128x32xf32, #tpu.memory_space<vmem>> -> memref<1x128x32xf32, #tpu.memory_space<vmem>>
        %dma_start3A_514 = tpu.memref_squeeze %dma_start3A_513 : memref<1x128x32xf32, #tpu.memory_space<vmem>> -> memref<128x32xf32, #tpu.memory_space<vmem>>
        %dma_start3A_515 = arith.constant 0 : i32
        %dma_start3A_516 = tpu.memref_slice %arg7[%add3A_445, %dma_start3A_515] : memref<80x128xi32, #tpu.memory_space<vmem>> -> memref<1x128xi32, #tpu.memory_space<vmem>>
        %dma_start3A_517 = tpu.memref_squeeze %dma_start3A_516 : memref<1x128xi32, #tpu.memory_space<vmem>> -> memref<128xi32, #tpu.memory_space<vmem>>
        %dma_start3A_518 = arith.constant 0 : i32
        %dma_start3A_519 = arith.constant 0 : i32
        %dma_start3A_520 = tpu.memref_slice %arg2[%dma_start3A_518, %dma_start3A_519] : memref<10112x32xf32, #tpu.memory_space<hbm>> -> memref<10112x32xf32, #tpu.memory_space<hbm>>
        tpu.enqueue_indirect_dma source(%dma_start3A_520 : memref<10112x32xf32, #tpu.memory_space<hbm>>) target(%dma_start3A_514 : memref<128x32xf32, #tpu.memory_space<vmem>>) offsets(%dma_start3A_517 : memref<128xi32, #tpu.memory_space<vmem>>) semaphore(%arg14 : memref<!tpu.dma_semaphore, #tpu.memory_space<semaphore_mem>>)
      } else {
      }
      %add3A_451 = arith.constant 8 : i32
      %add3A_452 = arith.addi %mul3A_231, %add3A_451 : i32
      %add3A_453 = arith.constant 3 : i32
      %add3A_454 = arith.addi %add3A_452, %add3A_453 : i32
      %lt3A_455 = arith.constant 80 : i32
      %lt3A_456 = arith.cmpi slt, %add3A_454, %lt3A_455 : i32
      %convert_element_type3A_457 = arith.extui %lt3A_456 : i1 to i32
      %cond3A_458 = arith.constant 0 : i32
      %cond3A_459 = arith.cmpi ne, %convert_element_type3A_457, %cond3A_458 : i32
      scf.if %cond3A_459 {
        %add3A_497 = arith.constant 3 : i32
        %add3A_498 = arith.addi %mul3A_231, %add3A_497 : i32
        %dma_wait3A_499 = arith.constant 3 : i32
        %dma_wait3A_500 = arith.constant 0 : i32
        %dma_wait3A_501 = arith.constant 0 : i32
        %dma_wait3A_502 = tpu.memref_slice %arg9[%dma_wait3A_499, %dma_wait3A_500, %dma_wait3A_501] : memref<8x128x32xf32, #tpu.memory_space<vmem>> -> memref<1x128x32xf32, #tpu.memory_space<vmem>>
        %dma_wait3A_503 = tpu.memref_squeeze %dma_wait3A_502 : memref<1x128x32xf32, #tpu.memory_space<vmem>> -> memref<128x32xf32, #tpu.memory_space<vmem>>
        %dma_wait3A_504 = arith.constant 0 : i32
        %dma_wait3A_505 = tpu.memref_slice %arg8[%add3A_498, %dma_wait3A_504] : memref<80x128xi32, #tpu.memory_space<vmem>> -> memref<1x128xi32, #tpu.memory_space<vmem>>
        %dma_wait3A_506 = tpu.memref_squeeze %dma_wait3A_505 : memref<1x128xi32, #tpu.memory_space<vmem>> -> memref<128xi32, #tpu.memory_space<vmem>>
        %dma_wait3A_507 = arith.constant 0 : i32
        %dma_wait3A_508 = arith.constant 0 : i32
        %dma_wait3A_509 = tpu.memref_slice %arg11[%dma_wait3A_507, %dma_wait3A_508] : memref<10112x32xf32, #tpu.memory_space<vmem_shared>> -> memref<10112x32xf32, #tpu.memory_space<vmem_shared>>
        tpu.wait_indirect_dma semaphore(%arg23 : memref<!tpu.dma_semaphore, #tpu.memory_space<semaphore_mem>>) src(%dma_wait3A_503 : memref<128x32xf32, #tpu.memory_space<vmem>>) dst(%dma_wait3A_509 : memref<10112x32xf32, #tpu.memory_space<vmem_shared>>)
        %dma_start3A_510 = arith.constant 3 : i32
        %dma_start3A_511 = arith.constant 0 : i32
        %dma_start3A_512 = arith.constant 0 : i32
        %dma_start3A_513 = tpu.memref_slice %arg9[%dma_start3A_510, %dma_start3A_511, %dma_start3A_512] : memref<8x128x32xf32, #tpu.memory_space<vmem>> -> memref<1x128x32xf32, #tpu.memory_space<vmem>>
        %dma_start3A_514 = tpu.memref_squeeze %dma_start3A_513 : memref<1x128x32xf32, #tpu.memory_space<vmem>> -> memref<128x32xf32, #tpu.memory_space<vmem>>
        %dma_start3A_515 = arith.constant 0 : i32
        %dma_start3A_516 = tpu.memref_slice %arg7[%add3A_454, %dma_start3A_515] : memref<80x128xi32, #tpu.memory_space<vmem>> -> memref<1x128xi32, #tpu.memory_space<vmem>>
        %dma_start3A_517 = tpu.memref_squeeze %dma_start3A_516 : memref<1x128xi32, #tpu.memory_space<vmem>> -> memref<128xi32, #tpu.memory_space<vmem>>
        %dma_start3A_518 = arith.constant 0 : i32
        %dma_start3A_519 = arith.constant 0 : i32
        %dma_start3A_520 = tpu.memref_slice %arg2[%dma_start3A_518, %dma_start3A_519] : memref<10112x32xf32, #tpu.memory_space<hbm>> -> memref<10112x32xf32, #tpu.memory_space<hbm>>
        tpu.enqueue_indirect_dma source(%dma_start3A_520 : memref<10112x32xf32, #tpu.memory_space<hbm>>) target(%dma_start3A_514 : memref<128x32xf32, #tpu.memory_space<vmem>>) offsets(%dma_start3A_517 : memref<128xi32, #tpu.memory_space<vmem>>) semaphore(%arg15 : memref<!tpu.dma_semaphore, #tpu.memory_space<semaphore_mem>>)
      } else {
      }
      %add3A_460 = arith.constant 8 : i32
      %add3A_461 = arith.addi %mul3A_231, %add3A_460 : i32
      %add3A_462 = arith.constant 4 : i32
      %add3A_463 = arith.addi %add3A_461, %add3A_462 : i32
      %lt3A_464 = arith.constant 80 : i32
      %lt3A_465 = arith.cmpi slt, %add3A_463, %lt3A_464 : i32
      %convert_element_type3A_466 = arith.extui %lt3A_465 : i1 to i32
      %cond3A_467 = arith.constant 0 : i32
      %cond3A_468 = arith.cmpi ne, %convert_element_type3A_466, %cond3A_467 : i32
      scf.if %cond3A_468 {
        %add3A_497 = arith.constant 4 : i32
        %add3A_498 = arith.addi %mul3A_231, %add3A_497 : i32
        %dma_wait3A_499 = arith.constant 4 : i32
        %dma_wait3A_500 = arith.constant 0 : i32
        %dma_wait3A_501 = arith.constant 0 : i32
        %dma_wait3A_502 = tpu.memref_slice %arg9[%dma_wait3A_499, %dma_wait3A_500, %dma_wait3A_501] : memref<8x128x32xf32, #tpu.memory_space<vmem>> -> memref<1x128x32xf32, #tpu.memory_space<vmem>>
        %dma_wait3A_503 = tpu.memref_squeeze %dma_wait3A_502 : memref<1x128x32xf32, #tpu.memory_space<vmem>> -> memref<128x32xf32, #tpu.memory_space<vmem>>
        %dma_wait3A_504 = arith.constant 0 : i32
        %dma_wait3A_505 = tpu.memref_slice %arg8[%add3A_498, %dma_wait3A_504] : memref<80x128xi32, #tpu.memory_space<vmem>> -> memref<1x128xi32, #tpu.memory_space<vmem>>
        %dma_wait3A_506 = tpu.memref_squeeze %dma_wait3A_505 : memref<1x128xi32, #tpu.memory_space<vmem>> -> memref<128xi32, #tpu.memory_space<vmem>>
        %dma_wait3A_507 = arith.constant 0 : i32
        %dma_wait3A_508 = arith.constant 0 : i32
        %dma_wait3A_509 = tpu.memref_slice %arg11[%dma_wait3A_507, %dma_wait3A_508] : memref<10112x32xf32, #tpu.memory_space<vmem_shared>> -> memref<10112x32xf32, #tpu.memory_space<vmem_shared>>
        tpu.wait_indirect_dma semaphore(%arg24 : memref<!tpu.dma_semaphore, #tpu.memory_space<semaphore_mem>>) src(%dma_wait3A_503 : memref<128x32xf32, #tpu.memory_space<vmem>>) dst(%dma_wait3A_509 : memref<10112x32xf32, #tpu.memory_space<vmem_shared>>)
        %dma_start3A_510 = arith.constant 4 : i32
        %dma_start3A_511 = arith.constant 0 : i32
        %dma_start3A_512 = arith.constant 0 : i32
        %dma_start3A_513 = tpu.memref_slice %arg9[%dma_start3A_510, %dma_start3A_511, %dma_start3A_512] : memref<8x128x32xf32, #tpu.memory_space<vmem>> -> memref<1x128x32xf32, #tpu.memory_space<vmem>>
        %dma_start3A_514 = tpu.memref_squeeze %dma_start3A_513 : memref<1x128x32xf32, #tpu.memory_space<vmem>> -> memref<128x32xf32, #tpu.memory_space<vmem>>
        %dma_start3A_515 = arith.constant 0 : i32
        %dma_start3A_516 = tpu.memref_slice %arg7[%add3A_463, %dma_start3A_515] : memref<80x128xi32, #tpu.memory_space<vmem>> -> memref<1x128xi32, #tpu.memory_space<vmem>>
        %dma_start3A_517 = tpu.memref_squeeze %dma_start3A_516 : memref<1x128xi32, #tpu.memory_space<vmem>> -> memref<128xi32, #tpu.memory_space<vmem>>
        %dma_start3A_518 = arith.constant 0 : i32
        %dma_start3A_519 = arith.constant 0 : i32
        %dma_start3A_520 = tpu.memref_slice %arg2[%dma_start3A_518, %dma_start3A_519] : memref<10112x32xf32, #tpu.memory_space<hbm>> -> memref<10112x32xf32, #tpu.memory_space<hbm>>
        tpu.enqueue_indirect_dma source(%dma_start3A_520 : memref<10112x32xf32, #tpu.memory_space<hbm>>) target(%dma_start3A_514 : memref<128x32xf32, #tpu.memory_space<vmem>>) offsets(%dma_start3A_517 : memref<128xi32, #tpu.memory_space<vmem>>) semaphore(%arg16 : memref<!tpu.dma_semaphore, #tpu.memory_space<semaphore_mem>>)
      } else {
      }
      %add3A_469 = arith.constant 8 : i32
      %add3A_470 = arith.addi %mul3A_231, %add3A_469 : i32
      %add3A_471 = arith.constant 5 : i32
      %add3A_472 = arith.addi %add3A_470, %add3A_471 : i32
      %lt3A_473 = arith.constant 80 : i32
      %lt3A_474 = arith.cmpi slt, %add3A_472, %lt3A_473 : i32
      %convert_element_type3A_475 = arith.extui %lt3A_474 : i1 to i32
      %cond3A_476 = arith.constant 0 : i32
      %cond3A_477 = arith.cmpi ne, %convert_element_type3A_475, %cond3A_476 : i32
      scf.if %cond3A_477 {
        %add3A_497 = arith.constant 5 : i32
        %add3A_498 = arith.addi %mul3A_231, %add3A_497 : i32
        %dma_wait3A_499 = arith.constant 5 : i32
        %dma_wait3A_500 = arith.constant 0 : i32
        %dma_wait3A_501 = arith.constant 0 : i32
        %dma_wait3A_502 = tpu.memref_slice %arg9[%dma_wait3A_499, %dma_wait3A_500, %dma_wait3A_501] : memref<8x128x32xf32, #tpu.memory_space<vmem>> -> memref<1x128x32xf32, #tpu.memory_space<vmem>>
        %dma_wait3A_503 = tpu.memref_squeeze %dma_wait3A_502 : memref<1x128x32xf32, #tpu.memory_space<vmem>> -> memref<128x32xf32, #tpu.memory_space<vmem>>
        %dma_wait3A_504 = arith.constant 0 : i32
        %dma_wait3A_505 = tpu.memref_slice %arg8[%add3A_498, %dma_wait3A_504] : memref<80x128xi32, #tpu.memory_space<vmem>> -> memref<1x128xi32, #tpu.memory_space<vmem>>
        %dma_wait3A_506 = tpu.memref_squeeze %dma_wait3A_505 : memref<1x128xi32, #tpu.memory_space<vmem>> -> memref<128xi32, #tpu.memory_space<vmem>>
        %dma_wait3A_507 = arith.constant 0 : i32
        %dma_wait3A_508 = arith.constant 0 : i32
        %dma_wait3A_509 = tpu.memref_slice %arg11[%dma_wait3A_507, %dma_wait3A_508] : memref<10112x32xf32, #tpu.memory_space<vmem_shared>> -> memref<10112x32xf32, #tpu.memory_space<vmem_shared>>
        tpu.wait_indirect_dma semaphore(%arg25 : memref<!tpu.dma_semaphore, #tpu.memory_space<semaphore_mem>>) src(%dma_wait3A_503 : memref<128x32xf32, #tpu.memory_space<vmem>>) dst(%dma_wait3A_509 : memref<10112x32xf32, #tpu.memory_space<vmem_shared>>)
        %dma_start3A_510 = arith.constant 5 : i32
        %dma_start3A_511 = arith.constant 0 : i32
        %dma_start3A_512 = arith.constant 0 : i32
        %dma_start3A_513 = tpu.memref_slice %arg9[%dma_start3A_510, %dma_start3A_511, %dma_start3A_512] : memref<8x128x32xf32, #tpu.memory_space<vmem>> -> memref<1x128x32xf32, #tpu.memory_space<vmem>>
        %dma_start3A_514 = tpu.memref_squeeze %dma_start3A_513 : memref<1x128x32xf32, #tpu.memory_space<vmem>> -> memref<128x32xf32, #tpu.memory_space<vmem>>
        %dma_start3A_515 = arith.constant 0 : i32
        %dma_start3A_516 = tpu.memref_slice %arg7[%add3A_472, %dma_start3A_515] : memref<80x128xi32, #tpu.memory_space<vmem>> -> memref<1x128xi32, #tpu.memory_space<vmem>>
        %dma_start3A_517 = tpu.memref_squeeze %dma_start3A_516 : memref<1x128xi32, #tpu.memory_space<vmem>> -> memref<128xi32, #tpu.memory_space<vmem>>
        %dma_start3A_518 = arith.constant 0 : i32
        %dma_start3A_519 = arith.constant 0 : i32
        %dma_start3A_520 = tpu.memref_slice %arg2[%dma_start3A_518, %dma_start3A_519] : memref<10112x32xf32, #tpu.memory_space<hbm>> -> memref<10112x32xf32, #tpu.memory_space<hbm>>
        tpu.enqueue_indirect_dma source(%dma_start3A_520 : memref<10112x32xf32, #tpu.memory_space<hbm>>) target(%dma_start3A_514 : memref<128x32xf32, #tpu.memory_space<vmem>>) offsets(%dma_start3A_517 : memref<128xi32, #tpu.memory_space<vmem>>) semaphore(%arg17 : memref<!tpu.dma_semaphore, #tpu.memory_space<semaphore_mem>>)
      } else {
      }
      %add3A_478 = arith.constant 8 : i32
      %add3A_479 = arith.addi %mul3A_231, %add3A_478 : i32
      %add3A_480 = arith.constant 6 : i32
      %add3A_481 = arith.addi %add3A_479, %add3A_480 : i32
      %lt3A_482 = arith.constant 80 : i32
      %lt3A_483 = arith.cmpi slt, %add3A_481, %lt3A_482 : i32
      %convert_element_type3A_484 = arith.extui %lt3A_483 : i1 to i32
      %cond3A_485 = arith.constant 0 : i32
      %cond3A_486 = arith.cmpi ne, %convert_element_type3A_484, %cond3A_485 : i32
      scf.if %cond3A_486 {
        %add3A_497 = arith.constant 6 : i32
        %add3A_498 = arith.addi %mul3A_231, %add3A_497 : i32
        %dma_wait3A_499 = arith.constant 6 : i32
        %dma_wait3A_500 = arith.constant 0 : i32
        %dma_wait3A_501 = arith.constant 0 : i32
        %dma_wait3A_502 = tpu.memref_slice %arg9[%dma_wait3A_499, %dma_wait3A_500, %dma_wait3A_501] : memref<8x128x32xf32, #tpu.memory_space<vmem>> -> memref<1x128x32xf32, #tpu.memory_space<vmem>>
        %dma_wait3A_503 = tpu.memref_squeeze %dma_wait3A_502 : memref<1x128x32xf32, #tpu.memory_space<vmem>> -> memref<128x32xf32, #tpu.memory_space<vmem>>
        %dma_wait3A_504 = arith.constant 0 : i32
        %dma_wait3A_505 = tpu.memref_slice %arg8[%add3A_498, %dma_wait3A_504] : memref<80x128xi32, #tpu.memory_space<vmem>> -> memref<1x128xi32, #tpu.memory_space<vmem>>
        %dma_wait3A_506 = tpu.memref_squeeze %dma_wait3A_505 : memref<1x128xi32, #tpu.memory_space<vmem>> -> memref<128xi32, #tpu.memory_space<vmem>>
        %dma_wait3A_507 = arith.constant 0 : i32
        %dma_wait3A_508 = arith.constant 0 : i32
        %dma_wait3A_509 = tpu.memref_slice %arg11[%dma_wait3A_507, %dma_wait3A_508] : memref<10112x32xf32, #tpu.memory_space<vmem_shared>> -> memref<10112x32xf32, #tpu.memory_space<vmem_shared>>
        tpu.wait_indirect_dma semaphore(%arg26 : memref<!tpu.dma_semaphore, #tpu.memory_space<semaphore_mem>>) src(%dma_wait3A_503 : memref<128x32xf32, #tpu.memory_space<vmem>>) dst(%dma_wait3A_509 : memref<10112x32xf32, #tpu.memory_space<vmem_shared>>)
        %dma_start3A_510 = arith.constant 6 : i32
        %dma_start3A_511 = arith.constant 0 : i32
        %dma_start3A_512 = arith.constant 0 : i32
        %dma_start3A_513 = tpu.memref_slice %arg9[%dma_start3A_510, %dma_start3A_511, %dma_start3A_512] : memref<8x128x32xf32, #tpu.memory_space<vmem>> -> memref<1x128x32xf32, #tpu.memory_space<vmem>>
        %dma_start3A_514 = tpu.memref_squeeze %dma_start3A_513 : memref<1x128x32xf32, #tpu.memory_space<vmem>> -> memref<128x32xf32, #tpu.memory_space<vmem>>
        %dma_start3A_515 = arith.constant 0 : i32
        %dma_start3A_516 = tpu.memref_slice %arg7[%add3A_481, %dma_start3A_515] : memref<80x128xi32, #tpu.memory_space<vmem>> -> memref<1x128xi32, #tpu.memory_space<vmem>>
        %dma_start3A_517 = tpu.memref_squeeze %dma_start3A_516 : memref<1x128xi32, #tpu.memory_space<vmem>> -> memref<128xi32, #tpu.memory_space<vmem>>
        %dma_start3A_518 = arith.constant 0 : i32
        %dma_start3A_519 = arith.constant 0 : i32
        %dma_start3A_520 = tpu.memref_slice %arg2[%dma_start3A_518, %dma_start3A_519] : memref<10112x32xf32, #tpu.memory_space<hbm>> -> memref<10112x32xf32, #tpu.memory_space<hbm>>
        tpu.enqueue_indirect_dma source(%dma_start3A_520 : memref<10112x32xf32, #tpu.memory_space<hbm>>) target(%dma_start3A_514 : memref<128x32xf32, #tpu.memory_space<vmem>>) offsets(%dma_start3A_517 : memref<128xi32, #tpu.memory_space<vmem>>) semaphore(%arg18 : memref<!tpu.dma_semaphore, #tpu.memory_space<semaphore_mem>>)
      } else {
      }
      %add3A_487 = arith.constant 8 : i32
      %add3A_488 = arith.addi %mul3A_231, %add3A_487 : i32
      %add3A_489 = arith.constant 7 : i32
      %add3A_490 = arith.addi %add3A_488, %add3A_489 : i32
      %lt3A_491 = arith.constant 80 : i32
      %lt3A_492 = arith.cmpi slt, %add3A_490, %lt3A_491 : i32
      %convert_element_type3A_493 = arith.extui %lt3A_492 : i1 to i32
      %cond3A_494 = arith.constant 0 : i32
      %cond3A_495 = arith.cmpi ne, %convert_element_type3A_493, %cond3A_494 : i32
      scf.if %cond3A_495 {
        %add3A_497 = arith.constant 7 : i32
        %add3A_498 = arith.addi %mul3A_231, %add3A_497 : i32
        %dma_wait3A_499 = arith.constant 7 : i32
        %dma_wait3A_500 = arith.constant 0 : i32
        %dma_wait3A_501 = arith.constant 0 : i32
        %dma_wait3A_502 = tpu.memref_slice %arg9[%dma_wait3A_499, %dma_wait3A_500, %dma_wait3A_501] : memref<8x128x32xf32, #tpu.memory_space<vmem>> -> memref<1x128x32xf32, #tpu.memory_space<vmem>>
        %dma_wait3A_503 = tpu.memref_squeeze %dma_wait3A_502 : memref<1x128x32xf32, #tpu.memory_space<vmem>> -> memref<128x32xf32, #tpu.memory_space<vmem>>
        %dma_wait3A_504 = arith.constant 0 : i32
        %dma_wait3A_505 = tpu.memref_slice %arg8[%add3A_498, %dma_wait3A_504] : memref<80x128xi32, #tpu.memory_space<vmem>> -> memref<1x128xi32, #tpu.memory_space<vmem>>
        %dma_wait3A_506 = tpu.memref_squeeze %dma_wait3A_505 : memref<1x128xi32, #tpu.memory_space<vmem>> -> memref<128xi32, #tpu.memory_space<vmem>>
        %dma_wait3A_507 = arith.constant 0 : i32
        %dma_wait3A_508 = arith.constant 0 : i32
        %dma_wait3A_509 = tpu.memref_slice %arg11[%dma_wait3A_507, %dma_wait3A_508] : memref<10112x32xf32, #tpu.memory_space<vmem_shared>> -> memref<10112x32xf32, #tpu.memory_space<vmem_shared>>
        tpu.wait_indirect_dma semaphore(%arg27 : memref<!tpu.dma_semaphore, #tpu.memory_space<semaphore_mem>>) src(%dma_wait3A_503 : memref<128x32xf32, #tpu.memory_space<vmem>>) dst(%dma_wait3A_509 : memref<10112x32xf32, #tpu.memory_space<vmem_shared>>)
        %dma_start3A_510 = arith.constant 7 : i32
        %dma_start3A_511 = arith.constant 0 : i32
        %dma_start3A_512 = arith.constant 0 : i32
        %dma_start3A_513 = tpu.memref_slice %arg9[%dma_start3A_510, %dma_start3A_511, %dma_start3A_512] : memref<8x128x32xf32, #tpu.memory_space<vmem>> -> memref<1x128x32xf32, #tpu.memory_space<vmem>>
        %dma_start3A_514 = tpu.memref_squeeze %dma_start3A_513 : memref<1x128x32xf32, #tpu.memory_space<vmem>> -> memref<128x32xf32, #tpu.memory_space<vmem>>
        %dma_start3A_515 = arith.constant 0 : i32
        %dma_start3A_516 = tpu.memref_slice %arg7[%add3A_490, %dma_start3A_515] : memref<80x128xi32, #tpu.memory_space<vmem>> -> memref<1x128xi32, #tpu.memory_space<vmem>>
        %dma_start3A_517 = tpu.memref_squeeze %dma_start3A_516 : memref<1x128xi32, #tpu.memory_space<vmem>> -> memref<128xi32, #tpu.memory_space<vmem>>
        %dma_start3A_518 = arith.constant 0 : i32
        %dma_start3A_519 = arith.constant 0 : i32
        %dma_start3A_520 = tpu.memref_slice %arg2[%dma_start3A_518, %dma_start3A_519] : memref<10112x32xf32, #tpu.memory_space<hbm>> -> memref<10112x32xf32, #tpu.memory_space<hbm>>
        tpu.enqueue_indirect_dma source(%dma_start3A_520 : memref<10112x32xf32, #tpu.memory_space<hbm>>) target(%dma_start3A_514 : memref<128x32xf32, #tpu.memory_space<vmem>>) offsets(%dma_start3A_517 : memref<128xi32, #tpu.memory_space<vmem>>) semaphore(%arg19 : memref<!tpu.dma_semaphore, #tpu.memory_space<semaphore_mem>>)
      } else {
      }
      %scan3A_496 = arith.constant 0 : i32
      scf.yield %scan3A_496 : i32
    }
    %scan3A_127 = arith.constant 10 : i32
    %dma_wait3A = arith.constant 0 : i32
    %dma_wait3A_128 = arith.constant 72 : i32
    %dma_wait3A_129 = arith.constant 0 : i32
    %dma_wait3A_130 = arith.constant 0 : i32
    %dma_wait3A_131 = tpu.memref_slice %arg9[%dma_wait3A, %dma_wait3A_129, %dma_wait3A_130] : memref<8x128x32xf32, #tpu.memory_space<vmem>> -> memref<1x128x32xf32, #tpu.memory_space<vmem>>
    %dma_wait3A_132 = tpu.memref_squeeze %dma_wait3A_131 : memref<1x128x32xf32, #tpu.memory_space<vmem>> -> memref<128x32xf32, #tpu.memory_space<vmem>>
    %dma_wait3A_133 = arith.constant 0 : i32
    %dma_wait3A_134 = tpu.memref_slice %arg8[%dma_wait3A_128, %dma_wait3A_133] : memref<80x128xi32, #tpu.memory_space<vmem>> -> memref<1x128xi32, #tpu.memory_space<vmem>>
    %dma_wait3A_135 = tpu.memref_squeeze %dma_wait3A_134 : memref<1x128xi32, #tpu.memory_space<vmem>> -> memref<128xi32, #tpu.memory_space<vmem>>
    %dma_wait3A_136 = arith.constant 0 : i32
    %dma_wait3A_137 = arith.constant 0 : i32
    %dma_wait3A_138 = tpu.memref_slice %arg11[%dma_wait3A_136, %dma_wait3A_137] : memref<10112x32xf32, #tpu.memory_space<vmem_shared>> -> memref<10112x32xf32, #tpu.memory_space<vmem_shared>>
    tpu.wait_indirect_dma semaphore(%arg20 : memref<!tpu.dma_semaphore, #tpu.memory_space<semaphore_mem>>) src(%dma_wait3A_132 : memref<128x32xf32, #tpu.memory_space<vmem>>) dst(%dma_wait3A_138 : memref<10112x32xf32, #tpu.memory_space<vmem_shared>>)
    %dma_wait3A_139 = arith.constant 1 : i32
    %dma_wait3A_140 = arith.constant 73 : i32
    %dma_wait3A_141 = arith.constant 0 : i32
    %dma_wait3A_142 = arith.constant 0 : i32
    %dma_wait3A_143 = tpu.memref_slice %arg9[%dma_wait3A_139, %dma_wait3A_141, %dma_wait3A_142] : memref<8x128x32xf32, #tpu.memory_space<vmem>> -> memref<1x128x32xf32, #tpu.memory_space<vmem>>
    %dma_wait3A_144 = tpu.memref_squeeze %dma_wait3A_143 : memref<1x128x32xf32, #tpu.memory_space<vmem>> -> memref<128x32xf32, #tpu.memory_space<vmem>>
    %dma_wait3A_145 = arith.constant 0 : i32
    %dma_wait3A_146 = tpu.memref_slice %arg8[%dma_wait3A_140, %dma_wait3A_145] : memref<80x128xi32, #tpu.memory_space<vmem>> -> memref<1x128xi32, #tpu.memory_space<vmem>>
    %dma_wait3A_147 = tpu.memref_squeeze %dma_wait3A_146 : memref<1x128xi32, #tpu.memory_space<vmem>> -> memref<128xi32, #tpu.memory_space<vmem>>
    %dma_wait3A_148 = arith.constant 0 : i32
    %dma_wait3A_149 = arith.constant 0 : i32
    %dma_wait3A_150 = tpu.memref_slice %arg11[%dma_wait3A_148, %dma_wait3A_149] : memref<10112x32xf32, #tpu.memory_space<vmem_shared>> -> memref<10112x32xf32, #tpu.memory_space<vmem_shared>>
    tpu.wait_indirect_dma semaphore(%arg21 : memref<!tpu.dma_semaphore, #tpu.memory_space<semaphore_mem>>) src(%dma_wait3A_144 : memref<128x32xf32, #tpu.memory_space<vmem>>) dst(%dma_wait3A_150 : memref<10112x32xf32, #tpu.memory_space<vmem_shared>>)
    %dma_wait3A_151 = arith.constant 2 : i32
    %dma_wait3A_152 = arith.constant 74 : i32
    %dma_wait3A_153 = arith.constant 0 : i32
    %dma_wait3A_154 = arith.constant 0 : i32
    %dma_wait3A_155 = tpu.memref_slice %arg9[%dma_wait3A_151, %dma_wait3A_153, %dma_wait3A_154] : memref<8x128x32xf32, #tpu.memory_space<vmem>> -> memref<1x128x32xf32, #tpu.memory_space<vmem>>
    %dma_wait3A_156 = tpu.memref_squeeze %dma_wait3A_155 : memref<1x128x32xf32, #tpu.memory_space<vmem>> -> memref<128x32xf32, #tpu.memory_space<vmem>>
    %dma_wait3A_157 = arith.constant 0 : i32
    %dma_wait3A_158 = tpu.memref_slice %arg8[%dma_wait3A_152, %dma_wait3A_157] : memref<80x128xi32, #tpu.memory_space<vmem>> -> memref<1x128xi32, #tpu.memory_space<vmem>>
    %dma_wait3A_159 = tpu.memref_squeeze %dma_wait3A_158 : memref<1x128xi32, #tpu.memory_space<vmem>> -> memref<128xi32, #tpu.memory_space<vmem>>
    %dma_wait3A_160 = arith.constant 0 : i32
    %dma_wait3A_161 = arith.constant 0 : i32
    %dma_wait3A_162 = tpu.memref_slice %arg11[%dma_wait3A_160, %dma_wait3A_161] : memref<10112x32xf32, #tpu.memory_space<vmem_shared>> -> memref<10112x32xf32, #tpu.memory_space<vmem_shared>>
    tpu.wait_indirect_dma semaphore(%arg22 : memref<!tpu.dma_semaphore, #tpu.memory_space<semaphore_mem>>) src(%dma_wait3A_156 : memref<128x32xf32, #tpu.memory_space<vmem>>) dst(%dma_wait3A_162 : memref<10112x32xf32, #tpu.memory_space<vmem_shared>>)
    %dma_wait3A_163 = arith.constant 3 : i32
    %dma_wait3A_164 = arith.constant 75 : i32
    %dma_wait3A_165 = arith.constant 0 : i32
    %dma_wait3A_166 = arith.constant 0 : i32
    %dma_wait3A_167 = tpu.memref_slice %arg9[%dma_wait3A_163, %dma_wait3A_165, %dma_wait3A_166] : memref<8x128x32xf32, #tpu.memory_space<vmem>> -> memref<1x128x32xf32, #tpu.memory_space<vmem>>
    %dma_wait3A_168 = tpu.memref_squeeze %dma_wait3A_167 : memref<1x128x32xf32, #tpu.memory_space<vmem>> -> memref<128x32xf32, #tpu.memory_space<vmem>>
    %dma_wait3A_169 = arith.constant 0 : i32
    %dma_wait3A_170 = tpu.memref_slice %arg8[%dma_wait3A_164, %dma_wait3A_169] : memref<80x128xi32, #tpu.memory_space<vmem>> -> memref<1x128xi32, #tpu.memory_space<vmem>>
    %dma_wait3A_171 = tpu.memref_squeeze %dma_wait3A_170 : memref<1x128xi32, #tpu.memory_space<vmem>> -> memref<128xi32, #tpu.memory_space<vmem>>
    %dma_wait3A_172 = arith.constant 0 : i32
    %dma_wait3A_173 = arith.constant 0 : i32
    %dma_wait3A_174 = tpu.memref_slice %arg11[%dma_wait3A_172, %dma_wait3A_173] : memref<10112x32xf32, #tpu.memory_space<vmem_shared>> -> memref<10112x32xf32, #tpu.memory_space<vmem_shared>>
    tpu.wait_indirect_dma semaphore(%arg23 : memref<!tpu.dma_semaphore, #tpu.memory_space<semaphore_mem>>) src(%dma_wait3A_168 : memref<128x32xf32, #tpu.memory_space<vmem>>) dst(%dma_wait3A_174 : memref<10112x32xf32, #tpu.memory_space<vmem_shared>>)
    %dma_wait3A_175 = arith.constant 4 : i32
    %dma_wait3A_176 = arith.constant 76 : i32
    %dma_wait3A_177 = arith.constant 0 : i32
    %dma_wait3A_178 = arith.constant 0 : i32
    %dma_wait3A_179 = tpu.memref_slice %arg9[%dma_wait3A_175, %dma_wait3A_177, %dma_wait3A_178] : memref<8x128x32xf32, #tpu.memory_space<vmem>> -> memref<1x128x32xf32, #tpu.memory_space<vmem>>
    %dma_wait3A_180 = tpu.memref_squeeze %dma_wait3A_179 : memref<1x128x32xf32, #tpu.memory_space<vmem>> -> memref<128x32xf32, #tpu.memory_space<vmem>>
    %dma_wait3A_181 = arith.constant 0 : i32
    %dma_wait3A_182 = tpu.memref_slice %arg8[%dma_wait3A_176, %dma_wait3A_181] : memref<80x128xi32, #tpu.memory_space<vmem>> -> memref<1x128xi32, #tpu.memory_space<vmem>>
    %dma_wait3A_183 = tpu.memref_squeeze %dma_wait3A_182 : memref<1x128xi32, #tpu.memory_space<vmem>> -> memref<128xi32, #tpu.memory_space<vmem>>
    %dma_wait3A_184 = arith.constant 0 : i32
    %dma_wait3A_185 = arith.constant 0 : i32
    %dma_wait3A_186 = tpu.memref_slice %arg11[%dma_wait3A_184, %dma_wait3A_185] : memref<10112x32xf32, #tpu.memory_space<vmem_shared>> -> memref<10112x32xf32, #tpu.memory_space<vmem_shared>>
    tpu.wait_indirect_dma semaphore(%arg24 : memref<!tpu.dma_semaphore, #tpu.memory_space<semaphore_mem>>) src(%dma_wait3A_180 : memref<128x32xf32, #tpu.memory_space<vmem>>) dst(%dma_wait3A_186 : memref<10112x32xf32, #tpu.memory_space<vmem_shared>>)
    %dma_wait3A_187 = arith.constant 5 : i32
    %dma_wait3A_188 = arith.constant 77 : i32
    %dma_wait3A_189 = arith.constant 0 : i32
    %dma_wait3A_190 = arith.constant 0 : i32
    %dma_wait3A_191 = tpu.memref_slice %arg9[%dma_wait3A_187, %dma_wait3A_189, %dma_wait3A_190] : memref<8x128x32xf32, #tpu.memory_space<vmem>> -> memref<1x128x32xf32, #tpu.memory_space<vmem>>
    %dma_wait3A_192 = tpu.memref_squeeze %dma_wait3A_191 : memref<1x128x32xf32, #tpu.memory_space<vmem>> -> memref<128x32xf32, #tpu.memory_space<vmem>>
    %dma_wait3A_193 = arith.constant 0 : i32
    %dma_wait3A_194 = tpu.memref_slice %arg8[%dma_wait3A_188, %dma_wait3A_193] : memref<80x128xi32, #tpu.memory_space<vmem>> -> memref<1x128xi32, #tpu.memory_space<vmem>>
    %dma_wait3A_195 = tpu.memref_squeeze %dma_wait3A_194 : memref<1x128xi32, #tpu.memory_space<vmem>> -> memref<128xi32, #tpu.memory_space<vmem>>
    %dma_wait3A_196 = arith.constant 0 : i32
    %dma_wait3A_197 = arith.constant 0 : i32
    %dma_wait3A_198 = tpu.memref_slice %arg11[%dma_wait3A_196, %dma_wait3A_197] : memref<10112x32xf32, #tpu.memory_space<vmem_shared>> -> memref<10112x32xf32, #tpu.memory_space<vmem_shared>>
    tpu.wait_indirect_dma semaphore(%arg25 : memref<!tpu.dma_semaphore, #tpu.memory_space<semaphore_mem>>) src(%dma_wait3A_192 : memref<128x32xf32, #tpu.memory_space<vmem>>) dst(%dma_wait3A_198 : memref<10112x32xf32, #tpu.memory_space<vmem_shared>>)
    %dma_wait3A_199 = arith.constant 6 : i32
    %dma_wait3A_200 = arith.constant 78 : i32
    %dma_wait3A_201 = arith.constant 0 : i32
    %dma_wait3A_202 = arith.constant 0 : i32
    %dma_wait3A_203 = tpu.memref_slice %arg9[%dma_wait3A_199, %dma_wait3A_201, %dma_wait3A_202] : memref<8x128x32xf32, #tpu.memory_space<vmem>> -> memref<1x128x32xf32, #tpu.memory_space<vmem>>
    %dma_wait3A_204 = tpu.memref_squeeze %dma_wait3A_203 : memref<1x128x32xf32, #tpu.memory_space<vmem>> -> memref<128x32xf32, #tpu.memory_space<vmem>>
    %dma_wait3A_205 = arith.constant 0 : i32
    %dma_wait3A_206 = tpu.memref_slice %arg8[%dma_wait3A_200, %dma_wait3A_205] : memref<80x128xi32, #tpu.memory_space<vmem>> -> memref<1x128xi32, #tpu.memory_space<vmem>>
    %dma_wait3A_207 = tpu.memref_squeeze %dma_wait3A_206 : memref<1x128xi32, #tpu.memory_space<vmem>> -> memref<128xi32, #tpu.memory_space<vmem>>
    %dma_wait3A_208 = arith.constant 0 : i32
    %dma_wait3A_209 = arith.constant 0 : i32
    %dma_wait3A_210 = tpu.memref_slice %arg11[%dma_wait3A_208, %dma_wait3A_209] : memref<10112x32xf32, #tpu.memory_space<vmem_shared>> -> memref<10112x32xf32, #tpu.memory_space<vmem_shared>>
    tpu.wait_indirect_dma semaphore(%arg26 : memref<!tpu.dma_semaphore, #tpu.memory_space<semaphore_mem>>) src(%dma_wait3A_204 : memref<128x32xf32, #tpu.memory_space<vmem>>) dst(%dma_wait3A_210 : memref<10112x32xf32, #tpu.memory_space<vmem_shared>>)
    %dma_wait3A_211 = arith.constant 7 : i32
    %dma_wait3A_212 = arith.constant 79 : i32
    %dma_wait3A_213 = arith.constant 0 : i32
    %dma_wait3A_214 = arith.constant 0 : i32
    %dma_wait3A_215 = tpu.memref_slice %arg9[%dma_wait3A_211, %dma_wait3A_213, %dma_wait3A_214] : memref<8x128x32xf32, #tpu.memory_space<vmem>> -> memref<1x128x32xf32, #tpu.memory_space<vmem>>
    %dma_wait3A_216 = tpu.memref_squeeze %dma_wait3A_215 : memref<1x128x32xf32, #tpu.memory_space<vmem>> -> memref<128x32xf32, #tpu.memory_space<vmem>>
    %dma_wait3A_217 = arith.constant 0 : i32
    %dma_wait3A_218 = tpu.memref_slice %arg8[%dma_wait3A_212, %dma_wait3A_217] : memref<80x128xi32, #tpu.memory_space<vmem>> -> memref<1x128xi32, #tpu.memory_space<vmem>>
    %dma_wait3A_219 = tpu.memref_squeeze %dma_wait3A_218 : memref<1x128xi32, #tpu.memory_space<vmem>> -> memref<128xi32, #tpu.memory_space<vmem>>
    %dma_wait3A_220 = arith.constant 0 : i32
    %dma_wait3A_221 = arith.constant 0 : i32
    %dma_wait3A_222 = tpu.memref_slice %arg11[%dma_wait3A_220, %dma_wait3A_221] : memref<10112x32xf32, #tpu.memory_space<vmem_shared>> -> memref<10112x32xf32, #tpu.memory_space<vmem_shared>>
    tpu.wait_indirect_dma semaphore(%arg27 : memref<!tpu.dma_semaphore, #tpu.memory_space<semaphore_mem>>) src(%dma_wait3A_216 : memref<128x32xf32, #tpu.memory_space<vmem>>) dst(%dma_wait3A_222 : memref<10112x32xf32, #tpu.memory_space<vmem_shared>>)
    %barrier3A_223 = arith.constant 0 : index
    tpu.barrier barrier_id(%barrier3A_223)
    %mul3A_224 = arith.constant 632 : i32
    %mul3A_225 = arith.muli %arg1, %mul3A_224 : i32
    "tpu.region"() ({
      %run_scoped3A = tpu.sem_alloc : memref<!tpu.dma_semaphore, #tpu.memory_space<semaphore_mem>>
      %dma_start3A_228 = arith.constant 0 : i32
      %dma_start3A_229 = tpu.memref_slice %arg11[%mul3A_225, %dma_start3A_228] : memref<10112x32xf32, #tpu.memory_space<vmem_shared>> -> memref<632x32xf32, #tpu.memory_space<vmem_shared>>
      %dma_start3A_230 = arith.constant 0 : i32
      %dma_start3A_231 = tpu.memref_slice %arg11[%mul3A_225, %dma_start3A_230] : memref<10112x32xf32, #tpu.memory_space<vmem_shared>> -> memref<632x32xf32, #tpu.memory_space<vmem_shared>>
      tpu.enqueue_dma source(%dma_start3A_231 : memref<632x32xf32, #tpu.memory_space<vmem_shared>>) target(%arg10 : memref<632x32xf32, #tpu.memory_space<vmem>>) target_semaphore(%run_scoped3A : memref<!tpu.dma_semaphore, #tpu.memory_space<semaphore_mem>>)
      %dma_wait3A_232 = arith.constant 0 : i32
      %dma_wait3A_233 = tpu.memref_slice %arg11[%mul3A_225, %dma_wait3A_232] : memref<10112x32xf32, #tpu.memory_space<vmem_shared>> -> memref<632x32xf32, #tpu.memory_space<vmem_shared>>
      %dma_wait3A_234 = arith.constant 0 : i32
      %dma_wait3A_235 = tpu.memref_slice %arg11[%mul3A_225, %dma_wait3A_234] : memref<10112x32xf32, #tpu.memory_space<vmem_shared>> -> memref<632x32xf32, #tpu.memory_space<vmem_shared>>
      tpu.wait_dma2 semaphore(%run_scoped3A : memref<!tpu.dma_semaphore, #tpu.memory_space<semaphore_mem>>) src(%dma_wait3A_235 : memref<632x32xf32, #tpu.memory_space<vmem_shared>>) dst(%arg10 : memref<632x32xf32, #tpu.memory_space<vmem>>)
      tpu.yield
    }) : () -> ()
    %mul3A_226 = arith.constant 632 : i32
    %mul3A_227 = arith.muli %arg1, %mul3A_226 : i32
    "tpu.region"() ({
      %run_scoped3A = tpu.sem_alloc : memref<!tpu.dma_semaphore, #tpu.memory_space<semaphore_mem>>
      %dma_start3A_228 = arith.constant 0 : i32
      %dma_start3A_229 = tpu.memref_slice %arg6[%arg0, %mul3A_227, %dma_start3A_228] : memref<2x10112x32xf32, #tpu.memory_space<hbm>> -> memref<1x632x32xf32, #tpu.memory_space<hbm>>
      %dma_start3A_230 = tpu.memref_squeeze %dma_start3A_229 : memref<1x632x32xf32, #tpu.memory_space<hbm>> -> memref<632x32xf32, #tpu.memory_space<hbm>>
      %dma_start3A_231 = arith.constant 0 : i32
      %dma_start3A_232 = tpu.memref_slice %arg6[%arg0, %mul3A_227, %dma_start3A_231] : memref<2x10112x32xf32, #tpu.memory_space<hbm>> -> memref<1x632x32xf32, #tpu.memory_space<hbm>>
      %dma_start3A_233 = tpu.memref_squeeze %dma_start3A_232 : memref<1x632x32xf32, #tpu.memory_space<hbm>> -> memref<632x32xf32, #tpu.memory_space<hbm>>
      tpu.enqueue_dma source(%arg10 : memref<632x32xf32, #tpu.memory_space<vmem>>) target(%dma_start3A_233 : memref<632x32xf32, #tpu.memory_space<hbm>>) target_semaphore(%run_scoped3A : memref<!tpu.dma_semaphore, #tpu.memory_space<semaphore_mem>>)
      %dma_wait3A_234 = arith.constant 0 : i32
      %dma_wait3A_235 = tpu.memref_slice %arg6[%arg0, %mul3A_227, %dma_wait3A_234] : memref<2x10112x32xf32, #tpu.memory_space<hbm>> -> memref<1x632x32xf32, #tpu.memory_space<hbm>>
      %dma_wait3A_236 = tpu.memref_squeeze %dma_wait3A_235 : memref<1x632x32xf32, #tpu.memory_space<hbm>> -> memref<632x32xf32, #tpu.memory_space<hbm>>
      %dma_wait3A_237 = arith.constant 0 : i32
      %dma_wait3A_238 = tpu.memref_slice %arg6[%arg0, %mul3A_227, %dma_wait3A_237] : memref<2x10112x32xf32, #tpu.memory_space<hbm>> -> memref<1x632x32xf32, #tpu.memory_space<hbm>>
      %dma_wait3A_239 = tpu.memref_squeeze %dma_wait3A_238 : memref<1x632x32xf32, #tpu.memory_space<hbm>> -> memref<632x32xf32, #tpu.memory_space<hbm>>
      tpu.wait_dma2 semaphore(%run_scoped3A : memref<!tpu.dma_semaphore, #tpu.memory_space<semaphore_mem>>) src(%arg10 : memref<632x32xf32, #tpu.memory_space<vmem>>) dst(%dma_wait3A_239 : memref<632x32xf32, #tpu.memory_space<hbm>>)
      tpu.yield
    }) : () -> ()
    return
  }
}

#map = affine_map<(d0, d1) -> (0, 0)>
#map1 = affine_map<(d0, d1) -> (0, 0, 0)>
module attributes {stable_mosaic.version = 14 : i64} {
  func.func @propagate(%arg0: i32, %arg1: i32, %arg2: memref<10112x32xf32, #tpu.memory_space<hbm>>, %arg3: memref<5000x128xi32, #tpu.memory_space<hbm>>, %arg4: memref<60x128xi32, #tpu.memory_space<hbm>>, %arg5: memref<60x128xi32, #tpu.memory_space<hbm>>, %arg6: memref<2x10112x32xf32, #tpu.memory_space<hbm>>, %arg7: memref<80x128xi32, #tpu.memory_space<vmem>>, %arg8: memref<80x128xi32, #tpu.memory_space<vmem>>, %arg9: memref<8x128x32xf32, #tpu.memory_space<vmem>>, %arg10: memref<632x32xf32, #tpu.memory_space<vmem>>, %arg11: memref<10112x32xf32, #tpu.memory_space<vmem_shared>>, %arg12: memref<!tpu.dma_semaphore, #tpu.memory_space<semaphore_mem>>, %arg13: memref<!tpu.dma_semaphore, #tpu.memory_space<semaphore_mem>>, %arg14: memref<!tpu.dma_semaphore, #tpu.memory_space<semaphore_mem>>, %arg15: memref<!tpu.dma_semaphore, #tpu.memory_space<semaphore_mem>>, %arg16: memref<!tpu.dma_semaphore, #tpu.memory_space<semaphore_mem>>, %arg17: memref<!tpu.dma_semaphore, #tpu.memory_space<semaphore_mem>>, %arg18: memref<!tpu.dma_semaphore, #tpu.memory_space<semaphore_mem>>, %arg19: memref<!tpu.dma_semaphore, #tpu.memory_space<semaphore_mem>>, %arg20: memref<!tpu.dma_semaphore, #tpu.memory_space<semaphore_mem>>, %arg21: memref<!tpu.dma_semaphore, #tpu.memory_space<semaphore_mem>>, %arg22: memref<!tpu.dma_semaphore, #tpu.memory_space<semaphore_mem>>, %arg23: memref<!tpu.dma_semaphore, #tpu.memory_space<semaphore_mem>>, %arg24: memref<!tpu.dma_semaphore, #tpu.memory_space<semaphore_mem>>, %arg25: memref<!tpu.dma_semaphore, #tpu.memory_space<semaphore_mem>>, %arg26: memref<!tpu.dma_semaphore, #tpu.memory_space<semaphore_mem>>, %arg27: memref<!tpu.dma_semaphore, #tpu.memory_space<semaphore_mem>>) attributes {dimension_semantics = [#tpu.dimension_semantics<core_parallel>, #tpu.dimension_semantics<subcore_parallel>], iteration_bounds = array<i64: 2, 16>, scalar_prefetch = 0 : i64, scratch_operands = 21 : i64, tpu.core_type = #tpu.core_type<sc_vector_subcore>, window_params = [{transform_indices = #map}, {transform_indices = #map}, {transform_indices = #map}, {transform_indices = #map}, {transform_indices = #map1}]} {
    %mul3A = arith.constant 16 : i32
    %mul3A_0 = arith.muli %arg0, %mul3A : i32
    %add3A = arith.addi %mul3A_0, %arg1 : i32
    %lt3A = arith.constant 31 : i32
    %lt3A_1 = arith.cmpi slt, %add3A, %lt3A : i32
    %convert_element_type3A = arith.extui %lt3A_1 : i1 to i32
    %cond3A = arith.constant 0 : i32
    %cond3A_2 = arith.cmpi ne, %convert_element_type3A, %cond3A : i32
    scf.if %cond3A_2 {
      %mul3A_228 = arith.constant 80 : i32
      %mul3A_229 = arith.muli %add3A, %mul3A_228 : i32
      %add3A_230 = arith.constant 0 : i32
      %add3A_231 = arith.addi %add3A_230, %mul3A_229 : i32
      "tpu.region"() ({
        %run_scoped3A = tpu.sem_alloc : memref<!tpu.dma_semaphore, #tpu.memory_space<semaphore_mem>>
        %dma_start3A_232 = arith.constant 0 : i32
        %dma_start3A_233 = tpu.memref_slice %arg3[%add3A_231, %dma_start3A_232] : memref<5000x128xi32, #tpu.memory_space<hbm>> -> memref<80x128xi32, #tpu.memory_space<hbm>>
        %dma_start3A_234 = arith.constant 0 : i32
        %dma_start3A_235 = tpu.memref_slice %arg3[%add3A_231, %dma_start3A_234] : memref<5000x128xi32, #tpu.memory_space<hbm>> -> memref<80x128xi32, #tpu.memory_space<hbm>>
        tpu.enqueue_dma source(%dma_start3A_235 : memref<80x128xi32, #tpu.memory_space<hbm>>) target(%arg7 : memref<80x128xi32, #tpu.memory_space<vmem>>) target_semaphore(%run_scoped3A : memref<!tpu.dma_semaphore, #tpu.memory_space<semaphore_mem>>)
        %dma_wait3A_236 = arith.constant 0 : i32
        %dma_wait3A_237 = tpu.memref_slice %arg3[%add3A_231, %dma_wait3A_236] : memref<5000x128xi32, #tpu.memory_space<hbm>> -> memref<80x128xi32, #tpu.memory_space<hbm>>
        %dma_wait3A_238 = arith.constant 0 : i32
        %dma_wait3A_239 = tpu.memref_slice %arg3[%add3A_231, %dma_wait3A_238] : memref<5000x128xi32, #tpu.memory_space<hbm>> -> memref<80x128xi32, #tpu.memory_space<hbm>>
        tpu.wait_dma2 semaphore(%run_scoped3A : memref<!tpu.dma_semaphore, #tpu.memory_space<semaphore_mem>>) src(%dma_wait3A_239 : memref<80x128xi32, #tpu.memory_space<hbm>>) dst(%arg7 : memref<80x128xi32, #tpu.memory_space<vmem>>)
        tpu.yield
      }) : () -> ()
    } else {
    }
    %eq3A = arith.constant 31 : i32
    %eq3A_3 = arith.cmpi eq, %add3A, %eq3A : i32
    %convert_element_type3A_4 = arith.extui %eq3A_3 : i1 to i32
    %cond3A_5 = arith.constant 0 : i32
    %cond3A_6 = arith.cmpi ne, %convert_element_type3A_4, %cond3A_5 : i32
    scf.if %cond3A_6 {
      "tpu.region"() ({
        %run_scoped3A = tpu.sem_alloc : memref<!tpu.dma_semaphore, #tpu.memory_space<semaphore_mem>>
        %dma_start3A_228 = arith.constant 0 : i32
        %dma_start3A_229 = arith.constant 0 : i32
        %dma_start3A_230 = tpu.memref_slice %arg7[%dma_start3A_228, %dma_start3A_229] : memref<80x128xi32, #tpu.memory_space<vmem>> -> memref<20x128xi32, #tpu.memory_space<vmem>>
        %dma_start3A_231 = arith.constant 2480 : i32
        %dma_start3A_232 = arith.constant 0 : i32
        %dma_start3A_233 = tpu.memref_slice %arg3[%dma_start3A_231, %dma_start3A_232] : memref<5000x128xi32, #tpu.memory_space<hbm>> -> memref<20x128xi32, #tpu.memory_space<hbm>>
        %dma_start3A_234 = arith.constant 0 : i32
        %dma_start3A_235 = arith.constant 0 : i32
        %dma_start3A_236 = tpu.memref_slice %arg7[%dma_start3A_234, %dma_start3A_235] : memref<80x128xi32, #tpu.memory_space<vmem>> -> memref<20x128xi32, #tpu.memory_space<vmem>>
        %dma_start3A_237 = arith.constant 2480 : i32
        %dma_start3A_238 = arith.constant 0 : i32
        %dma_start3A_239 = tpu.memref_slice %arg3[%dma_start3A_237, %dma_start3A_238] : memref<5000x128xi32, #tpu.memory_space<hbm>> -> memref<20x128xi32, #tpu.memory_space<hbm>>
        tpu.enqueue_dma source(%dma_start3A_239 : memref<20x128xi32, #tpu.memory_space<hbm>>) target(%dma_start3A_236 : memref<20x128xi32, #tpu.memory_space<vmem>>) target_semaphore(%run_scoped3A : memref<!tpu.dma_semaphore, #tpu.memory_space<semaphore_mem>>)
        %dma_wait3A_240 = arith.constant 0 : i32
        %dma_wait3A_241 = arith.constant 0 : i32
        %dma_wait3A_242 = tpu.memref_slice %arg7[%dma_wait3A_240, %dma_wait3A_241] : memref<80x128xi32, #tpu.memory_space<vmem>> -> memref<20x128xi32, #tpu.memory_space<vmem>>
        %dma_wait3A_243 = arith.constant 2480 : i32
        %dma_wait3A_244 = arith.constant 0 : i32
        %dma_wait3A_245 = tpu.memref_slice %arg3[%dma_wait3A_243, %dma_wait3A_244] : memref<5000x128xi32, #tpu.memory_space<hbm>> -> memref<20x128xi32, #tpu.memory_space<hbm>>
        %dma_wait3A_246 = arith.constant 0 : i32
        %dma_wait3A_247 = arith.constant 0 : i32
        %dma_wait3A_248 = tpu.memref_slice %arg7[%dma_wait3A_246, %dma_wait3A_247] : memref<80x128xi32, #tpu.memory_space<vmem>> -> memref<20x128xi32, #tpu.memory_space<vmem>>
        %dma_wait3A_249 = arith.constant 2480 : i32
        %dma_wait3A_250 = arith.constant 0 : i32
        %dma_wait3A_251 = tpu.memref_slice %arg3[%dma_wait3A_249, %dma_wait3A_250] : memref<5000x128xi32, #tpu.memory_space<hbm>> -> memref<20x128xi32, #tpu.memory_space<hbm>>
        tpu.wait_dma2 semaphore(%run_scoped3A : memref<!tpu.dma_semaphore, #tpu.memory_space<semaphore_mem>>) src(%dma_wait3A_251 : memref<20x128xi32, #tpu.memory_space<hbm>>) dst(%dma_wait3A_248 : memref<20x128xi32, #tpu.memory_space<vmem>>)
        tpu.yield
      }) : () -> ()
      "tpu.region"() ({
        %run_scoped3A = tpu.sem_alloc : memref<!tpu.dma_semaphore, #tpu.memory_space<semaphore_mem>>
        %dma_start3A_228 = arith.constant 20 : i32
        %dma_start3A_229 = arith.constant 0 : i32
        %dma_start3A_230 = tpu.memref_slice %arg7[%dma_start3A_228, %dma_start3A_229] : memref<80x128xi32, #tpu.memory_space<vmem>> -> memref<60x128xi32, #tpu.memory_space<vmem>>
        %dma_start3A_231 = arith.constant 20 : i32
        %dma_start3A_232 = arith.constant 0 : i32
        %dma_start3A_233 = tpu.memref_slice %arg7[%dma_start3A_231, %dma_start3A_232] : memref<80x128xi32, #tpu.memory_space<vmem>> -> memref<60x128xi32, #tpu.memory_space<vmem>>
        tpu.enqueue_dma source(%arg4 : memref<60x128xi32, #tpu.memory_space<hbm>>) target(%dma_start3A_233 : memref<60x128xi32, #tpu.memory_space<vmem>>) target_semaphore(%run_scoped3A : memref<!tpu.dma_semaphore, #tpu.memory_space<semaphore_mem>>)
        %dma_wait3A_234 = arith.constant 20 : i32
        %dma_wait3A_235 = arith.constant 0 : i32
        %dma_wait3A_236 = tpu.memref_slice %arg7[%dma_wait3A_234, %dma_wait3A_235] : memref<80x128xi32, #tpu.memory_space<vmem>> -> memref<60x128xi32, #tpu.memory_space<vmem>>
        %dma_wait3A_237 = arith.constant 20 : i32
        %dma_wait3A_238 = arith.constant 0 : i32
        %dma_wait3A_239 = tpu.memref_slice %arg7[%dma_wait3A_237, %dma_wait3A_238] : memref<80x128xi32, #tpu.memory_space<vmem>> -> memref<60x128xi32, #tpu.memory_space<vmem>>
        tpu.wait_dma2 semaphore(%run_scoped3A : memref<!tpu.dma_semaphore, #tpu.memory_space<semaphore_mem>>) src(%arg4 : memref<60x128xi32, #tpu.memory_space<hbm>>) dst(%dma_wait3A_239 : memref<60x128xi32, #tpu.memory_space<vmem>>)
        tpu.yield
      }) : () -> ()
    } else {
    }
    %lt3A_7 = arith.constant 31 : i32
    %lt3A_8 = arith.cmpi slt, %add3A, %lt3A_7 : i32
    %convert_element_type3A_9 = arith.extui %lt3A_8 : i1 to i32
    %cond3A_10 = arith.constant 0 : i32
    %cond3A_11 = arith.cmpi ne, %convert_element_type3A_9, %cond3A_10 : i32
    scf.if %cond3A_11 {
      %mul3A_228 = arith.constant 80 : i32
      %mul3A_229 = arith.muli %add3A, %mul3A_228 : i32
      %add3A_230 = arith.constant 2500 : i32
      %add3A_231 = arith.addi %add3A_230, %mul3A_229 : i32
      "tpu.region"() ({
        %run_scoped3A = tpu.sem_alloc : memref<!tpu.dma_semaphore, #tpu.memory_space<semaphore_mem>>
        %dma_start3A_232 = arith.constant 0 : i32
        %dma_start3A_233 = tpu.memref_slice %arg3[%add3A_231, %dma_start3A_232] : memref<5000x128xi32, #tpu.memory_space<hbm>> -> memref<80x128xi32, #tpu.memory_space<hbm>>
        %dma_start3A_234 = arith.constant 0 : i32
        %dma_start3A_235 = tpu.memref_slice %arg3[%add3A_231, %dma_start3A_234] : memref<5000x128xi32, #tpu.memory_space<hbm>> -> memref<80x128xi32, #tpu.memory_space<hbm>>
        tpu.enqueue_dma source(%dma_start3A_235 : memref<80x128xi32, #tpu.memory_space<hbm>>) target(%arg8 : memref<80x128xi32, #tpu.memory_space<vmem>>) target_semaphore(%run_scoped3A : memref<!tpu.dma_semaphore, #tpu.memory_space<semaphore_mem>>)
        %dma_wait3A_236 = arith.constant 0 : i32
        %dma_wait3A_237 = tpu.memref_slice %arg3[%add3A_231, %dma_wait3A_236] : memref<5000x128xi32, #tpu.memory_space<hbm>> -> memref<80x128xi32, #tpu.memory_space<hbm>>
        %dma_wait3A_238 = arith.constant 0 : i32
        %dma_wait3A_239 = tpu.memref_slice %arg3[%add3A_231, %dma_wait3A_238] : memref<5000x128xi32, #tpu.memory_space<hbm>> -> memref<80x128xi32, #tpu.memory_space<hbm>>
        tpu.wait_dma2 semaphore(%run_scoped3A : memref<!tpu.dma_semaphore, #tpu.memory_space<semaphore_mem>>) src(%dma_wait3A_239 : memref<80x128xi32, #tpu.memory_space<hbm>>) dst(%arg8 : memref<80x128xi32, #tpu.memory_space<vmem>>)
        tpu.yield
      }) : () -> ()
    } else {
    }
    %eq3A_12 = arith.constant 31 : i32
    %eq3A_13 = arith.cmpi eq, %add3A, %eq3A_12 : i32
    %convert_element_type3A_14 = arith.extui %eq3A_13 : i1 to i32
    %cond3A_15 = arith.constant 0 : i32
    %cond3A_16 = arith.cmpi ne, %convert_element_type3A_14, %cond3A_15 : i32
    scf.if %cond3A_16 {
      "tpu.region"() ({
        %run_scoped3A = tpu.sem_alloc : memref<!tpu.dma_semaphore, #tpu.memory_space<semaphore_mem>>
        %dma_start3A_228 = arith.constant 0 : i32
        %dma_start3A_229 = arith.constant 0 : i32
        %dma_start3A_230 = tpu.memref_slice %arg8[%dma_start3A_228, %dma_start3A_229] : memref<80x128xi32, #tpu.memory_space<vmem>> -> memref<20x128xi32, #tpu.memory_space<vmem>>
        %dma_start3A_231 = arith.constant 4980 : i32
        %dma_start3A_232 = arith.constant 0 : i32
        %dma_start3A_233 = tpu.memref_slice %arg3[%dma_start3A_231, %dma_start3A_232] : memref<5000x128xi32, #tpu.memory_space<hbm>> -> memref<20x128xi32, #tpu.memory_space<hbm>>
        %dma_start3A_234 = arith.constant 0 : i32
        %dma_start3A_235 = arith.constant 0 : i32
        %dma_start3A_236 = tpu.memref_slice %arg8[%dma_start3A_234, %dma_start3A_235] : memref<80x128xi32, #tpu.memory_space<vmem>> -> memref<20x128xi32, #tpu.memory_space<vmem>>
        %dma_start3A_237 = arith.constant 4980 : i32
        %dma_start3A_238 = arith.constant 0 : i32
        %dma_start3A_239 = tpu.memref_slice %arg3[%dma_start3A_237, %dma_start3A_238] : memref<5000x128xi32, #tpu.memory_space<hbm>> -> memref<20x128xi32, #tpu.memory_space<hbm>>
        tpu.enqueue_dma source(%dma_start3A_239 : memref<20x128xi32, #tpu.memory_space<hbm>>) target(%dma_start3A_236 : memref<20x128xi32, #tpu.memory_space<vmem>>) target_semaphore(%run_scoped3A : memref<!tpu.dma_semaphore, #tpu.memory_space<semaphore_mem>>)
        %dma_wait3A_240 = arith.constant 0 : i32
        %dma_wait3A_241 = arith.constant 0 : i32
        %dma_wait3A_242 = tpu.memref_slice %arg8[%dma_wait3A_240, %dma_wait3A_241] : memref<80x128xi32, #tpu.memory_space<vmem>> -> memref<20x128xi32, #tpu.memory_space<vmem>>
        %dma_wait3A_243 = arith.constant 4980 : i32
        %dma_wait3A_244 = arith.constant 0 : i32
        %dma_wait3A_245 = tpu.memref_slice %arg3[%dma_wait3A_243, %dma_wait3A_244] : memref<5000x128xi32, #tpu.memory_space<hbm>> -> memref<20x128xi32, #tpu.memory_space<hbm>>
        %dma_wait3A_246 = arith.constant 0 : i32
        %dma_wait3A_247 = arith.constant 0 : i32
        %dma_wait3A_248 = tpu.memref_slice %arg8[%dma_wait3A_246, %dma_wait3A_247] : memref<80x128xi32, #tpu.memory_space<vmem>> -> memref<20x128xi32, #tpu.memory_space<vmem>>
        %dma_wait3A_249 = arith.constant 4980 : i32
        %dma_wait3A_250 = arith.constant 0 : i32
        %dma_wait3A_251 = tpu.memref_slice %arg3[%dma_wait3A_249, %dma_wait3A_250] : memref<5000x128xi32, #tpu.memory_space<hbm>> -> memref<20x128xi32, #tpu.memory_space<hbm>>
        tpu.wait_dma2 semaphore(%run_scoped3A : memref<!tpu.dma_semaphore, #tpu.memory_space<semaphore_mem>>) src(%dma_wait3A_251 : memref<20x128xi32, #tpu.memory_space<hbm>>) dst(%dma_wait3A_248 : memref<20x128xi32, #tpu.memory_space<vmem>>)
        tpu.yield
      }) : () -> ()
      "tpu.region"() ({
        %run_scoped3A = tpu.sem_alloc : memref<!tpu.dma_semaphore, #tpu.memory_space<semaphore_mem>>
        %dma_start3A_228 = arith.constant 20 : i32
        %dma_start3A_229 = arith.constant 0 : i32
        %dma_start3A_230 = tpu.memref_slice %arg8[%dma_start3A_228, %dma_start3A_229] : memref<80x128xi32, #tpu.memory_space<vmem>> -> memref<60x128xi32, #tpu.memory_space<vmem>>
        %dma_start3A_231 = arith.constant 20 : i32
        %dma_start3A_232 = arith.constant 0 : i32
        %dma_start3A_233 = tpu.memref_slice %arg8[%dma_start3A_231, %dma_start3A_232] : memref<80x128xi32, #tpu.memory_space<vmem>> -> memref<60x128xi32, #tpu.memory_space<vmem>>
        tpu.enqueue_dma source(%arg5 : memref<60x128xi32, #tpu.memory_space<hbm>>) target(%dma_start3A_233 : memref<60x128xi32, #tpu.memory_space<vmem>>) target_semaphore(%run_scoped3A : memref<!tpu.dma_semaphore, #tpu.memory_space<semaphore_mem>>)
        %dma_wait3A_234 = arith.constant 20 : i32
        %dma_wait3A_235 = arith.constant 0 : i32
        %dma_wait3A_236 = tpu.memref_slice %arg8[%dma_wait3A_234, %dma_wait3A_235] : memref<80x128xi32, #tpu.memory_space<vmem>> -> memref<60x128xi32, #tpu.memory_space<vmem>>
        %dma_wait3A_237 = arith.constant 20 : i32
        %dma_wait3A_238 = arith.constant 0 : i32
        %dma_wait3A_239 = tpu.memref_slice %arg8[%dma_wait3A_237, %dma_wait3A_238] : memref<80x128xi32, #tpu.memory_space<vmem>> -> memref<60x128xi32, #tpu.memory_space<vmem>>
        tpu.wait_dma2 semaphore(%run_scoped3A : memref<!tpu.dma_semaphore, #tpu.memory_space<semaphore_mem>>) src(%arg5 : memref<60x128xi32, #tpu.memory_space<hbm>>) dst(%dma_wait3A_239 : memref<60x128xi32, #tpu.memory_space<vmem>>)
        tpu.yield
      }) : () -> ()
    } else {
    }
    %broadcast_in_dim3A = arith.constant 0.000000e+00 : f32
    %broadcast_in_dim3A_17 = vector.broadcast %broadcast_in_dim3A : f32 to vector<16xf32>
    %scan3A = arith.constant 0 : i32
    %scan3A_18 = arith.constant 0 : i32
    %scan3A_19 = arith.constant 632 : i32
    %scan3A_20 = arith.addi %scan3A_18, %scan3A_19 : i32
    %scan3A_21 = arith.constant 1 : i32
    %scan3A_22 = scf.for %scan3A_228 = %scan3A_18 to %scan3A_20 step %scan3A_21 iter_args(%scan3A_229 = %scan3A) -> (i32)  : i32 {
      %swap3A = arith.index_cast %scan3A_228 : i32 to index
      %swap3A_230 = arith.constant 0 : index
      %swap3A_231 = tpu.vector_load %arg10[%swap3A, %swap3A_230] {strides = array<i32>} : memref<632x32xf32, #tpu.memory_space<vmem>>, vector<1x16xf32>,
      %swap3A_232 = vector.shape_cast %swap3A_231 : vector<1x16xf32> to vector<16xf32>
      %swap3A_233 = vector.shape_cast %broadcast_in_dim3A_17 : vector<16xf32> to vector<1x16xf32>
      tpu.vector_store %arg10[%swap3A, %swap3A_230], %swap3A_233 {strides = array<i32>} : memref<632x32xf32, #tpu.memory_space<vmem>>, vector<1x16xf32>,
      %swap3A_234 = arith.index_cast %scan3A_228 : i32 to index
      %swap3A_235 = arith.constant 16 : index
      %swap3A_236 = tpu.vector_load %arg10[%swap3A_234, %swap3A_235] {strides = array<i32>} : memref<632x32xf32, #tpu.memory_space<vmem>>, vector<1x16xf32>,
      %swap3A_237 = vector.shape_cast %swap3A_236 : vector<1x16xf32> to vector<16xf32>
      %swap3A_238 = vector.shape_cast %broadcast_in_dim3A_17 : vector<16xf32> to vector<1x16xf32>
      tpu.vector_store %arg10[%swap3A_234, %swap3A_235], %swap3A_238 {strides = array<i32>} : memref<632x32xf32, #tpu.memory_space<vmem>>, vector<1x16xf32>,
      %scan3A_239 = arith.constant 0 : i32
      scf.yield %scan3A_239 : i32
    }
    %scan3A_23 = arith.constant 632 : i32
    %mul3A_24 = arith.constant 632 : i32
    %mul3A_25 = arith.muli %arg1, %mul3A_24 : i32
    "tpu.region"() ({
      %run_scoped3A = tpu.sem_alloc : memref<!tpu.dma_semaphore, #tpu.memory_space<semaphore_mem>>
      %dma_start3A_228 = arith.constant 0 : i32
      %dma_start3A_229 = tpu.memref_slice %arg11[%mul3A_25, %dma_start3A_228] : memref<10112x32xf32, #tpu.memory_space<vmem_shared>> -> memref<632x32xf32, #tpu.memory_space<vmem_shared>>
      %dma_start3A_230 = arith.constant 0 : i32
      %dma_start3A_231 = tpu.memref_slice %arg11[%mul3A_25, %dma_start3A_230] : memref<10112x32xf32, #tpu.memory_space<vmem_shared>> -> memref<632x32xf32, #tpu.memory_space<vmem_shared>>
      tpu.enqueue_dma source(%arg10 : memref<632x32xf32, #tpu.memory_space<vmem>>) target(%dma_start3A_231 : memref<632x32xf32, #tpu.memory_space<vmem_shared>>) target_semaphore(%run_scoped3A : memref<!tpu.dma_semaphore, #tpu.memory_space<semaphore_mem>>)
      %dma_wait3A_232 = arith.constant 0 : i32
      %dma_wait3A_233 = tpu.memref_slice %arg11[%mul3A_25, %dma_wait3A_232] : memref<10112x32xf32, #tpu.memory_space<vmem_shared>> -> memref<632x32xf32, #tpu.memory_space<vmem_shared>>
      %dma_wait3A_234 = arith.constant 0 : i32
      %dma_wait3A_235 = tpu.memref_slice %arg11[%mul3A_25, %dma_wait3A_234] : memref<10112x32xf32, #tpu.memory_space<vmem_shared>> -> memref<632x32xf32, #tpu.memory_space<vmem_shared>>
      tpu.wait_dma2 semaphore(%run_scoped3A : memref<!tpu.dma_semaphore, #tpu.memory_space<semaphore_mem>>) src(%arg10 : memref<632x32xf32, #tpu.memory_space<vmem>>) dst(%dma_wait3A_235 : memref<632x32xf32, #tpu.memory_space<vmem_shared>>)
      tpu.yield
    }) : () -> ()
    %barrier3A = arith.constant 0 : index
    tpu.barrier barrier_id(%barrier3A)
    %dma_start3A = arith.constant 0 : i32
    %dma_start3A_26 = arith.constant 0 : i32
    %dma_start3A_27 = arith.constant 0 : i32
    %dma_start3A_28 = arith.constant 0 : i32
    %dma_start3A_29 = tpu.memref_slice %arg9[%dma_start3A_26, %dma_start3A_27, %dma_start3A_28] : memref<8x128x32xf32, #tpu.memory_space<vmem>> -> memref<1x128x32xf32, #tpu.memory_space<vmem>>
    %dma_start3A_30 = tpu.memref_squeeze %dma_start3A_29 : memref<1x128x32xf32, #tpu.memory_space<vmem>> -> memref<128x32xf32, #tpu.memory_space<vmem>>
    %dma_start3A_31 = arith.constant 0 : i32
    %dma_start3A_32 = tpu.memref_slice %arg7[%dma_start3A, %dma_start3A_31] : memref<80x128xi32, #tpu.memory_space<vmem>> -> memref<1x128xi32, #tpu.memory_space<vmem>>
    %dma_start3A_33 = tpu.memref_squeeze %dma_start3A_32 : memref<1x128xi32, #tpu.memory_space<vmem>> -> memref<128xi32, #tpu.memory_space<vmem>>
    %dma_start3A_34 = arith.constant 0 : i32
    %dma_start3A_35 = arith.constant 0 : i32
    %dma_start3A_36 = tpu.memref_slice %arg2[%dma_start3A_34, %dma_start3A_35] : memref<10112x32xf32, #tpu.memory_space<hbm>> -> memref<10112x32xf32, #tpu.memory_space<hbm>>
    tpu.enqueue_indirect_dma source(%dma_start3A_36 : memref<10112x32xf32, #tpu.memory_space<hbm>>) target(%dma_start3A_30 : memref<128x32xf32, #tpu.memory_space<vmem>>) offsets(%dma_start3A_33 : memref<128xi32, #tpu.memory_space<vmem>>) semaphore(%arg12 : memref<!tpu.dma_semaphore, #tpu.memory_space<semaphore_mem>>)
    %dma_start3A_37 = arith.constant 1 : i32
    %dma_start3A_38 = arith.constant 1 : i32
    %dma_start3A_39 = arith.constant 0 : i32
    %dma_start3A_40 = arith.constant 0 : i32
    %dma_start3A_41 = tpu.memref_slice %arg9[%dma_start3A_38, %dma_start3A_39, %dma_start3A_40] : memref<8x128x32xf32, #tpu.memory_space<vmem>> -> memref<1x128x32xf32, #tpu.memory_space<vmem>>
    %dma_start3A_42 = tpu.memref_squeeze %dma_start3A_41 : memref<1x128x32xf32, #tpu.memory_space<vmem>> -> memref<128x32xf32, #tpu.memory_space<vmem>>
    %dma_start3A_43 = arith.constant 0 : i32
    %dma_start3A_44 = tpu.memref_slice %arg7[%dma_start3A_37, %dma_start3A_43] : memref<80x128xi32, #tpu.memory_space<vmem>> -> memref<1x128xi32, #tpu.memory_space<vmem>>
    %dma_start3A_45 = tpu.memref_squeeze %dma_start3A_44 : memref<1x128xi32, #tpu.memory_space<vmem>> -> memref<128xi32, #tpu.memory_space<vmem>>
    %dma_start3A_46 = arith.constant 0 : i32
    %dma_start3A_47 = arith.constant 0 : i32
    %dma_start3A_48 = tpu.memref_slice %arg2[%dma_start3A_46, %dma_start3A_47] : memref<10112x32xf32, #tpu.memory_space<hbm>> -> memref<10112x32xf32, #tpu.memory_space<hbm>>
    tpu.enqueue_indirect_dma source(%dma_start3A_48 : memref<10112x32xf32, #tpu.memory_space<hbm>>) target(%dma_start3A_42 : memref<128x32xf32, #tpu.memory_space<vmem>>) offsets(%dma_start3A_45 : memref<128xi32, #tpu.memory_space<vmem>>) semaphore(%arg13 : memref<!tpu.dma_semaphore, #tpu.memory_space<semaphore_mem>>)
    %dma_start3A_49 = arith.constant 2 : i32
    %dma_start3A_50 = arith.constant 2 : i32
    %dma_start3A_51 = arith.constant 0 : i32
    %dma_start3A_52 = arith.constant 0 : i32
    %dma_start3A_53 = tpu.memref_slice %arg9[%dma_start3A_50, %dma_start3A_51, %dma_start3A_52] : memref<8x128x32xf32, #tpu.memory_space<vmem>> -> memref<1x128x32xf32, #tpu.memory_space<vmem>>
    %dma_start3A_54 = tpu.memref_squeeze %dma_start3A_53 : memref<1x128x32xf32, #tpu.memory_space<vmem>> -> memref<128x32xf32, #tpu.memory_space<vmem>>
    %dma_start3A_55 = arith.constant 0 : i32
    %dma_start3A_56 = tpu.memref_slice %arg7[%dma_start3A_49, %dma_start3A_55] : memref<80x128xi32, #tpu.memory_space<vmem>> -> memref<1x128xi32, #tpu.memory_space<vmem>>
    %dma_start3A_57 = tpu.memref_squeeze %dma_start3A_56 : memref<1x128xi32, #tpu.memory_space<vmem>> -> memref<128xi32, #tpu.memory_space<vmem>>
    %dma_start3A_58 = arith.constant 0 : i32
    %dma_start3A_59 = arith.constant 0 : i32
    %dma_start3A_60 = tpu.memref_slice %arg2[%dma_start3A_58, %dma_start3A_59] : memref<10112x32xf32, #tpu.memory_space<hbm>> -> memref<10112x32xf32, #tpu.memory_space<hbm>>
    tpu.enqueue_indirect_dma source(%dma_start3A_60 : memref<10112x32xf32, #tpu.memory_space<hbm>>) target(%dma_start3A_54 : memref<128x32xf32, #tpu.memory_space<vmem>>) offsets(%dma_start3A_57 : memref<128xi32, #tpu.memory_space<vmem>>) semaphore(%arg14 : memref<!tpu.dma_semaphore, #tpu.memory_space<semaphore_mem>>)
    %dma_start3A_61 = arith.constant 3 : i32
    %dma_start3A_62 = arith.constant 3 : i32
    %dma_start3A_63 = arith.constant 0 : i32
    %dma_start3A_64 = arith.constant 0 : i32
    %dma_start3A_65 = tpu.memref_slice %arg9[%dma_start3A_62, %dma_start3A_63, %dma_start3A_64] : memref<8x128x32xf32, #tpu.memory_space<vmem>> -> memref<1x128x32xf32, #tpu.memory_space<vmem>>
    %dma_start3A_66 = tpu.memref_squeeze %dma_start3A_65 : memref<1x128x32xf32, #tpu.memory_space<vmem>> -> memref<128x32xf32, #tpu.memory_space<vmem>>
    %dma_start3A_67 = arith.constant 0 : i32
    %dma_start3A_68 = tpu.memref_slice %arg7[%dma_start3A_61, %dma_start3A_67] : memref<80x128xi32, #tpu.memory_space<vmem>> -> memref<1x128xi32, #tpu.memory_space<vmem>>
    %dma_start3A_69 = tpu.memref_squeeze %dma_start3A_68 : memref<1x128xi32, #tpu.memory_space<vmem>> -> memref<128xi32, #tpu.memory_space<vmem>>
    %dma_start3A_70 = arith.constant 0 : i32
    %dma_start3A_71 = arith.constant 0 : i32
    %dma_start3A_72 = tpu.memref_slice %arg2[%dma_start3A_70, %dma_start3A_71] : memref<10112x32xf32, #tpu.memory_space<hbm>> -> memref<10112x32xf32, #tpu.memory_space<hbm>>
    tpu.enqueue_indirect_dma source(%dma_start3A_72 : memref<10112x32xf32, #tpu.memory_space<hbm>>) target(%dma_start3A_66 : memref<128x32xf32, #tpu.memory_space<vmem>>) offsets(%dma_start3A_69 : memref<128xi32, #tpu.memory_space<vmem>>) semaphore(%arg15 : memref<!tpu.dma_semaphore, #tpu.memory_space<semaphore_mem>>)
    %dma_start3A_73 = arith.constant 4 : i32
    %dma_start3A_74 = arith.constant 4 : i32
    %dma_start3A_75 = arith.constant 0 : i32
    %dma_start3A_76 = arith.constant 0 : i32
    %dma_start3A_77 = tpu.memref_slice %arg9[%dma_start3A_74, %dma_start3A_75, %dma_start3A_76] : memref<8x128x32xf32, #tpu.memory_space<vmem>> -> memref<1x128x32xf32, #tpu.memory_space<vmem>>
    %dma_start3A_78 = tpu.memref_squeeze %dma_start3A_77 : memref<1x128x32xf32, #tpu.memory_space<vmem>> -> memref<128x32xf32, #tpu.memory_space<vmem>>
    %dma_start3A_79 = arith.constant 0 : i32
    %dma_start3A_80 = tpu.memref_slice %arg7[%dma_start3A_73, %dma_start3A_79] : memref<80x128xi32, #tpu.memory_space<vmem>> -> memref<1x128xi32, #tpu.memory_space<vmem>>
    %dma_start3A_81 = tpu.memref_squeeze %dma_start3A_80 : memref<1x128xi32, #tpu.memory_space<vmem>> -> memref<128xi32, #tpu.memory_space<vmem>>
    %dma_start3A_82 = arith.constant 0 : i32
    %dma_start3A_83 = arith.constant 0 : i32
    %dma_start3A_84 = tpu.memref_slice %arg2[%dma_start3A_82, %dma_start3A_83] : memref<10112x32xf32, #tpu.memory_space<hbm>> -> memref<10112x32xf32, #tpu.memory_space<hbm>>
    tpu.enqueue_indirect_dma source(%dma_start3A_84 : memref<10112x32xf32, #tpu.memory_space<hbm>>) target(%dma_start3A_78 : memref<128x32xf32, #tpu.memory_space<vmem>>) offsets(%dma_start3A_81 : memref<128xi32, #tpu.memory_space<vmem>>) semaphore(%arg16 : memref<!tpu.dma_semaphore, #tpu.memory_space<semaphore_mem>>)
    %dma_start3A_85 = arith.constant 5 : i32
    %dma_start3A_86 = arith.constant 5 : i32
    %dma_start3A_87 = arith.constant 0 : i32
    %dma_start3A_88 = arith.constant 0 : i32
    %dma_start3A_89 = tpu.memref_slice %arg9[%dma_start3A_86, %dma_start3A_87, %dma_start3A_88] : memref<8x128x32xf32, #tpu.memory_space<vmem>> -> memref<1x128x32xf32, #tpu.memory_space<vmem>>
    %dma_start3A_90 = tpu.memref_squeeze %dma_start3A_89 : memref<1x128x32xf32, #tpu.memory_space<vmem>> -> memref<128x32xf32, #tpu.memory_space<vmem>>
    %dma_start3A_91 = arith.constant 0 : i32
    %dma_start3A_92 = tpu.memref_slice %arg7[%dma_start3A_85, %dma_start3A_91] : memref<80x128xi32, #tpu.memory_space<vmem>> -> memref<1x128xi32, #tpu.memory_space<vmem>>
    %dma_start3A_93 = tpu.memref_squeeze %dma_start3A_92 : memref<1x128xi32, #tpu.memory_space<vmem>> -> memref<128xi32, #tpu.memory_space<vmem>>
    %dma_start3A_94 = arith.constant 0 : i32
    %dma_start3A_95 = arith.constant 0 : i32
    %dma_start3A_96 = tpu.memref_slice %arg2[%dma_start3A_94, %dma_start3A_95] : memref<10112x32xf32, #tpu.memory_space<hbm>> -> memref<10112x32xf32, #tpu.memory_space<hbm>>
    tpu.enqueue_indirect_dma source(%dma_start3A_96 : memref<10112x32xf32, #tpu.memory_space<hbm>>) target(%dma_start3A_90 : memref<128x32xf32, #tpu.memory_space<vmem>>) offsets(%dma_start3A_93 : memref<128xi32, #tpu.memory_space<vmem>>) semaphore(%arg17 : memref<!tpu.dma_semaphore, #tpu.memory_space<semaphore_mem>>)
    %dma_start3A_97 = arith.constant 6 : i32
    %dma_start3A_98 = arith.constant 6 : i32
    %dma_start3A_99 = arith.constant 0 : i32
    %dma_start3A_100 = arith.constant 0 : i32
    %dma_start3A_101 = tpu.memref_slice %arg9[%dma_start3A_98, %dma_start3A_99, %dma_start3A_100] : memref<8x128x32xf32, #tpu.memory_space<vmem>> -> memref<1x128x32xf32, #tpu.memory_space<vmem>>
    %dma_start3A_102 = tpu.memref_squeeze %dma_start3A_101 : memref<1x128x32xf32, #tpu.memory_space<vmem>> -> memref<128x32xf32, #tpu.memory_space<vmem>>
    %dma_start3A_103 = arith.constant 0 : i32
    %dma_start3A_104 = tpu.memref_slice %arg7[%dma_start3A_97, %dma_start3A_103] : memref<80x128xi32, #tpu.memory_space<vmem>> -> memref<1x128xi32, #tpu.memory_space<vmem>>
    %dma_start3A_105 = tpu.memref_squeeze %dma_start3A_104 : memref<1x128xi32, #tpu.memory_space<vmem>> -> memref<128xi32, #tpu.memory_space<vmem>>
    %dma_start3A_106 = arith.constant 0 : i32
    %dma_start3A_107 = arith.constant 0 : i32
    %dma_start3A_108 = tpu.memref_slice %arg2[%dma_start3A_106, %dma_start3A_107] : memref<10112x32xf32, #tpu.memory_space<hbm>> -> memref<10112x32xf32, #tpu.memory_space<hbm>>
    tpu.enqueue_indirect_dma source(%dma_start3A_108 : memref<10112x32xf32, #tpu.memory_space<hbm>>) target(%dma_start3A_102 : memref<128x32xf32, #tpu.memory_space<vmem>>) offsets(%dma_start3A_105 : memref<128xi32, #tpu.memory_space<vmem>>) semaphore(%arg18 : memref<!tpu.dma_semaphore, #tpu.memory_space<semaphore_mem>>)
    %dma_start3A_109 = arith.constant 7 : i32
    %dma_start3A_110 = arith.constant 7 : i32
    %dma_start3A_111 = arith.constant 0 : i32
    %dma_start3A_112 = arith.constant 0 : i32
    %dma_start3A_113 = tpu.memref_slice %arg9[%dma_start3A_110, %dma_start3A_111, %dma_start3A_112] : memref<8x128x32xf32, #tpu.memory_space<vmem>> -> memref<1x128x32xf32, #tpu.memory_space<vmem>>
    %dma_start3A_114 = tpu.memref_squeeze %dma_start3A_113 : memref<1x128x32xf32, #tpu.memory_space<vmem>> -> memref<128x32xf32, #tpu.memory_space<vmem>>
    %dma_start3A_115 = arith.constant 0 : i32
    %dma_start3A_116 = tpu.memref_slice %arg7[%dma_start3A_109, %dma_start3A_115] : memref<80x128xi32, #tpu.memory_space<vmem>> -> memref<1x128xi32, #tpu.memory_space<vmem>>
    %dma_start3A_117 = tpu.memref_squeeze %dma_start3A_116 : memref<1x128xi32, #tpu.memory_space<vmem>> -> memref<128xi32, #tpu.memory_space<vmem>>
    %dma_start3A_118 = arith.constant 0 : i32
    %dma_start3A_119 = arith.constant 0 : i32
    %dma_start3A_120 = tpu.memref_slice %arg2[%dma_start3A_118, %dma_start3A_119] : memref<10112x32xf32, #tpu.memory_space<hbm>> -> memref<10112x32xf32, #tpu.memory_space<hbm>>
    tpu.enqueue_indirect_dma source(%dma_start3A_120 : memref<10112x32xf32, #tpu.memory_space<hbm>>) target(%dma_start3A_114 : memref<128x32xf32, #tpu.memory_space<vmem>>) offsets(%dma_start3A_117 : memref<128xi32, #tpu.memory_space<vmem>>) semaphore(%arg19 : memref<!tpu.dma_semaphore, #tpu.memory_space<semaphore_mem>>)
    %scan3A_121 = arith.constant 0 : i32
    %scan3A_122 = arith.constant 0 : i32
    %scan3A_123 = arith.constant 10 : i32
    %scan3A_124 = arith.addi %scan3A_122, %scan3A_123 : i32
    %scan3A_125 = arith.constant 1 : i32
    %scan3A_126 = scf.for %scan3A_228 = %scan3A_122 to %scan3A_124 step %scan3A_125 iter_args(%scan3A_229 = %scan3A_121) -> (i32)  : i32 {
      %mul3A_230 = arith.constant 8 : i32
      %mul3A_231 = arith.muli %scan3A_228, %mul3A_230 : i32
      %add3A_232 = arith.constant 0 : i32
      %add3A_233 = arith.addi %mul3A_231, %add3A_232 : i32
      %dma_wait3A_234 = arith.constant 0 : i32
      %dma_wait3A_235 = arith.constant 0 : i32
      %dma_wait3A_236 = arith.constant 0 : i32
      %dma_wait3A_237 = tpu.memref_slice %arg9[%dma_wait3A_234, %dma_wait3A_235, %dma_wait3A_236] : memref<8x128x32xf32, #tpu.memory_space<vmem>> -> memref<1x128x32xf32, #tpu.memory_space<vmem>>
      %dma_wait3A_238 = tpu.memref_squeeze %dma_wait3A_237 : memref<1x128x32xf32, #tpu.memory_space<vmem>> -> memref<128x32xf32, #tpu.memory_space<vmem>>
      %dma_wait3A_239 = arith.constant 0 : i32
      %dma_wait3A_240 = tpu.memref_slice %arg7[%add3A_233, %dma_wait3A_239] : memref<80x128xi32, #tpu.memory_space<vmem>> -> memref<1x128xi32, #tpu.memory_space<vmem>>
      %dma_wait3A_241 = tpu.memref_squeeze %dma_wait3A_240 : memref<1x128xi32, #tpu.memory_space<vmem>> -> memref<128xi32, #tpu.memory_space<vmem>>
      %dma_wait3A_242 = arith.constant 0 : i32
      %dma_wait3A_243 = arith.constant 0 : i32
      %dma_wait3A_244 = tpu.memref_slice %arg2[%dma_wait3A_242, %dma_wait3A_243] : memref<10112x32xf32, #tpu.memory_space<hbm>> -> memref<10112x32xf32, #tpu.memory_space<hbm>>
      tpu.wait_indirect_dma semaphore(%arg12 : memref<!tpu.dma_semaphore, #tpu.memory_space<semaphore_mem>>) src(%dma_wait3A_244 : memref<10112x32xf32, #tpu.memory_space<hbm>>) dst(%dma_wait3A_238 : memref<128x32xf32, #tpu.memory_space<vmem>>)
      %dma_start3A_245 = arith.constant 0 : i32
      %dma_start3A_246 = arith.constant 0 : i32
      %dma_start3A_247 = arith.constant 0 : i32
      %dma_start3A_248 = tpu.memref_slice %arg9[%dma_start3A_245, %dma_start3A_246, %dma_start3A_247] : memref<8x128x32xf32, #tpu.memory_space<vmem>> -> memref<1x128x32xf32, #tpu.memory_space<vmem>>
      %dma_start3A_249 = tpu.memref_squeeze %dma_start3A_248 : memref<1x128x32xf32, #tpu.memory_space<vmem>> -> memref<128x32xf32, #tpu.memory_space<vmem>>
      %dma_start3A_250 = arith.constant 0 : i32
      %dma_start3A_251 = tpu.memref_slice %arg8[%add3A_233, %dma_start3A_250] : memref<80x128xi32, #tpu.memory_space<vmem>> -> memref<1x128xi32, #tpu.memory_space<vmem>>
      %dma_start3A_252 = tpu.memref_squeeze %dma_start3A_251 : memref<1x128xi32, #tpu.memory_space<vmem>> -> memref<128xi32, #tpu.memory_space<vmem>>
      %dma_start3A_253 = arith.constant 0 : i32
      %dma_start3A_254 = arith.constant 0 : i32
      %dma_start3A_255 = tpu.memref_slice %arg11[%dma_start3A_253, %dma_start3A_254] : memref<10112x32xf32, #tpu.memory_space<vmem_shared>> -> memref<10112x32xf32, #tpu.memory_space<vmem_shared>>
      tpu.enqueue_indirect_dma source(%dma_start3A_249 : memref<128x32xf32, #tpu.memory_space<vmem>>) target(%dma_start3A_255 : memref<10112x32xf32, #tpu.memory_space<vmem_shared>>) offsets(%dma_start3A_252 : memref<128xi32, #tpu.memory_space<vmem>>) semaphore(%arg20 : memref<!tpu.dma_semaphore, #tpu.memory_space<semaphore_mem>>) {add = true}
      %add3A_256 = arith.constant 1 : i32
      %add3A_257 = arith.addi %mul3A_231, %add3A_256 : i32
      %dma_wait3A_258 = arith.constant 1 : i32
      %dma_wait3A_259 = arith.constant 0 : i32
      %dma_wait3A_260 = arith.constant 0 : i32
      %dma_wait3A_261 = tpu.memref_slice %arg9[%dma_wait3A_258, %dma_wait3A_259, %dma_wait3A_260] : memref<8x128x32xf32, #tpu.memory_space<vmem>> -> memref<1x128x32xf32, #tpu.memory_space<vmem>>
      %dma_wait3A_262 = tpu.memref_squeeze %dma_wait3A_261 : memref<1x128x32xf32, #tpu.memory_space<vmem>> -> memref<128x32xf32, #tpu.memory_space<vmem>>
      %dma_wait3A_263 = arith.constant 0 : i32
      %dma_wait3A_264 = tpu.memref_slice %arg7[%add3A_257, %dma_wait3A_263] : memref<80x128xi32, #tpu.memory_space<vmem>> -> memref<1x128xi32, #tpu.memory_space<vmem>>
      %dma_wait3A_265 = tpu.memref_squeeze %dma_wait3A_264 : memref<1x128xi32, #tpu.memory_space<vmem>> -> memref<128xi32, #tpu.memory_space<vmem>>
      %dma_wait3A_266 = arith.constant 0 : i32
      %dma_wait3A_267 = arith.constant 0 : i32
      %dma_wait3A_268 = tpu.memref_slice %arg2[%dma_wait3A_266, %dma_wait3A_267] : memref<10112x32xf32, #tpu.memory_space<hbm>> -> memref<10112x32xf32, #tpu.memory_space<hbm>>
      tpu.wait_indirect_dma semaphore(%arg13 : memref<!tpu.dma_semaphore, #tpu.memory_space<semaphore_mem>>) src(%dma_wait3A_268 : memref<10112x32xf32, #tpu.memory_space<hbm>>) dst(%dma_wait3A_262 : memref<128x32xf32, #tpu.memory_space<vmem>>)
      %dma_start3A_269 = arith.constant 1 : i32
      %dma_start3A_270 = arith.constant 0 : i32
      %dma_start3A_271 = arith.constant 0 : i32
      %dma_start3A_272 = tpu.memref_slice %arg9[%dma_start3A_269, %dma_start3A_270, %dma_start3A_271] : memref<8x128x32xf32, #tpu.memory_space<vmem>> -> memref<1x128x32xf32, #tpu.memory_space<vmem>>
      %dma_start3A_273 = tpu.memref_squeeze %dma_start3A_272 : memref<1x128x32xf32, #tpu.memory_space<vmem>> -> memref<128x32xf32, #tpu.memory_space<vmem>>
      %dma_start3A_274 = arith.constant 0 : i32
      %dma_start3A_275 = tpu.memref_slice %arg8[%add3A_257, %dma_start3A_274] : memref<80x128xi32, #tpu.memory_space<vmem>> -> memref<1x128xi32, #tpu.memory_space<vmem>>
      %dma_start3A_276 = tpu.memref_squeeze %dma_start3A_275 : memref<1x128xi32, #tpu.memory_space<vmem>> -> memref<128xi32, #tpu.memory_space<vmem>>
      %dma_start3A_277 = arith.constant 0 : i32
      %dma_start3A_278 = arith.constant 0 : i32
      %dma_start3A_279 = tpu.memref_slice %arg11[%dma_start3A_277, %dma_start3A_278] : memref<10112x32xf32, #tpu.memory_space<vmem_shared>> -> memref<10112x32xf32, #tpu.memory_space<vmem_shared>>
      tpu.enqueue_indirect_dma source(%dma_start3A_273 : memref<128x32xf32, #tpu.memory_space<vmem>>) target(%dma_start3A_279 : memref<10112x32xf32, #tpu.memory_space<vmem_shared>>) offsets(%dma_start3A_276 : memref<128xi32, #tpu.memory_space<vmem>>) semaphore(%arg21 : memref<!tpu.dma_semaphore, #tpu.memory_space<semaphore_mem>>) {add = true}
      %add3A_280 = arith.constant 2 : i32
      %add3A_281 = arith.addi %mul3A_231, %add3A_280 : i32
      %dma_wait3A_282 = arith.constant 2 : i32
      %dma_wait3A_283 = arith.constant 0 : i32
      %dma_wait3A_284 = arith.constant 0 : i32
      %dma_wait3A_285 = tpu.memref_slice %arg9[%dma_wait3A_282, %dma_wait3A_283, %dma_wait3A_284] : memref<8x128x32xf32, #tpu.memory_space<vmem>> -> memref<1x128x32xf32, #tpu.memory_space<vmem>>
      %dma_wait3A_286 = tpu.memref_squeeze %dma_wait3A_285 : memref<1x128x32xf32, #tpu.memory_space<vmem>> -> memref<128x32xf32, #tpu.memory_space<vmem>>
      %dma_wait3A_287 = arith.constant 0 : i32
      %dma_wait3A_288 = tpu.memref_slice %arg7[%add3A_281, %dma_wait3A_287] : memref<80x128xi32, #tpu.memory_space<vmem>> -> memref<1x128xi32, #tpu.memory_space<vmem>>
      %dma_wait3A_289 = tpu.memref_squeeze %dma_wait3A_288 : memref<1x128xi32, #tpu.memory_space<vmem>> -> memref<128xi32, #tpu.memory_space<vmem>>
      %dma_wait3A_290 = arith.constant 0 : i32
      %dma_wait3A_291 = arith.constant 0 : i32
      %dma_wait3A_292 = tpu.memref_slice %arg2[%dma_wait3A_290, %dma_wait3A_291] : memref<10112x32xf32, #tpu.memory_space<hbm>> -> memref<10112x32xf32, #tpu.memory_space<hbm>>
      tpu.wait_indirect_dma semaphore(%arg14 : memref<!tpu.dma_semaphore, #tpu.memory_space<semaphore_mem>>) src(%dma_wait3A_292 : memref<10112x32xf32, #tpu.memory_space<hbm>>) dst(%dma_wait3A_286 : memref<128x32xf32, #tpu.memory_space<vmem>>)
      %dma_start3A_293 = arith.constant 2 : i32
      %dma_start3A_294 = arith.constant 0 : i32
      %dma_start3A_295 = arith.constant 0 : i32
      %dma_start3A_296 = tpu.memref_slice %arg9[%dma_start3A_293, %dma_start3A_294, %dma_start3A_295] : memref<8x128x32xf32, #tpu.memory_space<vmem>> -> memref<1x128x32xf32, #tpu.memory_space<vmem>>
      %dma_start3A_297 = tpu.memref_squeeze %dma_start3A_296 : memref<1x128x32xf32, #tpu.memory_space<vmem>> -> memref<128x32xf32, #tpu.memory_space<vmem>>
      %dma_start3A_298 = arith.constant 0 : i32
      %dma_start3A_299 = tpu.memref_slice %arg8[%add3A_281, %dma_start3A_298] : memref<80x128xi32, #tpu.memory_space<vmem>> -> memref<1x128xi32, #tpu.memory_space<vmem>>
      %dma_start3A_300 = tpu.memref_squeeze %dma_start3A_299 : memref<1x128xi32, #tpu.memory_space<vmem>> -> memref<128xi32, #tpu.memory_space<vmem>>
      %dma_start3A_301 = arith.constant 0 : i32
      %dma_start3A_302 = arith.constant 0 : i32
      %dma_start3A_303 = tpu.memref_slice %arg11[%dma_start3A_301, %dma_start3A_302] : memref<10112x32xf32, #tpu.memory_space<vmem_shared>> -> memref<10112x32xf32, #tpu.memory_space<vmem_shared>>
      tpu.enqueue_indirect_dma source(%dma_start3A_297 : memref<128x32xf32, #tpu.memory_space<vmem>>) target(%dma_start3A_303 : memref<10112x32xf32, #tpu.memory_space<vmem_shared>>) offsets(%dma_start3A_300 : memref<128xi32, #tpu.memory_space<vmem>>) semaphore(%arg22 : memref<!tpu.dma_semaphore, #tpu.memory_space<semaphore_mem>>) {add = true}
      %add3A_304 = arith.constant 3 : i32
      %add3A_305 = arith.addi %mul3A_231, %add3A_304 : i32
      %dma_wait3A_306 = arith.constant 3 : i32
      %dma_wait3A_307 = arith.constant 0 : i32
      %dma_wait3A_308 = arith.constant 0 : i32
      %dma_wait3A_309 = tpu.memref_slice %arg9[%dma_wait3A_306, %dma_wait3A_307, %dma_wait3A_308] : memref<8x128x32xf32, #tpu.memory_space<vmem>> -> memref<1x128x32xf32, #tpu.memory_space<vmem>>
      %dma_wait3A_310 = tpu.memref_squeeze %dma_wait3A_309 : memref<1x128x32xf32, #tpu.memory_space<vmem>> -> memref<128x32xf32, #tpu.memory_space<vmem>>
      %dma_wait3A_311 = arith.constant 0 : i32
      %dma_wait3A_312 = tpu.memref_slice %arg7[%add3A_305, %dma_wait3A_311] : memref<80x128xi32, #tpu.memory_space<vmem>> -> memref<1x128xi32, #tpu.memory_space<vmem>>
      %dma_wait3A_313 = tpu.memref_squeeze %dma_wait3A_312 : memref<1x128xi32, #tpu.memory_space<vmem>> -> memref<128xi32, #tpu.memory_space<vmem>>
      %dma_wait3A_314 = arith.constant 0 : i32
      %dma_wait3A_315 = arith.constant 0 : i32
      %dma_wait3A_316 = tpu.memref_slice %arg2[%dma_wait3A_314, %dma_wait3A_315] : memref<10112x32xf32, #tpu.memory_space<hbm>> -> memref<10112x32xf32, #tpu.memory_space<hbm>>
      tpu.wait_indirect_dma semaphore(%arg15 : memref<!tpu.dma_semaphore, #tpu.memory_space<semaphore_mem>>) src(%dma_wait3A_316 : memref<10112x32xf32, #tpu.memory_space<hbm>>) dst(%dma_wait3A_310 : memref<128x32xf32, #tpu.memory_space<vmem>>)
      %dma_start3A_317 = arith.constant 3 : i32
      %dma_start3A_318 = arith.constant 0 : i32
      %dma_start3A_319 = arith.constant 0 : i32
      %dma_start3A_320 = tpu.memref_slice %arg9[%dma_start3A_317, %dma_start3A_318, %dma_start3A_319] : memref<8x128x32xf32, #tpu.memory_space<vmem>> -> memref<1x128x32xf32, #tpu.memory_space<vmem>>
      %dma_start3A_321 = tpu.memref_squeeze %dma_start3A_320 : memref<1x128x32xf32, #tpu.memory_space<vmem>> -> memref<128x32xf32, #tpu.memory_space<vmem>>
      %dma_start3A_322 = arith.constant 0 : i32
      %dma_start3A_323 = tpu.memref_slice %arg8[%add3A_305, %dma_start3A_322] : memref<80x128xi32, #tpu.memory_space<vmem>> -> memref<1x128xi32, #tpu.memory_space<vmem>>
      %dma_start3A_324 = tpu.memref_squeeze %dma_start3A_323 : memref<1x128xi32, #tpu.memory_space<vmem>> -> memref<128xi32, #tpu.memory_space<vmem>>
      %dma_start3A_325 = arith.constant 0 : i32
      %dma_start3A_326 = arith.constant 0 : i32
      %dma_start3A_327 = tpu.memref_slice %arg11[%dma_start3A_325, %dma_start3A_326] : memref<10112x32xf32, #tpu.memory_space<vmem_shared>> -> memref<10112x32xf32, #tpu.memory_space<vmem_shared>>
      tpu.enqueue_indirect_dma source(%dma_start3A_321 : memref<128x32xf32, #tpu.memory_space<vmem>>) target(%dma_start3A_327 : memref<10112x32xf32, #tpu.memory_space<vmem_shared>>) offsets(%dma_start3A_324 : memref<128xi32, #tpu.memory_space<vmem>>) semaphore(%arg23 : memref<!tpu.dma_semaphore, #tpu.memory_space<semaphore_mem>>) {add = true}
      %add3A_328 = arith.constant 4 : i32
      %add3A_329 = arith.addi %mul3A_231, %add3A_328 : i32
      %dma_wait3A_330 = arith.constant 4 : i32
      %dma_wait3A_331 = arith.constant 0 : i32
      %dma_wait3A_332 = arith.constant 0 : i32
      %dma_wait3A_333 = tpu.memref_slice %arg9[%dma_wait3A_330, %dma_wait3A_331, %dma_wait3A_332] : memref<8x128x32xf32, #tpu.memory_space<vmem>> -> memref<1x128x32xf32, #tpu.memory_space<vmem>>
      %dma_wait3A_334 = tpu.memref_squeeze %dma_wait3A_333 : memref<1x128x32xf32, #tpu.memory_space<vmem>> -> memref<128x32xf32, #tpu.memory_space<vmem>>
      %dma_wait3A_335 = arith.constant 0 : i32
      %dma_wait3A_336 = tpu.memref_slice %arg7[%add3A_329, %dma_wait3A_335] : memref<80x128xi32, #tpu.memory_space<vmem>> -> memref<1x128xi32, #tpu.memory_space<vmem>>
      %dma_wait3A_337 = tpu.memref_squeeze %dma_wait3A_336 : memref<1x128xi32, #tpu.memory_space<vmem>> -> memref<128xi32, #tpu.memory_space<vmem>>
      %dma_wait3A_338 = arith.constant 0 : i32
      %dma_wait3A_339 = arith.constant 0 : i32
      %dma_wait3A_340 = tpu.memref_slice %arg2[%dma_wait3A_338, %dma_wait3A_339] : memref<10112x32xf32, #tpu.memory_space<hbm>> -> memref<10112x32xf32, #tpu.memory_space<hbm>>
      tpu.wait_indirect_dma semaphore(%arg16 : memref<!tpu.dma_semaphore, #tpu.memory_space<semaphore_mem>>) src(%dma_wait3A_340 : memref<10112x32xf32, #tpu.memory_space<hbm>>) dst(%dma_wait3A_334 : memref<128x32xf32, #tpu.memory_space<vmem>>)
      %dma_start3A_341 = arith.constant 4 : i32
      %dma_start3A_342 = arith.constant 0 : i32
      %dma_start3A_343 = arith.constant 0 : i32
      %dma_start3A_344 = tpu.memref_slice %arg9[%dma_start3A_341, %dma_start3A_342, %dma_start3A_343] : memref<8x128x32xf32, #tpu.memory_space<vmem>> -> memref<1x128x32xf32, #tpu.memory_space<vmem>>
      %dma_start3A_345 = tpu.memref_squeeze %dma_start3A_344 : memref<1x128x32xf32, #tpu.memory_space<vmem>> -> memref<128x32xf32, #tpu.memory_space<vmem>>
      %dma_start3A_346 = arith.constant 0 : i32
      %dma_start3A_347 = tpu.memref_slice %arg8[%add3A_329, %dma_start3A_346] : memref<80x128xi32, #tpu.memory_space<vmem>> -> memref<1x128xi32, #tpu.memory_space<vmem>>
      %dma_start3A_348 = tpu.memref_squeeze %dma_start3A_347 : memref<1x128xi32, #tpu.memory_space<vmem>> -> memref<128xi32, #tpu.memory_space<vmem>>
      %dma_start3A_349 = arith.constant 0 : i32
      %dma_start3A_350 = arith.constant 0 : i32
      %dma_start3A_351 = tpu.memref_slice %arg11[%dma_start3A_349, %dma_start3A_350] : memref<10112x32xf32, #tpu.memory_space<vmem_shared>> -> memref<10112x32xf32, #tpu.memory_space<vmem_shared>>
      tpu.enqueue_indirect_dma source(%dma_start3A_345 : memref<128x32xf32, #tpu.memory_space<vmem>>) target(%dma_start3A_351 : memref<10112x32xf32, #tpu.memory_space<vmem_shared>>) offsets(%dma_start3A_348 : memref<128xi32, #tpu.memory_space<vmem>>) semaphore(%arg24 : memref<!tpu.dma_semaphore, #tpu.memory_space<semaphore_mem>>) {add = true}
      %add3A_352 = arith.constant 5 : i32
      %add3A_353 = arith.addi %mul3A_231, %add3A_352 : i32
      %dma_wait3A_354 = arith.constant 5 : i32
      %dma_wait3A_355 = arith.constant 0 : i32
      %dma_wait3A_356 = arith.constant 0 : i32
      %dma_wait3A_357 = tpu.memref_slice %arg9[%dma_wait3A_354, %dma_wait3A_355, %dma_wait3A_356] : memref<8x128x32xf32, #tpu.memory_space<vmem>> -> memref<1x128x32xf32, #tpu.memory_space<vmem>>
      %dma_wait3A_358 = tpu.memref_squeeze %dma_wait3A_357 : memref<1x128x32xf32, #tpu.memory_space<vmem>> -> memref<128x32xf32, #tpu.memory_space<vmem>>
      %dma_wait3A_359 = arith.constant 0 : i32
      %dma_wait3A_360 = tpu.memref_slice %arg7[%add3A_353, %dma_wait3A_359] : memref<80x128xi32, #tpu.memory_space<vmem>> -> memref<1x128xi32, #tpu.memory_space<vmem>>
      %dma_wait3A_361 = tpu.memref_squeeze %dma_wait3A_360 : memref<1x128xi32, #tpu.memory_space<vmem>> -> memref<128xi32, #tpu.memory_space<vmem>>
      %dma_wait3A_362 = arith.constant 0 : i32
      %dma_wait3A_363 = arith.constant 0 : i32
      %dma_wait3A_364 = tpu.memref_slice %arg2[%dma_wait3A_362, %dma_wait3A_363] : memref<10112x32xf32, #tpu.memory_space<hbm>> -> memref<10112x32xf32, #tpu.memory_space<hbm>>
      tpu.wait_indirect_dma semaphore(%arg17 : memref<!tpu.dma_semaphore, #tpu.memory_space<semaphore_mem>>) src(%dma_wait3A_364 : memref<10112x32xf32, #tpu.memory_space<hbm>>) dst(%dma_wait3A_358 : memref<128x32xf32, #tpu.memory_space<vmem>>)
      %dma_start3A_365 = arith.constant 5 : i32
      %dma_start3A_366 = arith.constant 0 : i32
      %dma_start3A_367 = arith.constant 0 : i32
      %dma_start3A_368 = tpu.memref_slice %arg9[%dma_start3A_365, %dma_start3A_366, %dma_start3A_367] : memref<8x128x32xf32, #tpu.memory_space<vmem>> -> memref<1x128x32xf32, #tpu.memory_space<vmem>>
      %dma_start3A_369 = tpu.memref_squeeze %dma_start3A_368 : memref<1x128x32xf32, #tpu.memory_space<vmem>> -> memref<128x32xf32, #tpu.memory_space<vmem>>
      %dma_start3A_370 = arith.constant 0 : i32
      %dma_start3A_371 = tpu.memref_slice %arg8[%add3A_353, %dma_start3A_370] : memref<80x128xi32, #tpu.memory_space<vmem>> -> memref<1x128xi32, #tpu.memory_space<vmem>>
      %dma_start3A_372 = tpu.memref_squeeze %dma_start3A_371 : memref<1x128xi32, #tpu.memory_space<vmem>> -> memref<128xi32, #tpu.memory_space<vmem>>
      %dma_start3A_373 = arith.constant 0 : i32
      %dma_start3A_374 = arith.constant 0 : i32
      %dma_start3A_375 = tpu.memref_slice %arg11[%dma_start3A_373, %dma_start3A_374] : memref<10112x32xf32, #tpu.memory_space<vmem_shared>> -> memref<10112x32xf32, #tpu.memory_space<vmem_shared>>
      tpu.enqueue_indirect_dma source(%dma_start3A_369 : memref<128x32xf32, #tpu.memory_space<vmem>>) target(%dma_start3A_375 : memref<10112x32xf32, #tpu.memory_space<vmem_shared>>) offsets(%dma_start3A_372 : memref<128xi32, #tpu.memory_space<vmem>>) semaphore(%arg25 : memref<!tpu.dma_semaphore, #tpu.memory_space<semaphore_mem>>) {add = true}
      %add3A_376 = arith.constant 6 : i32
      %add3A_377 = arith.addi %mul3A_231, %add3A_376 : i32
      %dma_wait3A_378 = arith.constant 6 : i32
      %dma_wait3A_379 = arith.constant 0 : i32
      %dma_wait3A_380 = arith.constant 0 : i32
      %dma_wait3A_381 = tpu.memref_slice %arg9[%dma_wait3A_378, %dma_wait3A_379, %dma_wait3A_380] : memref<8x128x32xf32, #tpu.memory_space<vmem>> -> memref<1x128x32xf32, #tpu.memory_space<vmem>>
      %dma_wait3A_382 = tpu.memref_squeeze %dma_wait3A_381 : memref<1x128x32xf32, #tpu.memory_space<vmem>> -> memref<128x32xf32, #tpu.memory_space<vmem>>
      %dma_wait3A_383 = arith.constant 0 : i32
      %dma_wait3A_384 = tpu.memref_slice %arg7[%add3A_377, %dma_wait3A_383] : memref<80x128xi32, #tpu.memory_space<vmem>> -> memref<1x128xi32, #tpu.memory_space<vmem>>
      %dma_wait3A_385 = tpu.memref_squeeze %dma_wait3A_384 : memref<1x128xi32, #tpu.memory_space<vmem>> -> memref<128xi32, #tpu.memory_space<vmem>>
      %dma_wait3A_386 = arith.constant 0 : i32
      %dma_wait3A_387 = arith.constant 0 : i32
      %dma_wait3A_388 = tpu.memref_slice %arg2[%dma_wait3A_386, %dma_wait3A_387] : memref<10112x32xf32, #tpu.memory_space<hbm>> -> memref<10112x32xf32, #tpu.memory_space<hbm>>
      tpu.wait_indirect_dma semaphore(%arg18 : memref<!tpu.dma_semaphore, #tpu.memory_space<semaphore_mem>>) src(%dma_wait3A_388 : memref<10112x32xf32, #tpu.memory_space<hbm>>) dst(%dma_wait3A_382 : memref<128x32xf32, #tpu.memory_space<vmem>>)
      %dma_start3A_389 = arith.constant 6 : i32
      %dma_start3A_390 = arith.constant 0 : i32
      %dma_start3A_391 = arith.constant 0 : i32
      %dma_start3A_392 = tpu.memref_slice %arg9[%dma_start3A_389, %dma_start3A_390, %dma_start3A_391] : memref<8x128x32xf32, #tpu.memory_space<vmem>> -> memref<1x128x32xf32, #tpu.memory_space<vmem>>
      %dma_start3A_393 = tpu.memref_squeeze %dma_start3A_392 : memref<1x128x32xf32, #tpu.memory_space<vmem>> -> memref<128x32xf32, #tpu.memory_space<vmem>>
      %dma_start3A_394 = arith.constant 0 : i32
      %dma_start3A_395 = tpu.memref_slice %arg8[%add3A_377, %dma_start3A_394] : memref<80x128xi32, #tpu.memory_space<vmem>> -> memref<1x128xi32, #tpu.memory_space<vmem>>
      %dma_start3A_396 = tpu.memref_squeeze %dma_start3A_395 : memref<1x128xi32, #tpu.memory_space<vmem>> -> memref<128xi32, #tpu.memory_space<vmem>>
      %dma_start3A_397 = arith.constant 0 : i32
      %dma_start3A_398 = arith.constant 0 : i32
      %dma_start3A_399 = tpu.memref_slice %arg11[%dma_start3A_397, %dma_start3A_398] : memref<10112x32xf32, #tpu.memory_space<vmem_shared>> -> memref<10112x32xf32, #tpu.memory_space<vmem_shared>>
      tpu.enqueue_indirect_dma source(%dma_start3A_393 : memref<128x32xf32, #tpu.memory_space<vmem>>) target(%dma_start3A_399 : memref<10112x32xf32, #tpu.memory_space<vmem_shared>>) offsets(%dma_start3A_396 : memref<128xi32, #tpu.memory_space<vmem>>) semaphore(%arg26 : memref<!tpu.dma_semaphore, #tpu.memory_space<semaphore_mem>>) {add = true}
      %add3A_400 = arith.constant 7 : i32
      %add3A_401 = arith.addi %mul3A_231, %add3A_400 : i32
      %dma_wait3A_402 = arith.constant 7 : i32
      %dma_wait3A_403 = arith.constant 0 : i32
      %dma_wait3A_404 = arith.constant 0 : i32
      %dma_wait3A_405 = tpu.memref_slice %arg9[%dma_wait3A_402, %dma_wait3A_403, %dma_wait3A_404] : memref<8x128x32xf32, #tpu.memory_space<vmem>> -> memref<1x128x32xf32, #tpu.memory_space<vmem>>
      %dma_wait3A_406 = tpu.memref_squeeze %dma_wait3A_405 : memref<1x128x32xf32, #tpu.memory_space<vmem>> -> memref<128x32xf32, #tpu.memory_space<vmem>>
      %dma_wait3A_407 = arith.constant 0 : i32
      %dma_wait3A_408 = tpu.memref_slice %arg7[%add3A_401, %dma_wait3A_407] : memref<80x128xi32, #tpu.memory_space<vmem>> -> memref<1x128xi32, #tpu.memory_space<vmem>>
      %dma_wait3A_409 = tpu.memref_squeeze %dma_wait3A_408 : memref<1x128xi32, #tpu.memory_space<vmem>> -> memref<128xi32, #tpu.memory_space<vmem>>
      %dma_wait3A_410 = arith.constant 0 : i32
      %dma_wait3A_411 = arith.constant 0 : i32
      %dma_wait3A_412 = tpu.memref_slice %arg2[%dma_wait3A_410, %dma_wait3A_411] : memref<10112x32xf32, #tpu.memory_space<hbm>> -> memref<10112x32xf32, #tpu.memory_space<hbm>>
      tpu.wait_indirect_dma semaphore(%arg19 : memref<!tpu.dma_semaphore, #tpu.memory_space<semaphore_mem>>) src(%dma_wait3A_412 : memref<10112x32xf32, #tpu.memory_space<hbm>>) dst(%dma_wait3A_406 : memref<128x32xf32, #tpu.memory_space<vmem>>)
      %dma_start3A_413 = arith.constant 7 : i32
      %dma_start3A_414 = arith.constant 0 : i32
      %dma_start3A_415 = arith.constant 0 : i32
      %dma_start3A_416 = tpu.memref_slice %arg9[%dma_start3A_413, %dma_start3A_414, %dma_start3A_415] : memref<8x128x32xf32, #tpu.memory_space<vmem>> -> memref<1x128x32xf32, #tpu.memory_space<vmem>>
      %dma_start3A_417 = tpu.memref_squeeze %dma_start3A_416 : memref<1x128x32xf32, #tpu.memory_space<vmem>> -> memref<128x32xf32, #tpu.memory_space<vmem>>
      %dma_start3A_418 = arith.constant 0 : i32
      %dma_start3A_419 = tpu.memref_slice %arg8[%add3A_401, %dma_start3A_418] : memref<80x128xi32, #tpu.memory_space<vmem>> -> memref<1x128xi32, #tpu.memory_space<vmem>>
      %dma_start3A_420 = tpu.memref_squeeze %dma_start3A_419 : memref<1x128xi32, #tpu.memory_space<vmem>> -> memref<128xi32, #tpu.memory_space<vmem>>
      %dma_start3A_421 = arith.constant 0 : i32
      %dma_start3A_422 = arith.constant 0 : i32
      %dma_start3A_423 = tpu.memref_slice %arg11[%dma_start3A_421, %dma_start3A_422] : memref<10112x32xf32, #tpu.memory_space<vmem_shared>> -> memref<10112x32xf32, #tpu.memory_space<vmem_shared>>
      tpu.enqueue_indirect_dma source(%dma_start3A_417 : memref<128x32xf32, #tpu.memory_space<vmem>>) target(%dma_start3A_423 : memref<10112x32xf32, #tpu.memory_space<vmem_shared>>) offsets(%dma_start3A_420 : memref<128xi32, #tpu.memory_space<vmem>>) semaphore(%arg27 : memref<!tpu.dma_semaphore, #tpu.memory_space<semaphore_mem>>) {add = true}
      %add3A_424 = arith.constant 8 : i32
      %add3A_425 = arith.addi %mul3A_231, %add3A_424 : i32
      %add3A_426 = arith.constant 0 : i32
      %add3A_427 = arith.addi %add3A_425, %add3A_426 : i32
      %lt3A_428 = arith.constant 80 : i32
      %lt3A_429 = arith.cmpi slt, %add3A_427, %lt3A_428 : i32
      %convert_element_type3A_430 = arith.extui %lt3A_429 : i1 to i32
      %cond3A_431 = arith.constant 0 : i32
      %cond3A_432 = arith.cmpi ne, %convert_element_type3A_430, %cond3A_431 : i32
      scf.if %cond3A_432 {
        %add3A_497 = arith.constant 0 : i32
        %add3A_498 = arith.addi %mul3A_231, %add3A_497 : i32
        %dma_wait3A_499 = arith.constant 0 : i32
        %dma_wait3A_500 = arith.constant 0 : i32
        %dma_wait3A_501 = arith.constant 0 : i32
        %dma_wait3A_502 = tpu.memref_slice %arg9[%dma_wait3A_499, %dma_wait3A_500, %dma_wait3A_501] : memref<8x128x32xf32, #tpu.memory_space<vmem>> -> memref<1x128x32xf32, #tpu.memory_space<vmem>>
        %dma_wait3A_503 = tpu.memref_squeeze %dma_wait3A_502 : memref<1x128x32xf32, #tpu.memory_space<vmem>> -> memref<128x32xf32, #tpu.memory_space<vmem>>
        %dma_wait3A_504 = arith.constant 0 : i32
        %dma_wait3A_505 = tpu.memref_slice %arg8[%add3A_498, %dma_wait3A_504] : memref<80x128xi32, #tpu.memory_space<vmem>> -> memref<1x128xi32, #tpu.memory_space<vmem>>
        %dma_wait3A_506 = tpu.memref_squeeze %dma_wait3A_505 : memref<1x128xi32, #tpu.memory_space<vmem>> -> memref<128xi32, #tpu.memory_space<vmem>>
        %dma_wait3A_507 = arith.constant 0 : i32
        %dma_wait3A_508 = arith.constant 0 : i32
        %dma_wait3A_509 = tpu.memref_slice %arg11[%dma_wait3A_507, %dma_wait3A_508] : memref<10112x32xf32, #tpu.memory_space<vmem_shared>> -> memref<10112x32xf32, #tpu.memory_space<vmem_shared>>
        tpu.wait_indirect_dma semaphore(%arg20 : memref<!tpu.dma_semaphore, #tpu.memory_space<semaphore_mem>>) src(%dma_wait3A_503 : memref<128x32xf32, #tpu.memory_space<vmem>>) dst(%dma_wait3A_509 : memref<10112x32xf32, #tpu.memory_space<vmem_shared>>)
        %dma_start3A_510 = arith.constant 0 : i32
        %dma_start3A_511 = arith.constant 0 : i32
        %dma_start3A_512 = arith.constant 0 : i32
        %dma_start3A_513 = tpu.memref_slice %arg9[%dma_start3A_510, %dma_start3A_511, %dma_start3A_512] : memref<8x128x32xf32, #tpu.memory_space<vmem>> -> memref<1x128x32xf32, #tpu.memory_space<vmem>>
        %dma_start3A_514 = tpu.memref_squeeze %dma_start3A_513 : memref<1x128x32xf32, #tpu.memory_space<vmem>> -> memref<128x32xf32, #tpu.memory_space<vmem>>
        %dma_start3A_515 = arith.constant 0 : i32
        %dma_start3A_516 = tpu.memref_slice %arg7[%add3A_427, %dma_start3A_515] : memref<80x128xi32, #tpu.memory_space<vmem>> -> memref<1x128xi32, #tpu.memory_space<vmem>>
        %dma_start3A_517 = tpu.memref_squeeze %dma_start3A_516 : memref<1x128xi32, #tpu.memory_space<vmem>> -> memref<128xi32, #tpu.memory_space<vmem>>
        %dma_start3A_518 = arith.constant 0 : i32
        %dma_start3A_519 = arith.constant 0 : i32
        %dma_start3A_520 = tpu.memref_slice %arg2[%dma_start3A_518, %dma_start3A_519] : memref<10112x32xf32, #tpu.memory_space<hbm>> -> memref<10112x32xf32, #tpu.memory_space<hbm>>
        tpu.enqueue_indirect_dma source(%dma_start3A_520 : memref<10112x32xf32, #tpu.memory_space<hbm>>) target(%dma_start3A_514 : memref<128x32xf32, #tpu.memory_space<vmem>>) offsets(%dma_start3A_517 : memref<128xi32, #tpu.memory_space<vmem>>) semaphore(%arg12 : memref<!tpu.dma_semaphore, #tpu.memory_space<semaphore_mem>>)
      } else {
      }
      %add3A_433 = arith.constant 8 : i32
      %add3A_434 = arith.addi %mul3A_231, %add3A_433 : i32
      %add3A_435 = arith.constant 1 : i32
      %add3A_436 = arith.addi %add3A_434, %add3A_435 : i32
      %lt3A_437 = arith.constant 80 : i32
      %lt3A_438 = arith.cmpi slt, %add3A_436, %lt3A_437 : i32
      %convert_element_type3A_439 = arith.extui %lt3A_438 : i1 to i32
      %cond3A_440 = arith.constant 0 : i32
      %cond3A_441 = arith.cmpi ne, %convert_element_type3A_439, %cond3A_440 : i32
      scf.if %cond3A_441 {
        %add3A_497 = arith.constant 1 : i32
        %add3A_498 = arith.addi %mul3A_231, %add3A_497 : i32
        %dma_wait3A_499 = arith.constant 1 : i32
        %dma_wait3A_500 = arith.constant 0 : i32
        %dma_wait3A_501 = arith.constant 0 : i32
        %dma_wait3A_502 = tpu.memref_slice %arg9[%dma_wait3A_499, %dma_wait3A_500, %dma_wait3A_501] : memref<8x128x32xf32, #tpu.memory_space<vmem>> -> memref<1x128x32xf32, #tpu.memory_space<vmem>>
        %dma_wait3A_503 = tpu.memref_squeeze %dma_wait3A_502 : memref<1x128x32xf32, #tpu.memory_space<vmem>> -> memref<128x32xf32, #tpu.memory_space<vmem>>
        %dma_wait3A_504 = arith.constant 0 : i32
        %dma_wait3A_505 = tpu.memref_slice %arg8[%add3A_498, %dma_wait3A_504] : memref<80x128xi32, #tpu.memory_space<vmem>> -> memref<1x128xi32, #tpu.memory_space<vmem>>
        %dma_wait3A_506 = tpu.memref_squeeze %dma_wait3A_505 : memref<1x128xi32, #tpu.memory_space<vmem>> -> memref<128xi32, #tpu.memory_space<vmem>>
        %dma_wait3A_507 = arith.constant 0 : i32
        %dma_wait3A_508 = arith.constant 0 : i32
        %dma_wait3A_509 = tpu.memref_slice %arg11[%dma_wait3A_507, %dma_wait3A_508] : memref<10112x32xf32, #tpu.memory_space<vmem_shared>> -> memref<10112x32xf32, #tpu.memory_space<vmem_shared>>
        tpu.wait_indirect_dma semaphore(%arg21 : memref<!tpu.dma_semaphore, #tpu.memory_space<semaphore_mem>>) src(%dma_wait3A_503 : memref<128x32xf32, #tpu.memory_space<vmem>>) dst(%dma_wait3A_509 : memref<10112x32xf32, #tpu.memory_space<vmem_shared>>)
        %dma_start3A_510 = arith.constant 1 : i32
        %dma_start3A_511 = arith.constant 0 : i32
        %dma_start3A_512 = arith.constant 0 : i32
        %dma_start3A_513 = tpu.memref_slice %arg9[%dma_start3A_510, %dma_start3A_511, %dma_start3A_512] : memref<8x128x32xf32, #tpu.memory_space<vmem>> -> memref<1x128x32xf32, #tpu.memory_space<vmem>>
        %dma_start3A_514 = tpu.memref_squeeze %dma_start3A_513 : memref<1x128x32xf32, #tpu.memory_space<vmem>> -> memref<128x32xf32, #tpu.memory_space<vmem>>
        %dma_start3A_515 = arith.constant 0 : i32
        %dma_start3A_516 = tpu.memref_slice %arg7[%add3A_436, %dma_start3A_515] : memref<80x128xi32, #tpu.memory_space<vmem>> -> memref<1x128xi32, #tpu.memory_space<vmem>>
        %dma_start3A_517 = tpu.memref_squeeze %dma_start3A_516 : memref<1x128xi32, #tpu.memory_space<vmem>> -> memref<128xi32, #tpu.memory_space<vmem>>
        %dma_start3A_518 = arith.constant 0 : i32
        %dma_start3A_519 = arith.constant 0 : i32
        %dma_start3A_520 = tpu.memref_slice %arg2[%dma_start3A_518, %dma_start3A_519] : memref<10112x32xf32, #tpu.memory_space<hbm>> -> memref<10112x32xf32, #tpu.memory_space<hbm>>
        tpu.enqueue_indirect_dma source(%dma_start3A_520 : memref<10112x32xf32, #tpu.memory_space<hbm>>) target(%dma_start3A_514 : memref<128x32xf32, #tpu.memory_space<vmem>>) offsets(%dma_start3A_517 : memref<128xi32, #tpu.memory_space<vmem>>) semaphore(%arg13 : memref<!tpu.dma_semaphore, #tpu.memory_space<semaphore_mem>>)
      } else {
      }
      %add3A_442 = arith.constant 8 : i32
      %add3A_443 = arith.addi %mul3A_231, %add3A_442 : i32
      %add3A_444 = arith.constant 2 : i32
      %add3A_445 = arith.addi %add3A_443, %add3A_444 : i32
      %lt3A_446 = arith.constant 80 : i32
      %lt3A_447 = arith.cmpi slt, %add3A_445, %lt3A_446 : i32
      %convert_element_type3A_448 = arith.extui %lt3A_447 : i1 to i32
      %cond3A_449 = arith.constant 0 : i32
      %cond3A_450 = arith.cmpi ne, %convert_element_type3A_448, %cond3A_449 : i32
      scf.if %cond3A_450 {
        %add3A_497 = arith.constant 2 : i32
        %add3A_498 = arith.addi %mul3A_231, %add3A_497 : i32
        %dma_wait3A_499 = arith.constant 2 : i32
        %dma_wait3A_500 = arith.constant 0 : i32
        %dma_wait3A_501 = arith.constant 0 : i32
        %dma_wait3A_502 = tpu.memref_slice %arg9[%dma_wait3A_499, %dma_wait3A_500, %dma_wait3A_501] : memref<8x128x32xf32, #tpu.memory_space<vmem>> -> memref<1x128x32xf32, #tpu.memory_space<vmem>>
        %dma_wait3A_503 = tpu.memref_squeeze %dma_wait3A_502 : memref<1x128x32xf32, #tpu.memory_space<vmem>> -> memref<128x32xf32, #tpu.memory_space<vmem>>
        %dma_wait3A_504 = arith.constant 0 : i32
        %dma_wait3A_505 = tpu.memref_slice %arg8[%add3A_498, %dma_wait3A_504] : memref<80x128xi32, #tpu.memory_space<vmem>> -> memref<1x128xi32, #tpu.memory_space<vmem>>
        %dma_wait3A_506 = tpu.memref_squeeze %dma_wait3A_505 : memref<1x128xi32, #tpu.memory_space<vmem>> -> memref<128xi32, #tpu.memory_space<vmem>>
        %dma_wait3A_507 = arith.constant 0 : i32
        %dma_wait3A_508 = arith.constant 0 : i32
        %dma_wait3A_509 = tpu.memref_slice %arg11[%dma_wait3A_507, %dma_wait3A_508] : memref<10112x32xf32, #tpu.memory_space<vmem_shared>> -> memref<10112x32xf32, #tpu.memory_space<vmem_shared>>
        tpu.wait_indirect_dma semaphore(%arg22 : memref<!tpu.dma_semaphore, #tpu.memory_space<semaphore_mem>>) src(%dma_wait3A_503 : memref<128x32xf32, #tpu.memory_space<vmem>>) dst(%dma_wait3A_509 : memref<10112x32xf32, #tpu.memory_space<vmem_shared>>)
        %dma_start3A_510 = arith.constant 2 : i32
        %dma_start3A_511 = arith.constant 0 : i32
        %dma_start3A_512 = arith.constant 0 : i32
        %dma_start3A_513 = tpu.memref_slice %arg9[%dma_start3A_510, %dma_start3A_511, %dma_start3A_512] : memref<8x128x32xf32, #tpu.memory_space<vmem>> -> memref<1x128x32xf32, #tpu.memory_space<vmem>>
        %dma_start3A_514 = tpu.memref_squeeze %dma_start3A_513 : memref<1x128x32xf32, #tpu.memory_space<vmem>> -> memref<128x32xf32, #tpu.memory_space<vmem>>
        %dma_start3A_515 = arith.constant 0 : i32
        %dma_start3A_516 = tpu.memref_slice %arg7[%add3A_445, %dma_start3A_515] : memref<80x128xi32, #tpu.memory_space<vmem>> -> memref<1x128xi32, #tpu.memory_space<vmem>>
        %dma_start3A_517 = tpu.memref_squeeze %dma_start3A_516 : memref<1x128xi32, #tpu.memory_space<vmem>> -> memref<128xi32, #tpu.memory_space<vmem>>
        %dma_start3A_518 = arith.constant 0 : i32
        %dma_start3A_519 = arith.constant 0 : i32
        %dma_start3A_520 = tpu.memref_slice %arg2[%dma_start3A_518, %dma_start3A_519] : memref<10112x32xf32, #tpu.memory_space<hbm>> -> memref<10112x32xf32, #tpu.memory_space<hbm>>
        tpu.enqueue_indirect_dma source(%dma_start3A_520 : memref<10112x32xf32, #tpu.memory_space<hbm>>) target(%dma_start3A_514 : memref<128x32xf32, #tpu.memory_space<vmem>>) offsets(%dma_start3A_517 : memref<128xi32, #tpu.memory_space<vmem>>) semaphore(%arg14 : memref<!tpu.dma_semaphore, #tpu.memory_space<semaphore_mem>>)
      } else {
      }
      %add3A_451 = arith.constant 8 : i32
      %add3A_452 = arith.addi %mul3A_231, %add3A_451 : i32
      %add3A_453 = arith.constant 3 : i32
      %add3A_454 = arith.addi %add3A_452, %add3A_453 : i32
      %lt3A_455 = arith.constant 80 : i32
      %lt3A_456 = arith.cmpi slt, %add3A_454, %lt3A_455 : i32
      %convert_element_type3A_457 = arith.extui %lt3A_456 : i1 to i32
      %cond3A_458 = arith.constant 0 : i32
      %cond3A_459 = arith.cmpi ne, %convert_element_type3A_457, %cond3A_458 : i32
      scf.if %cond3A_459 {
        %add3A_497 = arith.constant 3 : i32
        %add3A_498 = arith.addi %mul3A_231, %add3A_497 : i32
        %dma_wait3A_499 = arith.constant 3 : i32
        %dma_wait3A_500 = arith.constant 0 : i32
        %dma_wait3A_501 = arith.constant 0 : i32
        %dma_wait3A_502 = tpu.memref_slice %arg9[%dma_wait3A_499, %dma_wait3A_500, %dma_wait3A_501] : memref<8x128x32xf32, #tpu.memory_space<vmem>> -> memref<1x128x32xf32, #tpu.memory_space<vmem>>
        %dma_wait3A_503 = tpu.memref_squeeze %dma_wait3A_502 : memref<1x128x32xf32, #tpu.memory_space<vmem>> -> memref<128x32xf32, #tpu.memory_space<vmem>>
        %dma_wait3A_504 = arith.constant 0 : i32
        %dma_wait3A_505 = tpu.memref_slice %arg8[%add3A_498, %dma_wait3A_504] : memref<80x128xi32, #tpu.memory_space<vmem>> -> memref<1x128xi32, #tpu.memory_space<vmem>>
        %dma_wait3A_506 = tpu.memref_squeeze %dma_wait3A_505 : memref<1x128xi32, #tpu.memory_space<vmem>> -> memref<128xi32, #tpu.memory_space<vmem>>
        %dma_wait3A_507 = arith.constant 0 : i32
        %dma_wait3A_508 = arith.constant 0 : i32
        %dma_wait3A_509 = tpu.memref_slice %arg11[%dma_wait3A_507, %dma_wait3A_508] : memref<10112x32xf32, #tpu.memory_space<vmem_shared>> -> memref<10112x32xf32, #tpu.memory_space<vmem_shared>>
        tpu.wait_indirect_dma semaphore(%arg23 : memref<!tpu.dma_semaphore, #tpu.memory_space<semaphore_mem>>) src(%dma_wait3A_503 : memref<128x32xf32, #tpu.memory_space<vmem>>) dst(%dma_wait3A_509 : memref<10112x32xf32, #tpu.memory_space<vmem_shared>>)
        %dma_start3A_510 = arith.constant 3 : i32
        %dma_start3A_511 = arith.constant 0 : i32
        %dma_start3A_512 = arith.constant 0 : i32
        %dma_start3A_513 = tpu.memref_slice %arg9[%dma_start3A_510, %dma_start3A_511, %dma_start3A_512] : memref<8x128x32xf32, #tpu.memory_space<vmem>> -> memref<1x128x32xf32, #tpu.memory_space<vmem>>
        %dma_start3A_514 = tpu.memref_squeeze %dma_start3A_513 : memref<1x128x32xf32, #tpu.memory_space<vmem>> -> memref<128x32xf32, #tpu.memory_space<vmem>>
        %dma_start3A_515 = arith.constant 0 : i32
        %dma_start3A_516 = tpu.memref_slice %arg7[%add3A_454, %dma_start3A_515] : memref<80x128xi32, #tpu.memory_space<vmem>> -> memref<1x128xi32, #tpu.memory_space<vmem>>
        %dma_start3A_517 = tpu.memref_squeeze %dma_start3A_516 : memref<1x128xi32, #tpu.memory_space<vmem>> -> memref<128xi32, #tpu.memory_space<vmem>>
        %dma_start3A_518 = arith.constant 0 : i32
        %dma_start3A_519 = arith.constant 0 : i32
        %dma_start3A_520 = tpu.memref_slice %arg2[%dma_start3A_518, %dma_start3A_519] : memref<10112x32xf32, #tpu.memory_space<hbm>> -> memref<10112x32xf32, #tpu.memory_space<hbm>>
        tpu.enqueue_indirect_dma source(%dma_start3A_520 : memref<10112x32xf32, #tpu.memory_space<hbm>>) target(%dma_start3A_514 : memref<128x32xf32, #tpu.memory_space<vmem>>) offsets(%dma_start3A_517 : memref<128xi32, #tpu.memory_space<vmem>>) semaphore(%arg15 : memref<!tpu.dma_semaphore, #tpu.memory_space<semaphore_mem>>)
      } else {
      }
      %add3A_460 = arith.constant 8 : i32
      %add3A_461 = arith.addi %mul3A_231, %add3A_460 : i32
      %add3A_462 = arith.constant 4 : i32
      %add3A_463 = arith.addi %add3A_461, %add3A_462 : i32
      %lt3A_464 = arith.constant 80 : i32
      %lt3A_465 = arith.cmpi slt, %add3A_463, %lt3A_464 : i32
      %convert_element_type3A_466 = arith.extui %lt3A_465 : i1 to i32
      %cond3A_467 = arith.constant 0 : i32
      %cond3A_468 = arith.cmpi ne, %convert_element_type3A_466, %cond3A_467 : i32
      scf.if %cond3A_468 {
        %add3A_497 = arith.constant 4 : i32
        %add3A_498 = arith.addi %mul3A_231, %add3A_497 : i32
        %dma_wait3A_499 = arith.constant 4 : i32
        %dma_wait3A_500 = arith.constant 0 : i32
        %dma_wait3A_501 = arith.constant 0 : i32
        %dma_wait3A_502 = tpu.memref_slice %arg9[%dma_wait3A_499, %dma_wait3A_500, %dma_wait3A_501] : memref<8x128x32xf32, #tpu.memory_space<vmem>> -> memref<1x128x32xf32, #tpu.memory_space<vmem>>
        %dma_wait3A_503 = tpu.memref_squeeze %dma_wait3A_502 : memref<1x128x32xf32, #tpu.memory_space<vmem>> -> memref<128x32xf32, #tpu.memory_space<vmem>>
        %dma_wait3A_504 = arith.constant 0 : i32
        %dma_wait3A_505 = tpu.memref_slice %arg8[%add3A_498, %dma_wait3A_504] : memref<80x128xi32, #tpu.memory_space<vmem>> -> memref<1x128xi32, #tpu.memory_space<vmem>>
        %dma_wait3A_506 = tpu.memref_squeeze %dma_wait3A_505 : memref<1x128xi32, #tpu.memory_space<vmem>> -> memref<128xi32, #tpu.memory_space<vmem>>
        %dma_wait3A_507 = arith.constant 0 : i32
        %dma_wait3A_508 = arith.constant 0 : i32
        %dma_wait3A_509 = tpu.memref_slice %arg11[%dma_wait3A_507, %dma_wait3A_508] : memref<10112x32xf32, #tpu.memory_space<vmem_shared>> -> memref<10112x32xf32, #tpu.memory_space<vmem_shared>>
        tpu.wait_indirect_dma semaphore(%arg24 : memref<!tpu.dma_semaphore, #tpu.memory_space<semaphore_mem>>) src(%dma_wait3A_503 : memref<128x32xf32, #tpu.memory_space<vmem>>) dst(%dma_wait3A_509 : memref<10112x32xf32, #tpu.memory_space<vmem_shared>>)
        %dma_start3A_510 = arith.constant 4 : i32
        %dma_start3A_511 = arith.constant 0 : i32
        %dma_start3A_512 = arith.constant 0 : i32
        %dma_start3A_513 = tpu.memref_slice %arg9[%dma_start3A_510, %dma_start3A_511, %dma_start3A_512] : memref<8x128x32xf32, #tpu.memory_space<vmem>> -> memref<1x128x32xf32, #tpu.memory_space<vmem>>
        %dma_start3A_514 = tpu.memref_squeeze %dma_start3A_513 : memref<1x128x32xf32, #tpu.memory_space<vmem>> -> memref<128x32xf32, #tpu.memory_space<vmem>>
        %dma_start3A_515 = arith.constant 0 : i32
        %dma_start3A_516 = tpu.memref_slice %arg7[%add3A_463, %dma_start3A_515] : memref<80x128xi32, #tpu.memory_space<vmem>> -> memref<1x128xi32, #tpu.memory_space<vmem>>
        %dma_start3A_517 = tpu.memref_squeeze %dma_start3A_516 : memref<1x128xi32, #tpu.memory_space<vmem>> -> memref<128xi32, #tpu.memory_space<vmem>>
        %dma_start3A_518 = arith.constant 0 : i32
        %dma_start3A_519 = arith.constant 0 : i32
        %dma_start3A_520 = tpu.memref_slice %arg2[%dma_start3A_518, %dma_start3A_519] : memref<10112x32xf32, #tpu.memory_space<hbm>> -> memref<10112x32xf32, #tpu.memory_space<hbm>>
        tpu.enqueue_indirect_dma source(%dma_start3A_520 : memref<10112x32xf32, #tpu.memory_space<hbm>>) target(%dma_start3A_514 : memref<128x32xf32, #tpu.memory_space<vmem>>) offsets(%dma_start3A_517 : memref<128xi32, #tpu.memory_space<vmem>>) semaphore(%arg16 : memref<!tpu.dma_semaphore, #tpu.memory_space<semaphore_mem>>)
      } else {
      }
      %add3A_469 = arith.constant 8 : i32
      %add3A_470 = arith.addi %mul3A_231, %add3A_469 : i32
      %add3A_471 = arith.constant 5 : i32
      %add3A_472 = arith.addi %add3A_470, %add3A_471 : i32
      %lt3A_473 = arith.constant 80 : i32
      %lt3A_474 = arith.cmpi slt, %add3A_472, %lt3A_473 : i32
      %convert_element_type3A_475 = arith.extui %lt3A_474 : i1 to i32
      %cond3A_476 = arith.constant 0 : i32
      %cond3A_477 = arith.cmpi ne, %convert_element_type3A_475, %cond3A_476 : i32
      scf.if %cond3A_477 {
        %add3A_497 = arith.constant 5 : i32
        %add3A_498 = arith.addi %mul3A_231, %add3A_497 : i32
        %dma_wait3A_499 = arith.constant 5 : i32
        %dma_wait3A_500 = arith.constant 0 : i32
        %dma_wait3A_501 = arith.constant 0 : i32
        %dma_wait3A_502 = tpu.memref_slice %arg9[%dma_wait3A_499, %dma_wait3A_500, %dma_wait3A_501] : memref<8x128x32xf32, #tpu.memory_space<vmem>> -> memref<1x128x32xf32, #tpu.memory_space<vmem>>
        %dma_wait3A_503 = tpu.memref_squeeze %dma_wait3A_502 : memref<1x128x32xf32, #tpu.memory_space<vmem>> -> memref<128x32xf32, #tpu.memory_space<vmem>>
        %dma_wait3A_504 = arith.constant 0 : i32
        %dma_wait3A_505 = tpu.memref_slice %arg8[%add3A_498, %dma_wait3A_504] : memref<80x128xi32, #tpu.memory_space<vmem>> -> memref<1x128xi32, #tpu.memory_space<vmem>>
        %dma_wait3A_506 = tpu.memref_squeeze %dma_wait3A_505 : memref<1x128xi32, #tpu.memory_space<vmem>> -> memref<128xi32, #tpu.memory_space<vmem>>
        %dma_wait3A_507 = arith.constant 0 : i32
        %dma_wait3A_508 = arith.constant 0 : i32
        %dma_wait3A_509 = tpu.memref_slice %arg11[%dma_wait3A_507, %dma_wait3A_508] : memref<10112x32xf32, #tpu.memory_space<vmem_shared>> -> memref<10112x32xf32, #tpu.memory_space<vmem_shared>>
        tpu.wait_indirect_dma semaphore(%arg25 : memref<!tpu.dma_semaphore, #tpu.memory_space<semaphore_mem>>) src(%dma_wait3A_503 : memref<128x32xf32, #tpu.memory_space<vmem>>) dst(%dma_wait3A_509 : memref<10112x32xf32, #tpu.memory_space<vmem_shared>>)
        %dma_start3A_510 = arith.constant 5 : i32
        %dma_start3A_511 = arith.constant 0 : i32
        %dma_start3A_512 = arith.constant 0 : i32
        %dma_start3A_513 = tpu.memref_slice %arg9[%dma_start3A_510, %dma_start3A_511, %dma_start3A_512] : memref<8x128x32xf32, #tpu.memory_space<vmem>> -> memref<1x128x32xf32, #tpu.memory_space<vmem>>
        %dma_start3A_514 = tpu.memref_squeeze %dma_start3A_513 : memref<1x128x32xf32, #tpu.memory_space<vmem>> -> memref<128x32xf32, #tpu.memory_space<vmem>>
        %dma_start3A_515 = arith.constant 0 : i32
        %dma_start3A_516 = tpu.memref_slice %arg7[%add3A_472, %dma_start3A_515] : memref<80x128xi32, #tpu.memory_space<vmem>> -> memref<1x128xi32, #tpu.memory_space<vmem>>
        %dma_start3A_517 = tpu.memref_squeeze %dma_start3A_516 : memref<1x128xi32, #tpu.memory_space<vmem>> -> memref<128xi32, #tpu.memory_space<vmem>>
        %dma_start3A_518 = arith.constant 0 : i32
        %dma_start3A_519 = arith.constant 0 : i32
        %dma_start3A_520 = tpu.memref_slice %arg2[%dma_start3A_518, %dma_start3A_519] : memref<10112x32xf32, #tpu.memory_space<hbm>> -> memref<10112x32xf32, #tpu.memory_space<hbm>>
        tpu.enqueue_indirect_dma source(%dma_start3A_520 : memref<10112x32xf32, #tpu.memory_space<hbm>>) target(%dma_start3A_514 : memref<128x32xf32, #tpu.memory_space<vmem>>) offsets(%dma_start3A_517 : memref<128xi32, #tpu.memory_space<vmem>>) semaphore(%arg17 : memref<!tpu.dma_semaphore, #tpu.memory_space<semaphore_mem>>)
      } else {
      }
      %add3A_478 = arith.constant 8 : i32
      %add3A_479 = arith.addi %mul3A_231, %add3A_478 : i32
      %add3A_480 = arith.constant 6 : i32
      %add3A_481 = arith.addi %add3A_479, %add3A_480 : i32
      %lt3A_482 = arith.constant 80 : i32
      %lt3A_483 = arith.cmpi slt, %add3A_481, %lt3A_482 : i32
      %convert_element_type3A_484 = arith.extui %lt3A_483 : i1 to i32
      %cond3A_485 = arith.constant 0 : i32
      %cond3A_486 = arith.cmpi ne, %convert_element_type3A_484, %cond3A_485 : i32
      scf.if %cond3A_486 {
        %add3A_497 = arith.constant 6 : i32
        %add3A_498 = arith.addi %mul3A_231, %add3A_497 : i32
        %dma_wait3A_499 = arith.constant 6 : i32
        %dma_wait3A_500 = arith.constant 0 : i32
        %dma_wait3A_501 = arith.constant 0 : i32
        %dma_wait3A_502 = tpu.memref_slice %arg9[%dma_wait3A_499, %dma_wait3A_500, %dma_wait3A_501] : memref<8x128x32xf32, #tpu.memory_space<vmem>> -> memref<1x128x32xf32, #tpu.memory_space<vmem>>
        %dma_wait3A_503 = tpu.memref_squeeze %dma_wait3A_502 : memref<1x128x32xf32, #tpu.memory_space<vmem>> -> memref<128x32xf32, #tpu.memory_space<vmem>>
        %dma_wait3A_504 = arith.constant 0 : i32
        %dma_wait3A_505 = tpu.memref_slice %arg8[%add3A_498, %dma_wait3A_504] : memref<80x128xi32, #tpu.memory_space<vmem>> -> memref<1x128xi32, #tpu.memory_space<vmem>>
        %dma_wait3A_506 = tpu.memref_squeeze %dma_wait3A_505 : memref<1x128xi32, #tpu.memory_space<vmem>> -> memref<128xi32, #tpu.memory_space<vmem>>
        %dma_wait3A_507 = arith.constant 0 : i32
        %dma_wait3A_508 = arith.constant 0 : i32
        %dma_wait3A_509 = tpu.memref_slice %arg11[%dma_wait3A_507, %dma_wait3A_508] : memref<10112x32xf32, #tpu.memory_space<vmem_shared>> -> memref<10112x32xf32, #tpu.memory_space<vmem_shared>>
        tpu.wait_indirect_dma semaphore(%arg26 : memref<!tpu.dma_semaphore, #tpu.memory_space<semaphore_mem>>) src(%dma_wait3A_503 : memref<128x32xf32, #tpu.memory_space<vmem>>) dst(%dma_wait3A_509 : memref<10112x32xf32, #tpu.memory_space<vmem_shared>>)
        %dma_start3A_510 = arith.constant 6 : i32
        %dma_start3A_511 = arith.constant 0 : i32
        %dma_start3A_512 = arith.constant 0 : i32
        %dma_start3A_513 = tpu.memref_slice %arg9[%dma_start3A_510, %dma_start3A_511, %dma_start3A_512] : memref<8x128x32xf32, #tpu.memory_space<vmem>> -> memref<1x128x32xf32, #tpu.memory_space<vmem>>
        %dma_start3A_514 = tpu.memref_squeeze %dma_start3A_513 : memref<1x128x32xf32, #tpu.memory_space<vmem>> -> memref<128x32xf32, #tpu.memory_space<vmem>>
        %dma_start3A_515 = arith.constant 0 : i32
        %dma_start3A_516 = tpu.memref_slice %arg7[%add3A_481, %dma_start3A_515] : memref<80x128xi32, #tpu.memory_space<vmem>> -> memref<1x128xi32, #tpu.memory_space<vmem>>
        %dma_start3A_517 = tpu.memref_squeeze %dma_start3A_516 : memref<1x128xi32, #tpu.memory_space<vmem>> -> memref<128xi32, #tpu.memory_space<vmem>>
        %dma_start3A_518 = arith.constant 0 : i32
        %dma_start3A_519 = arith.constant 0 : i32
        %dma_start3A_520 = tpu.memref_slice %arg2[%dma_start3A_518, %dma_start3A_519] : memref<10112x32xf32, #tpu.memory_space<hbm>> -> memref<10112x32xf32, #tpu.memory_space<hbm>>
        tpu.enqueue_indirect_dma source(%dma_start3A_520 : memref<10112x32xf32, #tpu.memory_space<hbm>>) target(%dma_start3A_514 : memref<128x32xf32, #tpu.memory_space<vmem>>) offsets(%dma_start3A_517 : memref<128xi32, #tpu.memory_space<vmem>>) semaphore(%arg18 : memref<!tpu.dma_semaphore, #tpu.memory_space<semaphore_mem>>)
      } else {
      }
      %add3A_487 = arith.constant 8 : i32
      %add3A_488 = arith.addi %mul3A_231, %add3A_487 : i32
      %add3A_489 = arith.constant 7 : i32
      %add3A_490 = arith.addi %add3A_488, %add3A_489 : i32
      %lt3A_491 = arith.constant 80 : i32
      %lt3A_492 = arith.cmpi slt, %add3A_490, %lt3A_491 : i32
      %convert_element_type3A_493 = arith.extui %lt3A_492 : i1 to i32
      %cond3A_494 = arith.constant 0 : i32
      %cond3A_495 = arith.cmpi ne, %convert_element_type3A_493, %cond3A_494 : i32
      scf.if %cond3A_495 {
        %add3A_497 = arith.constant 7 : i32
        %add3A_498 = arith.addi %mul3A_231, %add3A_497 : i32
        %dma_wait3A_499 = arith.constant 7 : i32
        %dma_wait3A_500 = arith.constant 0 : i32
        %dma_wait3A_501 = arith.constant 0 : i32
        %dma_wait3A_502 = tpu.memref_slice %arg9[%dma_wait3A_499, %dma_wait3A_500, %dma_wait3A_501] : memref<8x128x32xf32, #tpu.memory_space<vmem>> -> memref<1x128x32xf32, #tpu.memory_space<vmem>>
        %dma_wait3A_503 = tpu.memref_squeeze %dma_wait3A_502 : memref<1x128x32xf32, #tpu.memory_space<vmem>> -> memref<128x32xf32, #tpu.memory_space<vmem>>
        %dma_wait3A_504 = arith.constant 0 : i32
        %dma_wait3A_505 = tpu.memref_slice %arg8[%add3A_498, %dma_wait3A_504] : memref<80x128xi32, #tpu.memory_space<vmem>> -> memref<1x128xi32, #tpu.memory_space<vmem>>
        %dma_wait3A_506 = tpu.memref_squeeze %dma_wait3A_505 : memref<1x128xi32, #tpu.memory_space<vmem>> -> memref<128xi32, #tpu.memory_space<vmem>>
        %dma_wait3A_507 = arith.constant 0 : i32
        %dma_wait3A_508 = arith.constant 0 : i32
        %dma_wait3A_509 = tpu.memref_slice %arg11[%dma_wait3A_507, %dma_wait3A_508] : memref<10112x32xf32, #tpu.memory_space<vmem_shared>> -> memref<10112x32xf32, #tpu.memory_space<vmem_shared>>
        tpu.wait_indirect_dma semaphore(%arg27 : memref<!tpu.dma_semaphore, #tpu.memory_space<semaphore_mem>>) src(%dma_wait3A_503 : memref<128x32xf32, #tpu.memory_space<vmem>>) dst(%dma_wait3A_509 : memref<10112x32xf32, #tpu.memory_space<vmem_shared>>)
        %dma_start3A_510 = arith.constant 7 : i32
        %dma_start3A_511 = arith.constant 0 : i32
        %dma_start3A_512 = arith.constant 0 : i32
        %dma_start3A_513 = tpu.memref_slice %arg9[%dma_start3A_510, %dma_start3A_511, %dma_start3A_512] : memref<8x128x32xf32, #tpu.memory_space<vmem>> -> memref<1x128x32xf32, #tpu.memory_space<vmem>>
        %dma_start3A_514 = tpu.memref_squeeze %dma_start3A_513 : memref<1x128x32xf32, #tpu.memory_space<vmem>> -> memref<128x32xf32, #tpu.memory_space<vmem>>
        %dma_start3A_515 = arith.constant 0 : i32
        %dma_start3A_516 = tpu.memref_slice %arg7[%add3A_490, %dma_start3A_515] : memref<80x128xi32, #tpu.memory_space<vmem>> -> memref<1x128xi32, #tpu.memory_space<vmem>>
        %dma_start3A_517 = tpu.memref_squeeze %dma_start3A_516 : memref<1x128xi32, #tpu.memory_space<vmem>> -> memref<128xi32, #tpu.memory_space<vmem>>
        %dma_start3A_518 = arith.constant 0 : i32
        %dma_start3A_519 = arith.constant 0 : i32
        %dma_start3A_520 = tpu.memref_slice %arg2[%dma_start3A_518, %dma_start3A_519] : memref<10112x32xf32, #tpu.memory_space<hbm>> -> memref<10112x32xf32, #tpu.memory_space<hbm>>
        tpu.enqueue_indirect_dma source(%dma_start3A_520 : memref<10112x32xf32, #tpu.memory_space<hbm>>) target(%dma_start3A_514 : memref<128x32xf32, #tpu.memory_space<vmem>>) offsets(%dma_start3A_517 : memref<128xi32, #tpu.memory_space<vmem>>) semaphore(%arg19 : memref<!tpu.dma_semaphore, #tpu.memory_space<semaphore_mem>>)
      } else {
      }
      %scan3A_496 = arith.constant 0 : i32
      scf.yield %scan3A_496 : i32
    }
    %scan3A_127 = arith.constant 10 : i32
    %dma_wait3A = arith.constant 0 : i32
    %dma_wait3A_128 = arith.constant 72 : i32
    %dma_wait3A_129 = arith.constant 0 : i32
    %dma_wait3A_130 = arith.constant 0 : i32
    %dma_wait3A_131 = tpu.memref_slice %arg9[%dma_wait3A, %dma_wait3A_129, %dma_wait3A_130] : memref<8x128x32xf32, #tpu.memory_space<vmem>> -> memref<1x128x32xf32, #tpu.memory_space<vmem>>
    %dma_wait3A_132 = tpu.memref_squeeze %dma_wait3A_131 : memref<1x128x32xf32, #tpu.memory_space<vmem>> -> memref<128x32xf32, #tpu.memory_space<vmem>>
    %dma_wait3A_133 = arith.constant 0 : i32
    %dma_wait3A_134 = tpu.memref_slice %arg8[%dma_wait3A_128, %dma_wait3A_133] : memref<80x128xi32, #tpu.memory_space<vmem>> -> memref<1x128xi32, #tpu.memory_space<vmem>>
    %dma_wait3A_135 = tpu.memref_squeeze %dma_wait3A_134 : memref<1x128xi32, #tpu.memory_space<vmem>> -> memref<128xi32, #tpu.memory_space<vmem>>
    %dma_wait3A_136 = arith.constant 0 : i32
    %dma_wait3A_137 = arith.constant 0 : i32
    %dma_wait3A_138 = tpu.memref_slice %arg11[%dma_wait3A_136, %dma_wait3A_137] : memref<10112x32xf32, #tpu.memory_space<vmem_shared>> -> memref<10112x32xf32, #tpu.memory_space<vmem_shared>>
    tpu.wait_indirect_dma semaphore(%arg20 : memref<!tpu.dma_semaphore, #tpu.memory_space<semaphore_mem>>) src(%dma_wait3A_132 : memref<128x32xf32, #tpu.memory_space<vmem>>) dst(%dma_wait3A_138 : memref<10112x32xf32, #tpu.memory_space<vmem_shared>>)
    %dma_wait3A_139 = arith.constant 1 : i32
    %dma_wait3A_140 = arith.constant 73 : i32
    %dma_wait3A_141 = arith.constant 0 : i32
    %dma_wait3A_142 = arith.constant 0 : i32
    %dma_wait3A_143 = tpu.memref_slice %arg9[%dma_wait3A_139, %dma_wait3A_141, %dma_wait3A_142] : memref<8x128x32xf32, #tpu.memory_space<vmem>> -> memref<1x128x32xf32, #tpu.memory_space<vmem>>
    %dma_wait3A_144 = tpu.memref_squeeze %dma_wait3A_143 : memref<1x128x32xf32, #tpu.memory_space<vmem>> -> memref<128x32xf32, #tpu.memory_space<vmem>>
    %dma_wait3A_145 = arith.constant 0 : i32
    %dma_wait3A_146 = tpu.memref_slice %arg8[%dma_wait3A_140, %dma_wait3A_145] : memref<80x128xi32, #tpu.memory_space<vmem>> -> memref<1x128xi32, #tpu.memory_space<vmem>>
    %dma_wait3A_147 = tpu.memref_squeeze %dma_wait3A_146 : memref<1x128xi32, #tpu.memory_space<vmem>> -> memref<128xi32, #tpu.memory_space<vmem>>
    %dma_wait3A_148 = arith.constant 0 : i32
    %dma_wait3A_149 = arith.constant 0 : i32
    %dma_wait3A_150 = tpu.memref_slice %arg11[%dma_wait3A_148, %dma_wait3A_149] : memref<10112x32xf32, #tpu.memory_space<vmem_shared>> -> memref<10112x32xf32, #tpu.memory_space<vmem_shared>>
    tpu.wait_indirect_dma semaphore(%arg21 : memref<!tpu.dma_semaphore, #tpu.memory_space<semaphore_mem>>) src(%dma_wait3A_144 : memref<128x32xf32, #tpu.memory_space<vmem>>) dst(%dma_wait3A_150 : memref<10112x32xf32, #tpu.memory_space<vmem_shared>>)
    %dma_wait3A_151 = arith.constant 2 : i32
    %dma_wait3A_152 = arith.constant 74 : i32
    %dma_wait3A_153 = arith.constant 0 : i32
    %dma_wait3A_154 = arith.constant 0 : i32
    %dma_wait3A_155 = tpu.memref_slice %arg9[%dma_wait3A_151, %dma_wait3A_153, %dma_wait3A_154] : memref<8x128x32xf32, #tpu.memory_space<vmem>> -> memref<1x128x32xf32, #tpu.memory_space<vmem>>
    %dma_wait3A_156 = tpu.memref_squeeze %dma_wait3A_155 : memref<1x128x32xf32, #tpu.memory_space<vmem>> -> memref<128x32xf32, #tpu.memory_space<vmem>>
    %dma_wait3A_157 = arith.constant 0 : i32
    %dma_wait3A_158 = tpu.memref_slice %arg8[%dma_wait3A_152, %dma_wait3A_157] : memref<80x128xi32, #tpu.memory_space<vmem>> -> memref<1x128xi32, #tpu.memory_space<vmem>>
    %dma_wait3A_159 = tpu.memref_squeeze %dma_wait3A_158 : memref<1x128xi32, #tpu.memory_space<vmem>> -> memref<128xi32, #tpu.memory_space<vmem>>
    %dma_wait3A_160 = arith.constant 0 : i32
    %dma_wait3A_161 = arith.constant 0 : i32
    %dma_wait3A_162 = tpu.memref_slice %arg11[%dma_wait3A_160, %dma_wait3A_161] : memref<10112x32xf32, #tpu.memory_space<vmem_shared>> -> memref<10112x32xf32, #tpu.memory_space<vmem_shared>>
    tpu.wait_indirect_dma semaphore(%arg22 : memref<!tpu.dma_semaphore, #tpu.memory_space<semaphore_mem>>) src(%dma_wait3A_156 : memref<128x32xf32, #tpu.memory_space<vmem>>) dst(%dma_wait3A_162 : memref<10112x32xf32, #tpu.memory_space<vmem_shared>>)
    %dma_wait3A_163 = arith.constant 3 : i32
    %dma_wait3A_164 = arith.constant 75 : i32
    %dma_wait3A_165 = arith.constant 0 : i32
    %dma_wait3A_166 = arith.constant 0 : i32
    %dma_wait3A_167 = tpu.memref_slice %arg9[%dma_wait3A_163, %dma_wait3A_165, %dma_wait3A_166] : memref<8x128x32xf32, #tpu.memory_space<vmem>> -> memref<1x128x32xf32, #tpu.memory_space<vmem>>
    %dma_wait3A_168 = tpu.memref_squeeze %dma_wait3A_167 : memref<1x128x32xf32, #tpu.memory_space<vmem>> -> memref<128x32xf32, #tpu.memory_space<vmem>>
    %dma_wait3A_169 = arith.constant 0 : i32
    %dma_wait3A_170 = tpu.memref_slice %arg8[%dma_wait3A_164, %dma_wait3A_169] : memref<80x128xi32, #tpu.memory_space<vmem>> -> memref<1x128xi32, #tpu.memory_space<vmem>>
    %dma_wait3A_171 = tpu.memref_squeeze %dma_wait3A_170 : memref<1x128xi32, #tpu.memory_space<vmem>> -> memref<128xi32, #tpu.memory_space<vmem>>
    %dma_wait3A_172 = arith.constant 0 : i32
    %dma_wait3A_173 = arith.constant 0 : i32
    %dma_wait3A_174 = tpu.memref_slice %arg11[%dma_wait3A_172, %dma_wait3A_173] : memref<10112x32xf32, #tpu.memory_space<vmem_shared>> -> memref<10112x32xf32, #tpu.memory_space<vmem_shared>>
    tpu.wait_indirect_dma semaphore(%arg23 : memref<!tpu.dma_semaphore, #tpu.memory_space<semaphore_mem>>) src(%dma_wait3A_168 : memref<128x32xf32, #tpu.memory_space<vmem>>) dst(%dma_wait3A_174 : memref<10112x32xf32, #tpu.memory_space<vmem_shared>>)
    %dma_wait3A_175 = arith.constant 4 : i32
    %dma_wait3A_176 = arith.constant 76 : i32
    %dma_wait3A_177 = arith.constant 0 : i32
    %dma_wait3A_178 = arith.constant 0 : i32
    %dma_wait3A_179 = tpu.memref_slice %arg9[%dma_wait3A_175, %dma_wait3A_177, %dma_wait3A_178] : memref<8x128x32xf32, #tpu.memory_space<vmem>> -> memref<1x128x32xf32, #tpu.memory_space<vmem>>
    %dma_wait3A_180 = tpu.memref_squeeze %dma_wait3A_179 : memref<1x128x32xf32, #tpu.memory_space<vmem>> -> memref<128x32xf32, #tpu.memory_space<vmem>>
    %dma_wait3A_181 = arith.constant 0 : i32
    %dma_wait3A_182 = tpu.memref_slice %arg8[%dma_wait3A_176, %dma_wait3A_181] : memref<80x128xi32, #tpu.memory_space<vmem>> -> memref<1x128xi32, #tpu.memory_space<vmem>>
    %dma_wait3A_183 = tpu.memref_squeeze %dma_wait3A_182 : memref<1x128xi32, #tpu.memory_space<vmem>> -> memref<128xi32, #tpu.memory_space<vmem>>
    %dma_wait3A_184 = arith.constant 0 : i32
    %dma_wait3A_185 = arith.constant 0 : i32
    %dma_wait3A_186 = tpu.memref_slice %arg11[%dma_wait3A_184, %dma_wait3A_185] : memref<10112x32xf32, #tpu.memory_space<vmem_shared>> -> memref<10112x32xf32, #tpu.memory_space<vmem_shared>>
    tpu.wait_indirect_dma semaphore(%arg24 : memref<!tpu.dma_semaphore, #tpu.memory_space<semaphore_mem>>) src(%dma_wait3A_180 : memref<128x32xf32, #tpu.memory_space<vmem>>) dst(%dma_wait3A_186 : memref<10112x32xf32, #tpu.memory_space<vmem_shared>>)
    %dma_wait3A_187 = arith.constant 5 : i32
    %dma_wait3A_188 = arith.constant 77 : i32
    %dma_wait3A_189 = arith.constant 0 : i32
    %dma_wait3A_190 = arith.constant 0 : i32
    %dma_wait3A_191 = tpu.memref_slice %arg9[%dma_wait3A_187, %dma_wait3A_189, %dma_wait3A_190] : memref<8x128x32xf32, #tpu.memory_space<vmem>> -> memref<1x128x32xf32, #tpu.memory_space<vmem>>
    %dma_wait3A_192 = tpu.memref_squeeze %dma_wait3A_191 : memref<1x128x32xf32, #tpu.memory_space<vmem>> -> memref<128x32xf32, #tpu.memory_space<vmem>>
    %dma_wait3A_193 = arith.constant 0 : i32
    %dma_wait3A_194 = tpu.memref_slice %arg8[%dma_wait3A_188, %dma_wait3A_193] : memref<80x128xi32, #tpu.memory_space<vmem>> -> memref<1x128xi32, #tpu.memory_space<vmem>>
    %dma_wait3A_195 = tpu.memref_squeeze %dma_wait3A_194 : memref<1x128xi32, #tpu.memory_space<vmem>> -> memref<128xi32, #tpu.memory_space<vmem>>
    %dma_wait3A_196 = arith.constant 0 : i32
    %dma_wait3A_197 = arith.constant 0 : i32
    %dma_wait3A_198 = tpu.memref_slice %arg11[%dma_wait3A_196, %dma_wait3A_197] : memref<10112x32xf32, #tpu.memory_space<vmem_shared>> -> memref<10112x32xf32, #tpu.memory_space<vmem_shared>>
    tpu.wait_indirect_dma semaphore(%arg25 : memref<!tpu.dma_semaphore, #tpu.memory_space<semaphore_mem>>) src(%dma_wait3A_192 : memref<128x32xf32, #tpu.memory_space<vmem>>) dst(%dma_wait3A_198 : memref<10112x32xf32, #tpu.memory_space<vmem_shared>>)
    %dma_wait3A_199 = arith.constant 6 : i32
    %dma_wait3A_200 = arith.constant 78 : i32
    %dma_wait3A_201 = arith.constant 0 : i32
    %dma_wait3A_202 = arith.constant 0 : i32
    %dma_wait3A_203 = tpu.memref_slice %arg9[%dma_wait3A_199, %dma_wait3A_201, %dma_wait3A_202] : memref<8x128x32xf32, #tpu.memory_space<vmem>> -> memref<1x128x32xf32, #tpu.memory_space<vmem>>
    %dma_wait3A_204 = tpu.memref_squeeze %dma_wait3A_203 : memref<1x128x32xf32, #tpu.memory_space<vmem>> -> memref<128x32xf32, #tpu.memory_space<vmem>>
    %dma_wait3A_205 = arith.constant 0 : i32
    %dma_wait3A_206 = tpu.memref_slice %arg8[%dma_wait3A_200, %dma_wait3A_205] : memref<80x128xi32, #tpu.memory_space<vmem>> -> memref<1x128xi32, #tpu.memory_space<vmem>>
    %dma_wait3A_207 = tpu.memref_squeeze %dma_wait3A_206 : memref<1x128xi32, #tpu.memory_space<vmem>> -> memref<128xi32, #tpu.memory_space<vmem>>
    %dma_wait3A_208 = arith.constant 0 : i32
    %dma_wait3A_209 = arith.constant 0 : i32
    %dma_wait3A_210 = tpu.memref_slice %arg11[%dma_wait3A_208, %dma_wait3A_209] : memref<10112x32xf32, #tpu.memory_space<vmem_shared>> -> memref<10112x32xf32, #tpu.memory_space<vmem_shared>>
    tpu.wait_indirect_dma semaphore(%arg26 : memref<!tpu.dma_semaphore, #tpu.memory_space<semaphore_mem>>) src(%dma_wait3A_204 : memref<128x32xf32, #tpu.memory_space<vmem>>) dst(%dma_wait3A_210 : memref<10112x32xf32, #tpu.memory_space<vmem_shared>>)
    %dma_wait3A_211 = arith.constant 7 : i32
    %dma_wait3A_212 = arith.constant 79 : i32
    %dma_wait3A_213 = arith.constant 0 : i32
    %dma_wait3A_214 = arith.constant 0 : i32
    %dma_wait3A_215 = tpu.memref_slice %arg9[%dma_wait3A_211, %dma_wait3A_213, %dma_wait3A_214] : memref<8x128x32xf32, #tpu.memory_space<vmem>> -> memref<1x128x32xf32, #tpu.memory_space<vmem>>
    %dma_wait3A_216 = tpu.memref_squeeze %dma_wait3A_215 : memref<1x128x32xf32, #tpu.memory_space<vmem>> -> memref<128x32xf32, #tpu.memory_space<vmem>>
    %dma_wait3A_217 = arith.constant 0 : i32
    %dma_wait3A_218 = tpu.memref_slice %arg8[%dma_wait3A_212, %dma_wait3A_217] : memref<80x128xi32, #tpu.memory_space<vmem>> -> memref<1x128xi32, #tpu.memory_space<vmem>>
    %dma_wait3A_219 = tpu.memref_squeeze %dma_wait3A_218 : memref<1x128xi32, #tpu.memory_space<vmem>> -> memref<128xi32, #tpu.memory_space<vmem>>
    %dma_wait3A_220 = arith.constant 0 : i32
    %dma_wait3A_221 = arith.constant 0 : i32
    %dma_wait3A_222 = tpu.memref_slice %arg11[%dma_wait3A_220, %dma_wait3A_221] : memref<10112x32xf32, #tpu.memory_space<vmem_shared>> -> memref<10112x32xf32, #tpu.memory_space<vmem_shared>>
    tpu.wait_indirect_dma semaphore(%arg27 : memref<!tpu.dma_semaphore, #tpu.memory_space<semaphore_mem>>) src(%dma_wait3A_216 : memref<128x32xf32, #tpu.memory_space<vmem>>) dst(%dma_wait3A_222 : memref<10112x32xf32, #tpu.memory_space<vmem_shared>>)
    %barrier3A_223 = arith.constant 0 : index
    tpu.barrier barrier_id(%barrier3A_223)
    %mul3A_224 = arith.constant 632 : i32
    %mul3A_225 = arith.muli %arg1, %mul3A_224 : i32
    "tpu.region"() ({
      %run_scoped3A = tpu.sem_alloc : memref<!tpu.dma_semaphore, #tpu.memory_space<semaphore_mem>>
      %dma_start3A_228 = arith.constant 0 : i32
      %dma_start3A_229 = tpu.memref_slice %arg11[%mul3A_225, %dma_start3A_228] : memref<10112x32xf32, #tpu.memory_space<vmem_shared>> -> memref<632x32xf32, #tpu.memory_space<vmem_shared>>
      %dma_start3A_230 = arith.constant 0 : i32
      %dma_start3A_231 = tpu.memref_slice %arg11[%mul3A_225, %dma_start3A_230] : memref<10112x32xf32, #tpu.memory_space<vmem_shared>> -> memref<632x32xf32, #tpu.memory_space<vmem_shared>>
      tpu.enqueue_dma source(%dma_start3A_231 : memref<632x32xf32, #tpu.memory_space<vmem_shared>>) target(%arg10 : memref<632x32xf32, #tpu.memory_space<vmem>>) target_semaphore(%run_scoped3A : memref<!tpu.dma_semaphore, #tpu.memory_space<semaphore_mem>>)
      %dma_wait3A_232 = arith.constant 0 : i32
      %dma_wait3A_233 = tpu.memref_slice %arg11[%mul3A_225, %dma_wait3A_232] : memref<10112x32xf32, #tpu.memory_space<vmem_shared>> -> memref<632x32xf32, #tpu.memory_space<vmem_shared>>
      %dma_wait3A_234 = arith.constant 0 : i32
      %dma_wait3A_235 = tpu.memref_slice %arg11[%mul3A_225, %dma_wait3A_234] : memref<10112x32xf32, #tpu.memory_space<vmem_shared>> -> memref<632x32xf32, #tpu.memory_space<vmem_shared>>
      tpu.wait_dma2 semaphore(%run_scoped3A : memref<!tpu.dma_semaphore, #tpu.memory_space<semaphore_mem>>) src(%dma_wait3A_235 : memref<632x32xf32, #tpu.memory_space<vmem_shared>>) dst(%arg10 : memref<632x32xf32, #tpu.memory_space<vmem>>)
      tpu.yield
    }) : () -> ()
    %mul3A_226 = arith.constant 632 : i32
    %mul3A_227 = arith.muli %arg1, %mul3A_226 : i32
    "tpu.region"() ({
      %run_scoped3A = tpu.sem_alloc : memref<!tpu.dma_semaphore, #tpu.memory_space<semaphore_mem>>
      %dma_start3A_228 = arith.constant 0 : i32
      %dma_start3A_229 = tpu.memref_slice %arg6[%arg0, %mul3A_227, %dma_start3A_228] : memref<2x10112x32xf32, #tpu.memory_space<hbm>> -> memref<1x632x32xf32, #tpu.memory_space<hbm>>
      %dma_start3A_230 = tpu.memref_squeeze %dma_start3A_229 : memref<1x632x32xf32, #tpu.memory_space<hbm>> -> memref<632x32xf32, #tpu.memory_space<hbm>>
      %dma_start3A_231 = arith.constant 0 : i32
      %dma_start3A_232 = tpu.memref_slice %arg6[%arg0, %mul3A_227, %dma_start3A_231] : memref<2x10112x32xf32, #tpu.memory_space<hbm>> -> memref<1x632x32xf32, #tpu.memory_space<hbm>>
      %dma_start3A_233 = tpu.memref_squeeze %dma_start3A_232 : memref<1x632x32xf32, #tpu.memory_space<hbm>> -> memref<632x32xf32, #tpu.memory_space<hbm>>
      tpu.enqueue_dma source(%arg10 : memref<632x32xf32, #tpu.memory_space<vmem>>) target(%dma_start3A_233 : memref<632x32xf32, #tpu.memory_space<hbm>>) target_semaphore(%run_scoped3A : memref<!tpu.dma_semaphore, #tpu.memory_space<semaphore_mem>>)
      %dma_wait3A_234 = arith.constant 0 : i32
      %dma_wait3A_235 = tpu.memref_slice %arg6[%arg0, %mul3A_227, %dma_wait3A_234] : memref<2x10112x32xf32, #tpu.memory_space<hbm>> -> memref<1x632x32xf32, #tpu.memory_space<hbm>>
      %dma_wait3A_236 = tpu.memref_squeeze %dma_wait3A_235 : memref<1x632x32xf32, #tpu.memory_space<hbm>> -> memref<632x32xf32, #tpu.memory_space<hbm>>
      %dma_wait3A_237 = arith.constant 0 : i32
      %dma_wait3A_238 = tpu.memref_slice %arg6[%arg0, %mul3A_227, %dma_wait3A_237] : memref<2x10112x32xf32, #tpu.memory_space<hbm>> -> memref<1x632x32xf32, #tpu.memory_space<hbm>>
      %dma_wait3A_239 = tpu.memref_squeeze %dma_wait3A_238 : memref<1x632x32xf32, #tpu.memory_space<hbm>> -> memref<632x32xf32, #tpu.memory_space<hbm>>
      tpu.wait_dma2 semaphore(%run_scoped3A : memref<!tpu.dma_semaphore, #tpu.memory_space<semaphore_mem>>) src(%arg10 : memref<632x32xf32, #tpu.memory_space<vmem>>) dst(%dma_wait3A_239 : memref<632x32xf32, #tpu.memory_space<hbm>>)
      tpu.yield
    }) : () -> ()
    return
  }
}

module attributes {stable_mosaic.version = 14 : i64} {
  func.func @_t1_body(%arg0: i32, %arg1: memref<2000x128xf32, #tpu.memory_space<vmem>>, %arg2: memref<128x32xf32, #tpu.memory_space<vmem>>, %arg3: memref<2x2000x8xf32, #tpu.memory_space<vmem>>, %arg4: memref<2000x32xf32, #tpu.memory_space<vmem>>) attributes {dimension_semantics = [#tpu.dimension_semantics<arbitrary>], iteration_bounds = array<i64: 5>, scalar_prefetch = 0 : i64, scratch_operands = 0 : i64, tpu.core_type = #tpu.core_type<tc>, window_params = [{transform_indices = @transform_0, window_bounds = array<i64: 2000, 128>}, {pipeline_mode = #tpu.pipeline_mode<synchronous>, transform_indices = @transform_1, window_bounds = array<i64: 128, 32>}, {transform_indices = @transform_2, window_bounds = array<i64: 2, 2000, 8>}, {transform_indices = @transform_3, window_bounds = array<i64: 2000, 32>}]} {
    %get3A = arith.constant 0 : index
    %get3A_0 = arith.constant 0 : index
    %get3A_1 = arith.constant 0 : index
    %get3A_2 = vector.load %arg3[%get3A, %get3A_0, %get3A_1] : memref<2x2000x8xf32, #tpu.memory_space<vmem>>, vector<1x2000x1xf32>
    %get3A_3 = vector.shape_cast %get3A_2 : vector<1x2000x1xf32> to vector<2000x1xf32>
    %get3A_4 = arith.constant 1 : index
    %get3A_5 = arith.constant 0 : index
    %get3A_6 = arith.constant 0 : index
    %get3A_7 = vector.load %arg3[%get3A_4, %get3A_5, %get3A_6] : memref<2x2000x8xf32, #tpu.memory_space<vmem>>, vector<1x2000x1xf32>
    %get3A_8 = vector.shape_cast %get3A_7 : vector<1x2000x1xf32> to vector<2000x1xf32>
    %add3A = arith.addf %get3A_3, %get3A_8 : vector<2000x1xf32>
    %add3A_9 = arith.constant 1.000000e+00 : f32
    %add3A_10 = vector.broadcast %add3A_9 : f32 to vector<2000x1xf32>
    %add3A_11 = arith.addf %add3A, %add3A_10 : vector<2000x1xf32>
    %rsqrt3A = math.rsqrt %add3A_11 : vector<2000x1xf32>
    %get3A_12 = arith.constant 0 : index
    %get3A_13 = arith.constant 0 : index
    %get3A_14 = vector.load %arg1[%get3A_12, %get3A_13] : memref<2000x128xf32, #tpu.memory_space<vmem>>, vector<2000x128xf32>
    %get3A_15 = arith.constant 0 : index
    %get3A_16 = arith.constant 0 : index
    %get3A_17 = vector.load %arg2[%get3A_15, %get3A_16] : memref<128x32xf32, #tpu.memory_space<vmem>>, vector<128x32xf32>
    %dot_general3A = arith.constant dense<0.000000e+00> : vector<2000x32xf32>
    %dot_general3A_18 = tpu.matmul %get3A_14, %get3A_17, %dot_general3A {dimension_numbers = #tpu.dot_dimension_numbers<[1], [0], [0], [1], [0, 0, 1, 1], [], []>, precision = #tpu.contract_precision<fp32>, transpose_lhs_hint = false} : vector<2000x128xf32>, vector<128x32xf32>, vector<2000x32xf32> -> vector<2000x32xf32>
    %mul3A = vector.broadcast %rsqrt3A : vector<2000x1xf32> to vector<2000x32xf32>
    %mul3A_19 = arith.mulf %dot_general3A_18, %mul3A : vector<2000x32xf32>
    %swap3A = arith.constant 0 : index
    %swap3A_20 = arith.constant 0 : index
    %swap3A_21 = vector.load %arg4[%swap3A, %swap3A_20] : memref<2000x32xf32, #tpu.memory_space<vmem>>, vector<2000x32xf32>
    tpu.vector_store %arg4[%swap3A, %swap3A_20], %mul3A_19 {strides = array<i32>} : memref<2000x32xf32, #tpu.memory_space<vmem>>, vector<2000x32xf32>,
    return
  }
  func.func @transform_0(%arg0: i32) -> (i32, i32) {
    %c0_i32 = arith.constant 0 : i32
    %c0_i32_0 = arith.constant 0 : i32
    return %arg0, %c0_i32 : i32, i32
  }
  func.func @transform_1(%arg0: i32) -> (i32, i32) {
    %c0_i32 = arith.constant 0 : i32
    %c0_i32_0 = arith.constant 0 : i32
    %c0_i32_1 = arith.constant 0 : i32
    return %c0_i32, %c0_i32_0 : i32, i32
  }
  func.func @transform_2(%arg0: i32) -> (i32, i32, i32) {
    %c0_i32 = arith.constant 0 : i32
    %c0_i32_0 = arith.constant 0 : i32
    %c0_i32_1 = arith.constant 0 : i32
    return %c0_i32, %arg0, %c0_i32_0 : i32, i32, i32
  }
  func.func @transform_3(%arg0: i32) -> (i32, i32) {
    %c0_i32 = arith.constant 0 : i32
    %c0_i32_0 = arith.constant 0 : i32
    return %arg0, %c0_i32 : i32, i32
  }
}

module attributes {stable_mosaic.version = 14 : i64} {
  func.func @_t2_body(%arg0: i32, %arg1: memref<2x2000x32xf32, #tpu.memory_space<vmem>>, %arg2: memref<2000x32xf32, #tpu.memory_space<vmem>>, %arg3: memref<2x2000x8xf32, #tpu.memory_space<vmem>>, %arg4: memref<1x32xf32, #tpu.memory_space<vmem>>, %arg5: memref<2000x32xf32, #tpu.memory_space<vmem>>) attributes {dimension_semantics = [#tpu.dimension_semantics<arbitrary>], iteration_bounds = array<i64: 5>, scalar_prefetch = 0 : i64, scratch_operands = 0 : i64, tpu.core_type = #tpu.core_type<tc>, window_params = [{transform_indices = @transform_0, window_bounds = array<i64: 2, 2000, 32>}, {transform_indices = @transform_1, window_bounds = array<i64: 2000, 32>}, {transform_indices = @transform_2, window_bounds = array<i64: 2, 2000, 8>}, {pipeline_mode = #tpu.pipeline_mode<synchronous>, transform_indices = @transform_3, window_bounds = array<i64: 1, 32>}, {transform_indices = @transform_4, window_bounds = array<i64: 2000, 32>}]} {
    %get3A = arith.constant 0 : index
    %get3A_0 = arith.constant 0 : index
    %get3A_1 = arith.constant 0 : index
    %get3A_2 = vector.load %arg3[%get3A, %get3A_0, %get3A_1] : memref<2x2000x8xf32, #tpu.memory_space<vmem>>, vector<1x2000x1xf32>
    %get3A_3 = vector.shape_cast %get3A_2 : vector<1x2000x1xf32> to vector<2000x1xf32>
    %get3A_4 = arith.constant 1 : index
    %get3A_5 = arith.constant 0 : index
    %get3A_6 = arith.constant 0 : index
    %get3A_7 = vector.load %arg3[%get3A_4, %get3A_5, %get3A_6] : memref<2x2000x8xf32, #tpu.memory_space<vmem>>, vector<1x2000x1xf32>
    %get3A_8 = vector.shape_cast %get3A_7 : vector<1x2000x1xf32> to vector<2000x1xf32>
    %add3A = arith.addf %get3A_3, %get3A_8 : vector<2000x1xf32>
    %add3A_9 = arith.constant 1.000000e+00 : f32
    %add3A_10 = vector.broadcast %add3A_9 : f32 to vector<2000x1xf32>
    %add3A_11 = arith.addf %add3A, %add3A_10 : vector<2000x1xf32>
    %rsqrt3A = math.rsqrt %add3A_11 : vector<2000x1xf32>
    %get3A_12 = arith.constant 0 : index
    %get3A_13 = arith.constant 0 : index
    %get3A_14 = arith.constant 0 : index
    %get3A_15 = vector.load %arg1[%get3A_12, %get3A_13, %get3A_14] : memref<2x2000x32xf32, #tpu.memory_space<vmem>>, vector<1x2000x32xf32>
    %get3A_16 = vector.shape_cast %get3A_15 : vector<1x2000x32xf32> to vector<2000x32xf32>
    %get3A_17 = arith.constant 1 : index
    %get3A_18 = arith.constant 0 : index
    %get3A_19 = arith.constant 0 : index
    %get3A_20 = vector.load %arg1[%get3A_17, %get3A_18, %get3A_19] : memref<2x2000x32xf32, #tpu.memory_space<vmem>>, vector<1x2000x32xf32>
    %get3A_21 = vector.shape_cast %get3A_20 : vector<1x2000x32xf32> to vector<2000x32xf32>
    %add3A_22 = arith.addf %get3A_16, %get3A_21 : vector<2000x32xf32>
    %get3A_23 = arith.constant 0 : index
    %get3A_24 = arith.constant 0 : index
    %get3A_25 = vector.load %arg2[%get3A_23, %get3A_24] : memref<2000x32xf32, #tpu.memory_space<vmem>>, vector<2000x32xf32>
    %add3A_26 = arith.addf %add3A_22, %get3A_25 : vector<2000x32xf32>
    %mul3A = vector.broadcast %rsqrt3A : vector<2000x1xf32> to vector<2000x32xf32>
    %mul3A_27 = arith.mulf %add3A_26, %mul3A : vector<2000x32xf32>
    %get3A_28 = arith.constant 0 : index
    %get3A_29 = arith.constant 0 : index
    %get3A_30 = vector.load %arg4[%get3A_28, %get3A_29] : memref<1x32xf32, #tpu.memory_space<vmem>>, vector<1x32xf32>
    %add3A_31 = vector.broadcast %get3A_30 : vector<1x32xf32> to vector<2000x32xf32>
    %add3A_32 = arith.addf %mul3A_27, %add3A_31 : vector<2000x32xf32>
    %max3A = arith.constant 0.000000e+00 : f32
    %max3A_33 = vector.broadcast %max3A : f32 to vector<2000x32xf32>
    %max3A_34 = arith.maximumf %add3A_32, %max3A_33 : vector<2000x32xf32>
    %mul3A_35 = vector.broadcast %rsqrt3A : vector<2000x1xf32> to vector<2000x32xf32>
    %mul3A_36 = arith.mulf %max3A_34, %mul3A_35 : vector<2000x32xf32>
    %swap3A = arith.constant 0 : index
    %swap3A_37 = arith.constant 0 : index
    %swap3A_38 = vector.load %arg5[%swap3A, %swap3A_37] : memref<2000x32xf32, #tpu.memory_space<vmem>>, vector<2000x32xf32>
    tpu.vector_store %arg5[%swap3A, %swap3A_37], %mul3A_36 {strides = array<i32>} : memref<2000x32xf32, #tpu.memory_space<vmem>>, vector<2000x32xf32>,
    return
  }
  func.func @transform_0(%arg0: i32) -> (i32, i32, i32) {
    %c0_i32 = arith.constant 0 : i32
    %c0_i32_0 = arith.constant 0 : i32
    %c0_i32_1 = arith.constant 0 : i32
    return %c0_i32, %arg0, %c0_i32_0 : i32, i32, i32
  }
  func.func @transform_1(%arg0: i32) -> (i32, i32) {
    %c0_i32 = arith.constant 0 : i32
    %c0_i32_0 = arith.constant 0 : i32
    return %arg0, %c0_i32 : i32, i32
  }
  func.func @transform_2(%arg0: i32) -> (i32, i32, i32) {
    %c0_i32 = arith.constant 0 : i32
    %c0_i32_0 = arith.constant 0 : i32
    %c0_i32_1 = arith.constant 0 : i32
    return %c0_i32, %arg0, %c0_i32_0 : i32, i32, i32
  }
  func.func @transform_3(%arg0: i32) -> (i32, i32) {
    %c0_i32 = arith.constant 0 : i32
    %c0_i32_0 = arith.constant 0 : i32
    %c0_i32_1 = arith.constant 0 : i32
    return %c0_i32, %c0_i32_0 : i32, i32
  }
  func.func @transform_4(%arg0: i32) -> (i32, i32) {
    %c0_i32 = arith.constant 0 : i32
    %c0_i32_0 = arith.constant 0 : i32
    return %arg0, %c0_i32 : i32, i32
  }
}

module attributes {stable_mosaic.version = 14 : i64} {
  func.func @_t3_body(%arg0: i32, %arg1: memref<2x2000x32xf32, #tpu.memory_space<vmem>>, %arg2: memref<2000x32xf32, #tpu.memory_space<vmem>>, %arg3: memref<2x2000x8xf32, #tpu.memory_space<vmem>>, %arg4: memref<32x16xf32, #tpu.memory_space<vmem>>, %arg5: memref<1x16xf32, #tpu.memory_space<vmem>>, %arg6: memref<32x16xf32, #tpu.memory_space<vmem>>, %arg7: memref<1x16xf32, #tpu.memory_space<vmem>>, %arg8: memref<2000x16xf32, #tpu.memory_space<vmem>>, %arg9: memref<2000x16xf32, #tpu.memory_space<vmem>>) attributes {dimension_semantics = [#tpu.dimension_semantics<arbitrary>], iteration_bounds = array<i64: 5>, scalar_prefetch = 0 : i64, scratch_operands = 0 : i64, tpu.core_type = #tpu.core_type<tc>, window_params = [{transform_indices = @transform_0, window_bounds = array<i64: 2, 2000, 32>}, {transform_indices = @transform_1, window_bounds = array<i64: 2000, 32>}, {transform_indices = @transform_2, window_bounds = array<i64: 2, 2000, 8>}, {pipeline_mode = #tpu.pipeline_mode<synchronous>, transform_indices = @transform_3, window_bounds = array<i64: 32, 16>}, {pipeline_mode = #tpu.pipeline_mode<synchronous>, transform_indices = @transform_4, window_bounds = array<i64: 1, 16>}, {pipeline_mode = #tpu.pipeline_mode<synchronous>, transform_indices = @transform_5, window_bounds = array<i64: 32, 16>}, {pipeline_mode = #tpu.pipeline_mode<synchronous>, transform_indices = @transform_6, window_bounds = array<i64: 1, 16>}, {transform_indices = @transform_7, window_bounds = array<i64: 2000, 16>}, {transform_indices = @transform_8, window_bounds = array<i64: 2000, 16>}]} {
    %get3A = arith.constant 0 : index
    %get3A_0 = arith.constant 0 : index
    %get3A_1 = arith.constant 0 : index
    %get3A_2 = vector.load %arg3[%get3A, %get3A_0, %get3A_1] : memref<2x2000x8xf32, #tpu.memory_space<vmem>>, vector<1x2000x1xf32>
    %get3A_3 = vector.shape_cast %get3A_2 : vector<1x2000x1xf32> to vector<2000x1xf32>
    %get3A_4 = arith.constant 1 : index
    %get3A_5 = arith.constant 0 : index
    %get3A_6 = arith.constant 0 : index
    %get3A_7 = vector.load %arg3[%get3A_4, %get3A_5, %get3A_6] : memref<2x2000x8xf32, #tpu.memory_space<vmem>>, vector<1x2000x1xf32>
    %get3A_8 = vector.shape_cast %get3A_7 : vector<1x2000x1xf32> to vector<2000x1xf32>
    %add3A = arith.addf %get3A_3, %get3A_8 : vector<2000x1xf32>
    %add3A_9 = arith.constant 1.000000e+00 : f32
    %add3A_10 = vector.broadcast %add3A_9 : f32 to vector<2000x1xf32>
    %add3A_11 = arith.addf %add3A, %add3A_10 : vector<2000x1xf32>
    %rsqrt3A = math.rsqrt %add3A_11 : vector<2000x1xf32>
    %get3A_12 = arith.constant 0 : index
    %get3A_13 = arith.constant 0 : index
    %get3A_14 = arith.constant 0 : index
    %get3A_15 = vector.load %arg1[%get3A_12, %get3A_13, %get3A_14] : memref<2x2000x32xf32, #tpu.memory_space<vmem>>, vector<1x2000x32xf32>
    %get3A_16 = vector.shape_cast %get3A_15 : vector<1x2000x32xf32> to vector<2000x32xf32>
    %get3A_17 = arith.constant 1 : index
    %get3A_18 = arith.constant 0 : index
    %get3A_19 = arith.constant 0 : index
    %get3A_20 = vector.load %arg1[%get3A_17, %get3A_18, %get3A_19] : memref<2x2000x32xf32, #tpu.memory_space<vmem>>, vector<1x2000x32xf32>
    %get3A_21 = vector.shape_cast %get3A_20 : vector<1x2000x32xf32> to vector<2000x32xf32>
    %add3A_22 = arith.addf %get3A_16, %get3A_21 : vector<2000x32xf32>
    %get3A_23 = arith.constant 0 : index
    %get3A_24 = arith.constant 0 : index
    %get3A_25 = vector.load %arg2[%get3A_23, %get3A_24] : memref<2000x32xf32, #tpu.memory_space<vmem>>, vector<2000x32xf32>
    %add3A_26 = arith.addf %add3A_22, %get3A_25 : vector<2000x32xf32>
    %mul3A = vector.broadcast %rsqrt3A : vector<2000x1xf32> to vector<2000x32xf32>
    %mul3A_27 = arith.mulf %add3A_26, %mul3A : vector<2000x32xf32>
    %get3A_28 = arith.constant 0 : index
    %get3A_29 = arith.constant 0 : index
    %get3A_30 = vector.load %arg4[%get3A_28, %get3A_29] : memref<32x16xf32, #tpu.memory_space<vmem>>, vector<32x16xf32>
    %dot_general3A = arith.constant dense<0.000000e+00> : vector<2000x16xf32>
    %dot_general3A_31 = tpu.matmul %mul3A_27, %get3A_30, %dot_general3A {dimension_numbers = #tpu.dot_dimension_numbers<[1], [0], [0], [1], [0, 0, 1, 1], [], []>, precision = #tpu.contract_precision<fp32>, transpose_lhs_hint = false} : vector<2000x32xf32>, vector<32x16xf32>, vector<2000x16xf32> -> vector<2000x16xf32>
    %get3A_32 = arith.constant 0 : index
    %get3A_33 = arith.constant 0 : index
    %get3A_34 = vector.load %arg5[%get3A_32, %get3A_33] : memref<1x16xf32, #tpu.memory_space<vmem>>, vector<1x16xf32>
    %add3A_35 = vector.broadcast %get3A_34 : vector<1x16xf32> to vector<2000x16xf32>
    %add3A_36 = arith.addf %dot_general3A_31, %add3A_35 : vector<2000x16xf32>
    %swap3A = arith.constant 0 : index
    %swap3A_37 = arith.constant 0 : index
    %swap3A_38 = vector.load %arg8[%swap3A, %swap3A_37] : memref<2000x16xf32, #tpu.memory_space<vmem>>, vector<2000x16xf32>
    tpu.vector_store %arg8[%swap3A, %swap3A_37], %add3A_36 {strides = array<i32>} : memref<2000x16xf32, #tpu.memory_space<vmem>>, vector<2000x16xf32>,
    %get3A_39 = arith.constant 0 : index
    %get3A_40 = arith.constant 0 : index
    %get3A_41 = vector.load %arg6[%get3A_39, %get3A_40] : memref<32x16xf32, #tpu.memory_space<vmem>>, vector<32x16xf32>
    %dot_general3A_42 = arith.constant dense<0.000000e+00> : vector<2000x16xf32>
    %dot_general3A_43 = tpu.matmul %mul3A_27, %get3A_41, %dot_general3A_42 {dimension_numbers = #tpu.dot_dimension_numbers<[1], [0], [0], [1], [0, 0, 1, 1], [], []>, precision = #tpu.contract_precision<fp32>, transpose_lhs_hint = false} : vector<2000x32xf32>, vector<32x16xf32>, vector<2000x16xf32> -> vector<2000x16xf32>
    %get3A_44 = arith.constant 0 : index
    %get3A_45 = arith.constant 0 : index
    %get3A_46 = vector.load %arg7[%get3A_44, %get3A_45] : memref<1x16xf32, #tpu.memory_space<vmem>>, vector<1x16xf32>
    %add3A_47 = vector.broadcast %get3A_46 : vector<1x16xf32> to vector<2000x16xf32>
    %add3A_48 = arith.addf %dot_general3A_43, %add3A_47 : vector<2000x16xf32>
    %swap3A_49 = arith.constant 0 : index
    %swap3A_50 = arith.constant 0 : index
    %swap3A_51 = vector.load %arg9[%swap3A_49, %swap3A_50] : memref<2000x16xf32, #tpu.memory_space<vmem>>, vector<2000x16xf32>
    tpu.vector_store %arg9[%swap3A_49, %swap3A_50], %add3A_48 {strides = array<i32>} : memref<2000x16xf32, #tpu.memory_space<vmem>>, vector<2000x16xf32>,
    return
  }
  func.func @transform_0(%arg0: i32) -> (i32, i32, i32) {
    %c0_i32 = arith.constant 0 : i32
    %c0_i32_0 = arith.constant 0 : i32
    %c0_i32_1 = arith.constant 0 : i32
    return %c0_i32, %arg0, %c0_i32_0 : i32, i32, i32
  }
  func.func @transform_1(%arg0: i32) -> (i32, i32) {
    %c0_i32 = arith.constant 0 : i32
    %c0_i32_0 = arith.constant 0 : i32
    return %arg0, %c0_i32 : i32, i32
  }
  func.func @transform_2(%arg0: i32) -> (i32, i32, i32) {
    %c0_i32 = arith.constant 0 : i32
    %c0_i32_0 = arith.constant 0 : i32
    %c0_i32_1 = arith.constant 0 : i32
    return %c0_i32, %arg0, %c0_i32_0 : i32, i32, i32
  }
  func.func @transform_3(%arg0: i32) -> (i32, i32) {
    %c0_i32 = arith.constant 0 : i32
    %c0_i32_0 = arith.constant 0 : i32
    %c0_i32_1 = arith.constant 0 : i32
    return %c0_i32, %c0_i32_0 : i32, i32
  }
  func.func @transform_4(%arg0: i32) -> (i32, i32) {
    %c0_i32 = arith.constant 0 : i32
    %c0_i32_0 = arith.constant 0 : i32
    %c0_i32_1 = arith.constant 0 : i32
    return %c0_i32, %c0_i32_0 : i32, i32
  }
  func.func @transform_5(%arg0: i32) -> (i32, i32) {
    %c0_i32 = arith.constant 0 : i32
    %c0_i32_0 = arith.constant 0 : i32
    %c0_i32_1 = arith.constant 0 : i32
    return %c0_i32, %c0_i32_0 : i32, i32
  }
  func.func @transform_6(%arg0: i32) -> (i32, i32) {
    %c0_i32 = arith.constant 0 : i32
    %c0_i32_0 = arith.constant 0 : i32
    %c0_i32_1 = arith.constant 0 : i32
    return %c0_i32, %c0_i32_0 : i32, i32
  }
  func.func @transform_7(%arg0: i32) -> (i32, i32) {
    %c0_i32 = arith.constant 0 : i32
    %c0_i32_0 = arith.constant 0 : i32
    return %arg0, %c0_i32 : i32, i32
  }
  func.func @transform_8(%arg0: i32) -> (i32, i32) {
    %c0_i32 = arith.constant 0 : i32
    %c0_i32_0 = arith.constant 0 : i32
    return %arg0, %c0_i32 : i32, i32
  }
}

</mosaic_0001>

<sc_bundles>
// kernel: kernel.11.cloned.1.call-start
scs
__scs_entry_jumppad:
0x0: {  	(pc) =	sbr.rel $0x88, $3  }
0x1: {  	(tag) =	ssettag $0x0;
	lr =	simm.s32 $0x1  }
0x2: {  	[smem:$0x3F99] =	sst lr;
	_ =	strace $0xD0000000  }
0x3: {  	_ = 	snop  }
0x4: {  	_ = 	snop  }
0x5: {  	_ = 	snop  }
0x6: {  	_ = 	snop  }
0x7: {  	_ = 	snop  }
__scs_overlays_trampoline_lowered:
0x8: {  	[smem:$0x3FA8] =	sst s0  }
0x9: {  	[smem:$0x3FA9] =	sst s1  }
0xa: {  	[smem:$0x3FAA] =	sst s2  }
0xb: {  	[smem:$0x3FAB] =	sst s3  }
0xc: {  	[smem:$0x3FAC] =	sst s4  }
0xd: {  	[smem:$0x3FAD] =	sst s5  }
0xe: {  	[smem:$0x3FAE] =	sst s6  }
0xf: {  	[smem:$0x3FAF] =	sst s7  }
0x10: {  	[smem:$0x3FB0] =	sst s8  }
0x11: {  	[smem:$0x3FB1] =	sst s9;
	s0 =	simm.s32 @!p0 $0x0  }
0x12: {  	s1 =	sld [smem:$0x3F97];
	s0 =	simm.s32 @p0 $0x1  }
0x13: {  	[smem:$0x3FB2] =	sst s0;
	s0 =	simm.s32 @!p1 $0x0  }
0x14: {  	s2 =	sld [smem:$0x3F96];
	s0 =	simm.s32 @p1 $0x1  }
0x15: {  	[smem:$0x3FB3] =	sst s0;
	s0 =	simm.s32 @!p2 $0x0  }
0x16: {  	s3 =	sld [smem:$0x3FDB];
	s0 =	simm.s32 @p2 $0x1  }
0x17: {  	s4 =	simm.s32 $0x1BF5;
	[smem:$0x3FB5] =	sst s0  }
0x18: {  	s0 =	sld [smem:$0x3F98];
	_ =	swait.ge [sflag:s4], $0x0  }
0x19: {  	s7 =	sld [smem:$0x3F99]  }
0x1a: {  	s8 =	sadd.s32 $0xFFFFE003, lr  }
0x1b: {  	s9 =	sadd.s32 $0xFFFFFEF7, lr;
	s5 =	simm.s32 $0xFFFFFFFF;
	p2 =	slt.u32 s8, $0xFFFFF086  }
0x1c: {  	p1 =	slt.u32 s9, $0xF7A;
	s5 =	simm.s32 @!p2 $0x0  }
0x1d: {  	s5 =	simm.s32 @p1 $0x1;
	p0 =	seq.s32 s7, s2  }
0x1e: {  	s7 =	smul.u32 @!p0 $0xF7A, s2;
	p2 =	seq.s32 @!p0 s5, $0x0  }
0x1f: {  	s9 =	smul.u32 $0xF7A, s1;
	s8 =	simm.s32 @!p0 $0x1BF5;
	p2 =	por !p2, p0  }
0x20: {  	[sflag:s8] =	ssyncset.s32 @!p0 $0xFFFFF086;
	s6 =	sadd.s32 @!p0 s3, s7;
	s7 =	simm.s32 @!p0 $0x108  }
0x21: {  	s3 =	sadd.s32 s3, s9;
	s6 =	sadd.s32 @!p0 $0x88, s6;
	s7 =	simm.s32 @p2 $0x1082  }
0x22: {  	[simem:s7], [sflag:s8] =	dma.local @!p0 [hbm:s6], $0xF7A  }
0x23: {  	s9 =	sor.u32 $0xD0000000, s2;
	s6 =	simm.s32 $0x108;
	_ =	swait.ge @!p0 [sflag:s8], $0x0  }
0x24: {  	s3 =	sadd.s32 $0x88, s3;
	s6 =	simm.s32 @!p1 $0x1082;
	[sflag:s4] =	ssyncset.s32 $0xFFFFF086  }
0x25: {  	[simem:s6], [sflag:s4] =	dma.local [hbm:s3], $0xF7A  }
0x26: {  	[smem:$0x3F99] =	sst s1;
	(tag) =	ssettag s2;
	_ =	strace s9  }
0x27: {  	s1 =	sld [smem:$0x3FA9]  }
0x28: {  	s2 =	sld [smem:$0x3FAA]  }
0x29: {  	s4 =	sld [smem:$0x3FAC]  }
0x2a: {  	p0 =	seq.s32 s5, $0x0;
	s5 =	sld [smem:$0x3FAD]  }
0x2b: {  	s6 =	sld [smem:$0x3FAE]  }
0x2c: {  	s7 =	sld [smem:$0x3FAF]  }
0x2d: {  	s3 =	simm.s32 $0x108;
	s8 =	sld [smem:$0x3FB0]  }
0x2e: {  	s3 =	simm.s32 @!p0 $0x1082;
	s9 =	sld [smem:$0x3FB1]  }
0x2f: {  	lr =	sadd.s32 s0, s3;
	s0 =	sld [smem:$0x3FA8]  }
0x30: {  	s3 =	sld [smem:$0x3FAB]  }
0x31: {  	[smem:$0x3FB4] =	sst s10  }
0x32: {  	s10 =	sld [smem:$0x3FB2];
	_ =	sdelay $0x3  }
0x33: {  	p0 =	seq.s32 s10, $0x1;
	s10 =	sld [smem:$0x3FB4];
	_ =	sdelay $0x3  }
0x34: {  	[smem:$0x3FB4] =	sst s10  }
0x35: {  	s10 =	sld [smem:$0x3FB3];
	_ =	sdelay $0x3  }
0x36: {  	p1 =	seq.s32 s10, $0x1;
	s10 =	sld [smem:$0x3FB4];
	_ =	sdelay $0x3  }
0x37: {  	[smem:$0x3FB4] =	sst s10  }
0x38: {  	s10 =	sld [smem:$0x3FB5]  }
0x39: {  	_ = 	snop;
	(pc) =	sbr.ind lr, $3  }
0x3a: {  	_ = 	snop  }
0x3b: {  	_ = 	snop  }
0x3c: {  	p2 =	seq.s32 s10, $0x1;
	s10 =	sld [smem:$0x3FB4]  }
0x3d: {  	_ =	shalt  }
0x3e: {  	_ =	shalt  }
0x3f: {  	_ =	shalt  }
0x40: {  	_ =	shalt  }
0x41: {  	_ =	shalt  }
0x42: {  	_ =	shalt  }
0x43: {  	_ =	shalt  }
0x44: {  	_ =	shalt  }
0x45: {  	_ =	shalt  }
0x46: {  	_ =	shalt  }
0x47: {  	_ =	shalt  }
0x48: {  	_ =	shalt  }
0x49: {  	_ =	shalt  }
0x4a: {  	_ =	shalt  }
0x4b: {  	_ =	shalt  }
0x4c: {  	_ =	shalt  }
0x4d: {  	_ =	shalt  }
0x4e: {  	_ =	shalt  }
0x4f: {  	_ =	shalt  }
0x50: {  	_ =	shalt  }
0x51: {  	_ =	shalt  }
0x52: {  	_ =	shalt  }
0x53: {  	_ =	shalt  }
0x54: {  	_ =	shalt  }
0x55: {  	_ =	shalt  }
0x56: {  	_ =	shalt  }
0x57: {  	_ =	shalt  }
0x58: {  	_ =	shalt  }
0x59: {  	_ =	shalt  }
0x5a: {  	_ =	shalt  }
0x5b: {  	_ =	shalt  }
0x5c: {  	_ =	shalt  }
0x5d: {  	_ =	shalt  }
0x5e: {  	_ =	shalt  }
0x5f: {  	_ =	shalt  }
0x60: {  	_ =	shalt  }
0x61: {  	_ =	shalt  }
0x62: {  	_ =	shalt  }
0x63: {  	_ =	shalt  }
0x64: {  	_ =	shalt  }
0x65: {  	_ =	shalt  }
0x66: {  	_ =	shalt  }
0x67: {  	_ =	shalt  }
0x68: {  	_ =	shalt  }
0x69: {  	_ =	shalt  }
0x6a: {  	_ =	shalt  }
0x6b: {  	_ =	shalt  }
0x6c: {  	_ =	shalt  }
0x6d: {  	_ =	shalt  }
0x6e: {  	_ =	shalt  }
0x6f: {  	_ =	shalt  }
0x70: {  	_ =	shalt  }
0x71: {  	_ =	shalt  }
0x72: {  	_ =	shalt  }
0x73: {  	_ =	shalt  }
0x74: {  	_ =	shalt  }
0x75: {  	_ =	shalt  }
0x76: {  	_ =	shalt  }
0x77: {  	_ =	shalt  }
0x78: {  	_ =	shalt  }
0x79: {  	_ =	shalt  }
0x7a: {  	_ =	shalt  }
0x7b: {  	_ =	shalt  }
0x7c: {  	_ =	shalt  }
0x7d: {  	_ =	shalt  }
0x7e: {  	_ =	shalt  }
0x7f: {  	_ =	shalt  }
0x80: {  	_ =	shalt  }
0x81: {  	_ =	shalt  }
0x82: {  	_ =	shalt  }
0x83: {  	_ =	shalt  }
0x84: {  	_ =	shalt  }
0x85: {  	_ =	shalt  }
0x86: {  	_ =	shalt  }
0x87: {  	_ =	shalt  }
.Lfunc_end0:
.L_simem_size_0:
called_computation.1_lowered:
.L_overlay_start_0:
0x88: {  	s2 =	sld [smem:$0x3FD9]  }
0x89: {  	s3 =	sld [smem:$0x3FFE];
	_ =	sdelay $0x1  }
0x8a: {  	s1 =	srdreg.scid  }
0x8b: {  	s0 =	sand.u32 $0x1, s1  }
0x8c: {  	s14 =	sshll.u32 s0, $0xA;
	s2 =	sadd.s32 s3, s2  }
0x8d: {  	s2 =	sadd.s32 s2, s14  }
0x8e: {  	[smem:$0x3FC0] =	sst s2  }
0x8f: {  	_ = 	snop  }
0x90: {  	s2 =	sld [smem:$0x3FD0];
	_ =	sdelay $0x2  }
0x91: {  	s15 =	simm.s32 $0xA;
	s4 =	simm.s32 $0x10  }
0x92: {  	[smem:s4], [sflag:s15] =	dma.local [hbm:s2], $0x1  }
0x93: {  	_ =	swait.eq [sflag:s15], $0x1  }
0x94: {  	[sflag:s15] =	ssyncset.done $0x0  }
0x95: {  	[sflag:s15] =	ssyncadd.s32 $0xFFFFFFFF  }
0x96: {  	s16 =	sld [smem:$0x11];
	(tm) =	ssettm $0x1  }
0x97: {  	s17 =	sld [smem:$0x3FFB];
	_ =	sdelay $0x3  }
0x98: {  	_ =	strace s17  }
0x99: {  	s3 =	sld [smem:$0x3FFC];
	_ =	sdelay $0x3  }
0x9a: {  	_ =	strace s3  }
0x9b: {  	s3 =	sld [smem:$0x3FFD];
	_ =	sdelay $0x3  }
0x9c: {  	_ =	strace s3  }
0x9d: {  	_ =	strace $0x8FFFFFFF  }
0x9e: {  	s18 =	sld [smem:$0x3FDB];
	_ =	sdelay $0x1  }
0x9f: {  	s19 =	simm.s32 $_scs_section_size  }
0xa0: {  	s5 =	simm.s32 $_size__tile_overlayer_lowered;
	s6 =	simm.s32 $_tile_overlayer_lowered  }
0xa1: {  	s22 =	simm.s32 $0x1BFF;
	s21 =	sshll.u32 s6, $0x1;
	s3 =	sadd.s32 s19, s18  }
0xa2: {  	s7 =	simm.s32 $0x0;
	s20 =	sshll.u32 s5, $0x1;
	s5 =	sadd.s32 s21, s3  }
0xa3: {  	[timem:s7], [sflag:s22] =	dma.local [hbm:s5], s20  }
0xa4: {  	_ =	swait.ge [sflag:s22], s20  }
0xa5: {  	s4 =	ssub.s32 $0x0, s20;
	[sflag:s22] =	ssyncset.done $0x0  }
0xa6: {  	[sflag:s22] =	ssyncadd.s32 s4;
	_ =	sdelay $0x1  }
0xa7: {  	s23 =	simm.s32 $0x1B8B  }
0xa8: {  	_ =	swait.ge [sflag:s23], $0x1  }
0xa9: {  	[sflag:s23] =	ssyncset.done $0x0  }
0xaa: {  	s25 =	simm.s32 $0x1B8E;
	s24 =	sld [smem:$0x3FFE];
	[sflag:s23] =	ssyncadd.s32 $0xFFFFFFFF  }
0xab: {  	s26 =	simm.s32 $execute0_lowered;
	[smem:$0x3FD2] =	sst s25  }
0xac: {  	s5 =	sshll.u32 s26, $0x1;
	_ =	strace $0x80000049;
	[dreg:$0x1] =	wrdreg $0xFFFFFFFF  }
0xad: {  	s28 =	simm.s32 $_size_execute0_lowered;
	s3 =	sadd.s32 s3, s5;
	[dreg:$0x0] =	wrdreg $0x0  }
0xae: {  	s5 =	sshll.u32 s28, $0x1;
	[dreg:$0x2] =	wrdreg s3  }
0xaf: {  	[dreg:$0x3] =	wrdreg s5  }
0xb0: {  	[dreg:$0x4] =	wrdreg $0xC0  }
0xb1: {  	_ =	task [dreg:s7], $0x5FFFF  }
0xb2: {  	[dreg:$0x1] =	wrdreg $0xFFFFFFFF  }
0xb3: {  	[dreg:$0x0] =	wrdreg $0x60  }
0xb4: {  	[dreg:$0x2] =	wrdreg s24  }
0xb5: {  	[dreg:$0x3] =	wrdreg s16  }
0xb6: {  	[dreg:$0x4] =	wrdreg $0x11F000  }
0xb7: {  	[dreg:$0x5] =	wrdreg $0x9  }
0xb8: {  	_ =	task.clear_ibuf [dreg:s7], $0x6FFFF;
	_ =	strace $0x90000049  }
0xb9: {  	s29 =	simm.s32 $0x9;
	_ =	strace $0x8000004B  }
0xba: {  	_ =	swait.ge [sflag:s29], $0x1  }
0xbb: {  	[sflag:s29] =	ssyncadd.s32 $0xFFFFFFFF  }
0xbc: {  	_ =	strace $0x9000004B  }
0xbd: {  	_ =	sfence  }
0xbe: {  	s30 =	sld [smem:$0x0];
	_ =	sdelay $0x2  }
0xbf: {  	s31 =	sshll.u32 s1, $0xD;
	s1 =	sshrl.u32 s1, $0x2  }
0xc0: {  	s3 =	sand.u32 $0x4000, s31;
	s1 =	sadd.s32 s1, s30  }
0xc1: {  	s0 =	sor.u32 s3, s0;
	s1 =	sshll.u32 s1, $0x11  }
0xc2: {  	s0 =	sor.u32 s1, s0  }
0xc3: {  	s0 =	sadd.s32 $0x8F2B, s0  }
0xc4: {  	[sflag:s0] =	ssyncadd.remote.s32 $0x1  }
0xc5: {  	_ =	sfence.sel $0xFFFF  }
0xc6: {  	[dreg:$0x0] =	wrdreg $0xFFFFFFFF;
	(pc) =	sbr.abs _section_cstart, $3  }
0xc7: {  	[dreg:$0x1] =	wrdreg $0xFFFFFFFF  }
0xc8: {  	_ =	task.clear_ibuf [dreg:s7], $0x2FFFF;
	_ =	strace $0x9FFFFFFF  }
0xc9: {  	(tm) =	ssettm $0x7FFFFFFF  }
tec
execute0_lowered:
.L_overlay_start_1:
0x0: {  	(tag) =	ssettag $0x1  }
0x1: {  	s0 =	rddreg [dreg:$0x0]  }
0x2: {  	s3 =	rddreg [dreg:$0x2]  }
0x3: {  	s1 =	srdreg.scid;
	s6 =	stileid.u32  }
0x4: {  	s4 =	simm.s32 $0x0;
	s16 =	simm.s32 $0x80;
	s17 =	simm.s32 $0x5000  }
0x5: {  	s18 =	simm.s32 $0x6000;
	s20 =	simm.s32 $0x7000;
	s29 =	simm.s32 $0xB000  }
0x6: {  	s31 =	simm.s32 $0xC000;
	s19 =	simm.s32 $0x5;
	s21 =	simm.s32 $0x6  }
0x7: {  	s28 =	simm.s32 $0x9;
	s30 =	simm.s32 $0xA;
	s12 =	simm.s32 $0x10  }
0x8: {  	s14 =	simm.s32 $0x0;
	s1 =	sand.u32 $0x1, s1;
	s2 =	smul.u32 $0x4F00, s6  }
0x9: {  	[smem:$0x7FF] =	sst s4;
	s8 =	sadd.s32 $0x2C00, s0;
	s9 =	sadd.s32 $0x16600, s0  }
0xa: {  	s24 =	sadd.s32 $0xC700, s0;
	s22 =	smul.u32 $0x4F000, s1;
	s5 =	sshll.u32 s1, $0x4  }
0xb: {  	_ =	strace $0x8000004A;
	[dreg:$0x4] =	wrdreg s9;
	s1 =	ssub.s32 $0x2, s1  }
0xc: {  	[dreg:$0x7] =	wrdreg s24;
	s24 =	simm.s32 $0x9000;
	s9 =	simm.s32 $0xE  }
0xd: {  	s6 =	sor.u32 s6, s5;
	s5 =	sadd.s32 $0x8D600, s0;
	s10 =	sshrl.u32 s1, $0x1  }
0xe: {  	s11 =	sadd.s32 s2, s3;
	s4 =	sadd.s32 s2, s22;
	s7 =	smul.u32 $0x2800, s6  }
0xf: {  	s23 =	smul.u32 $0x500, s6;
	s1 =	ssub.s32 s1, s10;
	p0 =	seq.s32 s6, $0x1F  }
0x10: {  	s22 =	simm.s32 $0x8000;
	s2 =	simm.s32 $0x3;
	s6 =	simm.s32 $0xB  }
0x11: {  	s10 =	simm.s32 $0xF;
	[dreg:$0x9] =	wrdreg s11;
	s4 =	sshrl.u32 s4, $0x3  }
0x12: {  	s26 =	smax.u32 s1, $0x1;
	s1 =	simm.s32 $0x2;
	s7 =	sshrl.u32 s7, $0x3  }
0x13: {  	s4 =	sadd.s32 s4, s0;
	s0 =	sadd.s32 $0x16340, s0;
	[dreg:$0xb] =	wrdreg s26  }
0x14: {  	s26 =	simm.s32 $0xA000;
	s7 =	sadd.s32 s8, s7;
	s8 =	sadd.s32 s8, s23  }
0x15: {  	[dreg:$0x8] =	wrdreg s0;
	s25 =	sadd.s32 $0x97400, s4;
	s0 =	simm.s32 $0x1  }
0x16: {  	s4 =	simm.s32 $0x4;
	s23 =	simm.s32 $0x7;
	[dreg:$0x5] =	wrdreg s8  }
0x17: {  	s7 =	sadd.s32 $0x9C40, s7;
	[dreg:$0xa] =	wrdreg s25;
	s25 =	simm.s32 $0x8  }
0x18: {  	v0 =	vimm.f32 $0.0e+00;
	s8 =	simm.s32 $0xD;
	[dreg:$0x6] =	wrdreg s7;
	s7 =	simm.s32 $0xC  }
.LBB2_1:
0x19: {  	[dreg:$0xc] =	wrdreg s14  }
0x1a: {  	s11 =	simm.s32 @p0 $0x0;
	s13 =	rddreg [dreg:$0x7];
	s14 =	simm.s32 @p0 $0x11  }
0x1b: {  	[tilespmem:s11], [sflag:$0x11] =	stream.linear.gather @p0 [hbm4b:s13+s11], $0xA00, $0x38;
	[tilespmem:$0x16E00] =	vst v63  }
0x1c: {  	_ =	swait.ge @p0 [sflag:s14], $0xA00  }
0x1d: {  	[sflag:s14] =	ssyncset.done @p0 $0x0  }
0x1e: {  	[sflag:s14] =	ssyncadd.s32 @p0 $0xFFFFF600  }
0x1f: {  	s15 =	simm.s32 @p0 $0xA00;
	s13 =	rddreg [dreg:$0x1]  }
0x20: {  	[tilespmem:s15], [sflag:$0x11] =	stream.linear.gather @p0 [hbm4b:s13+s11], $0x1E00, $0x38;
	[tilespmem:$0x16E00] =	vst v63  }
0x21: {  	_ =	swait.ge @p0 [sflag:s14], $0x1E00  }
0x22: {  	[sflag:s14] =	ssyncset.done @p0 $0x0  }
0x23: {  	s15 =	simm.s32 @p0 $0x2800;
	s13 =	rddreg [dreg:$0x8];
	[sflag:s14] =	ssyncadd.s32 @p0 $0xFFFFE200  }
0x24: {  	[tilespmem:s15], [sflag:$0x11] =	stream.linear.gather @p0 [hbm4b:s13+s11], $0xA00, $0x38;
	[tilespmem:$0x16E00] =	vst v63  }
0x25: {  	_ =	swait.ge @p0 [sflag:s14], $0xA00  }
0x26: {  	[sflag:s14] =	ssyncset.done @p0 $0x0  }
0x27: {  	s15 =	simm.s32 @p0 $0x3200;
	s13 =	rddreg [dreg:$0x4];
	[sflag:s14] =	ssyncadd.s32 @p0 $0xFFFFF600  }
0x28: {  	[tilespmem:s15], [sflag:$0x11] =	stream.linear.gather @p0 [hbm4b:s13+s11], $0x1E00, $0x38;
	[tilespmem:$0x16E00] =	vst v63  }
0x29: {  	_ =	swait.ge @p0 [sflag:s14], $0x1E00  }
0x2a: {  	s11 =	simm.s32 @!p0 $0x0;
	[sflag:s14] =	ssyncset.done @p0 $0x0  }
0x2b: {  	s13 =	rddreg [dreg:$0x5];
	[sflag:s14] =	ssyncadd.s32 @p0 $0xFFFFE200;
	s14 =	simm.s32 @!p0 $0x11  }
0x2c: {  	[tilespmem:s11], [sflag:$0x11] =	stream.linear.gather @!p0 [hbm4b:s13+s11], $0x2800, $0x38;
	[tilespmem:$0x16E00] =	vst v63  }
0x2d: {  	_ =	swait.ge @!p0 [sflag:s14], $0x2800  }
0x2e: {  	[sflag:s14] =	ssyncset.done @!p0 $0x0  }
0x2f: {  	s15 =	simm.s32 @!p0 $0x2800;
	s13 =	rddreg [dreg:$0x6];
	[sflag:s14] =	ssyncadd.s32 @!p0 $0xFFFFD800  }
0x30: {  	[tilespmem:s15], [sflag:$0x11] =	stream.linear.gather @!p0 [hbm4b:s13+s11], $0x2800, $0x38;
	[tilespmem:$0x16E00] =	vst v63  }
0x31: {  	_ =	swait.ge @!p0 [sflag:s14], $0x2800  }
0x32: {  	[sflag:s14] =	ssyncset.done @!p0 $0x0  }
0x33: {  	s11 =	simm.s32 $0x80;
	[sflag:s14] =	ssyncadd.s32 @!p0 $0xFFFFD800;
	s14 =	simm.s32 $0x0  }
.LBB2_2:
0x34: {  	p1 =	sne.s32 s11, $0x13B80;
	[tilespmem:s14+$0xD000] =	vst v0;
	s15 =	smov.u32 s11;
	s11 =	sadd.s32 $0x80, s11  }
.Ltmp0:
0x35: {  	[tilespmem:s14+$0xD010] =	vst v0;
	(pc) =	sbr.rel @p1 .LBB2_2-.Ltmp0, $2  }
0x36: {  	_ =	sdelay $0x2  }
0x37: {  	s14 =	sshra.s32 s15, $0x2  }
0x38: {  	[tilespmem:s14+$0xD000] =	vst v0  }
0x39: {  	[tilespmem:s14+$0xD010] =	vst v0;
	s13 =	rddreg [dreg:$0x9];
	s11 =	simm.s32 $0xD000;
	s15 =	simm.s32 $0x11  }
0x3a: {  	[spmem:s13] =	stream.linear.scatter [tilespmem:s11], [sflag:$0x11], $0x4F00, $0x38;
	[tilespmem:$0x16E00] =	vst v63  }
0x3b: {  	_ =	swait.ge [sflag:s15], $0x4F00  }
0x3c: {  	[sflag:s15] =	ssyncset.done $0x0  }
0x3d: {  	[sflag:s15] =	ssyncadd.s32 $0xFFFFB100  }
0x3e: {  	s14 =	simm.s32 $0x0;
	[bflag:$0x0] =	sbarrier.arrive $0xFFFF  }
0x3f: {  	[tilespmem:s17], [sflag:$0x1] =	stream.indirect.gather [hbm4b:s5+s16], $0x20, s14, s16, $0xb8;
	[tilespmem:$0x16E00] =	vst v63  }
0x40: {  	_ = 	snop  }
0x41: {  	[tilespmem:s18], [sflag:$0x2] =	stream.indirect.gather [hbm4b:s5+s16], $0x20, s16, s16, $0xb8;
	[tilespmem:$0x16E00] =	vst v63  }
0x42: {  	s15 =	simm.s32 $0x100  }
0x43: {  	[tilespmem:s20], [sflag:$0x3] =	stream.indirect.gather [hbm4b:s5+s16], $0x20, s15, s16, $0xb8;
	[tilespmem:$0x16E00] =	vst v63  }
0x44: {  	s14 =	simm.s32 $0x180  }
0x45: {  	[tilespmem:s22], [sflag:$0x4] =	stream.indirect.gather [hbm4b:s5+s16], $0x20, s14, s16, $0xb8;
	[tilespmem:$0x16E00] =	vst v63  }
0x46: {  	s15 =	simm.s32 $0x200  }
0x47: {  	[tilespmem:s24], [sflag:$0x5] =	stream.indirect.gather [hbm4b:s5+s16], $0x20, s15, s16, $0xb8;
	[tilespmem:$0x16E00] =	vst v63  }
0x48: {  	s14 =	simm.s32 $0x280  }
0x49: {  	[tilespmem:s26], [sflag:$0x6] =	stream.indirect.gather [hbm4b:s5+s16], $0x20, s14, s16, $0xb8;
	[tilespmem:$0x16E00] =	vst v63  }
0x4a: {  	s15 =	simm.s32 $0x300  }
0x4b: {  	[tilespmem:s29], [sflag:$0x7] =	stream.indirect.gather [hbm4b:s5+s16], $0x20, s15, s16, $0xb8;
	[tilespmem:$0x16E00] =	vst v63  }
0x4c: {  	s14 =	simm.s32 $0x380  }
0x4d: {  	[tilespmem:s31], [sflag:$0x8] =	stream.indirect.gather [hbm4b:s5+s16], $0x20, s14, s16, $0xb8;
	[tilespmem:$0x16E00] =	vst v63  }
0x4e: {  	_ =	swait.ge [sflag:s0], $0x1000  }
0x4f: {  	[sflag:s0] =	ssyncset.done $0x0  }
0x50: {  	s15 =	simm.s32 $0x2800;
	[sflag:s0] =	ssyncadd.s32 $0xFFFFF000  }
0x51: {  	[spmem:s3] =	stream.indirect.scatter.add.f32 [tilespmem:s17], [sflag:$0x9], $0x20, s15, s16, $0xb8;
	[tilespmem:$0x16E00] =	vst v63  }
0x52: {  	_ =	swait.ge [sflag:s1], $0x1000  }
0x53: {  	[sflag:s1] =	ssyncset.done $0x0  }
0x54: {  	s14 =	simm.s32 $0x2880;
	[sflag:s1] =	ssyncadd.s32 $0xFFFFF000  }
0x55: {  	[spmem:s3] =	stream.indirect.scatter.add.f32 [tilespmem:s18], [sflag:$0xA], $0x20, s14, s16, $0xb8;
	[tilespmem:$0x16E00] =	vst v63  }
0x56: {  	_ =	swait.ge [sflag:s2], $0x1000  }
0x57: {  	[sflag:s2] =	ssyncset.done $0x0  }
0x58: {  	s15 =	simm.s32 $0x2900;
	[sflag:s2] =	ssyncadd.s32 $0xFFFFF000  }
0x59: {  	[spmem:s3] =	stream.indirect.scatter.add.f32 [tilespmem:s20], [sflag:$0xB], $0x20, s15, s16, $0xb8;
	[tilespmem:$0x16E00] =	vst v63  }
0x5a: {  	_ =	swait.ge [sflag:s4], $0x1000  }
0x5b: {  	[sflag:s4] =	ssyncset.done $0x0  }
0x5c: {  	s14 =	simm.s32 $0x2980;
	[sflag:s4] =	ssyncadd.s32 $0xFFFFF000  }
0x5d: {  	[spmem:s3] =	stream.indirect.scatter.add.f32 [tilespmem:s22], [sflag:$0xC], $0x20, s14, s16, $0xb8;
	[tilespmem:$0x16E00] =	vst v63  }
0x5e: {  	_ =	swait.ge [sflag:s19], $0x1000  }
0x5f: {  	[sflag:s19] =	ssyncset.done $0x0  }
0x60: {  	s15 =	simm.s32 $0x2A00;
	[sflag:s19] =	ssyncadd.s32 $0xFFFFF000  }
0x61: {  	[spmem:s3] =	stream.indirect.scatter.add.f32 [tilespmem:s24], [sflag:$0xD], $0x20, s15, s16, $0xb8;
	[tilespmem:$0x16E00] =	vst v63  }
0x62: {  	_ =	swait.ge [sflag:s21], $0x1000  }
0x63: {  	[sflag:s21] =	ssyncset.done $0x0  }
0x64: {  	s14 =	simm.s32 $0x2A80;
	[sflag:s21] =	ssyncadd.s32 $0xFFFFF000  }
0x65: {  	[spmem:s3] =	stream.indirect.scatter.add.f32 [tilespmem:s26], [sflag:$0xE], $0x20, s14, s16, $0xb8;
	[tilespmem:$0x16E00] =	vst v63  }
0x66: {  	_ =	swait.ge [sflag:s23], $0x1000  }
0x67: {  	[sflag:s23] =	ssyncset.done $0x0  }
0x68: {  	s15 =	simm.s32 $0x2B00;
	[sflag:s23] =	ssyncadd.s32 $0xFFFFF000  }
0x69: {  	[spmem:s3] =	stream.indirect.scatter.add.f32 [tilespmem:s29], [sflag:$0xF], $0x20, s15, s16, $0xb8;
	[tilespmem:$0x16E00] =	vst v63  }
0x6a: {  	_ =	swait.ge [sflag:s25], $0x1000  }
0x6b: {  	[sflag:s25] =	ssyncset.done $0x0  }
0x6c: {  	s14 =	simm.s32 $0x2B80;
	[sflag:s25] =	ssyncadd.s32 $0xFFFFF000  }
0x6d: {  	[spmem:s3] =	stream.indirect.scatter.add.f32 [tilespmem:s31], [sflag:$0x10], $0x20, s14, s16, $0xb8;
	[tilespmem:$0x16E00] =	vst v63  }
0x6e: {  	_ =	swait.ge [sflag:s28], $0x1000  }
0x6f: {  	[sflag:s28] =	ssyncset.done $0x0  }
0x70: {  	s15 =	simm.s32 $0x400;
	[sflag:s28] =	ssyncadd.s32 $0xFFFFF000  }
0x71: {  	[tilespmem:s17], [sflag:$0x1] =	stream.indirect.gather [hbm4b:s5+s16], $0x20, s15, s16, $0xb8;
	[tilespmem:$0x16E00] =	vst v63  }
0x72: {  	_ =	swait.ge [sflag:s30], $0x1000  }
0x73: {  	[sflag:s30] =	ssyncset.done $0x0  }
0x74: {  	s14 =	simm.s32 $0x480;
	[sflag:s30] =	ssyncadd.s32 $0xFFFFF000  }
0x75: {  	[tilespmem:s18], [sflag:$0x2] =	stream.indirect.gather [hbm4b:s5+s16], $0x20, s14, s16, $0xb8;
	[tilespmem:$0x16E00] =	vst v63  }
0x76: {  	_ =	swait.ge [sflag:s6], $0x1000  }
0x77: {  	[sflag:s6] =	ssyncset.done $0x0  }
0x78: {  	s15 =	simm.s32 $0x500;
	[sflag:s6] =	ssyncadd.s32 $0xFFFFF000  }
0x79: {  	[tilespmem:s20], [sflag:$0x3] =	stream.indirect.gather [hbm4b:s5+s16], $0x20, s15, s16, $0xb8;
	[tilespmem:$0x16E00] =	vst v63  }
0x7a: {  	_ =	swait.ge [sflag:s7], $0x1000  }
0x7b: {  	[sflag:s7] =	ssyncset.done $0x0  }
0x7c: {  	s14 =	simm.s32 $0x580;
	[sflag:s7] =	ssyncadd.s32 $0xFFFFF000  }
0x7d: {  	[tilespmem:s22], [sflag:$0x4] =	stream.indirect.gather [hbm4b:s5+s16], $0x20, s14, s16, $0xb8;
	[tilespmem:$0x16E00] =	vst v63  }
0x7e: {  	_ =	swait.ge [sflag:s8], $0x1000  }
0x7f: {  	[sflag:s8] =	ssyncset.done $0x0  }
0x80: {  	s15 =	simm.s32 $0x600;
	[sflag:s8] =	ssyncadd.s32 $0xFFFFF000  }
0x81: {  	[tilespmem:s24], [sflag:$0x5] =	stream.indirect.gather [hbm4b:s5+s16], $0x20, s15, s16, $0xb8;
	[tilespmem:$0x16E00] =	vst v63  }
0x82: {  	_ =	swait.ge [sflag:s9], $0x1000  }
0x83: {  	[sflag:s9] =	ssyncset.done $0x0  }
0x84: {  	s14 =	simm.s32 $0x680;
	[sflag:s9] =	ssyncadd.s32 $0xFFFFF000  }
0x85: {  	[tilespmem:s26], [sflag:$0x6] =	stream.indirect.gather [hbm4b:s5+s16], $0x20, s14, s16, $0xb8;
	[tilespmem:$0x16E00] =	vst v63  }
0x86: {  	_ =	swait.ge [sflag:s10], $0x1000  }
0x87: {  	[sflag:s10] =	ssyncset.done $0x0  }
0x88: {  	s15 =	simm.s32 $0x700;
	[sflag:s10] =	ssyncadd.s32 $0xFFFFF000  }
0x89: {  	[tilespmem:s29], [sflag:$0x7] =	stream.indirect.gather [hbm4b:s5+s16], $0x20, s15, s16, $0xb8;
	[tilespmem:$0x16E00] =	vst v63  }
0x8a: {  	_ =	swait.ge [sflag:s12], $0x1000  }
0x8b: {  	[sflag:s12] =	ssyncset.done $0x0  }
0x8c: {  	s11 =	simm.s32 $0x780;
	s14 =	simm.s32 $0x1000;
	[sflag:s12] =	ssyncadd.s32 $0xFFFFF000  }
.LBB2_4:
0x8d: {  	[tilespmem:s31], [sflag:$0x8] =	stream.indirect.gather [hbm4b:s5+s16], $0x20, s11, s16, $0xb8;
	[tilespmem:$0x16E00] =	vst v63  }
0x8e: {  	s11 =	smov.u32 s14  }
0x8f: {  	p1 =	sne.s32 s14, $0x8000;
	s14 =	sadd.s32 $0x1000, s14;
	_ =	swait.ge [sflag:s0], $0x1000  }
0x90: {  	s11 =	sshra.s32 s11, $0x2;
	[sflag:s0] =	ssyncset.done $0x0  }
0x91: {  	s15 =	sadd.s32 $0x2800, s11;
	[sflag:s0] =	ssyncadd.s32 $0xFFFFF000  }
0x92: {  	[spmem:s3] =	stream.indirect.scatter.add.f32 [tilespmem:s17], [sflag:$0x9], $0x20, s15, s16, $0xb8;
	[tilespmem:$0x16E00] =	vst v63  }
0x93: {  	_ =	swait.ge [sflag:s1], $0x1000  }
0x94: {  	[sflag:s1] =	ssyncset.done $0x0  }
0x95: {  	s15 =	sadd.s32 $0x2880, s11;
	[sflag:s1] =	ssyncadd.s32 $0xFFFFF000  }
0x96: {  	[spmem:s3] =	stream.indirect.scatter.add.f32 [tilespmem:s18], [sflag:$0xA], $0x20, s15, s16, $0xb8;
	[tilespmem:$0x16E00] =	vst v63  }
0x97: {  	_ =	swait.ge [sflag:s2], $0x1000  }
0x98: {  	[sflag:s2] =	ssyncset.done $0x0  }
0x99: {  	s15 =	sadd.s32 $0x2900, s11;
	[sflag:s2] =	ssyncadd.s32 $0xFFFFF000  }
0x9a: {  	[spmem:s3] =	stream.indirect.scatter.add.f32 [tilespmem:s20], [sflag:$0xB], $0x20, s15, s16, $0xb8;
	[tilespmem:$0x16E00] =	vst v63  }
0x9b: {  	_ =	swait.ge [sflag:s4], $0x1000  }
0x9c: {  	[sflag:s4] =	ssyncset.done $0x0  }
0x9d: {  	s15 =	sadd.s32 $0x2980, s11;
	[sflag:s4] =	ssyncadd.s32 $0xFFFFF000  }
0x9e: {  	[spmem:s3] =	stream.indirect.scatter.add.f32 [tilespmem:s22], [sflag:$0xC], $0x20, s15, s16, $0xb8;
	[tilespmem:$0x16E00] =	vst v63  }
0x9f: {  	_ =	swait.ge [sflag:s19], $0x1000  }
0xa0: {  	[sflag:s19] =	ssyncset.done $0x0  }
0xa1: {  	s15 =	sadd.s32 $0x2A00, s11;
	[sflag:s19] =	ssyncadd.s32 $0xFFFFF000  }
0xa2: {  	[spmem:s3] =	stream.indirect.scatter.add.f32 [tilespmem:s24], [sflag:$0xD], $0x20, s15, s16, $0xb8;
	[tilespmem:$0x16E00] =	vst v63  }
0xa3: {  	_ =	swait.ge [sflag:s21], $0x1000  }
0xa4: {  	[sflag:s21] =	ssyncset.done $0x0  }
0xa5: {  	s15 =	sadd.s32 $0x2A80, s11;
	[sflag:s21] =	ssyncadd.s32 $0xFFFFF000  }
0xa6: {  	[spmem:s3] =	stream.indirect.scatter.add.f32 [tilespmem:s26], [sflag:$0xE], $0x20, s15, s16, $0xb8;
	[tilespmem:$0x16E00] =	vst v63  }
0xa7: {  	_ =	swait.ge [sflag:s23], $0x1000  }
0xa8: {  	[sflag:s23] =	ssyncset.done $0x0  }
0xa9: {  	s15 =	sadd.s32 $0x2B00, s11;
	[sflag:s23] =	ssyncadd.s32 $0xFFFFF000  }
0xaa: {  	[spmem:s3] =	stream.indirect.scatter.add.f32 [tilespmem:s29], [sflag:$0xF], $0x20, s15, s16, $0xb8;
	[tilespmem:$0x16E00] =	vst v63  }
0xab: {  	_ =	swait.ge [sflag:s25], $0x1000  }
0xac: {  	[sflag:s25] =	ssyncset.done $0x0  }
0xad: {  	s15 =	sadd.s32 $0x2B80, s11;
	[sflag:s25] =	ssyncadd.s32 $0xFFFFF000  }
0xae: {  	[spmem:s3] =	stream.indirect.scatter.add.f32 [tilespmem:s31], [sflag:$0x10], $0x20, s15, s16, $0xb8;
	[tilespmem:$0x16E00] =	vst v63  }
0xaf: {  	_ =	swait.ge [sflag:s28], $0x1000  }
0xb0: {  	[sflag:s28] =	ssyncset.done $0x0  }
0xb1: {  	s15 =	sadd.s32 $0x400, s11;
	[sflag:s28] =	ssyncadd.s32 $0xFFFFF000  }
0xb2: {  	[tilespmem:s17], [sflag:$0x1] =	stream.indirect.gather [hbm4b:s5+s16], $0x20, s15, s16, $0xb8;
	[tilespmem:$0x16E00] =	vst v63  }
0xb3: {  	_ =	swait.ge [sflag:s30], $0x1000  }
0xb4: {  	[sflag:s30] =	ssyncset.done $0x0  }
0xb5: {  	s15 =	sadd.s32 $0x480, s11;
	[sflag:s30] =	ssyncadd.s32 $0xFFFFF000  }
0xb6: {  	[tilespmem:s18], [sflag:$0x2] =	stream.indirect.gather [hbm4b:s5+s16], $0x20, s15, s16, $0xb8;
	[tilespmem:$0x16E00] =	vst v63  }
0xb7: {  	_ =	swait.ge [sflag:s6], $0x1000  }
0xb8: {  	[sflag:s6] =	ssyncset.done $0x0  }
0xb9: {  	s15 =	sadd.s32 $0x500, s11;
	[sflag:s6] =	ssyncadd.s32 $0xFFFFF000  }
0xba: {  	[tilespmem:s20], [sflag:$0x3] =	stream.indirect.gather [hbm4b:s5+s16], $0x20, s15, s16, $0xb8;
	[tilespmem:$0x16E00] =	vst v63  }
0xbb: {  	_ =	swait.ge [sflag:s7], $0x1000  }
0xbc: {  	[sflag:s7] =	ssyncset.done $0x0  }
0xbd: {  	s15 =	sadd.s32 $0x580, s11;
	[sflag:s7] =	ssyncadd.s32 $0xFFFFF000  }
0xbe: {  	[tilespmem:s22], [sflag:$0x4] =	stream.indirect.gather [hbm4b:s5+s16], $0x20, s15, s16, $0xb8;
	[tilespmem:$0x16E00] =	vst v63  }
0xbf: {  	_ =	swait.ge [sflag:s8], $0x1000  }
0xc0: {  	[sflag:s8] =	ssyncset.done $0x0  }
0xc1: {  	s15 =	sadd.s32 $0x600, s11;
	[sflag:s8] =	ssyncadd.s32 $0xFFFFF000  }
0xc2: {  	[tilespmem:s24], [sflag:$0x5] =	stream.indirect.gather [hbm4b:s5+s16], $0x20, s15, s16, $0xb8;
	[tilespmem:$0x16E00] =	vst v63  }
0xc3: {  	_ =	swait.ge [sflag:s9], $0x1000  }
0xc4: {  	[sflag:s9] =	ssyncset.done $0x0  }
0xc5: {  	s15 =	sadd.s32 $0x680, s11;
	[sflag:s9] =	ssyncadd.s32 $0xFFFFF000  }
0xc6: {  	[tilespmem:s26], [sflag:$0x6] =	stream.indirect.gather [hbm4b:s5+s16], $0x20, s15, s16, $0xb8;
	[tilespmem:$0x16E00] =	vst v63  }
0xc7: {  	_ =	swait.ge [sflag:s10], $0x1000  }
0xc8: {  	[sflag:s10] =	ssyncset.done $0x0  }
.Ltmp1:
0xc9: {  	s15 =	sadd.s32 $0x700, s11;
	[sflag:s10] =	ssyncadd.s32 $0xFFFFF000;
	(pc) =	sbr.rel @p1 .LBB2_4-.Ltmp1, $4  }
0xca: {  	[tilespmem:s29], [sflag:$0x7] =	stream.indirect.gather [hbm4b:s5+s16], $0x20, s15, s16, $0xb8;
	[tilespmem:$0x16E00] =	vst v63  }
0xcb: {  	_ =	swait.ge [sflag:s12], $0x1000  }
0xcc: {  	[sflag:s12] =	ssyncset.done $0x0  }
0xcd: {  	s11 =	sadd.s32 $0x780, s11;
	[sflag:s12] =	ssyncadd.s32 $0xFFFFF000  }
0xce: {  	[tilespmem:s31], [sflag:$0x8] =	stream.indirect.gather [hbm4b:s5+s16], $0x20, s11, s16, $0xb8;
	[tilespmem:$0x16E00] =	vst v63  }
0xcf: {  	_ =	swait.ge [sflag:s0], $0x1000  }
0xd0: {  	[sflag:s0] =	ssyncset.done $0x0  }
0xd1: {  	s15 =	simm.s32 $0x4C00;
	[sflag:s0] =	ssyncadd.s32 $0xFFFFF000  }
0xd2: {  	[spmem:s3] =	stream.indirect.scatter.add.f32 [tilespmem:s17], [sflag:$0x9], $0x20, s15, s16, $0xb8;
	[tilespmem:$0x16E00] =	vst v63  }
0xd3: {  	_ =	swait.ge [sflag:s1], $0x1000  }
0xd4: {  	[sflag:s1] =	ssyncset.done $0x0  }
0xd5: {  	s14 =	simm.s32 $0x4C80;
	[sflag:s1] =	ssyncadd.s32 $0xFFFFF000  }
0xd6: {  	[spmem:s3] =	stream.indirect.scatter.add.f32 [tilespmem:s18], [sflag:$0xA], $0x20, s14, s16, $0xb8;
	[tilespmem:$0x16E00] =	vst v63  }
0xd7: {  	_ =	swait.ge [sflag:s2], $0x1000  }
0xd8: {  	[sflag:s2] =	ssyncset.done $0x0  }
0xd9: {  	s15 =	simm.s32 $0x4D00;
	[sflag:s2] =	ssyncadd.s32 $0xFFFFF000  }
0xda: {  	[spmem:s3] =	stream.indirect.scatter.add.f32 [tilespmem:s20], [sflag:$0xB], $0x20, s15, s16, $0xb8;
	[tilespmem:$0x16E00] =	vst v63  }
0xdb: {  	_ =	swait.ge [sflag:s4], $0x1000  }
0xdc: {  	[sflag:s4] =	ssyncset.done $0x0  }
0xdd: {  	s14 =	simm.s32 $0x4D80;
	[sflag:s4] =	ssyncadd.s32 $0xFFFFF000  }
0xde: {  	[spmem:s3] =	stream.indirect.scatter.add.f32 [tilespmem:s22], [sflag:$0xC], $0x20, s14, s16, $0xb8;
	[tilespmem:$0x16E00] =	vst v63  }
0xdf: {  	_ =	swait.ge [sflag:s19], $0x1000  }
0xe0: {  	[sflag:s19] =	ssyncset.done $0x0  }
0xe1: {  	s15 =	simm.s32 $0x4E00;
	[sflag:s19] =	ssyncadd.s32 $0xFFFFF000  }
0xe2: {  	[spmem:s3] =	stream.indirect.scatter.add.f32 [tilespmem:s24], [sflag:$0xD], $0x20, s15, s16, $0xb8;
	[tilespmem:$0x16E00] =	vst v63  }
0xe3: {  	_ =	swait.ge [sflag:s21], $0x1000  }
0xe4: {  	[sflag:s21] =	ssyncset.done $0x0  }
0xe5: {  	s14 =	simm.s32 $0x4E80;
	[sflag:s21] =	ssyncadd.s32 $0xFFFFF000  }
0xe6: {  	[spmem:s3] =	stream.indirect.scatter.add.f32 [tilespmem:s26], [sflag:$0xE], $0x20, s14, s16, $0xb8;
	[tilespmem:$0x16E00] =	vst v63  }
0xe7: {  	_ =	swait.ge [sflag:s23], $0x1000  }
0xe8: {  	[sflag:s23] =	ssyncset.done $0x0  }
0xe9: {  	s15 =	simm.s32 $0x4F00;
	[sflag:s23] =	ssyncadd.s32 $0xFFFFF000  }
0xea: {  	[spmem:s3] =	stream.indirect.scatter.add.f32 [tilespmem:s29], [sflag:$0xF], $0x20, s15, s16, $0xb8;
	[tilespmem:$0x16E00] =	vst v63  }
0xeb: {  	_ =	swait.ge [sflag:s25], $0x1000  }
0xec: {  	[sflag:s25] =	ssyncset.done $0x0  }
0xed: {  	s14 =	simm.s32 $0x4F80;
	[sflag:s25] =	ssyncadd.s32 $0xFFFFF000  }
0xee: {  	[spmem:s3] =	stream.indirect.scatter.add.f32 [tilespmem:s31], [sflag:$0x10], $0x20, s14, s16, $0xb8;
	[tilespmem:$0x16E00] =	vst v63  }
0xef: {  	_ =	swait.ge [sflag:s28], $0x1000  }
0xf0: {  	[sflag:s28] =	ssyncset.done $0x0  }
0xf1: {  	[sflag:s28] =	ssyncadd.s32 $0xFFFFF000  }
0xf2: {  	_ =	swait.ge [sflag:s30], $0x1000  }
0xf3: {  	[sflag:s30] =	ssyncset.done $0x0  }
0xf4: {  	[sflag:s30] =	ssyncadd.s32 $0xFFFFF000  }
0xf5: {  	_ =	swait.ge [sflag:s6], $0x1000  }
0xf6: {  	[sflag:s6] =	ssyncset.done $0x0  }
0xf7: {  	[sflag:s6] =	ssyncadd.s32 $0xFFFFF000  }
0xf8: {  	_ =	swait.ge [sflag:s7], $0x1000  }
0xf9: {  	[sflag:s7] =	ssyncset.done $0x0  }
0xfa: {  	[sflag:s7] =	ssyncadd.s32 $0xFFFFF000  }
0xfb: {  	_ =	swait.ge [sflag:s8], $0x1000  }
0xfc: {  	[sflag:s8] =	ssyncset.done $0x0  }
0xfd: {  	[sflag:s8] =	ssyncadd.s32 $0xFFFFF000  }
0xfe: {  	_ =	swait.ge [sflag:s9], $0x1000  }
0xff: {  	[sflag:s9] =	ssyncset.done $0x0  }
0x100: {  	[sflag:s9] =	ssyncadd.s32 $0xFFFFF000  }
0x101: {  	_ =	swait.ge [sflag:s10], $0x1000  }
0x102: {  	[sflag:s10] =	ssyncset.done $0x0  }
0x103: {  	[sflag:s10] =	ssyncadd.s32 $0xFFFFF000  }
0x104: {  	_ =	swait.ge [sflag:s12], $0x1000  }
0x105: {  	[sflag:s12] =	ssyncset.done $0x0  }
0x106: {  	[sflag:s12] =	ssyncadd.s32 $0xFFFFF000  }
0x107: {  	s15 =	simm.s32 $0xD000;
	[bflag:$0x0] =	sbarrier.arrive $0xFFFF  }
0x108: {  	[tilespmem:s15], [sflag:$0x11] =	stream.linear.gather [spmem:s13], $0x4F00, $0x38;
	[tilespmem:$0x16E00] =	vst v63  }
0x109: {  	s13 =	simm.s32 $0x11  }
0x10a: {  	_ =	swait.ge [sflag:s13], $0x4F00  }
0x10b: {  	s11 =	simm.s32 $0x0;
	[sflag:s13] =	ssyncset.done $0x0  }
0x10c: {  	s15 =	simm.s32 $0xD000;
	s14 =	rddreg [dreg:$0xa];
	[sflag:s13] =	ssyncadd.s32 $0xFFFFB100  }
0x10d: {  	[hbm4b:s14+s11] =	stream.linear.scatter [tilespmem:s15], [sflag:$0x11], $0x4F00, $0x38;
	[tilespmem:$0x16E00] =	vst v63  }
0x10e: {  	_ =	swait.ge [sflag:s13], $0x4F00  }
0x10f: {  	s11 =	rddreg [dreg:$0xc]  }
0x110: {  	s15 =	rddreg [dreg:$0xb];
	s14 =	sadd.s32 $0x1, s11  }
0x111: {  	p1 =	sne.s32 s14, s15  }
.Ltmp2:
0x112: {  	_ = 	snop;
	(pc) =	sbr.rel @p1 .LBB2_1-.Ltmp2, $3  }
0x113: {  	_ =	sdelay $0x1  }
0x114: {  	[sflag:s13] =	ssyncset.done $0x0  }
0x115: {  	[sflag:s13] =	ssyncadd.s32 $0xFFFFB100  }
0x116: {  	_ =	sfence.sel $0x180000  }
0x117: {  	[bflag:$0x0] =	sbarrier.arrive $0xFFFF  }
0x118: {  	_ =	strace $0x9000004A  }
0x119: {  	s0 =	stileid.u32;
	[bflag:$0x2] =	sbarrier.arrive $0xFFFF  }
0x11a: {  	p0 =	sne.s32 s0, $0x0;
	s0 =	rddreg [dreg:$0x3]  }
0x11b: {  	s0 =	sadd.s32 @!p0 $0x100000, s0  }
0x11c: {  	[sflag:s0] =	ssyncadd.tile.s32 @!p0 $0x1;
	_ =	shalt  }
.Lfunc_end2:
_tile_overlayer_lowered:
.L_overlay_start_2:
0x11d: {  	(tag) =	ssettag $0x2  }
0x11e: {  	s0 =	rddreg [dreg:$0x0];
	s2 =	stileid.u32  }
0x11f: {  	s1 =	rddreg [dreg:$0x1];
	p0 =	sne.s32 s2, $0x0  }
0x120: {  	s3 =	rddreg [dreg:$0x2];
	[bflag:$0x3] =	sbarrier.arrive $0xFFFF;
	s2 =	simm.s32 @!p0 $0x1C11  }
0x121: {  	[timem:s3], [sflag:s2] =	dma.local @!p0 [hbm:s0], s1  }
0x122: {  	s0 =	simm.s32 @!p0 $0x11  }
0x123: {  	_ =	swait.ge @!p0 [sflag:s0], s1  }
0x124: {  	s1 =	ssub.s32 @!p0 $0x0, s1;
	[sflag:s0] =	ssyncset.done @!p0 $0x0  }
0x125: {  	[sflag:s0] =	ssyncadd.s32 @!p0 s1  }
0x126: {  	[bflag:$0x3] =	sbarrier.arrive $0xFFFF  }
0x127: {  	_ =	shalt  }

// kernel: kernel.14.cloned.1.call-start
scs
__scs_entry_jumppad:
0x0: {  	(pc) =	sbr.rel $0x88, $3  }
0x1: {  	(tag) =	ssettag $0x0;
	lr =	simm.s32 $0x1  }
0x2: {  	[smem:$0x3F99] =	sst lr;
	_ =	strace $0xD0000000  }
0x3: {  	_ = 	snop  }
0x4: {  	_ = 	snop  }
0x5: {  	_ = 	snop  }
0x6: {  	_ = 	snop  }
0x7: {  	_ = 	snop  }
__scs_overlays_trampoline_lowered:
0x8: {  	[smem:$0x3FA8] =	sst s0  }
0x9: {  	[smem:$0x3FA9] =	sst s1  }
0xa: {  	[smem:$0x3FAA] =	sst s2  }
0xb: {  	[smem:$0x3FAB] =	sst s3  }
0xc: {  	[smem:$0x3FAC] =	sst s4  }
0xd: {  	[smem:$0x3FAD] =	sst s5  }
0xe: {  	[smem:$0x3FAE] =	sst s6  }
0xf: {  	[smem:$0x3FAF] =	sst s7  }
0x10: {  	[smem:$0x3FB0] =	sst s8  }
0x11: {  	[smem:$0x3FB1] =	sst s9;
	s0 =	simm.s32 @!p0 $0x0  }
0x12: {  	s1 =	sld [smem:$0x3F97];
	s0 =	simm.s32 @p0 $0x1  }
0x13: {  	[smem:$0x3FB2] =	sst s0;
	s0 =	simm.s32 @!p1 $0x0  }
0x14: {  	s2 =	sld [smem:$0x3F96];
	s0 =	simm.s32 @p1 $0x1  }
0x15: {  	[smem:$0x3FB3] =	sst s0;
	s0 =	simm.s32 @!p2 $0x0  }
0x16: {  	s3 =	sld [smem:$0x3FDB];
	s0 =	simm.s32 @p2 $0x1  }
0x17: {  	s4 =	simm.s32 $0x1BF5;
	[smem:$0x3FB5] =	sst s0  }
0x18: {  	s0 =	sld [smem:$0x3F98];
	_ =	swait.ge [sflag:s4], $0x0  }
0x19: {  	s7 =	sld [smem:$0x3F99]  }
0x1a: {  	s8 =	sadd.s32 $0xFFFFE003, lr  }
0x1b: {  	s9 =	sadd.s32 $0xFFFFFEF7, lr;
	s5 =	simm.s32 $0xFFFFFFFF;
	p2 =	slt.u32 s8, $0xFFFFF086  }
0x1c: {  	p1 =	slt.u32 s9, $0xF7A;
	s5 =	simm.s32 @!p2 $0x0  }
0x1d: {  	s5 =	simm.s32 @p1 $0x1;
	p0 =	seq.s32 s7, s2  }
0x1e: {  	s7 =	smul.u32 @!p0 $0xF7A, s2;
	p2 =	seq.s32 @!p0 s5, $0x0  }
0x1f: {  	s9 =	smul.u32 $0xF7A, s1;
	s8 =	simm.s32 @!p0 $0x1BF5;
	p2 =	por !p2, p0  }
0x20: {  	[sflag:s8] =	ssyncset.s32 @!p0 $0xFFFFF086;
	s6 =	sadd.s32 @!p0 s3, s7;
	s7 =	simm.s32 @!p0 $0x108  }
0x21: {  	s3 =	sadd.s32 s3, s9;
	s6 =	sadd.s32 @!p0 $0x88, s6;
	s7 =	simm.s32 @p2 $0x1082  }
0x22: {  	[simem:s7], [sflag:s8] =	dma.local @!p0 [hbm:s6], $0xF7A  }
0x23: {  	s9 =	sor.u32 $0xD0000000, s2;
	s6 =	simm.s32 $0x108;
	_ =	swait.ge @!p0 [sflag:s8], $0x0  }
0x24: {  	s3 =	sadd.s32 $0x88, s3;
	s6 =	simm.s32 @!p1 $0x1082;
	[sflag:s4] =	ssyncset.s32 $0xFFFFF086  }
0x25: {  	[simem:s6], [sflag:s4] =	dma.local [hbm:s3], $0xF7A  }
0x26: {  	[smem:$0x3F99] =	sst s1;
	(tag) =	ssettag s2;
	_ =	strace s9  }
0x27: {  	s1 =	sld [smem:$0x3FA9]  }
0x28: {  	s2 =	sld [smem:$0x3FAA]  }
0x29: {  	s4 =	sld [smem:$0x3FAC]  }
0x2a: {  	p0 =	seq.s32 s5, $0x0;
	s5 =	sld [smem:$0x3FAD]  }
0x2b: {  	s6 =	sld [smem:$0x3FAE]  }
0x2c: {  	s7 =	sld [smem:$0x3FAF]  }
0x2d: {  	s3 =	simm.s32 $0x108;
	s8 =	sld [smem:$0x3FB0]  }
0x2e: {  	s3 =	simm.s32 @!p0 $0x1082;
	s9 =	sld [smem:$0x3FB1]  }
0x2f: {  	lr =	sadd.s32 s0, s3;
	s0 =	sld [smem:$0x3FA8]  }
0x30: {  	s3 =	sld [smem:$0x3FAB]  }
0x31: {  	[smem:$0x3FB4] =	sst s10  }
0x32: {  	s10 =	sld [smem:$0x3FB2];
	_ =	sdelay $0x3  }
0x33: {  	p0 =	seq.s32 s10, $0x1;
	s10 =	sld [smem:$0x3FB4];
	_ =	sdelay $0x3  }
0x34: {  	[smem:$0x3FB4] =	sst s10  }
0x35: {  	s10 =	sld [smem:$0x3FB3];
	_ =	sdelay $0x3  }
0x36: {  	p1 =	seq.s32 s10, $0x1;
	s10 =	sld [smem:$0x3FB4];
	_ =	sdelay $0x3  }
0x37: {  	[smem:$0x3FB4] =	sst s10  }
0x38: {  	s10 =	sld [smem:$0x3FB5]  }
0x39: {  	_ = 	snop;
	(pc) =	sbr.ind lr, $3  }
0x3a: {  	_ = 	snop  }
0x3b: {  	_ = 	snop  }
0x3c: {  	p2 =	seq.s32 s10, $0x1;
	s10 =	sld [smem:$0x3FB4]  }
0x3d: {  	_ =	shalt  }
0x3e: {  	_ =	shalt  }
0x3f: {  	_ =	shalt  }
0x40: {  	_ =	shalt  }
0x41: {  	_ =	shalt  }
0x42: {  	_ =	shalt  }
0x43: {  	_ =	shalt  }
0x44: {  	_ =	shalt  }
0x45: {  	_ =	shalt  }
0x46: {  	_ =	shalt  }
0x47: {  	_ =	shalt  }
0x48: {  	_ =	shalt  }
0x49: {  	_ =	shalt  }
0x4a: {  	_ =	shalt  }
0x4b: {  	_ =	shalt  }
0x4c: {  	_ =	shalt  }
0x4d: {  	_ =	shalt  }
0x4e: {  	_ =	shalt  }
0x4f: {  	_ =	shalt  }
0x50: {  	_ =	shalt  }
0x51: {  	_ =	shalt  }
0x52: {  	_ =	shalt  }
0x53: {  	_ =	shalt  }
0x54: {  	_ =	shalt  }
0x55: {  	_ =	shalt  }
0x56: {  	_ =	shalt  }
0x57: {  	_ =	shalt  }
0x58: {  	_ =	shalt  }
0x59: {  	_ =	shalt  }
0x5a: {  	_ =	shalt  }
0x5b: {  	_ =	shalt  }
0x5c: {  	_ =	shalt  }
0x5d: {  	_ =	shalt  }
0x5e: {  	_ =	shalt  }
0x5f: {  	_ =	shalt  }
0x60: {  	_ =	shalt  }
0x61: {  	_ =	shalt  }
0x62: {  	_ =	shalt  }
0x63: {  	_ =	shalt  }
0x64: {  	_ =	shalt  }
0x65: {  	_ =	shalt  }
0x66: {  	_ =	shalt  }
0x67: {  	_ =	shalt  }
0x68: {  	_ =	shalt  }
0x69: {  	_ =	shalt  }
0x6a: {  	_ =	shalt  }
0x6b: {  	_ =	shalt  }
0x6c: {  	_ =	shalt  }
0x6d: {  	_ =	shalt  }
0x6e: {  	_ =	shalt  }
0x6f: {  	_ =	shalt  }
0x70: {  	_ =	shalt  }
0x71: {  	_ =	shalt  }
0x72: {  	_ =	shalt  }
0x73: {  	_ =	shalt  }
0x74: {  	_ =	shalt  }
0x75: {  	_ =	shalt  }
0x76: {  	_ =	shalt  }
0x77: {  	_ =	shalt  }
0x78: {  	_ =	shalt  }
0x79: {  	_ =	shalt  }
0x7a: {  	_ =	shalt  }
0x7b: {  	_ =	shalt  }
0x7c: {  	_ =	shalt  }
0x7d: {  	_ =	shalt  }
0x7e: {  	_ =	shalt  }
0x7f: {  	_ =	shalt  }
0x80: {  	_ =	shalt  }
0x81: {  	_ =	shalt  }
0x82: {  	_ =	shalt  }
0x83: {  	_ =	shalt  }
0x84: {  	_ =	shalt  }
0x85: {  	_ =	shalt  }
0x86: {  	_ =	shalt  }
0x87: {  	_ =	shalt  }
.Lfunc_end0:
.L_simem_size_0:
called_computation.2_lowered:
.L_overlay_start_0:
0x88: {  	s2 =	sld [smem:$0x3FD9]  }
0x89: {  	s3 =	sld [smem:$0x3FFE];
	_ =	sdelay $0x1  }
0x8a: {  	s1 =	srdreg.scid  }
0x8b: {  	s0 =	sand.u32 $0x1, s1  }
0x8c: {  	s14 =	sshll.u32 s0, $0xA;
	s2 =	sadd.s32 s3, s2  }
0x8d: {  	s2 =	sadd.s32 s2, s14  }
0x8e: {  	[smem:$0x3FC0] =	sst s2  }
0x8f: {  	_ = 	snop  }
0x90: {  	s2 =	sld [smem:$0x3FD0];
	_ =	sdelay $0x2  }
0x91: {  	s15 =	simm.s32 $0xA;
	s4 =	simm.s32 $0x10  }
0x92: {  	[smem:s4], [sflag:s15] =	dma.local [hbm:s2], $0x1  }
0x93: {  	_ =	swait.eq [sflag:s15], $0x1  }
0x94: {  	[sflag:s15] =	ssyncset.done $0x0  }
0x95: {  	[sflag:s15] =	ssyncadd.s32 $0xFFFFFFFF  }
0x96: {  	s16 =	sld [smem:$0x10];
	(tm) =	ssettm $0x1  }
0x97: {  	s17 =	sld [smem:$0x3FFB];
	_ =	sdelay $0x3  }
0x98: {  	_ =	strace s17  }
0x99: {  	s3 =	sld [smem:$0x3FFC];
	_ =	sdelay $0x3  }
0x9a: {  	_ =	strace s3  }
0x9b: {  	s3 =	sld [smem:$0x3FFD];
	_ =	sdelay $0x3  }
0x9c: {  	_ =	strace s3  }
0x9d: {  	_ =	strace $0x8FFFFFFF  }
0x9e: {  	s18 =	sld [smem:$0x3FDB];
	_ =	sdelay $0x1  }
0x9f: {  	s19 =	simm.s32 $_scs_section_size  }
0xa0: {  	s5 =	simm.s32 $_size__tile_overlayer_lowered;
	s6 =	simm.s32 $_tile_overlayer_lowered  }
0xa1: {  	s22 =	simm.s32 $0x1BFF;
	s21 =	sshll.u32 s6, $0x1;
	s3 =	sadd.s32 s19, s18  }
0xa2: {  	s7 =	simm.s32 $0x0;
	s20 =	sshll.u32 s5, $0x1;
	s5 =	sadd.s32 s21, s3  }
0xa3: {  	[timem:s7], [sflag:s22] =	dma.local [hbm:s5], s20  }
0xa4: {  	_ =	swait.ge [sflag:s22], s20  }
0xa5: {  	s4 =	ssub.s32 $0x0, s20;
	[sflag:s22] =	ssyncset.done $0x0  }
0xa6: {  	[sflag:s22] =	ssyncadd.s32 s4;
	_ =	sdelay $0x1  }
0xa7: {  	s23 =	simm.s32 $0x1B8B  }
0xa8: {  	_ =	swait.ge [sflag:s23], $0x1  }
0xa9: {  	[sflag:s23] =	ssyncset.done $0x0  }
0xaa: {  	s25 =	simm.s32 $0x1B8E;
	s24 =	sld [smem:$0x3FFE];
	[sflag:s23] =	ssyncadd.s32 $0xFFFFFFFF  }
0xab: {  	s26 =	simm.s32 $execute0_lowered;
	[smem:$0x3FD2] =	sst s25  }
0xac: {  	s5 =	sshll.u32 s26, $0x1;
	_ =	strace $0x8000004C;
	[dreg:$0x1] =	wrdreg $0xFFFFFFFF  }
0xad: {  	s28 =	simm.s32 $_size_execute0_lowered;
	s3 =	sadd.s32 s3, s5;
	[dreg:$0x0] =	wrdreg $0x0  }
0xae: {  	s5 =	sshll.u32 s28, $0x1;
	[dreg:$0x2] =	wrdreg s3  }
0xaf: {  	[dreg:$0x3] =	wrdreg s5  }
0xb0: {  	[dreg:$0x4] =	wrdreg $0xC0  }
0xb1: {  	_ =	task [dreg:s7], $0x5FFFF  }
0xb2: {  	[dreg:$0x1] =	wrdreg $0xFFFFFFFF  }
0xb3: {  	[dreg:$0x0] =	wrdreg $0x60  }
0xb4: {  	[dreg:$0x2] =	wrdreg s24  }
0xb5: {  	[dreg:$0x3] =	wrdreg s16  }
0xb6: {  	[dreg:$0x4] =	wrdreg $0x11F000  }
0xb7: {  	[dreg:$0x5] =	wrdreg $0x9  }
0xb8: {  	_ =	task.clear_ibuf [dreg:s7], $0x6FFFF;
	_ =	strace $0x9000004C  }
0xb9: {  	s29 =	simm.s32 $0x9;
	_ =	strace $0x8000004E  }
0xba: {  	_ =	swait.ge [sflag:s29], $0x1  }
0xbb: {  	[sflag:s29] =	ssyncadd.s32 $0xFFFFFFFF  }
0xbc: {  	_ =	strace $0x9000004E  }
0xbd: {  	_ =	sfence  }
0xbe: {  	s30 =	sld [smem:$0x0];
	_ =	sdelay $0x2  }
0xbf: {  	s31 =	sshll.u32 s1, $0xD;
	s1 =	sshrl.u32 s1, $0x2  }
0xc0: {  	s3 =	sand.u32 $0x4000, s31;
	s1 =	sadd.s32 s1, s30  }
0xc1: {  	s0 =	sor.u32 s3, s0;
	s1 =	sshll.u32 s1, $0x11  }
0xc2: {  	s0 =	sor.u32 s1, s0  }
0xc3: {  	s0 =	sadd.s32 $0x8F2B, s0  }
0xc4: {  	[sflag:s0] =	ssyncadd.remote.s32 $0x1  }
0xc5: {  	_ =	sfence.sel $0xFFFF  }
0xc6: {  	[dreg:$0x0] =	wrdreg $0xFFFFFFFF;
	(pc) =	sbr.abs _section_cstart, $3  }
0xc7: {  	[dreg:$0x1] =	wrdreg $0xFFFFFFFF  }
0xc8: {  	_ =	task.clear_ibuf [dreg:s7], $0x2FFFF;
	_ =	strace $0x9FFFFFFF  }
0xc9: {  	(tm) =	ssettm $0x7FFFFFFF  }
tec
execute0_lowered:
.L_overlay_start_1:
0x0: {  	(tag) =	ssettag $0x1  }
0x1: {  	s0 =	rddreg [dreg:$0x0]  }
0x2: {  	s3 =	rddreg [dreg:$0x2]  }
0x3: {  	s1 =	srdreg.scid;
	s6 =	stileid.u32  }
0x4: {  	s4 =	simm.s32 $0x0;
	s16 =	simm.s32 $0x80;
	s17 =	simm.s32 $0x5000  }
0x5: {  	s18 =	simm.s32 $0x6000;
	s20 =	simm.s32 $0x7000;
	s29 =	simm.s32 $0xB000  }
0x6: {  	s31 =	simm.s32 $0xC000;
	s19 =	simm.s32 $0x5;
	s21 =	simm.s32 $0x6  }
0x7: {  	s28 =	simm.s32 $0x9;
	s30 =	simm.s32 $0xA;
	s12 =	simm.s32 $0x10  }
0x8: {  	s14 =	simm.s32 $0x0;
	s1 =	sand.u32 $0x1, s1;
	s2 =	smul.u32 $0x4F00, s6  }
0x9: {  	[smem:$0x7FF] =	sst s4;
	s8 =	sadd.s32 $0x2C00, s0;
	s9 =	sadd.s32 $0x16A00, s0  }
0xa: {  	s24 =	sadd.s32 $0xC700, s0;
	s22 =	smul.u32 $0x4F000, s1;
	s5 =	sshll.u32 s1, $0x4  }
0xb: {  	_ =	strace $0x8000004D;
	[dreg:$0x4] =	wrdreg s9;
	s1 =	ssub.s32 $0x2, s1  }
0xc: {  	[dreg:$0x7] =	wrdreg s24;
	s24 =	simm.s32 $0x9000;
	s9 =	simm.s32 $0xE  }
0xd: {  	s6 =	sor.u32 s6, s5;
	s5 =	sadd.s32 $0x65E00, s0;
	s10 =	sshrl.u32 s1, $0x1  }
0xe: {  	s11 =	sadd.s32 s2, s3;
	s4 =	sadd.s32 s2, s22;
	s7 =	smul.u32 $0x2800, s6  }
0xf: {  	s23 =	smul.u32 $0x500, s6;
	s1 =	ssub.s32 s1, s10;
	p0 =	seq.s32 s6, $0x1F  }
0x10: {  	s22 =	simm.s32 $0x8000;
	s2 =	simm.s32 $0x3;
	s6 =	simm.s32 $0xB  }
0x11: {  	s10 =	simm.s32 $0xF;
	[dreg:$0x9] =	wrdreg s11;
	s4 =	sshrl.u32 s4, $0x3  }
0x12: {  	s26 =	smax.u32 s1, $0x1;
	s1 =	simm.s32 $0x2;
	s7 =	sshrl.u32 s7, $0x3  }
0x13: {  	s4 =	sadd.s32 s4, s0;
	s0 =	sadd.s32 $0x16340, s0;
	[dreg:$0xb] =	wrdreg s26  }
0x14: {  	s26 =	simm.s32 $0xA000;
	s7 =	sadd.s32 s8, s7;
	s8 =	sadd.s32 s8, s23  }
0x15: {  	[dreg:$0x8] =	wrdreg s0;
	s25 =	sadd.s32 $0x6FC00, s4;
	s0 =	simm.s32 $0x1  }
0x16: {  	s4 =	simm.s32 $0x4;
	s23 =	simm.s32 $0x7;
	[dreg:$0x5] =	wrdreg s8  }
0x17: {  	s7 =	sadd.s32 $0x9C40, s7;
	[dreg:$0xa] =	wrdreg s25;
	s25 =	simm.s32 $0x8  }
0x18: {  	v0 =	vimm.f32 $0.0e+00;
	s8 =	simm.s32 $0xD;
	[dreg:$0x6] =	wrdreg s7;
	s7 =	simm.s32 $0xC  }
.LBB2_1:
0x19: {  	[dreg:$0xc] =	wrdreg s14  }
0x1a: {  	s11 =	simm.s32 @p0 $0x0;
	s13 =	rddreg [dreg:$0x7];
	s14 =	simm.s32 @p0 $0x11  }
0x1b: {  	[tilespmem:s11], [sflag:$0x11] =	stream.linear.gather @p0 [hbm4b:s13+s11], $0xA00, $0x38;
	[tilespmem:$0x16E00] =	vst v63  }
0x1c: {  	_ =	swait.ge @p0 [sflag:s14], $0xA00  }
0x1d: {  	[sflag:s14] =	ssyncset.done @p0 $0x0  }
0x1e: {  	[sflag:s14] =	ssyncadd.s32 @p0 $0xFFFFF600  }
0x1f: {  	s15 =	simm.s32 @p0 $0xA00;
	s13 =	rddreg [dreg:$0x1]  }
0x20: {  	[tilespmem:s15], [sflag:$0x11] =	stream.linear.gather @p0 [hbm4b:s13+s11], $0x1E00, $0x38;
	[tilespmem:$0x16E00] =	vst v63  }
0x21: {  	_ =	swait.ge @p0 [sflag:s14], $0x1E00  }
0x22: {  	[sflag:s14] =	ssyncset.done @p0 $0x0  }
0x23: {  	s15 =	simm.s32 @p0 $0x2800;
	s13 =	rddreg [dreg:$0x8];
	[sflag:s14] =	ssyncadd.s32 @p0 $0xFFFFE200  }
0x24: {  	[tilespmem:s15], [sflag:$0x11] =	stream.linear.gather @p0 [hbm4b:s13+s11], $0xA00, $0x38;
	[tilespmem:$0x16E00] =	vst v63  }
0x25: {  	_ =	swait.ge @p0 [sflag:s14], $0xA00  }
0x26: {  	[sflag:s14] =	ssyncset.done @p0 $0x0  }
0x27: {  	s15 =	simm.s32 @p0 $0x3200;
	s13 =	rddreg [dreg:$0x4];
	[sflag:s14] =	ssyncadd.s32 @p0 $0xFFFFF600  }
0x28: {  	[tilespmem:s15], [sflag:$0x11] =	stream.linear.gather @p0 [hbm4b:s13+s11], $0x1E00, $0x38;
	[tilespmem:$0x16E00] =	vst v63  }
0x29: {  	_ =	swait.ge @p0 [sflag:s14], $0x1E00  }
0x2a: {  	s11 =	simm.s32 @!p0 $0x0;
	[sflag:s14] =	ssyncset.done @p0 $0x0  }
0x2b: {  	s13 =	rddreg [dreg:$0x5];
	[sflag:s14] =	ssyncadd.s32 @p0 $0xFFFFE200;
	s14 =	simm.s32 @!p0 $0x11  }
0x2c: {  	[tilespmem:s11], [sflag:$0x11] =	stream.linear.gather @!p0 [hbm4b:s13+s11], $0x2800, $0x38;
	[tilespmem:$0x16E00] =	vst v63  }
0x2d: {  	_ =	swait.ge @!p0 [sflag:s14], $0x2800  }
0x2e: {  	[sflag:s14] =	ssyncset.done @!p0 $0x0  }
0x2f: {  	s15 =	simm.s32 @!p0 $0x2800;
	s13 =	rddreg [dreg:$0x6];
	[sflag:s14] =	ssyncadd.s32 @!p0 $0xFFFFD800  }
0x30: {  	[tilespmem:s15], [sflag:$0x11] =	stream.linear.gather @!p0 [hbm4b:s13+s11], $0x2800, $0x38;
	[tilespmem:$0x16E00] =	vst v63  }
0x31: {  	_ =	swait.ge @!p0 [sflag:s14], $0x2800  }
0x32: {  	[sflag:s14] =	ssyncset.done @!p0 $0x0  }
0x33: {  	s11 =	simm.s32 $0x80;
	[sflag:s14] =	ssyncadd.s32 @!p0 $0xFFFFD800;
	s14 =	simm.s32 $0x0  }
.LBB2_2:
0x34: {  	p1 =	sne.s32 s11, $0x13B80;
	[tilespmem:s14+$0xD000] =	vst v0;
	s15 =	smov.u32 s11;
	s11 =	sadd.s32 $0x80, s11  }
.Ltmp0:
0x35: {  	[tilespmem:s14+$0xD010] =	vst v0;
	(pc) =	sbr.rel @p1 .LBB2_2-.Ltmp0, $2  }
0x36: {  	_ =	sdelay $0x2  }
0x37: {  	s14 =	sshra.s32 s15, $0x2  }
0x38: {  	[tilespmem:s14+$0xD000] =	vst v0  }
0x39: {  	[tilespmem:s14+$0xD010] =	vst v0;
	s13 =	rddreg [dreg:$0x9];
	s11 =	simm.s32 $0xD000;
	s15 =	simm.s32 $0x11  }
0x3a: {  	[spmem:s13] =	stream.linear.scatter [tilespmem:s11], [sflag:$0x11], $0x4F00, $0x38;
	[tilespmem:$0x16E00] =	vst v63  }
0x3b: {  	_ =	swait.ge [sflag:s15], $0x4F00  }
0x3c: {  	[sflag:s15] =	ssyncset.done $0x0  }
0x3d: {  	[sflag:s15] =	ssyncadd.s32 $0xFFFFB100  }
0x3e: {  	s14 =	simm.s32 $0x0;
	[bflag:$0x0] =	sbarrier.arrive $0xFFFF  }
0x3f: {  	[tilespmem:s17], [sflag:$0x1] =	stream.indirect.gather [hbm4b:s5+s16], $0x20, s14, s16, $0xb8;
	[tilespmem:$0x16E00] =	vst v63  }
0x40: {  	_ = 	snop  }
0x41: {  	[tilespmem:s18], [sflag:$0x2] =	stream.indirect.gather [hbm4b:s5+s16], $0x20, s16, s16, $0xb8;
	[tilespmem:$0x16E00] =	vst v63  }
0x42: {  	s15 =	simm.s32 $0x100  }
0x43: {  	[tilespmem:s20], [sflag:$0x3] =	stream.indirect.gather [hbm4b:s5+s16], $0x20, s15, s16, $0xb8;
	[tilespmem:$0x16E00] =	vst v63  }
0x44: {  	s14 =	simm.s32 $0x180  }
0x45: {  	[tilespmem:s22], [sflag:$0x4] =	stream.indirect.gather [hbm4b:s5+s16], $0x20, s14, s16, $0xb8;
	[tilespmem:$0x16E00] =	vst v63  }
0x46: {  	s15 =	simm.s32 $0x200  }
0x47: {  	[tilespmem:s24], [sflag:$0x5] =	stream.indirect.gather [hbm4b:s5+s16], $0x20, s15, s16, $0xb8;
	[tilespmem:$0x16E00] =	vst v63  }
0x48: {  	s14 =	simm.s32 $0x280  }
0x49: {  	[tilespmem:s26], [sflag:$0x6] =	stream.indirect.gather [hbm4b:s5+s16], $0x20, s14, s16, $0xb8;
	[tilespmem:$0x16E00] =	vst v63  }
0x4a: {  	s15 =	simm.s32 $0x300  }
0x4b: {  	[tilespmem:s29], [sflag:$0x7] =	stream.indirect.gather [hbm4b:s5+s16], $0x20, s15, s16, $0xb8;
	[tilespmem:$0x16E00] =	vst v63  }
0x4c: {  	s14 =	simm.s32 $0x380  }
0x4d: {  	[tilespmem:s31], [sflag:$0x8] =	stream.indirect.gather [hbm4b:s5+s16], $0x20, s14, s16, $0xb8;
	[tilespmem:$0x16E00] =	vst v63  }
0x4e: {  	_ =	swait.ge [sflag:s0], $0x1000  }
0x4f: {  	[sflag:s0] =	ssyncset.done $0x0  }
0x50: {  	s15 =	simm.s32 $0x2800;
	[sflag:s0] =	ssyncadd.s32 $0xFFFFF000  }
0x51: {  	[spmem:s3] =	stream.indirect.scatter.add.f32 [tilespmem:s17], [sflag:$0x9], $0x20, s15, s16, $0xb8;
	[tilespmem:$0x16E00] =	vst v63  }
0x52: {  	_ =	swait.ge [sflag:s1], $0x1000  }
0x53: {  	[sflag:s1] =	ssyncset.done $0x0  }
0x54: {  	s14 =	simm.s32 $0x2880;
	[sflag:s1] =	ssyncadd.s32 $0xFFFFF000  }
0x55: {  	[spmem:s3] =	stream.indirect.scatter.add.f32 [tilespmem:s18], [sflag:$0xA], $0x20, s14, s16, $0xb8;
	[tilespmem:$0x16E00] =	vst v63  }
0x56: {  	_ =	swait.ge [sflag:s2], $0x1000  }
0x57: {  	[sflag:s2] =	ssyncset.done $0x0  }
0x58: {  	s15 =	simm.s32 $0x2900;
	[sflag:s2] =	ssyncadd.s32 $0xFFFFF000  }
0x59: {  	[spmem:s3] =	stream.indirect.scatter.add.f32 [tilespmem:s20], [sflag:$0xB], $0x20, s15, s16, $0xb8;
	[tilespmem:$0x16E00] =	vst v63  }
0x5a: {  	_ =	swait.ge [sflag:s4], $0x1000  }
0x5b: {  	[sflag:s4] =	ssyncset.done $0x0  }
0x5c: {  	s14 =	simm.s32 $0x2980;
	[sflag:s4] =	ssyncadd.s32 $0xFFFFF000  }
0x5d: {  	[spmem:s3] =	stream.indirect.scatter.add.f32 [tilespmem:s22], [sflag:$0xC], $0x20, s14, s16, $0xb8;
	[tilespmem:$0x16E00] =	vst v63  }
0x5e: {  	_ =	swait.ge [sflag:s19], $0x1000  }
0x5f: {  	[sflag:s19] =	ssyncset.done $0x0  }
0x60: {  	s15 =	simm.s32 $0x2A00;
	[sflag:s19] =	ssyncadd.s32 $0xFFFFF000  }
0x61: {  	[spmem:s3] =	stream.indirect.scatter.add.f32 [tilespmem:s24], [sflag:$0xD], $0x20, s15, s16, $0xb8;
	[tilespmem:$0x16E00] =	vst v63  }
0x62: {  	_ =	swait.ge [sflag:s21], $0x1000  }
0x63: {  	[sflag:s21] =	ssyncset.done $0x0  }
0x64: {  	s14 =	simm.s32 $0x2A80;
	[sflag:s21] =	ssyncadd.s32 $0xFFFFF000  }
0x65: {  	[spmem:s3] =	stream.indirect.scatter.add.f32 [tilespmem:s26], [sflag:$0xE], $0x20, s14, s16, $0xb8;
	[tilespmem:$0x16E00] =	vst v63  }
0x66: {  	_ =	swait.ge [sflag:s23], $0x1000  }
0x67: {  	[sflag:s23] =	ssyncset.done $0x0  }
0x68: {  	s15 =	simm.s32 $0x2B00;
	[sflag:s23] =	ssyncadd.s32 $0xFFFFF000  }
0x69: {  	[spmem:s3] =	stream.indirect.scatter.add.f32 [tilespmem:s29], [sflag:$0xF], $0x20, s15, s16, $0xb8;
	[tilespmem:$0x16E00] =	vst v63  }
0x6a: {  	_ =	swait.ge [sflag:s25], $0x1000  }
0x6b: {  	[sflag:s25] =	ssyncset.done $0x0  }
0x6c: {  	s14 =	simm.s32 $0x2B80;
	[sflag:s25] =	ssyncadd.s32 $0xFFFFF000  }
0x6d: {  	[spmem:s3] =	stream.indirect.scatter.add.f32 [tilespmem:s31], [sflag:$0x10], $0x20, s14, s16, $0xb8;
	[tilespmem:$0x16E00] =	vst v63  }
0x6e: {  	_ =	swait.ge [sflag:s28], $0x1000  }
0x6f: {  	[sflag:s28] =	ssyncset.done $0x0  }
0x70: {  	s15 =	simm.s32 $0x400;
	[sflag:s28] =	ssyncadd.s32 $0xFFFFF000  }
0x71: {  	[tilespmem:s17], [sflag:$0x1] =	stream.indirect.gather [hbm4b:s5+s16], $0x20, s15, s16, $0xb8;
	[tilespmem:$0x16E00] =	vst v63  }
0x72: {  	_ =	swait.ge [sflag:s30], $0x1000  }
0x73: {  	[sflag:s30] =	ssyncset.done $0x0  }
0x74: {  	s14 =	simm.s32 $0x480;
	[sflag:s30] =	ssyncadd.s32 $0xFFFFF000  }
0x75: {  	[tilespmem:s18], [sflag:$0x2] =	stream.indirect.gather [hbm4b:s5+s16], $0x20, s14, s16, $0xb8;
	[tilespmem:$0x16E00] =	vst v63  }
0x76: {  	_ =	swait.ge [sflag:s6], $0x1000  }
0x77: {  	[sflag:s6] =	ssyncset.done $0x0  }
0x78: {  	s15 =	simm.s32 $0x500;
	[sflag:s6] =	ssyncadd.s32 $0xFFFFF000  }
0x79: {  	[tilespmem:s20], [sflag:$0x3] =	stream.indirect.gather [hbm4b:s5+s16], $0x20, s15, s16, $0xb8;
	[tilespmem:$0x16E00] =	vst v63  }
0x7a: {  	_ =	swait.ge [sflag:s7], $0x1000  }
0x7b: {  	[sflag:s7] =	ssyncset.done $0x0  }
0x7c: {  	s14 =	simm.s32 $0x580;
	[sflag:s7] =	ssyncadd.s32 $0xFFFFF000  }
0x7d: {  	[tilespmem:s22], [sflag:$0x4] =	stream.indirect.gather [hbm4b:s5+s16], $0x20, s14, s16, $0xb8;
	[tilespmem:$0x16E00] =	vst v63  }
0x7e: {  	_ =	swait.ge [sflag:s8], $0x1000  }
0x7f: {  	[sflag:s8] =	ssyncset.done $0x0  }
0x80: {  	s15 =	simm.s32 $0x600;
	[sflag:s8] =	ssyncadd.s32 $0xFFFFF000  }
0x81: {  	[tilespmem:s24], [sflag:$0x5] =	stream.indirect.gather [hbm4b:s5+s16], $0x20, s15, s16, $0xb8;
	[tilespmem:$0x16E00] =	vst v63  }
0x82: {  	_ =	swait.ge [sflag:s9], $0x1000  }
0x83: {  	[sflag:s9] =	ssyncset.done $0x0  }
0x84: {  	s14 =	simm.s32 $0x680;
	[sflag:s9] =	ssyncadd.s32 $0xFFFFF000  }
0x85: {  	[tilespmem:s26], [sflag:$0x6] =	stream.indirect.gather [hbm4b:s5+s16], $0x20, s14, s16, $0xb8;
	[tilespmem:$0x16E00] =	vst v63  }
0x86: {  	_ =	swait.ge [sflag:s10], $0x1000  }
0x87: {  	[sflag:s10] =	ssyncset.done $0x0  }
0x88: {  	s15 =	simm.s32 $0x700;
	[sflag:s10] =	ssyncadd.s32 $0xFFFFF000  }
0x89: {  	[tilespmem:s29], [sflag:$0x7] =	stream.indirect.gather [hbm4b:s5+s16], $0x20, s15, s16, $0xb8;
	[tilespmem:$0x16E00] =	vst v63  }
0x8a: {  	_ =	swait.ge [sflag:s12], $0x1000  }
0x8b: {  	[sflag:s12] =	ssyncset.done $0x0  }
0x8c: {  	s11 =	simm.s32 $0x780;
	s14 =	simm.s32 $0x1000;
	[sflag:s12] =	ssyncadd.s32 $0xFFFFF000  }
.LBB2_4:
0x8d: {  	[tilespmem:s31], [sflag:$0x8] =	stream.indirect.gather [hbm4b:s5+s16], $0x20, s11, s16, $0xb8;
	[tilespmem:$0x16E00] =	vst v63  }
0x8e: {  	s11 =	smov.u32 s14  }
0x8f: {  	p1 =	sne.s32 s14, $0x8000;
	s14 =	sadd.s32 $0x1000, s14;
	_ =	swait.ge [sflag:s0], $0x1000  }
0x90: {  	s11 =	sshra.s32 s11, $0x2;
	[sflag:s0] =	ssyncset.done $0x0  }
0x91: {  	s15 =	sadd.s32 $0x2800, s11;
	[sflag:s0] =	ssyncadd.s32 $0xFFFFF000  }
0x92: {  	[spmem:s3] =	stream.indirect.scatter.add.f32 [tilespmem:s17], [sflag:$0x9], $0x20, s15, s16, $0xb8;
	[tilespmem:$0x16E00] =	vst v63  }
0x93: {  	_ =	swait.ge [sflag:s1], $0x1000  }
0x94: {  	[sflag:s1] =	ssyncset.done $0x0  }
0x95: {  	s15 =	sadd.s32 $0x2880, s11;
	[sflag:s1] =	ssyncadd.s32 $0xFFFFF000  }
0x96: {  	[spmem:s3] =	stream.indirect.scatter.add.f32 [tilespmem:s18], [sflag:$0xA], $0x20, s15, s16, $0xb8;
	[tilespmem:$0x16E00] =	vst v63  }
0x97: {  	_ =	swait.ge [sflag:s2], $0x1000  }
0x98: {  	[sflag:s2] =	ssyncset.done $0x0  }
0x99: {  	s15 =	sadd.s32 $0x2900, s11;
	[sflag:s2] =	ssyncadd.s32 $0xFFFFF000  }
0x9a: {  	[spmem:s3] =	stream.indirect.scatter.add.f32 [tilespmem:s20], [sflag:$0xB], $0x20, s15, s16, $0xb8;
	[tilespmem:$0x16E00] =	vst v63  }
0x9b: {  	_ =	swait.ge [sflag:s4], $0x1000  }
0x9c: {  	[sflag:s4] =	ssyncset.done $0x0  }
0x9d: {  	s15 =	sadd.s32 $0x2980, s11;
	[sflag:s4] =	ssyncadd.s32 $0xFFFFF000  }
0x9e: {  	[spmem:s3] =	stream.indirect.scatter.add.f32 [tilespmem:s22], [sflag:$0xC], $0x20, s15, s16, $0xb8;
	[tilespmem:$0x16E00] =	vst v63  }
0x9f: {  	_ =	swait.ge [sflag:s19], $0x1000  }
0xa0: {  	[sflag:s19] =	ssyncset.done $0x0  }
0xa1: {  	s15 =	sadd.s32 $0x2A00, s11;
	[sflag:s19] =	ssyncadd.s32 $0xFFFFF000  }
0xa2: {  	[spmem:s3] =	stream.indirect.scatter.add.f32 [tilespmem:s24], [sflag:$0xD], $0x20, s15, s16, $0xb8;
	[tilespmem:$0x16E00] =	vst v63  }
0xa3: {  	_ =	swait.ge [sflag:s21], $0x1000  }
0xa4: {  	[sflag:s21] =	ssyncset.done $0x0  }
0xa5: {  	s15 =	sadd.s32 $0x2A80, s11;
	[sflag:s21] =	ssyncadd.s32 $0xFFFFF000  }
0xa6: {  	[spmem:s3] =	stream.indirect.scatter.add.f32 [tilespmem:s26], [sflag:$0xE], $0x20, s15, s16, $0xb8;
	[tilespmem:$0x16E00] =	vst v63  }
0xa7: {  	_ =	swait.ge [sflag:s23], $0x1000  }
0xa8: {  	[sflag:s23] =	ssyncset.done $0x0  }
0xa9: {  	s15 =	sadd.s32 $0x2B00, s11;
	[sflag:s23] =	ssyncadd.s32 $0xFFFFF000  }
0xaa: {  	[spmem:s3] =	stream.indirect.scatter.add.f32 [tilespmem:s29], [sflag:$0xF], $0x20, s15, s16, $0xb8;
	[tilespmem:$0x16E00] =	vst v63  }
0xab: {  	_ =	swait.ge [sflag:s25], $0x1000  }
0xac: {  	[sflag:s25] =	ssyncset.done $0x0  }
0xad: {  	s15 =	sadd.s32 $0x2B80, s11;
	[sflag:s25] =	ssyncadd.s32 $0xFFFFF000  }
0xae: {  	[spmem:s3] =	stream.indirect.scatter.add.f32 [tilespmem:s31], [sflag:$0x10], $0x20, s15, s16, $0xb8;
	[tilespmem:$0x16E00] =	vst v63  }
0xaf: {  	_ =	swait.ge [sflag:s28], $0x1000  }
0xb0: {  	[sflag:s28] =	ssyncset.done $0x0  }
0xb1: {  	s15 =	sadd.s32 $0x400, s11;
	[sflag:s28] =	ssyncadd.s32 $0xFFFFF000  }
0xb2: {  	[tilespmem:s17], [sflag:$0x1] =	stream.indirect.gather [hbm4b:s5+s16], $0x20, s15, s16, $0xb8;
	[tilespmem:$0x16E00] =	vst v63  }
0xb3: {  	_ =	swait.ge [sflag:s30], $0x1000  }
0xb4: {  	[sflag:s30] =	ssyncset.done $0x0  }
0xb5: {  	s15 =	sadd.s32 $0x480, s11;
	[sflag:s30] =	ssyncadd.s32 $0xFFFFF000  }
0xb6: {  	[tilespmem:s18], [sflag:$0x2] =	stream.indirect.gather [hbm4b:s5+s16], $0x20, s15, s16, $0xb8;
	[tilespmem:$0x16E00] =	vst v63  }
0xb7: {  	_ =	swait.ge [sflag:s6], $0x1000  }
0xb8: {  	[sflag:s6] =	ssyncset.done $0x0  }
0xb9: {  	s15 =	sadd.s32 $0x500, s11;
	[sflag:s6] =	ssyncadd.s32 $0xFFFFF000  }
0xba: {  	[tilespmem:s20], [sflag:$0x3] =	stream.indirect.gather [hbm4b:s5+s16], $0x20, s15, s16, $0xb8;
	[tilespmem:$0x16E00] =	vst v63  }
0xbb: {  	_ =	swait.ge [sflag:s7], $0x1000  }
0xbc: {  	[sflag:s7] =	ssyncset.done $0x0  }
0xbd: {  	s15 =	sadd.s32 $0x580, s11;
	[sflag:s7] =	ssyncadd.s32 $0xFFFFF000  }
0xbe: {  	[tilespmem:s22], [sflag:$0x4] =	stream.indirect.gather [hbm4b:s5+s16], $0x20, s15, s16, $0xb8;
	[tilespmem:$0x16E00] =	vst v63  }
0xbf: {  	_ =	swait.ge [sflag:s8], $0x1000  }
0xc0: {  	[sflag:s8] =	ssyncset.done $0x0  }
0xc1: {  	s15 =	sadd.s32 $0x600, s11;
	[sflag:s8] =	ssyncadd.s32 $0xFFFFF000  }
0xc2: {  	[tilespmem:s24], [sflag:$0x5] =	stream.indirect.gather [hbm4b:s5+s16], $0x20, s15, s16, $0xb8;
	[tilespmem:$0x16E00] =	vst v63  }
0xc3: {  	_ =	swait.ge [sflag:s9], $0x1000  }
0xc4: {  	[sflag:s9] =	ssyncset.done $0x0  }
0xc5: {  	s15 =	sadd.s32 $0x680, s11;
	[sflag:s9] =	ssyncadd.s32 $0xFFFFF000  }
0xc6: {  	[tilespmem:s26], [sflag:$0x6] =	stream.indirect.gather [hbm4b:s5+s16], $0x20, s15, s16, $0xb8;
	[tilespmem:$0x16E00] =	vst v63  }
0xc7: {  	_ =	swait.ge [sflag:s10], $0x1000  }
0xc8: {  	[sflag:s10] =	ssyncset.done $0x0  }
.Ltmp1:
0xc9: {  	s15 =	sadd.s32 $0x700, s11;
	[sflag:s10] =	ssyncadd.s32 $0xFFFFF000;
	(pc) =	sbr.rel @p1 .LBB2_4-.Ltmp1, $4  }
0xca: {  	[tilespmem:s29], [sflag:$0x7] =	stream.indirect.gather [hbm4b:s5+s16], $0x20, s15, s16, $0xb8;
	[tilespmem:$0x16E00] =	vst v63  }
0xcb: {  	_ =	swait.ge [sflag:s12], $0x1000  }
0xcc: {  	[sflag:s12] =	ssyncset.done $0x0  }
0xcd: {  	s11 =	sadd.s32 $0x780, s11;
	[sflag:s12] =	ssyncadd.s32 $0xFFFFF000  }
0xce: {  	[tilespmem:s31], [sflag:$0x8] =	stream.indirect.gather [hbm4b:s5+s16], $0x20, s11, s16, $0xb8;
	[tilespmem:$0x16E00] =	vst v63  }
0xcf: {  	_ =	swait.ge [sflag:s0], $0x1000  }
0xd0: {  	[sflag:s0] =	ssyncset.done $0x0  }
0xd1: {  	s15 =	simm.s32 $0x4C00;
	[sflag:s0] =	ssyncadd.s32 $0xFFFFF000  }
0xd2: {  	[spmem:s3] =	stream.indirect.scatter.add.f32 [tilespmem:s17], [sflag:$0x9], $0x20, s15, s16, $0xb8;
	[tilespmem:$0x16E00] =	vst v63  }
0xd3: {  	_ =	swait.ge [sflag:s1], $0x1000  }
0xd4: {  	[sflag:s1] =	ssyncset.done $0x0  }
0xd5: {  	s14 =	simm.s32 $0x4C80;
	[sflag:s1] =	ssyncadd.s32 $0xFFFFF000  }
0xd6: {  	[spmem:s3] =	stream.indirect.scatter.add.f32 [tilespmem:s18], [sflag:$0xA], $0x20, s14, s16, $0xb8;
	[tilespmem:$0x16E00] =	vst v63  }
0xd7: {  	_ =	swait.ge [sflag:s2], $0x1000  }
0xd8: {  	[sflag:s2] =	ssyncset.done $0x0  }
0xd9: {  	s15 =	simm.s32 $0x4D00;
	[sflag:s2] =	ssyncadd.s32 $0xFFFFF000  }
0xda: {  	[spmem:s3] =	stream.indirect.scatter.add.f32 [tilespmem:s20], [sflag:$0xB], $0x20, s15, s16, $0xb8;
	[tilespmem:$0x16E00] =	vst v63  }
0xdb: {  	_ =	swait.ge [sflag:s4], $0x1000  }
0xdc: {  	[sflag:s4] =	ssyncset.done $0x0  }
0xdd: {  	s14 =	simm.s32 $0x4D80;
	[sflag:s4] =	ssyncadd.s32 $0xFFFFF000  }
0xde: {  	[spmem:s3] =	stream.indirect.scatter.add.f32 [tilespmem:s22], [sflag:$0xC], $0x20, s14, s16, $0xb8;
	[tilespmem:$0x16E00] =	vst v63  }
0xdf: {  	_ =	swait.ge [sflag:s19], $0x1000  }
0xe0: {  	[sflag:s19] =	ssyncset.done $0x0  }
0xe1: {  	s15 =	simm.s32 $0x4E00;
	[sflag:s19] =	ssyncadd.s32 $0xFFFFF000  }
0xe2: {  	[spmem:s3] =	stream.indirect.scatter.add.f32 [tilespmem:s24], [sflag:$0xD], $0x20, s15, s16, $0xb8;
	[tilespmem:$0x16E00] =	vst v63  }
0xe3: {  	_ =	swait.ge [sflag:s21], $0x1000  }
0xe4: {  	[sflag:s21] =	ssyncset.done $0x0  }
0xe5: {  	s14 =	simm.s32 $0x4E80;
	[sflag:s21] =	ssyncadd.s32 $0xFFFFF000  }
0xe6: {  	[spmem:s3] =	stream.indirect.scatter.add.f32 [tilespmem:s26], [sflag:$0xE], $0x20, s14, s16, $0xb8;
	[tilespmem:$0x16E00] =	vst v63  }
0xe7: {  	_ =	swait.ge [sflag:s23], $0x1000  }
0xe8: {  	[sflag:s23] =	ssyncset.done $0x0  }
0xe9: {  	s15 =	simm.s32 $0x4F00;
	[sflag:s23] =	ssyncadd.s32 $0xFFFFF000  }
0xea: {  	[spmem:s3] =	stream.indirect.scatter.add.f32 [tilespmem:s29], [sflag:$0xF], $0x20, s15, s16, $0xb8;
	[tilespmem:$0x16E00] =	vst v63  }
0xeb: {  	_ =	swait.ge [sflag:s25], $0x1000  }
0xec: {  	[sflag:s25] =	ssyncset.done $0x0  }
0xed: {  	s14 =	simm.s32 $0x4F80;
	[sflag:s25] =	ssyncadd.s32 $0xFFFFF000  }
0xee: {  	[spmem:s3] =	stream.indirect.scatter.add.f32 [tilespmem:s31], [sflag:$0x10], $0x20, s14, s16, $0xb8;
	[tilespmem:$0x16E00] =	vst v63  }
0xef: {  	_ =	swait.ge [sflag:s28], $0x1000  }
0xf0: {  	[sflag:s28] =	ssyncset.done $0x0  }
0xf1: {  	[sflag:s28] =	ssyncadd.s32 $0xFFFFF000  }
0xf2: {  	_ =	swait.ge [sflag:s30], $0x1000  }
0xf3: {  	[sflag:s30] =	ssyncset.done $0x0  }
0xf4: {  	[sflag:s30] =	ssyncadd.s32 $0xFFFFF000  }
0xf5: {  	_ =	swait.ge [sflag:s6], $0x1000  }
0xf6: {  	[sflag:s6] =	ssyncset.done $0x0  }
0xf7: {  	[sflag:s6] =	ssyncadd.s32 $0xFFFFF000  }
0xf8: {  	_ =	swait.ge [sflag:s7], $0x1000  }
0xf9: {  	[sflag:s7] =	ssyncset.done $0x0  }
0xfa: {  	[sflag:s7] =	ssyncadd.s32 $0xFFFFF000  }
0xfb: {  	_ =	swait.ge [sflag:s8], $0x1000  }
0xfc: {  	[sflag:s8] =	ssyncset.done $0x0  }
0xfd: {  	[sflag:s8] =	ssyncadd.s32 $0xFFFFF000  }
0xfe: {  	_ =	swait.ge [sflag:s9], $0x1000  }
0xff: {  	[sflag:s9] =	ssyncset.done $0x0  }
0x100: {  	[sflag:s9] =	ssyncadd.s32 $0xFFFFF000  }
0x101: {  	_ =	swait.ge [sflag:s10], $0x1000  }
0x102: {  	[sflag:s10] =	ssyncset.done $0x0  }
0x103: {  	[sflag:s10] =	ssyncadd.s32 $0xFFFFF000  }
0x104: {  	_ =	swait.ge [sflag:s12], $0x1000  }
0x105: {  	[sflag:s12] =	ssyncset.done $0x0  }
0x106: {  	[sflag:s12] =	ssyncadd.s32 $0xFFFFF000  }
0x107: {  	s15 =	simm.s32 $0xD000;
	[bflag:$0x0] =	sbarrier.arrive $0xFFFF  }
0x108: {  	[tilespmem:s15], [sflag:$0x11] =	stream.linear.gather [spmem:s13], $0x4F00, $0x38;
	[tilespmem:$0x16E00] =	vst v63  }
0x109: {  	s13 =	simm.s32 $0x11  }
0x10a: {  	_ =	swait.ge [sflag:s13], $0x4F00  }
0x10b: {  	s11 =	simm.s32 $0x0;
	[sflag:s13] =	ssyncset.done $0x0  }
0x10c: {  	s15 =	simm.s32 $0xD000;
	s14 =	rddreg [dreg:$0xa];
	[sflag:s13] =	ssyncadd.s32 $0xFFFFB100  }
0x10d: {  	[hbm4b:s14+s11] =	stream.linear.scatter [tilespmem:s15], [sflag:$0x11], $0x4F00, $0x38;
	[tilespmem:$0x16E00] =	vst v63  }
0x10e: {  	_ =	swait.ge [sflag:s13], $0x4F00  }
0x10f: {  	s11 =	rddreg [dreg:$0xc]  }
0x110: {  	s15 =	rddreg [dreg:$0xb];
	s14 =	sadd.s32 $0x1, s11  }
0x111: {  	p1 =	sne.s32 s14, s15  }
.Ltmp2:
0x112: {  	_ = 	snop;
	(pc) =	sbr.rel @p1 .LBB2_1-.Ltmp2, $3  }
0x113: {  	_ =	sdelay $0x1  }
0x114: {  	[sflag:s13] =	ssyncset.done $0x0  }
0x115: {  	[sflag:s13] =	ssyncadd.s32 $0xFFFFB100  }
0x116: {  	_ =	sfence.sel $0x180000  }
0x117: {  	[bflag:$0x0] =	sbarrier.arrive $0xFFFF  }
0x118: {  	_ =	strace $0x9000004D  }
0x119: {  	s0 =	stileid.u32;
	[bflag:$0x2] =	sbarrier.arrive $0xFFFF  }
0x11a: {  	p0 =	sne.s32 s0, $0x0;
	s0 =	rddreg [dreg:$0x3]  }
0x11b: {  	s0 =	sadd.s32 @!p0 $0x100000, s0  }
0x11c: {  	[sflag:s0] =	ssyncadd.tile.s32 @!p0 $0x1;
	_ =	shalt  }
.Lfunc_end2:
_tile_overlayer_lowered:
.L_overlay_start_2:
0x11d: {  	(tag) =	ssettag $0x2  }
0x11e: {  	s0 =	rddreg [dreg:$0x0];
	s2 =	stileid.u32  }
0x11f: {  	s1 =	rddreg [dreg:$0x1];
	p0 =	sne.s32 s2, $0x0  }
0x120: {  	s3 =	rddreg [dreg:$0x2];
	[bflag:$0x3] =	sbarrier.arrive $0xFFFF;
	s2 =	simm.s32 @!p0 $0x1C11  }
0x121: {  	[timem:s3], [sflag:s2] =	dma.local @!p0 [hbm:s0], s1  }
0x122: {  	s0 =	simm.s32 @!p0 $0x11  }
0x123: {  	_ =	swait.ge @!p0 [sflag:s0], s1  }
0x124: {  	s1 =	ssub.s32 @!p0 $0x0, s1;
	[sflag:s0] =	ssyncset.done @!p0 $0x0  }
0x125: {  	[sflag:s0] =	ssyncadd.s32 @!p0 s1  }
0x126: {  	[bflag:$0x3] =	sbarrier.arrive $0xFFFF  }
0x127: {  	_ =	shalt  }

// kernel: kernel.8.cloned.1.call-start
scs
__scs_entry_jumppad:
0x0: {  	(pc) =	sbr.rel $0x88, $3  }
0x1: {  	(tag) =	ssettag $0x0;
	lr =	simm.s32 $0x1  }
0x2: {  	[smem:$0x3F99] =	sst lr;
	_ =	strace $0xD0000000  }
0x3: {  	_ = 	snop  }
0x4: {  	_ = 	snop  }
0x5: {  	_ = 	snop  }
0x6: {  	_ = 	snop  }
0x7: {  	_ = 	snop  }
__scs_overlays_trampoline_lowered:
0x8: {  	[smem:$0x3FA8] =	sst s0  }
0x9: {  	[smem:$0x3FA9] =	sst s1  }
0xa: {  	[smem:$0x3FAA] =	sst s2  }
0xb: {  	[smem:$0x3FAB] =	sst s3  }
0xc: {  	[smem:$0x3FAC] =	sst s4  }
0xd: {  	[smem:$0x3FAD] =	sst s5  }
0xe: {  	[smem:$0x3FAE] =	sst s6  }
0xf: {  	[smem:$0x3FAF] =	sst s7  }
0x10: {  	[smem:$0x3FB0] =	sst s8  }
0x11: {  	[smem:$0x3FB1] =	sst s9;
	s0 =	simm.s32 @!p0 $0x0  }
0x12: {  	s1 =	sld [smem:$0x3F97];
	s0 =	simm.s32 @p0 $0x1  }
0x13: {  	[smem:$0x3FB2] =	sst s0;
	s0 =	simm.s32 @!p1 $0x0  }
0x14: {  	s2 =	sld [smem:$0x3F96];
	s0 =	simm.s32 @p1 $0x1  }
0x15: {  	[smem:$0x3FB3] =	sst s0;
	s0 =	simm.s32 @!p2 $0x0  }
0x16: {  	s3 =	sld [smem:$0x3FDB];
	s0 =	simm.s32 @p2 $0x1  }
0x17: {  	s4 =	simm.s32 $0x1BF5;
	[smem:$0x3FB5] =	sst s0  }
0x18: {  	s0 =	sld [smem:$0x3F98];
	_ =	swait.ge [sflag:s4], $0x0  }
0x19: {  	s7 =	sld [smem:$0x3F99]  }
0x1a: {  	s8 =	sadd.s32 $0xFFFFE003, lr  }
0x1b: {  	s9 =	sadd.s32 $0xFFFFFEF7, lr;
	s5 =	simm.s32 $0xFFFFFFFF;
	p2 =	slt.u32 s8, $0xFFFFF086  }
0x1c: {  	p1 =	slt.u32 s9, $0xF7A;
	s5 =	simm.s32 @!p2 $0x0  }
0x1d: {  	s5 =	simm.s32 @p1 $0x1;
	p0 =	seq.s32 s7, s2  }
0x1e: {  	s7 =	smul.u32 @!p0 $0xF7A, s2;
	p2 =	seq.s32 @!p0 s5, $0x0  }
0x1f: {  	s9 =	smul.u32 $0xF7A, s1;
	s8 =	simm.s32 @!p0 $0x1BF5;
	p2 =	por !p2, p0  }
0x20: {  	[sflag:s8] =	ssyncset.s32 @!p0 $0xFFFFF086;
	s6 =	sadd.s32 @!p0 s3, s7;
	s7 =	simm.s32 @!p0 $0x108  }
0x21: {  	s3 =	sadd.s32 s3, s9;
	s6 =	sadd.s32 @!p0 $0x88, s6;
	s7 =	simm.s32 @p2 $0x1082  }
0x22: {  	[simem:s7], [sflag:s8] =	dma.local @!p0 [hbm:s6], $0xF7A  }
0x23: {  	s9 =	sor.u32 $0xD0000000, s2;
	s6 =	simm.s32 $0x108;
	_ =	swait.ge @!p0 [sflag:s8], $0x0  }
0x24: {  	s3 =	sadd.s32 $0x88, s3;
	s6 =	simm.s32 @!p1 $0x1082;
	[sflag:s4] =	ssyncset.s32 $0xFFFFF086  }
0x25: {  	[simem:s6], [sflag:s4] =	dma.local [hbm:s3], $0xF7A  }
0x26: {  	[smem:$0x3F99] =	sst s1;
	(tag) =	ssettag s2;
	_ =	strace s9  }
0x27: {  	s1 =	sld [smem:$0x3FA9]  }
0x28: {  	s2 =	sld [smem:$0x3FAA]  }
0x29: {  	s4 =	sld [smem:$0x3FAC]  }
0x2a: {  	p0 =	seq.s32 s5, $0x0;
	s5 =	sld [smem:$0x3FAD]  }
0x2b: {  	s6 =	sld [smem:$0x3FAE]  }
0x2c: {  	s7 =	sld [smem:$0x3FAF]  }
0x2d: {  	s3 =	simm.s32 $0x108;
	s8 =	sld [smem:$0x3FB0]  }
0x2e: {  	s3 =	simm.s32 @!p0 $0x1082;
	s9 =	sld [smem:$0x3FB1]  }
0x2f: {  	lr =	sadd.s32 s0, s3;
	s0 =	sld [smem:$0x3FA8]  }
0x30: {  	s3 =	sld [smem:$0x3FAB]  }
0x31: {  	[smem:$0x3FB4] =	sst s10  }
0x32: {  	s10 =	sld [smem:$0x3FB2];
	_ =	sdelay $0x3  }
0x33: {  	p0 =	seq.s32 s10, $0x1;
	s10 =	sld [smem:$0x3FB4];
	_ =	sdelay $0x3  }
0x34: {  	[smem:$0x3FB4] =	sst s10  }
0x35: {  	s10 =	sld [smem:$0x3FB3];
	_ =	sdelay $0x3  }
0x36: {  	p1 =	seq.s32 s10, $0x1;
	s10 =	sld [smem:$0x3FB4];
	_ =	sdelay $0x3  }
0x37: {  	[smem:$0x3FB4] =	sst s10  }
0x38: {  	s10 =	sld [smem:$0x3FB5]  }
0x39: {  	_ = 	snop;
	(pc) =	sbr.ind lr, $3  }
0x3a: {  	_ = 	snop  }
0x3b: {  	_ = 	snop  }
0x3c: {  	p2 =	seq.s32 s10, $0x1;
	s10 =	sld [smem:$0x3FB4]  }
0x3d: {  	_ =	shalt  }
0x3e: {  	_ =	shalt  }
0x3f: {  	_ =	shalt  }
0x40: {  	_ =	shalt  }
0x41: {  	_ =	shalt  }
0x42: {  	_ =	shalt  }
0x43: {  	_ =	shalt  }
0x44: {  	_ =	shalt  }
0x45: {  	_ =	shalt  }
0x46: {  	_ =	shalt  }
0x47: {  	_ =	shalt  }
0x48: {  	_ =	shalt  }
0x49: {  	_ =	shalt  }
0x4a: {  	_ =	shalt  }
0x4b: {  	_ =	shalt  }
0x4c: {  	_ =	shalt  }
0x4d: {  	_ =	shalt  }
0x4e: {  	_ =	shalt  }
0x4f: {  	_ =	shalt  }
0x50: {  	_ =	shalt  }
0x51: {  	_ =	shalt  }
0x52: {  	_ =	shalt  }
0x53: {  	_ =	shalt  }
0x54: {  	_ =	shalt  }
0x55: {  	_ =	shalt  }
0x56: {  	_ =	shalt  }
0x57: {  	_ =	shalt  }
0x58: {  	_ =	shalt  }
0x59: {  	_ =	shalt  }
0x5a: {  	_ =	shalt  }
0x5b: {  	_ =	shalt  }
0x5c: {  	_ =	shalt  }
0x5d: {  	_ =	shalt  }
0x5e: {  	_ =	shalt  }
0x5f: {  	_ =	shalt  }
0x60: {  	_ =	shalt  }
0x61: {  	_ =	shalt  }
0x62: {  	_ =	shalt  }
0x63: {  	_ =	shalt  }
0x64: {  	_ =	shalt  }
0x65: {  	_ =	shalt  }
0x66: {  	_ =	shalt  }
0x67: {  	_ =	shalt  }
0x68: {  	_ =	shalt  }
0x69: {  	_ =	shalt  }
0x6a: {  	_ =	shalt  }
0x6b: {  	_ =	shalt  }
0x6c: {  	_ =	shalt  }
0x6d: {  	_ =	shalt  }
0x6e: {  	_ =	shalt  }
0x6f: {  	_ =	shalt  }
0x70: {  	_ =	shalt  }
0x71: {  	_ =	shalt  }
0x72: {  	_ =	shalt  }
0x73: {  	_ =	shalt  }
0x74: {  	_ =	shalt  }
0x75: {  	_ =	shalt  }
0x76: {  	_ =	shalt  }
0x77: {  	_ =	shalt  }
0x78: {  	_ =	shalt  }
0x79: {  	_ =	shalt  }
0x7a: {  	_ =	shalt  }
0x7b: {  	_ =	shalt  }
0x7c: {  	_ =	shalt  }
0x7d: {  	_ =	shalt  }
0x7e: {  	_ =	shalt  }
0x7f: {  	_ =	shalt  }
0x80: {  	_ =	shalt  }
0x81: {  	_ =	shalt  }
0x82: {  	_ =	shalt  }
0x83: {  	_ =	shalt  }
0x84: {  	_ =	shalt  }
0x85: {  	_ =	shalt  }
0x86: {  	_ =	shalt  }
0x87: {  	_ =	shalt  }
.Lfunc_end0:
.L_simem_size_0:
called_computation_lowered:
.L_overlay_start_0:
0x88: {  	s2 =	sld [smem:$0x3FD9]  }
0x89: {  	s3 =	sld [smem:$0x3FFE];
	_ =	sdelay $0x1  }
0x8a: {  	s1 =	srdreg.scid  }
0x8b: {  	s0 =	sand.u32 $0x1, s1  }
0x8c: {  	s14 =	sshll.u32 s0, $0xA;
	s2 =	sadd.s32 s3, s2  }
0x8d: {  	s2 =	sadd.s32 s2, s14  }
0x8e: {  	[smem:$0x3FC0] =	sst s2  }
0x8f: {  	_ = 	snop  }
0x90: {  	s2 =	sld [smem:$0x3FD0];
	_ =	sdelay $0x2  }
0x91: {  	s15 =	simm.s32 $0xA;
	s4 =	simm.s32 $0x10  }
0x92: {  	[smem:s4], [sflag:s15] =	dma.local [hbm:s2], $0x1  }
0x93: {  	_ =	swait.eq [sflag:s15], $0x1  }
0x94: {  	[sflag:s15] =	ssyncset.done $0x0  }
0x95: {  	s16 =	sld [smem:$0x10];
	[sflag:s15] =	ssyncadd.s32 $0xFFFFFFFF  }
0x96: {  	s17 =	sld [smem:$0x11];
	(tm) =	ssettm $0x1  }
0x97: {  	s18 =	sld [smem:$0x3FFB];
	_ =	sdelay $0x3  }
0x98: {  	_ =	strace s18  }
0x99: {  	s4 =	sld [smem:$0x3FFC];
	_ =	sdelay $0x3  }
0x9a: {  	_ =	strace s4  }
0x9b: {  	s4 =	sld [smem:$0x3FFD];
	_ =	sdelay $0x3  }
0x9c: {  	_ =	strace s4  }
0x9d: {  	_ =	strace $0x8FFFFFFF  }
0x9e: {  	s19 =	sld [smem:$0x3FDB];
	_ =	sdelay $0x1  }
0x9f: {  	s5 =	simm.s32 $_scs_section_size  }
0xa0: {  	s6 =	simm.s32 $_size__tile_overlayer_lowered;
	s7 =	simm.s32 $_tile_overlayer_lowered  }
0xa1: {  	s22 =	simm.s32 $0x1BFF;
	s21 =	sshll.u32 s7, $0x1;
	s4 =	sadd.s32 s5, s19  }
0xa2: {  	s8 =	simm.s32 $0x0;
	s20 =	sshll.u32 s6, $0x1;
	s6 =	sadd.s32 s21, s4  }
0xa3: {  	[timem:s8], [sflag:s22] =	dma.local [hbm:s6], s20  }
0xa4: {  	_ =	swait.ge [sflag:s22], s20  }
0xa5: {  	s5 =	ssub.s32 $0x0, s20;
	[sflag:s22] =	ssyncset.done $0x0  }
0xa6: {  	[sflag:s22] =	ssyncadd.s32 s5;
	_ =	sdelay $0x1  }
0xa7: {  	s23 =	simm.s32 $0x1B8B  }
0xa8: {  	_ =	swait.ge [sflag:s23], $0x1  }
0xa9: {  	[sflag:s23] =	ssyncset.done $0x0  }
0xaa: {  	s25 =	simm.s32 $0x1B8E;
	s24 =	sld [smem:$0x3FFE];
	[sflag:s23] =	ssyncadd.s32 $0xFFFFFFFF  }
0xab: {  	s26 =	simm.s32 $execute0_lowered;
	[smem:$0x3FD2] =	sst s25  }
0xac: {  	s6 =	sshll.u32 s26, $0x1;
	_ =	strace $0x80000046;
	[dreg:$0x1] =	wrdreg $0xFFFFFFFF  }
0xad: {  	s28 =	simm.s32 $_size_execute0_lowered;
	s4 =	sadd.s32 s4, s6;
	[dreg:$0x0] =	wrdreg $0x0  }
0xae: {  	s6 =	sshll.u32 s28, $0x1;
	[dreg:$0x2] =	wrdreg s4  }
0xaf: {  	[dreg:$0x3] =	wrdreg s6  }
0xb0: {  	[dreg:$0x4] =	wrdreg $0xC0  }
0xb1: {  	_ =	task [dreg:s8], $0x5FFFF  }
0xb2: {  	[dreg:$0x1] =	wrdreg $0xFFFFFFFF  }
0xb3: {  	[dreg:$0x0] =	wrdreg $0x60  }
0xb4: {  	[dreg:$0x2] =	wrdreg s24  }
0xb5: {  	[dreg:$0x3] =	wrdreg s16  }
0xb6: {  	[dreg:$0x4] =	wrdreg s17  }
0xb7: {  	[dreg:$0x5] =	wrdreg $0x3FC00  }
0xb8: {  	[dreg:$0x6] =	wrdreg $0x9  }
0xb9: {  	_ =	task.clear_ibuf [dreg:s8], $0x7FFFF;
	_ =	strace $0x90000046  }
0xba: {  	s29 =	simm.s32 $0x9;
	_ =	strace $0x80000048  }
0xbb: {  	_ =	swait.ge [sflag:s29], $0x1  }
0xbc: {  	[sflag:s29] =	ssyncadd.s32 $0xFFFFFFFF  }
0xbd: {  	_ =	strace $0x90000048  }
0xbe: {  	_ =	sfence  }
0xbf: {  	s30 =	sld [smem:$0x0];
	_ =	sdelay $0x2  }
0xc0: {  	s31 =	sshll.u32 s1, $0xD;
	s1 =	sshrl.u32 s1, $0x2  }
0xc1: {  	s3 =	sand.u32 $0x4000, s31;
	s1 =	sadd.s32 s1, s30  }
0xc2: {  	s0 =	sor.u32 s3, s0;
	s1 =	sshll.u32 s1, $0x11  }
0xc3: {  	s0 =	sor.u32 s1, s0  }
0xc4: {  	s0 =	sadd.s32 $0x8F2B, s0  }
0xc5: {  	[sflag:s0] =	ssyncadd.remote.s32 $0x1  }
0xc6: {  	_ =	sfence.sel $0xFFFF  }
0xc7: {  	[dreg:$0x0] =	wrdreg $0xFFFFFFFF;
	(pc) =	sbr.abs _section_cstart, $3  }
0xc8: {  	[dreg:$0x1] =	wrdreg $0xFFFFFFFF  }
0xc9: {  	_ =	task.clear_ibuf [dreg:s8], $0x2FFFF;
	_ =	strace $0x9FFFFFFF  }
0xca: {  	(tm) =	ssettm $0x7FFFFFFF  }
0xcb: {  	_ =	shalt  }
tec
execute0_lowered:
.L_overlay_start_1:
0x0: {  	(tag) =	ssettag $0x1  }
0x1: {  	s6 =	rddreg [dreg:$0x0]  }
0x2: {  	s1 =	rddreg [dreg:$0x1]  }
0x3: {  	s8 =	rddreg [dreg:$0x2]  }
0x4: {  	s0 =	srdreg.scid;
	s3 =	rddreg [dreg:$0x3]  }
0x5: {  	s4 =	simm.s32 $0x0;
	s13 =	simm.s32 $0x2800;
	s14 =	simm.s32 $0x1  }
0x6: {  	s15 =	simm.s32 $0x0;
	s5 =	sand.u32 $0x1, s0;
	s0 =	stileid.u32  }
0x7: {  	[smem:$0x7FF] =	sst s4;
	s2 =	sshll.u32 s5, $0x4;
	s9 =	smul.u32 $0x13C0, s0  }
0x8: {  	s11 =	ssub.s32 $0x2, s5;
	s12 =	smul.u32 $0x13C00, s5;
	s10 =	sor.u32 s0, s2  }
0x9: {  	s2 =	rddreg [dreg:$0x4];
	s30 =	sshrl.u32 s11, $0x1;
	s7 =	smul.u32 $0x2800, s10  }
0xa: {  	_ =	strace $0x80000047;
	s11 =	ssub.s32 s11, s30;
	s12 =	sadd.s32 s9, s12  }
0xb: {  	p0 =	seq.s32 s10, $0x1F;
	s10 =	simm.s32 $0x2C00;
	s7 =	sshrl.u32 s7, $0x3  }
0xc: {  	s31 =	sshrl.u32 s12, $0x3;
	s12 =	simm.s32 $0x80;
	s7 =	sadd.s32 s6, s7  }
0xd: {  	s8 =	sadd.s32 s8, s31;
	s6 =	sadd.s32 $0x16340, s6;
	s5 =	sadd.s32 $0xC840, s7  }
0xe: {  	v0 =	vimm.f32 $1.000000000e+00;
	v1 =	vimm.f32 $0.0e+00;
	s7 =	sadd.s32 s9, s3;
	s9 =	smax.u32 s11, $0x1;
	s11 =	simm.s32 $0x2  }
.LBB2_1:
0xf: {  	s16 =	simm.s32 @p0 $0x0;
	s17 =	simm.s32 @p0 $0x2  }
0x10: {  	[tilespmem:s16], [sflag:$0x2] =	stream.linear.gather @p0 [hbm4b:s6+s16], $0xA00, $0x38;
	[tilespmem:$0x5380] =	vst v63  }
0x11: {  	_ =	swait.ge @p0 [sflag:s17], $0xA00  }
0x12: {  	[sflag:s17] =	ssyncset.done @p0 $0x0  }
0x13: {  	s18 =	simm.s32 @p0 $0xA00;
	[sflag:s17] =	ssyncadd.s32 @p0 $0xFFFFF600  }
0x14: {  	[tilespmem:s18], [sflag:$0x2] =	stream.linear.gather @p0 [hbm4b:s1+s16], $0x1E00, $0x38;
	[tilespmem:$0x5380] =	vst v63  }
0x15: {  	_ =	swait.ge @p0 [sflag:s17], $0x1E00  }
0x16: {  	[sflag:s17] =	ssyncset.done @p0 $0x0  }
0x17: {  	s16 =	simm.s32 @!p0 $0x0;
	[sflag:s17] =	ssyncadd.s32 @p0 $0xFFFFE200  }
0x18: {  	[tilespmem:s16], [sflag:$0x2] =	stream.linear.gather @!p0 [hbm4b:s5+s16], $0x2800, $0x38;
	[tilespmem:$0x5380] =	vst v63  }
0x19: {  	s16 =	simm.s32 @!p0 $0x2  }
0x1a: {  	_ =	swait.ge @!p0 [sflag:s16], $0x2800  }
0x1b: {  	[sflag:s16] =	ssyncset.done @!p0 $0x0  }
0x1c: {  	[sflag:s16] =	ssyncadd.s32 @!p0 $0xFFFFD800;
	s16 =	simm.s32 $0x0  }
.LBB2_2:
0x1d: {  	p1 =	sne.s32 s16, $0xFE0  }
.Ltmp0:
0x1e: {  	_ = 	snop;
	(pc) =	sbr.rel @p1 .LBB2_2-.Ltmp0, $3  }
0x1f: {  	_ =	sdelay $0x1  }
0x20: {  	s17 =	sshra.s32 s16, $0x2  }
0x21: {  	s16 =	sadd.s32 $0x20, s16;
	[tilespmem:s17+$0x2800] =	vst v0  }
0x22: {  	s16 =	simm.s32 $0x20;
	s17 =	simm.s32 $0x0  }
.LBB2_4:
0x23: {  	p1 =	sne.s32 s16, $0x4EE0;
	[tilespmem:s17+$0x2C00] =	vst v1;
	s17 =	smov.u32 s16;
	s16 =	sadd.s32 $0x20, s16  }
.Ltmp1:
0x24: {  	(pc) =	sbr.rel @p1 .LBB2_4-.Ltmp1, $2  }
0x25: {  	_ =	sdelay $0x2  }
0x26: {  	s17 =	sshra.s32 s17, $0x2  }
0x27: {  	[tilespmem:s17+$0x2C00] =	vst v1  }
0x28: {  	[spmem:s7] =	stream.linear.scatter [tilespmem:s10], [sflag:$0x2], $0x13C0, $0x38;
	[tilespmem:$0x5380] =	vst v63  }
0x29: {  	_ =	swait.ge [sflag:s11], $0x13C0  }
0x2a: {  	[sflag:s11] =	ssyncset.done $0x0  }
0x2b: {  	[sflag:s11] =	ssyncadd.s32 $0xFFFFEC40  }
0x2c: {  	s16 =	simm.s32 $0x0;
	[bflag:$0x0] =	sbarrier.arrive $0xFFFF  }
0x2d: {  	[spmem:s3] =	stream.indirect.scatter.add.f32 [tilespmem:s13], [sflag:$0x1], $0x8, s16, s12, $0xb8;
	[tilespmem:$0x5380] =	vst v63  }
0x2e: {  	s24 =	simm.s32 $0x80  }
0x2f: {  	[spmem:s3] =	stream.indirect.scatter.add.f32 [tilespmem:s13], [sflag:$0x1], $0x8, s24, s12, $0xb8;
	[tilespmem:$0x5380] =	vst v63  }
0x30: {  	s25 =	simm.s32 $0x100  }
0x31: {  	[spmem:s3] =	stream.indirect.scatter.add.f32 [tilespmem:s13], [sflag:$0x1], $0x8, s25, s12, $0xb8;
	[tilespmem:$0x5380] =	vst v63  }
0x32: {  	s26 =	simm.s32 $0x180  }
0x33: {  	[spmem:s3] =	stream.indirect.scatter.add.f32 [tilespmem:s13], [sflag:$0x1], $0x8, s26, s12, $0xb8;
	[tilespmem:$0x5380] =	vst v63  }
0x34: {  	s28 =	simm.s32 $0x200  }
0x35: {  	[spmem:s3] =	stream.indirect.scatter.add.f32 [tilespmem:s13], [sflag:$0x1], $0x8, s28, s12, $0xb8;
	[tilespmem:$0x5380] =	vst v63  }
0x36: {  	s29 =	simm.s32 $0x280  }
0x37: {  	[spmem:s3] =	stream.indirect.scatter.add.f32 [tilespmem:s13], [sflag:$0x1], $0x8, s29, s12, $0xb8;
	[tilespmem:$0x5380] =	vst v63  }
0x38: {  	s30 =	simm.s32 $0x300  }
0x39: {  	[spmem:s3] =	stream.indirect.scatter.add.f32 [tilespmem:s13], [sflag:$0x1], $0x8, s30, s12, $0xb8;
	[tilespmem:$0x5380] =	vst v63  }
0x3a: {  	s31 =	simm.s32 $0x380  }
0x3b: {  	[spmem:s3] =	stream.indirect.scatter.add.f32 [tilespmem:s13], [sflag:$0x1], $0x8, s31, s12, $0xb8;
	[tilespmem:$0x5380] =	vst v63  }
0x3c: {  	_ =	swait.ge [sflag:s14], $0x400  }
0x3d: {  	[sflag:s14] =	ssyncset.done $0x0  }
0x3e: {  	[sflag:s14] =	ssyncadd.s32 $0xFFFFFC00  }
0x3f: {  	_ =	swait.ge [sflag:s14], $0x400  }
0x40: {  	[sflag:s14] =	ssyncset.done $0x0  }
0x41: {  	[sflag:s14] =	ssyncadd.s32 $0xFFFFFC00  }
0x42: {  	_ =	swait.ge [sflag:s14], $0x400  }
0x43: {  	[sflag:s14] =	ssyncset.done $0x0  }
0x44: {  	[sflag:s14] =	ssyncadd.s32 $0xFFFFFC00  }
0x45: {  	_ =	swait.ge [sflag:s14], $0x400  }
0x46: {  	[sflag:s14] =	ssyncset.done $0x0  }
0x47: {  	[sflag:s14] =	ssyncadd.s32 $0xFFFFFC00  }
0x48: {  	_ =	swait.ge [sflag:s14], $0x400  }
0x49: {  	[sflag:s14] =	ssyncset.done $0x0  }
0x4a: {  	[sflag:s14] =	ssyncadd.s32 $0xFFFFFC00  }
0x4b: {  	_ =	swait.ge [sflag:s14], $0x400  }
0x4c: {  	[sflag:s14] =	ssyncset.done $0x0  }
0x4d: {  	[sflag:s14] =	ssyncadd.s32 $0xFFFFFC00  }
0x4e: {  	_ =	swait.ge [sflag:s14], $0x400  }
0x4f: {  	[sflag:s14] =	ssyncset.done $0x0  }
0x50: {  	[sflag:s14] =	ssyncadd.s32 $0xFFFFFC00  }
0x51: {  	_ =	swait.ge [sflag:s14], $0x400  }
0x52: {  	s18 =	simm.s32 $0x2000;
	s16 =	simm.s32 $0x1000;
	[sflag:s14] =	ssyncset.done $0x0  }
.LBB2_6:
0x53: {  	s19 =	sshra.s32 s16, $0x2  }
0x54: {  	[sflag:s14] =	ssyncadd.s32 $0xFFFFFC00;
	s16 =	smov.u32 s18;
	s17 =	sadd.s32 $0x1000, s18  }
0x55: {  	[spmem:s3] =	stream.indirect.scatter.add.f32 [tilespmem:s13], [sflag:$0x1], $0x8, s19, s12, $0xb8;
	[tilespmem:$0x5380] =	vst v63  }
0x56: {  	p1 =	sne.s32 s18, $0x9000;
	s18 =	sadd.s32 $0x80, s19  }
0x57: {  	[spmem:s3] =	stream.indirect.scatter.add.f32 [tilespmem:s13], [sflag:$0x1], $0x8, s18, s12, $0xb8;
	[tilespmem:$0x5380] =	vst v63  }
0x58: {  	s18 =	sadd.s32 $0x100, s19  }
0x59: {  	[spmem:s3] =	stream.indirect.scatter.add.f32 [tilespmem:s13], [sflag:$0x1], $0x8, s18, s12, $0xb8;
	[tilespmem:$0x5380] =	vst v63  }
0x5a: {  	s18 =	sadd.s32 $0x180, s19  }
0x5b: {  	[spmem:s3] =	stream.indirect.scatter.add.f32 [tilespmem:s13], [sflag:$0x1], $0x8, s18, s12, $0xb8;
	[tilespmem:$0x5380] =	vst v63  }
0x5c: {  	s18 =	sadd.s32 $0x200, s19  }
0x5d: {  	[spmem:s3] =	stream.indirect.scatter.add.f32 [tilespmem:s13], [sflag:$0x1], $0x8, s18, s12, $0xb8;
	[tilespmem:$0x5380] =	vst v63  }
0x5e: {  	s18 =	sadd.s32 $0x280, s19  }
0x5f: {  	[spmem:s3] =	stream.indirect.scatter.add.f32 [tilespmem:s13], [sflag:$0x1], $0x8, s18, s12, $0xb8;
	[tilespmem:$0x5380] =	vst v63  }
0x60: {  	s18 =	sadd.s32 $0x300, s19  }
0x61: {  	[spmem:s3] =	stream.indirect.scatter.add.f32 [tilespmem:s13], [sflag:$0x1], $0x8, s18, s12, $0xb8;
	[tilespmem:$0x5380] =	vst v63  }
0x62: {  	s18 =	sadd.s32 $0x380, s19  }
0x63: {  	[spmem:s3] =	stream.indirect.scatter.add.f32 [tilespmem:s13], [sflag:$0x1], $0x8, s18, s12, $0xb8;
	[tilespmem:$0x5380] =	vst v63  }
0x64: {  	_ =	swait.ge [sflag:s14], $0x400  }
0x65: {  	[sflag:s14] =	ssyncset.done $0x0  }
0x66: {  	[sflag:s14] =	ssyncadd.s32 $0xFFFFFC00  }
0x67: {  	_ =	swait.ge [sflag:s14], $0x400  }
0x68: {  	[sflag:s14] =	ssyncset.done $0x0  }
0x69: {  	[sflag:s14] =	ssyncadd.s32 $0xFFFFFC00  }
0x6a: {  	_ =	swait.ge [sflag:s14], $0x400  }
0x6b: {  	[sflag:s14] =	ssyncset.done $0x0  }
0x6c: {  	[sflag:s14] =	ssyncadd.s32 $0xFFFFFC00  }
0x6d: {  	_ =	swait.ge [sflag:s14], $0x400  }
0x6e: {  	[sflag:s14] =	ssyncset.done $0x0  }
0x6f: {  	[sflag:s14] =	ssyncadd.s32 $0xFFFFFC00  }
0x70: {  	_ =	swait.ge [sflag:s14], $0x400  }
0x71: {  	[sflag:s14] =	ssyncset.done $0x0  }
0x72: {  	[sflag:s14] =	ssyncadd.s32 $0xFFFFFC00  }
0x73: {  	_ =	swait.ge [sflag:s14], $0x400  }
0x74: {  	[sflag:s14] =	ssyncset.done $0x0  }
0x75: {  	[sflag:s14] =	ssyncadd.s32 $0xFFFFFC00  }
.Ltmp2:
0x76: {  	_ =	swait.ge [sflag:s14], $0x400;
	(pc) =	sbr.rel @p1 .LBB2_6-.Ltmp2, $4  }
0x77: {  	[sflag:s14] =	ssyncset.done $0x0  }
0x78: {  	[sflag:s14] =	ssyncadd.s32 $0xFFFFFC00  }
0x79: {  	_ =	swait.ge [sflag:s14], $0x400  }
0x7a: {  	s18 =	smov.u32 s17;
	[sflag:s14] =	ssyncset.done $0x0  }
0x7b: {  	s16 =	sshra.s32 s16, $0x2;
	[sflag:s14] =	ssyncadd.s32 $0xFFFFFC00  }
0x7c: {  	[spmem:s3] =	stream.indirect.scatter.add.f32 [tilespmem:s13], [sflag:$0x1], $0x8, s16, s12, $0xb8;
	[tilespmem:$0x5380] =	vst v63  }
0x7d: {  	s17 =	sadd.s32 $0x80, s16  }
0x7e: {  	[spmem:s3] =	stream.indirect.scatter.add.f32 [tilespmem:s13], [sflag:$0x1], $0x8, s17, s12, $0xb8;
	[tilespmem:$0x5380] =	vst v63  }
0x7f: {  	s26 =	sadd.s32 $0x100, s16  }
0x80: {  	[spmem:s3] =	stream.indirect.scatter.add.f32 [tilespmem:s13], [sflag:$0x1], $0x8, s26, s12, $0xb8;
	[tilespmem:$0x5380] =	vst v63  }
0x81: {  	s28 =	sadd.s32 $0x180, s16  }
0x82: {  	[spmem:s3] =	stream.indirect.scatter.add.f32 [tilespmem:s13], [sflag:$0x1], $0x8, s28, s12, $0xb8;
	[tilespmem:$0x5380] =	vst v63  }
0x83: {  	s29 =	sadd.s32 $0x200, s16  }
0x84: {  	[spmem:s3] =	stream.indirect.scatter.add.f32 [tilespmem:s13], [sflag:$0x1], $0x8, s29, s12, $0xb8;
	[tilespmem:$0x5380] =	vst v63  }
0x85: {  	s30 =	sadd.s32 $0x280, s16  }
0x86: {  	[spmem:s3] =	stream.indirect.scatter.add.f32 [tilespmem:s13], [sflag:$0x1], $0x8, s30, s12, $0xb8;
	[tilespmem:$0x5380] =	vst v63  }
0x87: {  	s31 =	sadd.s32 $0x300, s16  }
0x88: {  	[spmem:s3] =	stream.indirect.scatter.add.f32 [tilespmem:s13], [sflag:$0x1], $0x8, s31, s12, $0xb8;
	[tilespmem:$0x5380] =	vst v63  }
0x89: {  	s16 =	sadd.s32 $0x380, s16  }
0x8a: {  	[spmem:s3] =	stream.indirect.scatter.add.f32 [tilespmem:s13], [sflag:$0x1], $0x8, s16, s12, $0xb8;
	[tilespmem:$0x5380] =	vst v63  }
0x8b: {  	_ =	swait.ge [sflag:s14], $0x400  }
0x8c: {  	[sflag:s14] =	ssyncset.done $0x0  }
0x8d: {  	[sflag:s14] =	ssyncadd.s32 $0xFFFFFC00  }
0x8e: {  	_ =	swait.ge [sflag:s14], $0x400  }
0x8f: {  	[sflag:s14] =	ssyncset.done $0x0  }
0x90: {  	[sflag:s14] =	ssyncadd.s32 $0xFFFFFC00  }
0x91: {  	_ =	swait.ge [sflag:s14], $0x400  }
0x92: {  	[sflag:s14] =	ssyncset.done $0x0  }
0x93: {  	[sflag:s14] =	ssyncadd.s32 $0xFFFFFC00  }
0x94: {  	_ =	swait.ge [sflag:s14], $0x400  }
0x95: {  	[sflag:s14] =	ssyncset.done $0x0  }
0x96: {  	[sflag:s14] =	ssyncadd.s32 $0xFFFFFC00  }
0x97: {  	_ =	swait.ge [sflag:s14], $0x400  }
0x98: {  	[sflag:s14] =	ssyncset.done $0x0  }
0x99: {  	[sflag:s14] =	ssyncadd.s32 $0xFFFFFC00  }
0x9a: {  	_ =	swait.ge [sflag:s14], $0x400  }
0x9b: {  	[sflag:s14] =	ssyncset.done $0x0  }
0x9c: {  	[sflag:s14] =	ssyncadd.s32 $0xFFFFFC00  }
0x9d: {  	_ =	swait.ge [sflag:s14], $0x400  }
0x9e: {  	[sflag:s14] =	ssyncset.done $0x0  }
0x9f: {  	[sflag:s14] =	ssyncadd.s32 $0xFFFFFC00  }
0xa0: {  	_ =	swait.ge [sflag:s14], $0x400  }
0xa1: {  	[sflag:s14] =	ssyncset.done $0x0  }
0xa2: {  	[sflag:s14] =	ssyncadd.s32 $0xFFFFFC00  }
0xa3: {  	[bflag:$0x0] =	sbarrier.arrive $0xFFFF  }
0xa4: {  	[tilespmem:s10], [sflag:$0x2] =	stream.linear.gather [spmem:s7], $0x13C0, $0x38;
	[tilespmem:$0x5380] =	vst v63  }
0xa5: {  	s15 =	sadd.s32 $0x1, s15;
	_ =	swait.ge [sflag:s11], $0x13C0  }
0xa6: {  	p1 =	sne.s32 s15, s9;
	[sflag:s11] =	ssyncset.done $0x0  }
.Ltmp3:
0xa7: {  	[sflag:s11] =	ssyncadd.s32 $0xFFFFEC40;
	(pc) =	sbr.rel @p1 .LBB2_1-.Ltmp3, $4  }
0xa8: {  	[hbm4b:s8+s4] =	stream.linear.scatter [tilespmem:s10], [sflag:$0x2], $0x13C0, $0x38;
	[tilespmem:$0x5380] =	vst v63  }
0xa9: {  	_ =	swait.ge [sflag:s11], $0x13C0  }
0xaa: {  	[sflag:s11] =	ssyncset.done $0x0  }
0xab: {  	[sflag:s11] =	ssyncadd.s32 $0xFFFFEC40  }
0xac: {  	_ =	sfence.sel $0x180000  }
0xad: {  	[bflag:$0x0] =	sbarrier.arrive $0xFFFF  }
0xae: {  	p0 =	sne.s32 s0, $0x0;
	_ =	strace $0x90000047  }
0xaf: {  	s0 =	sadd.s32 @!p0 $0x100000, s2;
	[bflag:$0x2] =	sbarrier.arrive $0xFFFF  }
0xb0: {  	[sflag:s0] =	ssyncadd.tile.s32 @!p0 $0x1;
	_ =	shalt  }
.Lfunc_end2:
_tile_overlayer_lowered:
.L_overlay_start_2:
0xb1: {  	(tag) =	ssettag $0x2  }
0xb2: {  	s0 =	rddreg [dreg:$0x0];
	s2 =	stileid.u32  }
0xb3: {  	s1 =	rddreg [dreg:$0x1];
	p0 =	sne.s32 s2, $0x0  }
0xb4: {  	s3 =	rddreg [dreg:$0x2];
	[bflag:$0x3] =	sbarrier.arrive $0xFFFF;
	s2 =	simm.s32 @!p0 $0x1C02  }
0xb5: {  	[timem:s3], [sflag:s2] =	dma.local @!p0 [hbm:s0], s1  }
0xb6: {  	s0 =	simm.s32 @!p0 $0x2  }
0xb7: {  	_ =	swait.ge @!p0 [sflag:s0], s1  }
0xb8: {  	s1 =	ssub.s32 @!p0 $0x0, s1;
	[sflag:s0] =	ssyncset.done @!p0 $0x0  }
0xb9: {  	[sflag:s0] =	ssyncadd.s32 @!p0 s1  }
0xba: {  	[bflag:$0x3] =	sbarrier.arrive $0xFFFF  }
0xbb: {  	_ =	shalt  }

</sc_bundles>
